<compile_context>
chip_gen: v7x
topology: tpu7x:2x2x1
jax: 0.10.2.dev20260603
libtpu: 0.0.44.dev20260713+nightly
codegen_flags: <defaults>
</compile_context>

<pallas_src>
import dataclasses
import functools

import jax
import jax.numpy as jnp
from jax import lax
from jax.experimental import pallas as pl
from jax.experimental.pallas import tpu as pltpu
from jax.experimental.pallas import tpu_sc as plsc

C = 10000
NW = 32
L = 16
BLK = 2000
NV = 5
SS = NV * L

_MESH = plsc.VectorSubcoreMesh(
    core_axis_name="c", subcore_axis_name="s", num_cores=2, num_subcores=16)

_SC_PARAMS = pltpu.CompilerParams()
if "needs_layout_passes" in pltpu.CompilerParams.__dataclass_fields__:
    _SC_PARAMS = dataclasses.replace(_SC_PARAMS, needs_layout_passes=False)
if "use_tc_tiling_on_sc" in pltpu.CompilerParams.__dataclass_fields__:
    _SC_PARAMS = dataclasses.replace(_SC_PARAMS, use_tc_tiling_on_sc=False)


def _worker_id():
    return lax.axis_index("s") * 2 + lax.axis_index("c")


def _k1_body(x_hbm, y_hbm, z_hbm, comp_hbm, out_hbm,
             cnt_a, sx_a, sy_a, sz_a,
             xb, yb, zb, cbuf, xb2, yb2, zb2, cbuf2, sem0, sem1):
    n = comp_hbm.shape[0]
    chunk = n // NW
    nblk = chunk // BLK
    wid = _worker_id()
    base = wid * chunk
    lanes = lax.iota(jnp.int32, L)
    zeros = jnp.zeros((L,), jnp.float32)
    ones = jnp.ones((L,), jnp.float32)
    nvf = jnp.full((L,), float(NV), jnp.float32)
    bankoff = (lanes & 1) * C

    @pl.loop(0, 2 * C, step=L)
    def _zero(i):
        cnt_a[pl.ds(i, L)] = zeros
        sx_a[pl.ds(i, L)] = zeros
        sy_a[pl.ds(i, L)] = zeros
        sz_a[pl.ds(i, L)] = zeros

    lane0 = lanes == 0

    def flush(cur, vc, vx, vy, vz):
        bcur = jnp.broadcast_to(cur, (L,))
        plsc.addupdate_scatter(
            cnt_a, [bcur], jnp.broadcast_to(jnp.sum(vc), (L,)), mask=lane0)
        plsc.addupdate_scatter(
            sx_a, [bcur], jnp.broadcast_to(jnp.sum(vx), (L,)), mask=lane0)
        plsc.addupdate_scatter(
            sy_a, [bcur], jnp.broadcast_to(jnp.sum(vy), (L,)), mask=lane0)
        plsc.addupdate_scatter(
            sz_a, [bcur], jnp.broadcast_to(jnp.sum(vz), (L,)), mask=lane0)

    def dma4(bufs, sem, b, start):
        off = base + b * BLK
        cps = (
            pltpu.make_async_copy(x_hbm.at[pl.ds(off, BLK)], bufs[0], sem),
            pltpu.make_async_copy(y_hbm.at[pl.ds(off, BLK)], bufs[1], sem),
            pltpu.make_async_copy(z_hbm.at[pl.ds(off, BLK)], bufs[2], sem),
            pltpu.make_async_copy(comp_hbm.at[pl.ds(off, BLK)], bufs[3], sem),
        )
        for cp in cps:
            if start:
                cp.start()
            else:
                cp.wait()

    def block_compute(xb, yb, zb, cbuf):

        def step(t, carry):
            cur, vc, vx, vy, vz = carry
            i = t * SS
            xs = [xb[pl.ds(i + k * L, L)] for k in range(NV)]
            ys = [yb[pl.ds(i + k * L, L)] for k in range(NV)]
            zs = [zb[pl.ds(i + k * L, L)] for k in range(NV)]
            first = cbuf[pl.ds(i, L)]
            last = cbuf[pl.ds(i + SS - L, L)]
            c0 = first[0]
            cl = last[L - 1]

            def fast():
                sx = xs[0]
                sy = ys[0]
                sz = zs[0]
                for k in range(1, NV):
                    sx = sx + xs[k]
                    sy = sy + ys[k]
                    sz = sz + zs[k]
                return cur, vc + nvf, vx + sx, vy + sy, vz + sz

            def slow():
                flush(cur, vc, vx, vy, vz)
                for k in range(NV):
                    idx = cbuf[pl.ds(i + k * L, L)] + bankoff
                    plsc.addupdate_scatter(cnt_a, [idx], ones)
                    plsc.addupdate_scatter(sx_a, [idx], xs[k])
                    plsc.addupdate_scatter(sy_a, [idx], ys[k])
                    plsc.addupdate_scatter(sz_a, [idx], zs[k])
                return cl, zeros, zeros, zeros, zeros

            return lax.cond((c0 == cur) & (c0 == cl), fast, slow)

        init = (cbuf[pl.ds(0, L)][0], zeros, zeros, zeros, zeros)
        cur, vc, vx, vy, vz = lax.fori_loop(0, BLK // SS, step, init)
        flush(cur, vc, vx, vy, vz)

    b0 = (xb, yb, zb, cbuf)
    b1 = (xb2, yb2, zb2, cbuf2)
    dma4(b0, sem0, 0, True)

    @pl.loop(0, nblk // 2)
    def _pair(t):
        dma4(b0, sem0, 2 * t, False)
        dma4(b1, sem1, 2 * t + 1, True)
        block_compute(*b0)
        dma4(b1, sem1, 2 * t + 1, False)
        dma4(b0, sem0, 2 * t + 2, True)
        block_compute(*b1)

    dma4(b0, sem0, nblk - 1, False)
    block_compute(*b0)

    @pl.loop(0, C, step=L)
    def _fold(i):
        cnt_a[pl.ds(i, L)] = cnt_a[pl.ds(i, L)] + cnt_a[pl.ds(C + i, L)]
        sx_a[pl.ds(i, L)] = sx_a[pl.ds(i, L)] + sx_a[pl.ds(C + i, L)]
        sy_a[pl.ds(i, L)] = sy_a[pl.ds(i, L)] + sy_a[pl.ds(C + i, L)]
        sz_a[pl.ds(i, L)] = sz_a[pl.ds(i, L)] + sz_a[pl.ds(C + i, L)]

    pltpu.sync_copy(cnt_a.at[pl.ds(0, C)], out_hbm.at[wid, 0])
    pltpu.sync_copy(sx_a.at[pl.ds(0, C)], out_hbm.at[wid, 1])
    pltpu.sync_copy(sy_a.at[pl.ds(0, C)], out_hbm.at[wid, 2])
    pltpu.sync_copy(sz_a.at[pl.ds(0, C)], out_hbm.at[wid, 3])


def _k2_body(part_ref, ctr_ref):
    s = jnp.sum(part_ref[...], axis=0)
    deg = s[0:1, :]
    valid = deg > 0.5
    degs = jnp.where(valid, deg, 1.0)
    xyz = s[1:4, :]
    ctr = jnp.where(valid, xyz / degs, xyz)
    ctr_ref[...] = jnp.concatenate([ctr, deg], axis=0)


def _k3_body(x_hbm, y_hbm, z_hbm, comp_hbm, ctr_hbm, out_hbm,
             cxv, cyv, czv, dmx,
             xb, yb, zb, cbuf, xb2, yb2, zb2, cbuf2, sbuf, sem0, sem1):
    n = comp_hbm.shape[0]
    chunk = n // NW
    nblk = chunk // BLK
    wid = _worker_id()
    base = wid * chunk
    lanes = lax.iota(jnp.int32, L)
    lane0 = lanes == 0
    zeros = jnp.zeros((L,), jnp.float32)

    pltpu.sync_copy(ctr_hbm.at[0], cxv)
    pltpu.sync_copy(ctr_hbm.at[1], cyv)
    pltpu.sync_copy(ctr_hbm.at[2], czv)

    @pl.loop(0, C, step=L)
    def _zero(i):
        dmx[pl.ds(i, L)] = zeros

    cbuf[pl.ds(BLK, L)] = jnp.full((L,), -1, jnp.int32)
    cbuf2[pl.ds(BLK, L)] = jnp.full((L,), -1, jnp.int32)

    def dma4(bufs, sem, b, start):
        off = base + b * BLK
        cps = (
            pltpu.make_async_copy(x_hbm.at[pl.ds(off, BLK)], bufs[0], sem),
            pltpu.make_async_copy(y_hbm.at[pl.ds(off, BLK)], bufs[1], sem),
            pltpu.make_async_copy(z_hbm.at[pl.ds(off, BLK)], bufs[2], sem),
            pltpu.make_async_copy(
                comp_hbm.at[pl.ds(off, BLK)], bufs[3].at[pl.ds(0, BLK)], sem),
        )
        for cp in cps:
            if start:
                cp.start()
            else:
                cp.wait()

    def block_compute(xb, yb, zb, cbuf):

        def flush(cur, vmax):
            bcur = jnp.broadcast_to(cur, (L,))
            m = jnp.broadcast_to(jnp.max(vmax), (L,))
            old = plsc.load_gather(dmx, [bcur], mask=lane0)
            plsc.store_scatter(dmx, [bcur], jnp.maximum(old, m), mask=lane0)

        def centers(c):
            bc = jnp.broadcast_to(c, (L,))
            return (plsc.load_gather(cxv, [bc]),
                    plsc.load_gather(cyv, [bc]),
                    plsc.load_gather(czv, [bc]))

        def step(t, carry):
            cur, vmax, bcx, bcy, bcz = carry
            i = t * SS
            xs = [xb[pl.ds(i + k * L, L)] for k in range(NV)]
            ys = [yb[pl.ds(i + k * L, L)] for k in range(NV)]
            zs = [zb[pl.ds(i + k * L, L)] for k in range(NV)]
            first = cbuf[pl.ds(i, L)]
            last = cbuf[pl.ds(i + SS - L, L)]
            c0 = first[0]
            cl = last[L - 1]

            def fast():
                m = vmax
                for k in range(NV):
                    dx = xs[k] - bcx
                    dy = ys[k] - bcy
                    dz = zs[k] - bcz
                    m = jnp.maximum(m, dx * dx + dy * dy + dz * dz)
                return cur, m, bcx, bcy, bcz

            def slow():
                flush(cur, vmax)
                for k in range(NV):
                    ii = i + k * L
                    idx = cbuf[pl.ds(ii, L)]
                    cx = plsc.load_gather(cxv, [idx])
                    cy = plsc.load_gather(cyv, [idx])
                    cz = plsc.load_gather(czv, [idx])
                    dx = xs[k] - cx
                    dy = ys[k] - cy
                    dz = zs[k] - cz
                    v = dx * dx + dy * dy + dz * dz
                    for s in (1, 2, 4, 8):
                        sbuf[...] = v
                        vs = plsc.load_gather(
                            sbuf, [jnp.maximum(lanes - s, 0)])
                        ids = plsc.load_gather(
                            cbuf, [jnp.maximum(lanes + (ii - s), 0)])
                        keep = (lanes >= s) & (idx == ids)
                        v = jnp.where(keep, jnp.maximum(v, vs), v)
                    nxt = plsc.load_gather(cbuf, [lanes + (ii + 1)])
                    endm = (idx != nxt) | (lanes == L - 1)
                    old = plsc.load_gather(dmx, [idx], mask=endm)
                    plsc.store_scatter(
                        dmx, [idx], jnp.maximum(old, v), mask=endm)
                ncx, ncy, ncz = centers(cl)
                return cl, zeros, ncx, ncy, ncz

            return lax.cond((c0 == cur) & (c0 == cl), fast, slow)

        cc = cbuf[pl.ds(0, L)][0]
        icx, icy, icz = centers(cc)
        init = (cc, zeros, icx, icy, icz)
        cur, vmax, _, _, _ = lax.fori_loop(0, BLK // SS, step, init)
        flush(cur, vmax)

    b0 = (xb, yb, zb, cbuf)
    b1 = (xb2, yb2, zb2, cbuf2)
    dma4(b0, sem0, 0, True)

    @pl.loop(0, nblk // 2)
    def _pair(t):
        dma4(b0, sem0, 2 * t, False)
        dma4(b1, sem1, 2 * t + 1, True)
        block_compute(*b0)
        dma4(b1, sem1, 2 * t + 1, False)
        dma4(b0, sem0, 2 * t + 2, True)
        block_compute(*b1)

    dma4(b0, sem0, nblk - 1, False)
    block_compute(*b0)

    pltpu.sync_copy(dmx, out_hbm.at[wid])


def _k4_body(ctr_ref, dmx_ref, out_ref):
    m = jnp.max(dmx_ref[...], axis=0, keepdims=True)
    deg = ctr_ref[3:4, :]
    valid = deg > 0.5
    dia = jnp.where(valid, 2.0 * jnp.sqrt(m + 1e-12), 0.0)
    out_ref[...] = jnp.concatenate([ctr_ref[0:3, :], dia], axis=0)


_k1 = functools.partial(
    pl.kernel,
    out_type=jax.ShapeDtypeStruct((NW, 4, C), jnp.float32),
    mesh=_MESH,
    scratch_types=[
        pltpu.VMEM((2 * C,), jnp.float32),
        pltpu.VMEM((2 * C,), jnp.float32),
        pltpu.VMEM((2 * C,), jnp.float32),
        pltpu.VMEM((2 * C,), jnp.float32),
        pltpu.VMEM((BLK,), jnp.float32),
        pltpu.VMEM((BLK,), jnp.float32),
        pltpu.VMEM((BLK,), jnp.float32),
        pltpu.VMEM((BLK,), jnp.int32),
        pltpu.VMEM((BLK,), jnp.float32),
        pltpu.VMEM((BLK,), jnp.float32),
        pltpu.VMEM((BLK,), jnp.float32),
        pltpu.VMEM((BLK,), jnp.int32),
        pltpu.SemaphoreType.DMA,
        pltpu.SemaphoreType.DMA,
    ],
    compiler_params=_SC_PARAMS,
)(_k1_body)

_k2 = pl.pallas_call(
    _k2_body,
    out_shape=jax.ShapeDtypeStruct((4, C), jnp.float32),
)

_k3 = functools.partial(
    pl.kernel,
    out_type=jax.ShapeDtypeStruct((NW, C), jnp.float32),
    mesh=_MESH,
    scratch_types=[
        pltpu.VMEM((C,), jnp.float32),
        pltpu.VMEM((C,), jnp.float32),
        pltpu.VMEM((C,), jnp.float32),
        pltpu.VMEM((C,), jnp.float32),
        pltpu.VMEM((BLK,), jnp.float32),
        pltpu.VMEM((BLK,), jnp.float32),
        pltpu.VMEM((BLK,), jnp.float32),
        pltpu.VMEM((BLK + L,), jnp.int32),
        pltpu.VMEM((BLK,), jnp.float32),
        pltpu.VMEM((BLK,), jnp.float32),
        pltpu.VMEM((BLK,), jnp.float32),
        pltpu.VMEM((BLK + L,), jnp.int32),
        pltpu.VMEM((L,), jnp.float32),
        pltpu.SemaphoreType.DMA,
        pltpu.SemaphoreType.DMA,
    ],
    compiler_params=_SC_PARAMS,
)(_k3_body)

_k4 = pl.pallas_call(
    _k4_body,
    out_shape=jax.ShapeDtypeStruct((4, C), jnp.float32),
)


def kernel(fxyz, component):
    n = fxyz.shape[0]
    assert n % (NW * BLK) == 0
    xin = fxyz[:, 1]
    yin = fxyz[:, 2]
    zin = fxyz[:, 3]
    part = _k1(xin, yin, zin, component)
    ctr = _k2(part)
    dmaxp = _k3(xin, yin, zin, component, ctr)
    res = _k4(ctr, dmaxp)
    return res.T

# --- scband reference (transcript-rebuilt; emitter-appended) ---
"""Pipeline reference for scband-cluster-tracking-67997922230593 (READ-ONLY COPY).

The authoritative reference and input builder live on the scoring server;
editing this copy changes nothing except your own understanding.
"""

import jax, jax.numpy as jnp
import numpy as np

N = 1600000
C = 10000

def setup_inputs(seed: int = 0) -> dict:
    key = jax.random.key(seed)
    k1, k2 = jax.random.split(key)
    # fxyz: column 0 is frame id, columns 1:4 are xyz coordinates
    fxyz = jax.random.normal(k1, (N, 4), dtype=jnp.float32) * 20.0
    component = jnp.sort(jax.random.randint(k2, (N,), 0, C, dtype=jnp.int32))
    return {"fxyz": fxyz, "component": component}

def reference(fxyz, component):
    # Core segment-reduce computation of ClusterTracking helpers:
    # component_center + component_diameter (efficient_robust_sum == segment_sum,
    # scatter(..., reduce='max') == segment_max).
    point_xyz = fxyz[:, 1:]
    ones = jnp.ones((point_xyz.shape[0],), dtype=point_xyz.dtype)
    comp_deg = jax.ops.segment_sum(ones, component, num_segments=C)
    comp_sum = jax.ops.segment_sum(point_xyz, component, num_segments=C)
    valid = comp_deg > 0.5
    deg_safe = jnp.where(valid, comp_deg, 1.0)
    comp_center = jnp.where(valid[:, None], comp_sum / deg_safe[:, None], comp_sum)
    diff = point_xyz - comp_center[component]
    point_dist = jnp.sqrt(jnp.sum(diff * diff, axis=-1) + 1e-12)
    dmax = jax.ops.segment_max(point_dist, component, num_segments=C)
    dmax = jnp.where(valid, dmax, 0.0)
    comp_diameter = dmax * 2.0
    return jnp.concatenate([comp_center, comp_diameter[:, None]], axis=-1)

if __name__ == "__main__":
    import jax
    _d = setup_inputs()
    print(jax.jit(kernel)(*tuple(_d.values())))

</pallas_src>

<mosaic_0001>
#map = affine_map<(d0, d1) -> (0)>
#map1 = affine_map<(d0, d1) -> (0, 0)>
module attributes {stable_mosaic.version = 14 : i64} {
  func.func @_k3_body(%arg0: i32, %arg1: i32, %arg2: memref<1600000xf32, #tpu.memory_space<hbm>>, %arg3: memref<1600000xf32, #tpu.memory_space<hbm>>, %arg4: memref<1600000xf32, #tpu.memory_space<hbm>>, %arg5: memref<1600000xi32, #tpu.memory_space<hbm>>, %arg6: memref<4x10000xf32, #tpu.memory_space<hbm>>, %arg7: memref<32x10000xf32, #tpu.memory_space<hbm>>, %arg8: memref<10000xf32, #tpu.memory_space<vmem>>, %arg9: memref<10000xf32, #tpu.memory_space<vmem>>, %arg10: memref<10000xf32, #tpu.memory_space<vmem>>, %arg11: memref<10000xf32, #tpu.memory_space<vmem>>, %arg12: memref<2000xf32, #tpu.memory_space<vmem>>, %arg13: memref<2000xf32, #tpu.memory_space<vmem>>, %arg14: memref<2000xf32, #tpu.memory_space<vmem>>, %arg15: memref<2016xi32, #tpu.memory_space<vmem>>, %arg16: memref<2000xf32, #tpu.memory_space<vmem>>, %arg17: memref<2000xf32, #tpu.memory_space<vmem>>, %arg18: memref<2000xf32, #tpu.memory_space<vmem>>, %arg19: memref<2016xi32, #tpu.memory_space<vmem>>, %arg20: memref<16xf32, #tpu.memory_space<vmem>>, %arg21: memref<!tpu.dma_semaphore, #tpu.memory_space<semaphore_mem>>, %arg22: memref<!tpu.dma_semaphore, #tpu.memory_space<semaphore_mem>>) attributes {dimension_semantics = [#tpu.dimension_semantics<core_parallel>, #tpu.dimension_semantics<subcore_parallel>], iteration_bounds = array<i64: 2, 16>, scalar_prefetch = 0 : i64, scratch_operands = 15 : i64, tpu.core_type = #tpu.core_type<sc_vector_subcore>, window_params = [{transform_indices = #map}, {transform_indices = #map}, {transform_indices = #map}, {transform_indices = #map}, {transform_indices = #map1}, {transform_indices = #map1}]} {
    %mul3A = arith.constant 2 : i32
    %mul3A_0 = arith.muli %arg1, %mul3A : i32
    %add3A = arith.addi %mul3A_0, %arg0 : i32
    %mul3A_1 = arith.constant 50000 : i32
    %mul3A_2 = arith.muli %add3A, %mul3A_1 : i32
    %iota3A = tpu.iota {dimensions = array<i32: 0>} : vector<16xi32>
    %eq3A = arith.constant 0 : i32
    %eq3A_3 = vector.broadcast %eq3A : i32 to vector<16xi32>
    %eq3A_4 = arith.cmpi eq, %iota3A, %eq3A_3 : vector<16xi32>
    %broadcast_in_dim3A = arith.constant 0.000000e+00 : f32
    %broadcast_in_dim3A_5 = vector.broadcast %broadcast_in_dim3A : f32 to vector<16xf32>
    %run_scoped3A = arith.constant 0 : i32
    "tpu.region"() ({
      %run_scoped3A_66 = tpu.sem_alloc : memref<!tpu.dma_semaphore, #tpu.memory_space<semaphore_mem>>
      %dma_start3A_67 = arith.constant 0 : i32
      %dma_start3A_68 = tpu.memref_slice %arg6[%run_scoped3A, %dma_start3A_67] : memref<4x10000xf32, #tpu.memory_space<hbm>> -> memref<1x10000xf32, #tpu.memory_space<hbm>>
      %dma_start3A_69 = tpu.memref_squeeze %dma_start3A_68 : memref<1x10000xf32, #tpu.memory_space<hbm>> -> memref<10000xf32, #tpu.memory_space<hbm>>
      %dma_start3A_70 = arith.constant 0 : i32
      %dma_start3A_71 = tpu.memref_slice %arg6[%run_scoped3A, %dma_start3A_70] : memref<4x10000xf32, #tpu.memory_space<hbm>> -> memref<1x10000xf32, #tpu.memory_space<hbm>>
      %dma_start3A_72 = tpu.memref_squeeze %dma_start3A_71 : memref<1x10000xf32, #tpu.memory_space<hbm>> -> memref<10000xf32, #tpu.memory_space<hbm>>
      tpu.enqueue_dma source(%dma_start3A_72 : memref<10000xf32, #tpu.memory_space<hbm>>) target(%arg8 : memref<10000xf32, #tpu.memory_space<vmem>>) target_semaphore(%run_scoped3A_66 : memref<!tpu.dma_semaphore, #tpu.memory_space<semaphore_mem>>)
      %dma_wait3A_73 = arith.constant 0 : i32
      %dma_wait3A_74 = tpu.memref_slice %arg6[%run_scoped3A, %dma_wait3A_73] : memref<4x10000xf32, #tpu.memory_space<hbm>> -> memref<1x10000xf32, #tpu.memory_space<hbm>>
      %dma_wait3A_75 = tpu.memref_squeeze %dma_wait3A_74 : memref<1x10000xf32, #tpu.memory_space<hbm>> -> memref<10000xf32, #tpu.memory_space<hbm>>
      %dma_wait3A_76 = arith.constant 0 : i32
      %dma_wait3A_77 = tpu.memref_slice %arg6[%run_scoped3A, %dma_wait3A_76] : memref<4x10000xf32, #tpu.memory_space<hbm>> -> memref<1x10000xf32, #tpu.memory_space<hbm>>
      %dma_wait3A_78 = tpu.memref_squeeze %dma_wait3A_77 : memref<1x10000xf32, #tpu.memory_space<hbm>> -> memref<10000xf32, #tpu.memory_space<hbm>>
      tpu.wait_dma2 semaphore(%run_scoped3A_66 : memref<!tpu.dma_semaphore, #tpu.memory_space<semaphore_mem>>) src(%dma_wait3A_78 : memref<10000xf32, #tpu.memory_space<hbm>>) dst(%arg8 : memref<10000xf32, #tpu.memory_space<vmem>>)
      tpu.yield
    }) : () -> ()
    %run_scoped3A_6 = arith.constant 1 : i32
    "tpu.region"() ({
      %run_scoped3A_66 = tpu.sem_alloc : memref<!tpu.dma_semaphore, #tpu.memory_space<semaphore_mem>>
      %dma_start3A_67 = arith.constant 0 : i32
      %dma_start3A_68 = tpu.memref_slice %arg6[%run_scoped3A_6, %dma_start3A_67] : memref<4x10000xf32, #tpu.memory_space<hbm>> -> memref<1x10000xf32, #tpu.memory_space<hbm>>
      %dma_start3A_69 = tpu.memref_squeeze %dma_start3A_68 : memref<1x10000xf32, #tpu.memory_space<hbm>> -> memref<10000xf32, #tpu.memory_space<hbm>>
      %dma_start3A_70 = arith.constant 0 : i32
      %dma_start3A_71 = tpu.memref_slice %arg6[%run_scoped3A_6, %dma_start3A_70] : memref<4x10000xf32, #tpu.memory_space<hbm>> -> memref<1x10000xf32, #tpu.memory_space<hbm>>
      %dma_start3A_72 = tpu.memref_squeeze %dma_start3A_71 : memref<1x10000xf32, #tpu.memory_space<hbm>> -> memref<10000xf32, #tpu.memory_space<hbm>>
      tpu.enqueue_dma source(%dma_start3A_72 : memref<10000xf32, #tpu.memory_space<hbm>>) target(%arg9 : memref<10000xf32, #tpu.memory_space<vmem>>) target_semaphore(%run_scoped3A_66 : memref<!tpu.dma_semaphore, #tpu.memory_space<semaphore_mem>>)
      %dma_wait3A_73 = arith.constant 0 : i32
      %dma_wait3A_74 = tpu.memref_slice %arg6[%run_scoped3A_6, %dma_wait3A_73] : memref<4x10000xf32, #tpu.memory_space<hbm>> -> memref<1x10000xf32, #tpu.memory_space<hbm>>
      %dma_wait3A_75 = tpu.memref_squeeze %dma_wait3A_74 : memref<1x10000xf32, #tpu.memory_space<hbm>> -> memref<10000xf32, #tpu.memory_space<hbm>>
      %dma_wait3A_76 = arith.constant 0 : i32
      %dma_wait3A_77 = tpu.memref_slice %arg6[%run_scoped3A_6, %dma_wait3A_76] : memref<4x10000xf32, #tpu.memory_space<hbm>> -> memref<1x10000xf32, #tpu.memory_space<hbm>>
      %dma_wait3A_78 = tpu.memref_squeeze %dma_wait3A_77 : memref<1x10000xf32, #tpu.memory_space<hbm>> -> memref<10000xf32, #tpu.memory_space<hbm>>
      tpu.wait_dma2 semaphore(%run_scoped3A_66 : memref<!tpu.dma_semaphore, #tpu.memory_space<semaphore_mem>>) src(%dma_wait3A_78 : memref<10000xf32, #tpu.memory_space<hbm>>) dst(%arg9 : memref<10000xf32, #tpu.memory_space<vmem>>)
      tpu.yield
    }) : () -> ()
    %run_scoped3A_7 = arith.constant 2 : i32
    "tpu.region"() ({
      %run_scoped3A_66 = tpu.sem_alloc : memref<!tpu.dma_semaphore, #tpu.memory_space<semaphore_mem>>
      %dma_start3A_67 = arith.constant 0 : i32
      %dma_start3A_68 = tpu.memref_slice %arg6[%run_scoped3A_7, %dma_start3A_67] : memref<4x10000xf32, #tpu.memory_space<hbm>> -> memref<1x10000xf32, #tpu.memory_space<hbm>>
      %dma_start3A_69 = tpu.memref_squeeze %dma_start3A_68 : memref<1x10000xf32, #tpu.memory_space<hbm>> -> memref<10000xf32, #tpu.memory_space<hbm>>
      %dma_start3A_70 = arith.constant 0 : i32
      %dma_start3A_71 = tpu.memref_slice %arg6[%run_scoped3A_7, %dma_start3A_70] : memref<4x10000xf32, #tpu.memory_space<hbm>> -> memref<1x10000xf32, #tpu.memory_space<hbm>>
      %dma_start3A_72 = tpu.memref_squeeze %dma_start3A_71 : memref<1x10000xf32, #tpu.memory_space<hbm>> -> memref<10000xf32, #tpu.memory_space<hbm>>
      tpu.enqueue_dma source(%dma_start3A_72 : memref<10000xf32, #tpu.memory_space<hbm>>) target(%arg10 : memref<10000xf32, #tpu.memory_space<vmem>>) target_semaphore(%run_scoped3A_66 : memref<!tpu.dma_semaphore, #tpu.memory_space<semaphore_mem>>)
      %dma_wait3A_73 = arith.constant 0 : i32
      %dma_wait3A_74 = tpu.memref_slice %arg6[%run_scoped3A_7, %dma_wait3A_73] : memref<4x10000xf32, #tpu.memory_space<hbm>> -> memref<1x10000xf32, #tpu.memory_space<hbm>>
      %dma_wait3A_75 = tpu.memref_squeeze %dma_wait3A_74 : memref<1x10000xf32, #tpu.memory_space<hbm>> -> memref<10000xf32, #tpu.memory_space<hbm>>
      %dma_wait3A_76 = arith.constant 0 : i32
      %dma_wait3A_77 = tpu.memref_slice %arg6[%run_scoped3A_7, %dma_wait3A_76] : memref<4x10000xf32, #tpu.memory_space<hbm>> -> memref<1x10000xf32, #tpu.memory_space<hbm>>
      %dma_wait3A_78 = tpu.memref_squeeze %dma_wait3A_77 : memref<1x10000xf32, #tpu.memory_space<hbm>> -> memref<10000xf32, #tpu.memory_space<hbm>>
      tpu.wait_dma2 semaphore(%run_scoped3A_66 : memref<!tpu.dma_semaphore, #tpu.memory_space<semaphore_mem>>) src(%dma_wait3A_78 : memref<10000xf32, #tpu.memory_space<hbm>>) dst(%arg10 : memref<10000xf32, #tpu.memory_space<vmem>>)
      tpu.yield
    }) : () -> ()
    %scan3A = arith.constant 0 : i32
    %scan3A_8 = arith.constant 625 : i32
    %scan3A_9 = arith.addi %scan3A, %scan3A_8 : i32
    %scan3A_10 = arith.constant 1 : i32
    scf.for %scan3A_66 = %scan3A to %scan3A_9 step %scan3A_10  : i32 {
      %mul3A_67 = arith.constant 16 : i32
      %mul3A_68 = arith.muli %scan3A_66, %mul3A_67 : i32
      %add3A_69 = arith.constant 0 : i32
      %add3A_70 = arith.addi %add3A_69, %mul3A_68 : i32
      %swap3A_71 = arith.index_cast %add3A_70 : i32 to index
      %swap3A_72 = tpu.vector_load %arg11[%swap3A_71] {strides = array<i32>} : memref<10000xf32, #tpu.memory_space<vmem>>, vector<16xf32>,
      tpu.vector_store %arg11[%swap3A_71], %broadcast_in_dim3A_5 {strides = array<i32>} : memref<10000xf32, #tpu.memory_space<vmem>>, vector<16xf32>,
    }
    %scan3A_11 = arith.constant 625 : i32
    %broadcast_in_dim3A_12 = arith.constant -1 : i32
    %broadcast_in_dim3A_13 = vector.broadcast %broadcast_in_dim3A_12 : i32 to vector<16xi32>
    %swap3A = arith.constant 2000 : index
    %swap3A_14 = tpu.vector_load %arg15[%swap3A] {strides = array<i32>} : memref<2016xi32, #tpu.memory_space<vmem>>, vector<16xi32>,
    tpu.vector_store %arg15[%swap3A], %broadcast_in_dim3A_13 {strides = array<i32>} : memref<2016xi32, #tpu.memory_space<vmem>>, vector<16xi32>,
    %broadcast_in_dim3A_15 = arith.constant -1 : i32
    %broadcast_in_dim3A_16 = vector.broadcast %broadcast_in_dim3A_15 : i32 to vector<16xi32>
    %swap3A_17 = arith.constant 2000 : index
    %swap3A_18 = tpu.vector_load %arg19[%swap3A_17] {strides = array<i32>} : memref<2016xi32, #tpu.memory_space<vmem>>, vector<16xi32>,
    tpu.vector_store %arg19[%swap3A_17], %broadcast_in_dim3A_16 {strides = array<i32>} : memref<2016xi32, #tpu.memory_space<vmem>>, vector<16xi32>,
    %add3A_19 = arith.constant 0 : i32
    %add3A_20 = arith.addi %mul3A_2, %add3A_19 : i32
    %dma_start3A = tpu.memref_slice %arg2[%add3A_20] : memref<1600000xf32, #tpu.memory_space<hbm>> -> memref<2000xf32, #tpu.memory_space<hbm>>
    %dma_start3A_21 = tpu.memref_slice %arg2[%add3A_20] : memref<1600000xf32, #tpu.memory_space<hbm>> -> memref<2000xf32, #tpu.memory_space<hbm>>
    tpu.enqueue_dma source(%dma_start3A_21 : memref<2000xf32, #tpu.memory_space<hbm>>) target(%arg12 : memref<2000xf32, #tpu.memory_space<vmem>>) target_semaphore(%arg21 : memref<!tpu.dma_semaphore, #tpu.memory_space<semaphore_mem>>)
    %dma_start3A_22 = tpu.memref_slice %arg3[%add3A_20] : memref<1600000xf32, #tpu.memory_space<hbm>> -> memref<2000xf32, #tpu.memory_space<hbm>>
    %dma_start3A_23 = tpu.memref_slice %arg3[%add3A_20] : memref<1600000xf32, #tpu.memory_space<hbm>> -> memref<2000xf32, #tpu.memory_space<hbm>>
    tpu.enqueue_dma source(%dma_start3A_23 : memref<2000xf32, #tpu.memory_space<hbm>>) target(%arg13 : memref<2000xf32, #tpu.memory_space<vmem>>) target_semaphore(%arg21 : memref<!tpu.dma_semaphore, #tpu.memory_space<semaphore_mem>>)
    %dma_start3A_24 = tpu.memref_slice %arg4[%add3A_20] : memref<1600000xf32, #tpu.memory_space<hbm>> -> memref<2000xf32, #tpu.memory_space<hbm>>
    %dma_start3A_25 = tpu.memref_slice %arg4[%add3A_20] : memref<1600000xf32, #tpu.memory_space<hbm>> -> memref<2000xf32, #tpu.memory_space<hbm>>
    tpu.enqueue_dma source(%dma_start3A_25 : memref<2000xf32, #tpu.memory_space<hbm>>) target(%arg14 : memref<2000xf32, #tpu.memory_space<vmem>>) target_semaphore(%arg21 : memref<!tpu.dma_semaphore, #tpu.memory_space<semaphore_mem>>)
    %dma_start3A_26 = arith.constant 0 : i32
    %dma_start3A_27 = tpu.memref_slice %arg15[%dma_start3A_26] : memref<2016xi32, #tpu.memory_space<vmem>> -> memref<2000xi32, #tpu.memory_space<vmem>>
    %dma_start3A_28 = tpu.memref_slice %arg5[%add3A_20] : memref<1600000xi32, #tpu.memory_space<hbm>> -> memref<2000xi32, #tpu.memory_space<hbm>>
    %dma_start3A_29 = arith.constant 0 : i32
    %dma_start3A_30 = tpu.memref_slice %arg15[%dma_start3A_29] : memref<2016xi32, #tpu.memory_space<vmem>> -> memref<2000xi32, #tpu.memory_space<vmem>>
    %dma_start3A_31 = tpu.memref_slice %arg5[%add3A_20] : memref<1600000xi32, #tpu.memory_space<hbm>> -> memref<2000xi32, #tpu.memory_space<hbm>>
    tpu.enqueue_dma source(%dma_start3A_31 : memref<2000xi32, #tpu.memory_space<hbm>>) target(%dma_start3A_30 : memref<2000xi32, #tpu.memory_space<vmem>>) target_semaphore(%arg21 : memref<!tpu.dma_semaphore, #tpu.memory_space<semaphore_mem>>)
    %scan3A_32 = arith.constant 0 : i32
    %scan3A_33 = arith.constant 12 : i32
    %scan3A_34 = arith.addi %scan3A_32, %scan3A_33 : i32
    %scan3A_35 = arith.constant 1 : i32
    scf.for %scan3A_66 = %scan3A_32 to %scan3A_34 step %scan3A_35  : i32 {
      %mul3A_67 = arith.constant 1 : i32
      %mul3A_68 = arith.muli %scan3A_66, %mul3A_67 : i32
      %add3A_69 = arith.constant 0 : i32
      %add3A_70 = arith.addi %add3A_69, %mul3A_68 : i32
      %mul3A_71 = arith.constant 2 : i32
      %mul3A_72 = arith.muli %mul3A_71, %add3A_70 : i32
      %mul3A_73 = arith.constant 2000 : i32
      %mul3A_74 = arith.muli %mul3A_72, %mul3A_73 : i32
      %add3A_75 = arith.addi %mul3A_2, %mul3A_74 : i32
      %dma_wait3A_76 = tpu.memref_slice %arg2[%add3A_75] : memref<1600000xf32, #tpu.memory_space<hbm>> -> memref<2000xf32, #tpu.memory_space<hbm>>
      %dma_wait3A_77 = tpu.memref_slice %arg2[%add3A_75] : memref<1600000xf32, #tpu.memory_space<hbm>> -> memref<2000xf32, #tpu.memory_space<hbm>>
      tpu.wait_dma2 semaphore(%arg21 : memref<!tpu.dma_semaphore, #tpu.memory_space<semaphore_mem>>) src(%dma_wait3A_77 : memref<2000xf32, #tpu.memory_space<hbm>>) dst(%arg12 : memref<2000xf32, #tpu.memory_space<vmem>>)
      %dma_wait3A_78 = tpu.memref_slice %arg3[%add3A_75] : memref<1600000xf32, #tpu.memory_space<hbm>> -> memref<2000xf32, #tpu.memory_space<hbm>>
      %dma_wait3A_79 = tpu.memref_slice %arg3[%add3A_75] : memref<1600000xf32, #tpu.memory_space<hbm>> -> memref<2000xf32, #tpu.memory_space<hbm>>
      tpu.wait_dma2 semaphore(%arg21 : memref<!tpu.dma_semaphore, #tpu.memory_space<semaphore_mem>>) src(%dma_wait3A_79 : memref<2000xf32, #tpu.memory_space<hbm>>) dst(%arg13 : memref<2000xf32, #tpu.memory_space<vmem>>)
      %dma_wait3A_80 = tpu.memref_slice %arg4[%add3A_75] : memref<1600000xf32, #tpu.memory_space<hbm>> -> memref<2000xf32, #tpu.memory_space<hbm>>
      %dma_wait3A_81 = tpu.memref_slice %arg4[%add3A_75] : memref<1600000xf32, #tpu.memory_space<hbm>> -> memref<2000xf32, #tpu.memory_space<hbm>>
      tpu.wait_dma2 semaphore(%arg21 : memref<!tpu.dma_semaphore, #tpu.memory_space<semaphore_mem>>) src(%dma_wait3A_81 : memref<2000xf32, #tpu.memory_space<hbm>>) dst(%arg14 : memref<2000xf32, #tpu.memory_space<vmem>>)
      %dma_wait3A_82 = arith.constant 0 : i32
      %dma_wait3A_83 = tpu.memref_slice %arg15[%dma_wait3A_82] : memref<2016xi32, #tpu.memory_space<vmem>> -> memref<2000xi32, #tpu.memory_space<vmem>>
      %dma_wait3A_84 = tpu.memref_slice %arg5[%add3A_75] : memref<1600000xi32, #tpu.memory_space<hbm>> -> memref<2000xi32, #tpu.memory_space<hbm>>
      %dma_wait3A_85 = arith.constant 0 : i32
      %dma_wait3A_86 = tpu.memref_slice %arg15[%dma_wait3A_85] : memref<2016xi32, #tpu.memory_space<vmem>> -> memref<2000xi32, #tpu.memory_space<vmem>>
      %dma_wait3A_87 = tpu.memref_slice %arg5[%add3A_75] : memref<1600000xi32, #tpu.memory_space<hbm>> -> memref<2000xi32, #tpu.memory_space<hbm>>
      tpu.wait_dma2 semaphore(%arg21 : memref<!tpu.dma_semaphore, #tpu.memory_space<semaphore_mem>>) src(%dma_wait3A_87 : memref<2000xi32, #tpu.memory_space<hbm>>) dst(%dma_wait3A_86 : memref<2000xi32, #tpu.memory_space<vmem>>)
      %mul3A_88 = arith.constant 2 : i32
      %mul3A_89 = arith.muli %mul3A_88, %add3A_70 : i32
      %add3A_90 = arith.constant 1 : i32
      %add3A_91 = arith.addi %mul3A_89, %add3A_90 : i32
      %mul3A_92 = arith.constant 2000 : i32
      %mul3A_93 = arith.muli %add3A_91, %mul3A_92 : i32
      %add3A_94 = arith.addi %mul3A_2, %mul3A_93 : i32
      %dma_start3A_95 = tpu.memref_slice %arg2[%add3A_94] : memref<1600000xf32, #tpu.memory_space<hbm>> -> memref<2000xf32, #tpu.memory_space<hbm>>
      %dma_start3A_96 = tpu.memref_slice %arg2[%add3A_94] : memref<1600000xf32, #tpu.memory_space<hbm>> -> memref<2000xf32, #tpu.memory_space<hbm>>
      tpu.enqueue_dma source(%dma_start3A_96 : memref<2000xf32, #tpu.memory_space<hbm>>) target(%arg16 : memref<2000xf32, #tpu.memory_space<vmem>>) target_semaphore(%arg22 : memref<!tpu.dma_semaphore, #tpu.memory_space<semaphore_mem>>)
      %dma_start3A_97 = tpu.memref_slice %arg3[%add3A_94] : memref<1600000xf32, #tpu.memory_space<hbm>> -> memref<2000xf32, #tpu.memory_space<hbm>>
      %dma_start3A_98 = tpu.memref_slice %arg3[%add3A_94] : memref<1600000xf32, #tpu.memory_space<hbm>> -> memref<2000xf32, #tpu.memory_space<hbm>>
      tpu.enqueue_dma source(%dma_start3A_98 : memref<2000xf32, #tpu.memory_space<hbm>>) target(%arg17 : memref<2000xf32, #tpu.memory_space<vmem>>) target_semaphore(%arg22 : memref<!tpu.dma_semaphore, #tpu.memory_space<semaphore_mem>>)
      %dma_start3A_99 = tpu.memref_slice %arg4[%add3A_94] : memref<1600000xf32, #tpu.memory_space<hbm>> -> memref<2000xf32, #tpu.memory_space<hbm>>
      %dma_start3A_100 = tpu.memref_slice %arg4[%add3A_94] : memref<1600000xf32, #tpu.memory_space<hbm>> -> memref<2000xf32, #tpu.memory_space<hbm>>
      tpu.enqueue_dma source(%dma_start3A_100 : memref<2000xf32, #tpu.memory_space<hbm>>) target(%arg18 : memref<2000xf32, #tpu.memory_space<vmem>>) target_semaphore(%arg22 : memref<!tpu.dma_semaphore, #tpu.memory_space<semaphore_mem>>)
      %dma_start3A_101 = arith.constant 0 : i32
      %dma_start3A_102 = tpu.memref_slice %arg19[%dma_start3A_101] : memref<2016xi32, #tpu.memory_space<vmem>> -> memref<2000xi32, #tpu.memory_space<vmem>>
      %dma_start3A_103 = tpu.memref_slice %arg5[%add3A_94] : memref<1600000xi32, #tpu.memory_space<hbm>> -> memref<2000xi32, #tpu.memory_space<hbm>>
      %dma_start3A_104 = arith.constant 0 : i32
      %dma_start3A_105 = tpu.memref_slice %arg19[%dma_start3A_104] : memref<2016xi32, #tpu.memory_space<vmem>> -> memref<2000xi32, #tpu.memory_space<vmem>>
      %dma_start3A_106 = tpu.memref_slice %arg5[%add3A_94] : memref<1600000xi32, #tpu.memory_space<hbm>> -> memref<2000xi32, #tpu.memory_space<hbm>>
      tpu.enqueue_dma source(%dma_start3A_106 : memref<2000xi32, #tpu.memory_space<hbm>>) target(%dma_start3A_105 : memref<2000xi32, #tpu.memory_space<vmem>>) target_semaphore(%arg22 : memref<!tpu.dma_semaphore, #tpu.memory_space<semaphore_mem>>)
      %get3A_107 = arith.constant 0 : index
      %get3A_108 = tpu.vector_load %arg15[%get3A_107] {strides = array<i32>} : memref<2016xi32, #tpu.memory_space<vmem>>, vector<16xi32>,
      %slice3A_109 = vector.extract_strided_slice %get3A_108 {offsets = [0], sizes = [1], strides = [1]} : vector<16xi32> to vector<1xi32>
      %squeeze3A_110 = vector.extract %slice3A_109[0] : i32 from vector<1xi32>
      %broadcast_in_dim3A_111 = vector.broadcast %squeeze3A_110 : i32 to vector<16xi32>
      %gather3A_112 = tpu.vector_load_idx %arg8[%broadcast_in_dim3A_111] : memref<10000xf32, #tpu.memory_space<vmem>>[vector<16xi32>], vector<16xf32>,
      %gather3A_113 = tpu.vector_load_idx %arg9[%broadcast_in_dim3A_111] : memref<10000xf32, #tpu.memory_space<vmem>>[vector<16xi32>], vector<16xf32>,
      %gather3A_114 = tpu.vector_load_idx %arg10[%broadcast_in_dim3A_111] : memref<10000xf32, #tpu.memory_space<vmem>>[vector<16xi32>], vector<16xf32>,
      %scan3A_115 = arith.constant 0 : i32
      %scan3A_116 = arith.constant 25 : i32
      %scan3A_117 = arith.addi %scan3A_115, %scan3A_116 : i32
      %scan3A_118 = arith.constant 1 : i32
      %scan3A_119:5 = scf.for %scan3A_189 = %scan3A_115 to %scan3A_117 step %scan3A_118 iter_args(%scan3A_190 = %squeeze3A_110, %scan3A_191 = %broadcast_in_dim3A_5, %scan3A_192 = %gather3A_112, %scan3A_193 = %gather3A_113, %scan3A_194 = %gather3A_114) -> (i32, vector<16xf32>, vector<16xf32>, vector<16xf32>, vector<16xf32>)  : i32 {
        %mul3A_195 = arith.constant 80 : i32
        %mul3A_196 = arith.muli %scan3A_189, %mul3A_195 : i32
        %add3A_197 = arith.constant 0 : i32
        %add3A_198 = arith.addi %mul3A_196, %add3A_197 : i32
        %get3A_199 = arith.index_cast %add3A_198 : i32 to index
        %get3A_200 = tpu.vector_load %arg12[%get3A_199] {strides = array<i32>} : memref<2000xf32, #tpu.memory_space<vmem>>, vector<16xf32>,
        %add3A_201 = arith.constant 16 : i32
        %add3A_202 = arith.addi %mul3A_196, %add3A_201 : i32
        %get3A_203 = arith.index_cast %add3A_202 : i32 to index
        %get3A_204 = tpu.vector_load %arg12[%get3A_203] {strides = array<i32>} : memref<2000xf32, #tpu.memory_space<vmem>>, vector<16xf32>,
        %add3A_205 = arith.constant 32 : i32
        %add3A_206 = arith.addi %mul3A_196, %add3A_205 : i32
        %get3A_207 = arith.index_cast %add3A_206 : i32 to index
        %get3A_208 = tpu.vector_load %arg12[%get3A_207] {strides = array<i32>} : memref<2000xf32, #tpu.memory_space<vmem>>, vector<16xf32>,
        %add3A_209 = arith.constant 48 : i32
        %add3A_210 = arith.addi %mul3A_196, %add3A_209 : i32
        %get3A_211 = arith.index_cast %add3A_210 : i32 to index
        %get3A_212 = tpu.vector_load %arg12[%get3A_211] {strides = array<i32>} : memref<2000xf32, #tpu.memory_space<vmem>>, vector<16xf32>,
        %add3A_213 = arith.constant 64 : i32
        %add3A_214 = arith.addi %mul3A_196, %add3A_213 : i32
        %get3A_215 = arith.index_cast %add3A_214 : i32 to index
        %get3A_216 = tpu.vector_load %arg12[%get3A_215] {strides = array<i32>} : memref<2000xf32, #tpu.memory_space<vmem>>, vector<16xf32>,
        %add3A_217 = arith.constant 0 : i32
        %add3A_218 = arith.addi %mul3A_196, %add3A_217 : i32
        %get3A_219 = arith.index_cast %add3A_218 : i32 to index
        %get3A_220 = tpu.vector_load %arg13[%get3A_219] {strides = array<i32>} : memref<2000xf32, #tpu.memory_space<vmem>>, vector<16xf32>,
        %add3A_221 = arith.constant 16 : i32
        %add3A_222 = arith.addi %mul3A_196, %add3A_221 : i32
        %get3A_223 = arith.index_cast %add3A_222 : i32 to index
        %get3A_224 = tpu.vector_load %arg13[%get3A_223] {strides = array<i32>} : memref<2000xf32, #tpu.memory_space<vmem>>, vector<16xf32>,
        %add3A_225 = arith.constant 32 : i32
        %add3A_226 = arith.addi %mul3A_196, %add3A_225 : i32
        %get3A_227 = arith.index_cast %add3A_226 : i32 to index
        %get3A_228 = tpu.vector_load %arg13[%get3A_227] {strides = array<i32>} : memref<2000xf32, #tpu.memory_space<vmem>>, vector<16xf32>,
        %add3A_229 = arith.constant 48 : i32
        %add3A_230 = arith.addi %mul3A_196, %add3A_229 : i32
        %get3A_231 = arith.index_cast %add3A_230 : i32 to index
        %get3A_232 = tpu.vector_load %arg13[%get3A_231] {strides = array<i32>} : memref<2000xf32, #tpu.memory_space<vmem>>, vector<16xf32>,
        %add3A_233 = arith.constant 64 : i32
        %add3A_234 = arith.addi %mul3A_196, %add3A_233 : i32
        %get3A_235 = arith.index_cast %add3A_234 : i32 to index
        %get3A_236 = tpu.vector_load %arg13[%get3A_235] {strides = array<i32>} : memref<2000xf32, #tpu.memory_space<vmem>>, vector<16xf32>,
        %add3A_237 = arith.constant 0 : i32
        %add3A_238 = arith.addi %mul3A_196, %add3A_237 : i32
        %get3A_239 = arith.index_cast %add3A_238 : i32 to index
        %get3A_240 = tpu.vector_load %arg14[%get3A_239] {strides = array<i32>} : memref<2000xf32, #tpu.memory_space<vmem>>, vector<16xf32>,
        %add3A_241 = arith.constant 16 : i32
        %add3A_242 = arith.addi %mul3A_196, %add3A_241 : i32
        %get3A_243 = arith.index_cast %add3A_242 : i32 to index
        %get3A_244 = tpu.vector_load %arg14[%get3A_243] {strides = array<i32>} : memref<2000xf32, #tpu.memory_space<vmem>>, vector<16xf32>,
        %add3A_245 = arith.constant 32 : i32
        %add3A_246 = arith.addi %mul3A_196, %add3A_245 : i32
        %get3A_247 = arith.index_cast %add3A_246 : i32 to index
        %get3A_248 = tpu.vector_load %arg14[%get3A_247] {strides = array<i32>} : memref<2000xf32, #tpu.memory_space<vmem>>, vector<16xf32>,
        %add3A_249 = arith.constant 48 : i32
        %add3A_250 = arith.addi %mul3A_196, %add3A_249 : i32
        %get3A_251 = arith.index_cast %add3A_250 : i32 to index
        %get3A_252 = tpu.vector_load %arg14[%get3A_251] {strides = array<i32>} : memref<2000xf32, #tpu.memory_space<vmem>>, vector<16xf32>,
        %add3A_253 = arith.constant 64 : i32
        %add3A_254 = arith.addi %mul3A_196, %add3A_253 : i32
        %get3A_255 = arith.index_cast %add3A_254 : i32 to index
        %get3A_256 = tpu.vector_load %arg14[%get3A_255] {strides = array<i32>} : memref<2000xf32, #tpu.memory_space<vmem>>, vector<16xf32>,
        %get3A_257 = arith.index_cast %mul3A_196 : i32 to index
        %get3A_258 = tpu.vector_load %arg15[%get3A_257] {strides = array<i32>} : memref<2016xi32, #tpu.memory_space<vmem>>, vector<16xi32>,
        %add3A_259 = arith.constant 80 : i32
        %add3A_260 = arith.addi %mul3A_196, %add3A_259 : i32
        %sub3A = arith.constant 16 : i32
        %sub3A_261 = arith.subi %add3A_260, %sub3A : i32
        %get3A_262 = arith.index_cast %sub3A_261 : i32 to index
        %get3A_263 = tpu.vector_load %arg15[%get3A_262] {strides = array<i32>} : memref<2016xi32, #tpu.memory_space<vmem>>, vector<16xi32>,
        %slice3A_264 = vector.extract_strided_slice %get3A_258 {offsets = [0], sizes = [1], strides = [1]} : vector<16xi32> to vector<1xi32>
        %squeeze3A_265 = vector.extract %slice3A_264[0] : i32 from vector<1xi32>
        %slice3A_266 = vector.extract_strided_slice %get3A_263 {offsets = [15], sizes = [1], strides = [1]} : vector<16xi32> to vector<1xi32>
        %squeeze3A_267 = vector.extract %slice3A_266[0] : i32 from vector<1xi32>
        %eq3A_268 = arith.cmpi eq, %squeeze3A_265, %scan3A_190 : i32
        %eq3A_269 = arith.cmpi eq, %squeeze3A_265, %squeeze3A_267 : i32
        %and3A = arith.andi %eq3A_268, %eq3A_269 : i1
        %convert_element_type3A = arith.extui %and3A : i1 to i32
        %cond3A = arith.constant 0 : i32
        %cond3A_270 = arith.cmpi ne, %convert_element_type3A, %cond3A : i32
        %cond3A_271:5 = scf.if %cond3A_270 -> (i32, vector<16xf32>, vector<16xf32>, vector<16xf32>, vector<16xf32>) {
          %sub3A_272 = arith.subf %get3A_200, %scan3A_192 : vector<16xf32>
          %sub3A_273 = arith.subf %get3A_220, %scan3A_193 : vector<16xf32>
          %sub3A_274 = arith.subf %get3A_240, %scan3A_194 : vector<16xf32>
          %mul3A_275 = arith.mulf %sub3A_272, %sub3A_272 : vector<16xf32>
          %mul3A_276 = arith.mulf %sub3A_273, %sub3A_273 : vector<16xf32>
          %add3A_277 = arith.addf %mul3A_275, %mul3A_276 : vector<16xf32>
          %mul3A_278 = arith.mulf %sub3A_274, %sub3A_274 : vector<16xf32>
          %add3A_279 = arith.addf %add3A_277, %mul3A_278 : vector<16xf32>
          %max3A_280 = arith.maximumf %scan3A_191, %add3A_279 : vector<16xf32>
          %sub3A_281 = arith.subf %get3A_204, %scan3A_192 : vector<16xf32>
          %sub3A_282 = arith.subf %get3A_224, %scan3A_193 : vector<16xf32>
          %sub3A_283 = arith.subf %get3A_244, %scan3A_194 : vector<16xf32>
          %mul3A_284 = arith.mulf %sub3A_281, %sub3A_281 : vector<16xf32>
          %mul3A_285 = arith.mulf %sub3A_282, %sub3A_282 : vector<16xf32>
          %add3A_286 = arith.addf %mul3A_284, %mul3A_285 : vector<16xf32>
          %mul3A_287 = arith.mulf %sub3A_283, %sub3A_283 : vector<16xf32>
          %add3A_288 = arith.addf %add3A_286, %mul3A_287 : vector<16xf32>
          %max3A_289 = arith.maximumf %max3A_280, %add3A_288 : vector<16xf32>
          %sub3A_290 = arith.subf %get3A_208, %scan3A_192 : vector<16xf32>
          %sub3A_291 = arith.subf %get3A_228, %scan3A_193 : vector<16xf32>
          %sub3A_292 = arith.subf %get3A_248, %scan3A_194 : vector<16xf32>
          %mul3A_293 = arith.mulf %sub3A_290, %sub3A_290 : vector<16xf32>
          %mul3A_294 = arith.mulf %sub3A_291, %sub3A_291 : vector<16xf32>
          %add3A_295 = arith.addf %mul3A_293, %mul3A_294 : vector<16xf32>
          %mul3A_296 = arith.mulf %sub3A_292, %sub3A_292 : vector<16xf32>
          %add3A_297 = arith.addf %add3A_295, %mul3A_296 : vector<16xf32>
          %max3A_298 = arith.maximumf %max3A_289, %add3A_297 : vector<16xf32>
          %sub3A_299 = arith.subf %get3A_212, %scan3A_192 : vector<16xf32>
          %sub3A_300 = arith.subf %get3A_232, %scan3A_193 : vector<16xf32>
          %sub3A_301 = arith.subf %get3A_252, %scan3A_194 : vector<16xf32>
          %mul3A_302 = arith.mulf %sub3A_299, %sub3A_299 : vector<16xf32>
          %mul3A_303 = arith.mulf %sub3A_300, %sub3A_300 : vector<16xf32>
          %add3A_304 = arith.addf %mul3A_302, %mul3A_303 : vector<16xf32>
          %mul3A_305 = arith.mulf %sub3A_301, %sub3A_301 : vector<16xf32>
          %add3A_306 = arith.addf %add3A_304, %mul3A_305 : vector<16xf32>
          %max3A_307 = arith.maximumf %max3A_298, %add3A_306 : vector<16xf32>
          %sub3A_308 = arith.subf %get3A_216, %scan3A_192 : vector<16xf32>
          %sub3A_309 = arith.subf %get3A_236, %scan3A_193 : vector<16xf32>
          %sub3A_310 = arith.subf %get3A_256, %scan3A_194 : vector<16xf32>
          %mul3A_311 = arith.mulf %sub3A_308, %sub3A_308 : vector<16xf32>
          %mul3A_312 = arith.mulf %sub3A_309, %sub3A_309 : vector<16xf32>
          %add3A_313 = arith.addf %mul3A_311, %mul3A_312 : vector<16xf32>
          %mul3A_314 = arith.mulf %sub3A_310, %sub3A_310 : vector<16xf32>
          %add3A_315 = arith.addf %add3A_313, %mul3A_314 : vector<16xf32>
          %max3A_316 = arith.maximumf %max3A_307, %add3A_315 : vector<16xf32>
          scf.yield %scan3A_190, %max3A_316, %scan3A_192, %scan3A_193, %scan3A_194 : i32, vector<16xf32>, vector<16xf32>, vector<16xf32>, vector<16xf32>
        } else {
          %broadcast_in_dim3A_272 = vector.broadcast %scan3A_190 : i32 to vector<16xi32>
          %reduce_max3A_273 = arith.constant true
          %reduce_max3A_274 = vector.broadcast %reduce_max3A_273 : i1 to vector<16xi1>
          %reduce_max3A_275 = tpu.scan <max>, %scan3A_191 masked %reduce_max3A_274 : vector<16xf32>, vector<16xi1> -> vector<16xf32>
          %reduce_max3A_276 = vector.extract %reduce_max3A_275[15] : f32 from vector<16xf32>
          %broadcast_in_dim3A_277 = vector.broadcast %reduce_max3A_276 : f32 to vector<16xf32>
          %gather3A_278 = tpu.vector_load_idx %arg11[%broadcast_in_dim3A_272] masked %eq3A_4 : memref<10000xf32, #tpu.memory_space<vmem>>[vector<16xi32>], vector<16xf32>, vector<16xi1>
          %max3A_279 = arith.maximumf %gather3A_278, %broadcast_in_dim3A_277 : vector<16xf32>
          tpu.vector_store_idx %arg11[%broadcast_in_dim3A_272], %max3A_279 masked %eq3A_4 : memref<10000xf32, #tpu.memory_space<vmem>>[vector<16xi32>], vector<16xf32>, vector<16xi1>
          %add3A_280 = arith.constant 0 : i32
          %add3A_281 = arith.addi %mul3A_196, %add3A_280 : i32
          %get3A_282 = arith.index_cast %add3A_281 : i32 to index
          %get3A_283 = tpu.vector_load %arg15[%get3A_282] {strides = array<i32>} : memref<2016xi32, #tpu.memory_space<vmem>>, vector<16xi32>,
          %gather3A_284 = tpu.vector_load_idx %arg8[%get3A_283] : memref<10000xf32, #tpu.memory_space<vmem>>[vector<16xi32>], vector<16xf32>,
          %gather3A_285 = tpu.vector_load_idx %arg9[%get3A_283] : memref<10000xf32, #tpu.memory_space<vmem>>[vector<16xi32>], vector<16xf32>,
          %gather3A_286 = tpu.vector_load_idx %arg10[%get3A_283] : memref<10000xf32, #tpu.memory_space<vmem>>[vector<16xi32>], vector<16xf32>,
          %sub3A_287 = arith.subf %get3A_200, %gather3A_284 : vector<16xf32>
          %sub3A_288 = arith.subf %get3A_220, %gather3A_285 : vector<16xf32>
          %sub3A_289 = arith.subf %get3A_240, %gather3A_286 : vector<16xf32>
          %mul3A_290 = arith.mulf %sub3A_287, %sub3A_287 : vector<16xf32>
          %mul3A_291 = arith.mulf %sub3A_288, %sub3A_288 : vector<16xf32>
          %add3A_292 = arith.addf %mul3A_290, %mul3A_291 : vector<16xf32>
          %mul3A_293 = arith.mulf %sub3A_289, %sub3A_289 : vector<16xf32>
          %add3A_294 = arith.addf %add3A_292, %mul3A_293 : vector<16xf32>
          %swap3A_295 = arith.constant 0 : index
          %swap3A_296 = tpu.vector_load %arg20[%swap3A_295] {strides = array<i32>} : memref<16xf32, #tpu.memory_space<vmem>>, vector<16xf32>,
          tpu.vector_store %arg20[%swap3A_295], %add3A_294 {strides = array<i32>} : memref<16xf32, #tpu.memory_space<vmem>>, vector<16xf32>,
          %sub3A_297 = arith.constant 1 : i32
          %sub3A_298 = vector.broadcast %sub3A_297 : i32 to vector<16xi32>
          %sub3A_299 = arith.subi %iota3A, %sub3A_298 : vector<16xi32>
          %max3A_300 = arith.constant 0 : i32
          %max3A_301 = vector.broadcast %max3A_300 : i32 to vector<16xi32>
          %max3A_302 = arith.maxsi %sub3A_299, %max3A_301 : vector<16xi32>
          %gather3A_303 = tpu.vector_load_idx %arg20[%max3A_302] : memref<16xf32, #tpu.memory_space<vmem>>[vector<16xi32>], vector<16xf32>,
          %sub3A_304 = arith.constant 1 : i32
          %sub3A_305 = arith.subi %add3A_281, %sub3A_304 : i32
          %add3A_306 = vector.broadcast %sub3A_305 : i32 to vector<16xi32>
          %add3A_307 = arith.addi %iota3A, %add3A_306 : vector<16xi32>
          %max3A_308 = arith.constant 0 : i32
          %max3A_309 = vector.broadcast %max3A_308 : i32 to vector<16xi32>
          %max3A_310 = arith.maxsi %add3A_307, %max3A_309 : vector<16xi32>
          %gather3A_311 = tpu.vector_load_idx %arg15[%max3A_310] : memref<2016xi32, #tpu.memory_space<vmem>>[vector<16xi32>], vector<16xi32>,
          %ge3A = arith.constant 1 : i32
          %ge3A_312 = vector.broadcast %ge3A : i32 to vector<16xi32>
          %ge3A_313 = arith.cmpi sge, %iota3A, %ge3A_312 : vector<16xi32>
          %eq3A_314 = arith.cmpi eq, %get3A_283, %gather3A_311 : vector<16xi32>
          %and3A_315 = arith.andi %ge3A_313, %eq3A_314 : vector<16xi1>
          %max3A_316 = arith.maximumf %add3A_294, %gather3A_303 : vector<16xf32>
          %select_n3A = arith.select %and3A_315, %max3A_316, %add3A_294 : vector<16xi1>, vector<16xf32>
          %swap3A_317 = arith.constant 0 : index
          %swap3A_318 = tpu.vector_load %arg20[%swap3A_317] {strides = array<i32>} : memref<16xf32, #tpu.memory_space<vmem>>, vector<16xf32>,
          tpu.vector_store %arg20[%swap3A_317], %select_n3A {strides = array<i32>} : memref<16xf32, #tpu.memory_space<vmem>>, vector<16xf32>,
          %sub3A_319 = arith.constant 2 : i32
          %sub3A_320 = vector.broadcast %sub3A_319 : i32 to vector<16xi32>
          %sub3A_321 = arith.subi %iota3A, %sub3A_320 : vector<16xi32>
          %max3A_322 = arith.constant 0 : i32
          %max3A_323 = vector.broadcast %max3A_322 : i32 to vector<16xi32>
          %max3A_324 = arith.maxsi %sub3A_321, %max3A_323 : vector<16xi32>
          %gather3A_325 = tpu.vector_load_idx %arg20[%max3A_324] : memref<16xf32, #tpu.memory_space<vmem>>[vector<16xi32>], vector<16xf32>,
          %sub3A_326 = arith.constant 2 : i32
          %sub3A_327 = arith.subi %add3A_281, %sub3A_326 : i32
          %add3A_328 = vector.broadcast %sub3A_327 : i32 to vector<16xi32>
          %add3A_329 = arith.addi %iota3A, %add3A_328 : vector<16xi32>
          %max3A_330 = arith.constant 0 : i32
          %max3A_331 = vector.broadcast %max3A_330 : i32 to vector<16xi32>
          %max3A_332 = arith.maxsi %add3A_329, %max3A_331 : vector<16xi32>
          %gather3A_333 = tpu.vector_load_idx %arg15[%max3A_332] : memref<2016xi32, #tpu.memory_space<vmem>>[vector<16xi32>], vector<16xi32>,
          %ge3A_334 = arith.constant 2 : i32
          %ge3A_335 = vector.broadcast %ge3A_334 : i32 to vector<16xi32>
          %ge3A_336 = arith.cmpi sge, %iota3A, %ge3A_335 : vector<16xi32>
          %eq3A_337 = arith.cmpi eq, %get3A_283, %gather3A_333 : vector<16xi32>
          %and3A_338 = arith.andi %ge3A_336, %eq3A_337 : vector<16xi1>
          %max3A_339 = arith.maximumf %select_n3A, %gather3A_325 : vector<16xf32>
          %select_n3A_340 = arith.select %and3A_338, %max3A_339, %select_n3A : vector<16xi1>, vector<16xf32>
          %swap3A_341 = arith.constant 0 : index
          %swap3A_342 = tpu.vector_load %arg20[%swap3A_341] {strides = array<i32>} : memref<16xf32, #tpu.memory_space<vmem>>, vector<16xf32>,
          tpu.vector_store %arg20[%swap3A_341], %select_n3A_340 {strides = array<i32>} : memref<16xf32, #tpu.memory_space<vmem>>, vector<16xf32>,
          %sub3A_343 = arith.constant 4 : i32
          %sub3A_344 = vector.broadcast %sub3A_343 : i32 to vector<16xi32>
          %sub3A_345 = arith.subi %iota3A, %sub3A_344 : vector<16xi32>
          %max3A_346 = arith.constant 0 : i32
          %max3A_347 = vector.broadcast %max3A_346 : i32 to vector<16xi32>
          %max3A_348 = arith.maxsi %sub3A_345, %max3A_347 : vector<16xi32>
          %gather3A_349 = tpu.vector_load_idx %arg20[%max3A_348] : memref<16xf32, #tpu.memory_space<vmem>>[vector<16xi32>], vector<16xf32>,
          %sub3A_350 = arith.constant 4 : i32
          %sub3A_351 = arith.subi %add3A_281, %sub3A_350 : i32
          %add3A_352 = vector.broadcast %sub3A_351 : i32 to vector<16xi32>
          %add3A_353 = arith.addi %iota3A, %add3A_352 : vector<16xi32>
          %max3A_354 = arith.constant 0 : i32
          %max3A_355 = vector.broadcast %max3A_354 : i32 to vector<16xi32>
          %max3A_356 = arith.maxsi %add3A_353, %max3A_355 : vector<16xi32>
          %gather3A_357 = tpu.vector_load_idx %arg15[%max3A_356] : memref<2016xi32, #tpu.memory_space<vmem>>[vector<16xi32>], vector<16xi32>,
          %ge3A_358 = arith.constant 4 : i32
          %ge3A_359 = vector.broadcast %ge3A_358 : i32 to vector<16xi32>
          %ge3A_360 = arith.cmpi sge, %iota3A, %ge3A_359 : vector<16xi32>
          %eq3A_361 = arith.cmpi eq, %get3A_283, %gather3A_357 : vector<16xi32>
          %and3A_362 = arith.andi %ge3A_360, %eq3A_361 : vector<16xi1>
          %max3A_363 = arith.maximumf %select_n3A_340, %gather3A_349 : vector<16xf32>
          %select_n3A_364 = arith.select %and3A_362, %max3A_363, %select_n3A_340 : vector<16xi1>, vector<16xf32>
          %swap3A_365 = arith.constant 0 : index
          %swap3A_366 = tpu.vector_load %arg20[%swap3A_365] {strides = array<i32>} : memref<16xf32, #tpu.memory_space<vmem>>, vector<16xf32>,
          tpu.vector_store %arg20[%swap3A_365], %select_n3A_364 {strides = array<i32>} : memref<16xf32, #tpu.memory_space<vmem>>, vector<16xf32>,
          %sub3A_367 = arith.constant 8 : i32
          %sub3A_368 = vector.broadcast %sub3A_367 : i32 to vector<16xi32>
          %sub3A_369 = arith.subi %iota3A, %sub3A_368 : vector<16xi32>
          %max3A_370 = arith.constant 0 : i32
          %max3A_371 = vector.broadcast %max3A_370 : i32 to vector<16xi32>
          %max3A_372 = arith.maxsi %sub3A_369, %max3A_371 : vector<16xi32>
          %gather3A_373 = tpu.vector_load_idx %arg20[%max3A_372] : memref<16xf32, #tpu.memory_space<vmem>>[vector<16xi32>], vector<16xf32>,
          %sub3A_374 = arith.constant 8 : i32
          %sub3A_375 = arith.subi %add3A_281, %sub3A_374 : i32
          %add3A_376 = vector.broadcast %sub3A_375 : i32 to vector<16xi32>
          %add3A_377 = arith.addi %iota3A, %add3A_376 : vector<16xi32>
          %max3A_378 = arith.constant 0 : i32
          %max3A_379 = vector.broadcast %max3A_378 : i32 to vector<16xi32>
          %max3A_380 = arith.maxsi %add3A_377, %max3A_379 : vector<16xi32>
          %gather3A_381 = tpu.vector_load_idx %arg15[%max3A_380] : memref<2016xi32, #tpu.memory_space<vmem>>[vector<16xi32>], vector<16xi32>,
          %ge3A_382 = arith.constant 8 : i32
          %ge3A_383 = vector.broadcast %ge3A_382 : i32 to vector<16xi32>
          %ge3A_384 = arith.cmpi sge, %iota3A, %ge3A_383 : vector<16xi32>
          %eq3A_385 = arith.cmpi eq, %get3A_283, %gather3A_381 : vector<16xi32>
          %and3A_386 = arith.andi %ge3A_384, %eq3A_385 : vector<16xi1>
          %max3A_387 = arith.maximumf %select_n3A_364, %gather3A_373 : vector<16xf32>
          %select_n3A_388 = arith.select %and3A_386, %max3A_387, %select_n3A_364 : vector<16xi1>, vector<16xf32>
          %add3A_389 = arith.constant 1 : i32
          %add3A_390 = arith.addi %add3A_281, %add3A_389 : i32
          %add3A_391 = vector.broadcast %add3A_390 : i32 to vector<16xi32>
          %add3A_392 = arith.addi %iota3A, %add3A_391 : vector<16xi32>
          %gather3A_393 = tpu.vector_load_idx %arg15[%add3A_392] : memref<2016xi32, #tpu.memory_space<vmem>>[vector<16xi32>], vector<16xi32>,
          %ne3A = arith.cmpi ne, %get3A_283, %gather3A_393 : vector<16xi32>
          %eq3A_394 = arith.constant 15 : i32
          %eq3A_395 = vector.broadcast %eq3A_394 : i32 to vector<16xi32>
          %eq3A_396 = arith.cmpi eq, %iota3A, %eq3A_395 : vector<16xi32>
          %or3A = arith.ori %ne3A, %eq3A_396 : vector<16xi1>
          %gather3A_397 = tpu.vector_load_idx %arg11[%get3A_283] masked %or3A : memref<10000xf32, #tpu.memory_space<vmem>>[vector<16xi32>], vector<16xf32>, vector<16xi1>
          %max3A_398 = arith.maximumf %gather3A_397, %select_n3A_388 : vector<16xf32>
          tpu.vector_store_idx %arg11[%get3A_283], %max3A_398 masked %or3A : memref<10000xf32, #tpu.memory_space<vmem>>[vector<16xi32>], vector<16xf32>, vector<16xi1>
          %add3A_399 = arith.constant 16 : i32
          %add3A_400 = arith.addi %mul3A_196, %add3A_399 : i32
          %get3A_401 = arith.index_cast %add3A_400 : i32 to index
          %get3A_402 = tpu.vector_load %arg15[%get3A_401] {strides = array<i32>} : memref<2016xi32, #tpu.memory_space<vmem>>, vector<16xi32>,
          %gather3A_403 = tpu.vector_load_idx %arg8[%get3A_402] : memref<10000xf32, #tpu.memory_space<vmem>>[vector<16xi32>], vector<16xf32>,
          %gather3A_404 = tpu.vector_load_idx %arg9[%get3A_402] : memref<10000xf32, #tpu.memory_space<vmem>>[vector<16xi32>], vector<16xf32>,
          %gather3A_405 = tpu.vector_load_idx %arg10[%get3A_402] : memref<10000xf32, #tpu.memory_space<vmem>>[vector<16xi32>], vector<16xf32>,
          %sub3A_406 = arith.subf %get3A_204, %gather3A_403 : vector<16xf32>
          %sub3A_407 = arith.subf %get3A_224, %gather3A_404 : vector<16xf32>
          %sub3A_408 = arith.subf %get3A_244, %gather3A_405 : vector<16xf32>
          %mul3A_409 = arith.mulf %sub3A_406, %sub3A_406 : vector<16xf32>
          %mul3A_410 = arith.mulf %sub3A_407, %sub3A_407 : vector<16xf32>
          %add3A_411 = arith.addf %mul3A_409, %mul3A_410 : vector<16xf32>
          %mul3A_412 = arith.mulf %sub3A_408, %sub3A_408 : vector<16xf32>
          %add3A_413 = arith.addf %add3A_411, %mul3A_412 : vector<16xf32>
          %swap3A_414 = arith.constant 0 : index
          %swap3A_415 = tpu.vector_load %arg20[%swap3A_414] {strides = array<i32>} : memref<16xf32, #tpu.memory_space<vmem>>, vector<16xf32>,
          tpu.vector_store %arg20[%swap3A_414], %add3A_413 {strides = array<i32>} : memref<16xf32, #tpu.memory_space<vmem>>, vector<16xf32>,
          %sub3A_416 = arith.constant 1 : i32
          %sub3A_417 = vector.broadcast %sub3A_416 : i32 to vector<16xi32>
          %sub3A_418 = arith.subi %iota3A, %sub3A_417 : vector<16xi32>
          %max3A_419 = arith.constant 0 : i32
          %max3A_420 = vector.broadcast %max3A_419 : i32 to vector<16xi32>
          %max3A_421 = arith.maxsi %sub3A_418, %max3A_420 : vector<16xi32>
          %gather3A_422 = tpu.vector_load_idx %arg20[%max3A_421] : memref<16xf32, #tpu.memory_space<vmem>>[vector<16xi32>], vector<16xf32>,
          %sub3A_423 = arith.constant 1 : i32
          %sub3A_424 = arith.subi %add3A_400, %sub3A_423 : i32
          %add3A_425 = vector.broadcast %sub3A_424 : i32 to vector<16xi32>
          %add3A_426 = arith.addi %iota3A, %add3A_425 : vector<16xi32>
          %max3A_427 = arith.constant 0 : i32
          %max3A_428 = vector.broadcast %max3A_427 : i32 to vector<16xi32>
          %max3A_429 = arith.maxsi %add3A_426, %max3A_428 : vector<16xi32>
          %gather3A_430 = tpu.vector_load_idx %arg15[%max3A_429] : memref<2016xi32, #tpu.memory_space<vmem>>[vector<16xi32>], vector<16xi32>,
          %ge3A_431 = arith.constant 1 : i32
          %ge3A_432 = vector.broadcast %ge3A_431 : i32 to vector<16xi32>
          %ge3A_433 = arith.cmpi sge, %iota3A, %ge3A_432 : vector<16xi32>
          %eq3A_434 = arith.cmpi eq, %get3A_402, %gather3A_430 : vector<16xi32>
          %and3A_435 = arith.andi %ge3A_433, %eq3A_434 : vector<16xi1>
          %max3A_436 = arith.maximumf %add3A_413, %gather3A_422 : vector<16xf32>
          %select_n3A_437 = arith.select %and3A_435, %max3A_436, %add3A_413 : vector<16xi1>, vector<16xf32>
          %swap3A_438 = arith.constant 0 : index
          %swap3A_439 = tpu.vector_load %arg20[%swap3A_438] {strides = array<i32>} : memref<16xf32, #tpu.memory_space<vmem>>, vector<16xf32>,
          tpu.vector_store %arg20[%swap3A_438], %select_n3A_437 {strides = array<i32>} : memref<16xf32, #tpu.memory_space<vmem>>, vector<16xf32>,
          %sub3A_440 = arith.constant 2 : i32
          %sub3A_441 = vector.broadcast %sub3A_440 : i32 to vector<16xi32>
          %sub3A_442 = arith.subi %iota3A, %sub3A_441 : vector<16xi32>
          %max3A_443 = arith.constant 0 : i32
          %max3A_444 = vector.broadcast %max3A_443 : i32 to vector<16xi32>
          %max3A_445 = arith.maxsi %sub3A_442, %max3A_444 : vector<16xi32>
          %gather3A_446 = tpu.vector_load_idx %arg20[%max3A_445] : memref<16xf32, #tpu.memory_space<vmem>>[vector<16xi32>], vector<16xf32>,
          %sub3A_447 = arith.constant 2 : i32
          %sub3A_448 = arith.subi %add3A_400, %sub3A_447 : i32
          %add3A_449 = vector.broadcast %sub3A_448 : i32 to vector<16xi32>
          %add3A_450 = arith.addi %iota3A, %add3A_449 : vector<16xi32>
          %max3A_451 = arith.constant 0 : i32
          %max3A_452 = vector.broadcast %max3A_451 : i32 to vector<16xi32>
          %max3A_453 = arith.maxsi %add3A_450, %max3A_452 : vector<16xi32>
          %gather3A_454 = tpu.vector_load_idx %arg15[%max3A_453] : memref<2016xi32, #tpu.memory_space<vmem>>[vector<16xi32>], vector<16xi32>,
          %ge3A_455 = arith.constant 2 : i32
          %ge3A_456 = vector.broadcast %ge3A_455 : i32 to vector<16xi32>
          %ge3A_457 = arith.cmpi sge, %iota3A, %ge3A_456 : vector<16xi32>
          %eq3A_458 = arith.cmpi eq, %get3A_402, %gather3A_454 : vector<16xi32>
          %and3A_459 = arith.andi %ge3A_457, %eq3A_458 : vector<16xi1>
          %max3A_460 = arith.maximumf %select_n3A_437, %gather3A_446 : vector<16xf32>
          %select_n3A_461 = arith.select %and3A_459, %max3A_460, %select_n3A_437 : vector<16xi1>, vector<16xf32>
          %swap3A_462 = arith.constant 0 : index
          %swap3A_463 = tpu.vector_load %arg20[%swap3A_462] {strides = array<i32>} : memref<16xf32, #tpu.memory_space<vmem>>, vector<16xf32>,
          tpu.vector_store %arg20[%swap3A_462], %select_n3A_461 {strides = array<i32>} : memref<16xf32, #tpu.memory_space<vmem>>, vector<16xf32>,
          %sub3A_464 = arith.constant 4 : i32
          %sub3A_465 = vector.broadcast %sub3A_464 : i32 to vector<16xi32>
          %sub3A_466 = arith.subi %iota3A, %sub3A_465 : vector<16xi32>
          %max3A_467 = arith.constant 0 : i32
          %max3A_468 = vector.broadcast %max3A_467 : i32 to vector<16xi32>
          %max3A_469 = arith.maxsi %sub3A_466, %max3A_468 : vector<16xi32>
          %gather3A_470 = tpu.vector_load_idx %arg20[%max3A_469] : memref<16xf32, #tpu.memory_space<vmem>>[vector<16xi32>], vector<16xf32>,
          %sub3A_471 = arith.constant 4 : i32
          %sub3A_472 = arith.subi %add3A_400, %sub3A_471 : i32
          %add3A_473 = vector.broadcast %sub3A_472 : i32 to vector<16xi32>
          %add3A_474 = arith.addi %iota3A, %add3A_473 : vector<16xi32>
          %max3A_475 = arith.constant 0 : i32
          %max3A_476 = vector.broadcast %max3A_475 : i32 to vector<16xi32>
          %max3A_477 = arith.maxsi %add3A_474, %max3A_476 : vector<16xi32>
          %gather3A_478 = tpu.vector_load_idx %arg15[%max3A_477] : memref<2016xi32, #tpu.memory_space<vmem>>[vector<16xi32>], vector<16xi32>,
          %ge3A_479 = arith.constant 4 : i32
          %ge3A_480 = vector.broadcast %ge3A_479 : i32 to vector<16xi32>
          %ge3A_481 = arith.cmpi sge, %iota3A, %ge3A_480 : vector<16xi32>
          %eq3A_482 = arith.cmpi eq, %get3A_402, %gather3A_478 : vector<16xi32>
          %and3A_483 = arith.andi %ge3A_481, %eq3A_482 : vector<16xi1>
          %max3A_484 = arith.maximumf %select_n3A_461, %gather3A_470 : vector<16xf32>
          %select_n3A_485 = arith.select %and3A_483, %max3A_484, %select_n3A_461 : vector<16xi1>, vector<16xf32>
          %swap3A_486 = arith.constant 0 : index
          %swap3A_487 = tpu.vector_load %arg20[%swap3A_486] {strides = array<i32>} : memref<16xf32, #tpu.memory_space<vmem>>, vector<16xf32>,
          tpu.vector_store %arg20[%swap3A_486], %select_n3A_485 {strides = array<i32>} : memref<16xf32, #tpu.memory_space<vmem>>, vector<16xf32>,
          %sub3A_488 = arith.constant 8 : i32
          %sub3A_489 = vector.broadcast %sub3A_488 : i32 to vector<16xi32>
          %sub3A_490 = arith.subi %iota3A, %sub3A_489 : vector<16xi32>
          %max3A_491 = arith.constant 0 : i32
          %max3A_492 = vector.broadcast %max3A_491 : i32 to vector<16xi32>
          %max3A_493 = arith.maxsi %sub3A_490, %max3A_492 : vector<16xi32>
          %gather3A_494 = tpu.vector_load_idx %arg20[%max3A_493] : memref<16xf32, #tpu.memory_space<vmem>>[vector<16xi32>], vector<16xf32>,
          %sub3A_495 = arith.constant 8 : i32
          %sub3A_496 = arith.subi %add3A_400, %sub3A_495 : i32
          %add3A_497 = vector.broadcast %sub3A_496 : i32 to vector<16xi32>
          %add3A_498 = arith.addi %iota3A, %add3A_497 : vector<16xi32>
          %max3A_499 = arith.constant 0 : i32
          %max3A_500 = vector.broadcast %max3A_499 : i32 to vector<16xi32>
          %max3A_501 = arith.maxsi %add3A_498, %max3A_500 : vector<16xi32>
          %gather3A_502 = tpu.vector_load_idx %arg15[%max3A_501] : memref<2016xi32, #tpu.memory_space<vmem>>[vector<16xi32>], vector<16xi32>,
          %ge3A_503 = arith.constant 8 : i32
          %ge3A_504 = vector.broadcast %ge3A_503 : i32 to vector<16xi32>
          %ge3A_505 = arith.cmpi sge, %iota3A, %ge3A_504 : vector<16xi32>
          %eq3A_506 = arith.cmpi eq, %get3A_402, %gather3A_502 : vector<16xi32>
          %and3A_507 = arith.andi %ge3A_505, %eq3A_506 : vector<16xi1>
          %max3A_508 = arith.maximumf %select_n3A_485, %gather3A_494 : vector<16xf32>
          %select_n3A_509 = arith.select %and3A_507, %max3A_508, %select_n3A_485 : vector<16xi1>, vector<16xf32>
          %add3A_510 = arith.constant 1 : i32
          %add3A_511 = arith.addi %add3A_400, %add3A_510 : i32
          %add3A_512 = vector.broadcast %add3A_511 : i32 to vector<16xi32>
          %add3A_513 = arith.addi %iota3A, %add3A_512 : vector<16xi32>
          %gather3A_514 = tpu.vector_load_idx %arg15[%add3A_513] : memref<2016xi32, #tpu.memory_space<vmem>>[vector<16xi32>], vector<16xi32>,
          %ne3A_515 = arith.cmpi ne, %get3A_402, %gather3A_514 : vector<16xi32>
          %eq3A_516 = arith.constant 15 : i32
          %eq3A_517 = vector.broadcast %eq3A_516 : i32 to vector<16xi32>
          %eq3A_518 = arith.cmpi eq, %iota3A, %eq3A_517 : vector<16xi32>
          %or3A_519 = arith.ori %ne3A_515, %eq3A_518 : vector<16xi1>
          %gather3A_520 = tpu.vector_load_idx %arg11[%get3A_402] masked %or3A_519 : memref<10000xf32, #tpu.memory_space<vmem>>[vector<16xi32>], vector<16xf32>, vector<16xi1>
          %max3A_521 = arith.maximumf %gather3A_520, %select_n3A_509 : vector<16xf32>
          tpu.vector_store_idx %arg11[%get3A_402], %max3A_521 masked %or3A_519 : memref<10000xf32, #tpu.memory_space<vmem>>[vector<16xi32>], vector<16xf32>, vector<16xi1>
          %add3A_522 = arith.constant 32 : i32
          %add3A_523 = arith.addi %mul3A_196, %add3A_522 : i32
          %get3A_524 = arith.index_cast %add3A_523 : i32 to index
          %get3A_525 = tpu.vector_load %arg15[%get3A_524] {strides = array<i32>} : memref<2016xi32, #tpu.memory_space<vmem>>, vector<16xi32>,
          %gather3A_526 = tpu.vector_load_idx %arg8[%get3A_525] : memref<10000xf32, #tpu.memory_space<vmem>>[vector<16xi32>], vector<16xf32>,
          %gather3A_527 = tpu.vector_load_idx %arg9[%get3A_525] : memref<10000xf32, #tpu.memory_space<vmem>>[vector<16xi32>], vector<16xf32>,
          %gather3A_528 = tpu.vector_load_idx %arg10[%get3A_525] : memref<10000xf32, #tpu.memory_space<vmem>>[vector<16xi32>], vector<16xf32>,
          %sub3A_529 = arith.subf %get3A_208, %gather3A_526 : vector<16xf32>
          %sub3A_530 = arith.subf %get3A_228, %gather3A_527 : vector<16xf32>
          %sub3A_531 = arith.subf %get3A_248, %gather3A_528 : vector<16xf32>
          %mul3A_532 = arith.mulf %sub3A_529, %sub3A_529 : vector<16xf32>
          %mul3A_533 = arith.mulf %sub3A_530, %sub3A_530 : vector<16xf32>
          %add3A_534 = arith.addf %mul3A_532, %mul3A_533 : vector<16xf32>
          %mul3A_535 = arith.mulf %sub3A_531, %sub3A_531 : vector<16xf32>
          %add3A_536 = arith.addf %add3A_534, %mul3A_535 : vector<16xf32>
          %swap3A_537 = arith.constant 0 : index
          %swap3A_538 = tpu.vector_load %arg20[%swap3A_537] {strides = array<i32>} : memref<16xf32, #tpu.memory_space<vmem>>, vector<16xf32>,
          tpu.vector_store %arg20[%swap3A_537], %add3A_536 {strides = array<i32>} : memref<16xf32, #tpu.memory_space<vmem>>, vector<16xf32>,
          %sub3A_539 = arith.constant 1 : i32
          %sub3A_540 = vector.broadcast %sub3A_539 : i32 to vector<16xi32>
          %sub3A_541 = arith.subi %iota3A, %sub3A_540 : vector<16xi32>
          %max3A_542 = arith.constant 0 : i32
          %max3A_543 = vector.broadcast %max3A_542 : i32 to vector<16xi32>
          %max3A_544 = arith.maxsi %sub3A_541, %max3A_543 : vector<16xi32>
          %gather3A_545 = tpu.vector_load_idx %arg20[%max3A_544] : memref<16xf32, #tpu.memory_space<vmem>>[vector<16xi32>], vector<16xf32>,
          %sub3A_546 = arith.constant 1 : i32
          %sub3A_547 = arith.subi %add3A_523, %sub3A_546 : i32
          %add3A_548 = vector.broadcast %sub3A_547 : i32 to vector<16xi32>
          %add3A_549 = arith.addi %iota3A, %add3A_548 : vector<16xi32>
          %max3A_550 = arith.constant 0 : i32
          %max3A_551 = vector.broadcast %max3A_550 : i32 to vector<16xi32>
          %max3A_552 = arith.maxsi %add3A_549, %max3A_551 : vector<16xi32>
          %gather3A_553 = tpu.vector_load_idx %arg15[%max3A_552] : memref<2016xi32, #tpu.memory_space<vmem>>[vector<16xi32>], vector<16xi32>,
          %ge3A_554 = arith.constant 1 : i32
          %ge3A_555 = vector.broadcast %ge3A_554 : i32 to vector<16xi32>
          %ge3A_556 = arith.cmpi sge, %iota3A, %ge3A_555 : vector<16xi32>
          %eq3A_557 = arith.cmpi eq, %get3A_525, %gather3A_553 : vector<16xi32>
          %and3A_558 = arith.andi %ge3A_556, %eq3A_557 : vector<16xi1>
          %max3A_559 = arith.maximumf %add3A_536, %gather3A_545 : vector<16xf32>
          %select_n3A_560 = arith.select %and3A_558, %max3A_559, %add3A_536 : vector<16xi1>, vector<16xf32>
          %swap3A_561 = arith.constant 0 : index
          %swap3A_562 = tpu.vector_load %arg20[%swap3A_561] {strides = array<i32>} : memref<16xf32, #tpu.memory_space<vmem>>, vector<16xf32>,
          tpu.vector_store %arg20[%swap3A_561], %select_n3A_560 {strides = array<i32>} : memref<16xf32, #tpu.memory_space<vmem>>, vector<16xf32>,
          %sub3A_563 = arith.constant 2 : i32
          %sub3A_564 = vector.broadcast %sub3A_563 : i32 to vector<16xi32>
          %sub3A_565 = arith.subi %iota3A, %sub3A_564 : vector<16xi32>
          %max3A_566 = arith.constant 0 : i32
          %max3A_567 = vector.broadcast %max3A_566 : i32 to vector<16xi32>
          %max3A_568 = arith.maxsi %sub3A_565, %max3A_567 : vector<16xi32>
          %gather3A_569 = tpu.vector_load_idx %arg20[%max3A_568] : memref<16xf32, #tpu.memory_space<vmem>>[vector<16xi32>], vector<16xf32>,
          %sub3A_570 = arith.constant 2 : i32
          %sub3A_571 = arith.subi %add3A_523, %sub3A_570 : i32
          %add3A_572 = vector.broadcast %sub3A_571 : i32 to vector<16xi32>
          %add3A_573 = arith.addi %iota3A, %add3A_572 : vector<16xi32>
          %max3A_574 = arith.constant 0 : i32
          %max3A_575 = vector.broadcast %max3A_574 : i32 to vector<16xi32>
          %max3A_576 = arith.maxsi %add3A_573, %max3A_575 : vector<16xi32>
          %gather3A_577 = tpu.vector_load_idx %arg15[%max3A_576] : memref<2016xi32, #tpu.memory_space<vmem>>[vector<16xi32>], vector<16xi32>,
          %ge3A_578 = arith.constant 2 : i32
          %ge3A_579 = vector.broadcast %ge3A_578 : i32 to vector<16xi32>
          %ge3A_580 = arith.cmpi sge, %iota3A, %ge3A_579 : vector<16xi32>
          %eq3A_581 = arith.cmpi eq, %get3A_525, %gather3A_577 : vector<16xi32>
          %and3A_582 = arith.andi %ge3A_580, %eq3A_581 : vector<16xi1>
          %max3A_583 = arith.maximumf %select_n3A_560, %gather3A_569 : vector<16xf32>
          %select_n3A_584 = arith.select %and3A_582, %max3A_583, %select_n3A_560 : vector<16xi1>, vector<16xf32>
          %swap3A_585 = arith.constant 0 : index
          %swap3A_586 = tpu.vector_load %arg20[%swap3A_585] {strides = array<i32>} : memref<16xf32, #tpu.memory_space<vmem>>, vector<16xf32>,
          tpu.vector_store %arg20[%swap3A_585], %select_n3A_584 {strides = array<i32>} : memref<16xf32, #tpu.memory_space<vmem>>, vector<16xf32>,
          %sub3A_587 = arith.constant 4 : i32
          %sub3A_588 = vector.broadcast %sub3A_587 : i32 to vector<16xi32>
          %sub3A_589 = arith.subi %iota3A, %sub3A_588 : vector<16xi32>
          %max3A_590 = arith.constant 0 : i32
          %max3A_591 = vector.broadcast %max3A_590 : i32 to vector<16xi32>
          %max3A_592 = arith.maxsi %sub3A_589, %max3A_591 : vector<16xi32>
          %gather3A_593 = tpu.vector_load_idx %arg20[%max3A_592] : memref<16xf32, #tpu.memory_space<vmem>>[vector<16xi32>], vector<16xf32>,
          %sub3A_594 = arith.constant 4 : i32
          %sub3A_595 = arith.subi %add3A_523, %sub3A_594 : i32
          %add3A_596 = vector.broadcast %sub3A_595 : i32 to vector<16xi32>
          %add3A_597 = arith.addi %iota3A, %add3A_596 : vector<16xi32>
          %max3A_598 = arith.constant 0 : i32
          %max3A_599 = vector.broadcast %max3A_598 : i32 to vector<16xi32>
          %max3A_600 = arith.maxsi %add3A_597, %max3A_599 : vector<16xi32>
          %gather3A_601 = tpu.vector_load_idx %arg15[%max3A_600] : memref<2016xi32, #tpu.memory_space<vmem>>[vector<16xi32>], vector<16xi32>,
          %ge3A_602 = arith.constant 4 : i32
          %ge3A_603 = vector.broadcast %ge3A_602 : i32 to vector<16xi32>
          %ge3A_604 = arith.cmpi sge, %iota3A, %ge3A_603 : vector<16xi32>
          %eq3A_605 = arith.cmpi eq, %get3A_525, %gather3A_601 : vector<16xi32>
          %and3A_606 = arith.andi %ge3A_604, %eq3A_605 : vector<16xi1>
          %max3A_607 = arith.maximumf %select_n3A_584, %gather3A_593 : vector<16xf32>
          %select_n3A_608 = arith.select %and3A_606, %max3A_607, %select_n3A_584 : vector<16xi1>, vector<16xf32>
          %swap3A_609 = arith.constant 0 : index
          %swap3A_610 = tpu.vector_load %arg20[%swap3A_609] {strides = array<i32>} : memref<16xf32, #tpu.memory_space<vmem>>, vector<16xf32>,
          tpu.vector_store %arg20[%swap3A_609], %select_n3A_608 {strides = array<i32>} : memref<16xf32, #tpu.memory_space<vmem>>, vector<16xf32>,
          %sub3A_611 = arith.constant 8 : i32
          %sub3A_612 = vector.broadcast %sub3A_611 : i32 to vector<16xi32>
          %sub3A_613 = arith.subi %iota3A, %sub3A_612 : vector<16xi32>
          %max3A_614 = arith.constant 0 : i32
          %max3A_615 = vector.broadcast %max3A_614 : i32 to vector<16xi32>
          %max3A_616 = arith.maxsi %sub3A_613, %max3A_615 : vector<16xi32>
          %gather3A_617 = tpu.vector_load_idx %arg20[%max3A_616] : memref<16xf32, #tpu.memory_space<vmem>>[vector<16xi32>], vector<16xf32>,
          %sub3A_618 = arith.constant 8 : i32
          %sub3A_619 = arith.subi %add3A_523, %sub3A_618 : i32
          %add3A_620 = vector.broadcast %sub3A_619 : i32 to vector<16xi32>
          %add3A_621 = arith.addi %iota3A, %add3A_620 : vector<16xi32>
          %max3A_622 = arith.constant 0 : i32
          %max3A_623 = vector.broadcast %max3A_622 : i32 to vector<16xi32>
          %max3A_624 = arith.maxsi %add3A_621, %max3A_623 : vector<16xi32>
          %gather3A_625 = tpu.vector_load_idx %arg15[%max3A_624] : memref<2016xi32, #tpu.memory_space<vmem>>[vector<16xi32>], vector<16xi32>,
          %ge3A_626 = arith.constant 8 : i32
          %ge3A_627 = vector.broadcast %ge3A_626 : i32 to vector<16xi32>
          %ge3A_628 = arith.cmpi sge, %iota3A, %ge3A_627 : vector<16xi32>
          %eq3A_629 = arith.cmpi eq, %get3A_525, %gather3A_625 : vector<16xi32>
          %and3A_630 = arith.andi %ge3A_628, %eq3A_629 : vector<16xi1>
          %max3A_631 = arith.maximumf %select_n3A_608, %gather3A_617 : vector<16xf32>
          %select_n3A_632 = arith.select %and3A_630, %max3A_631, %select_n3A_608 : vector<16xi1>, vector<16xf32>
          %add3A_633 = arith.constant 1 : i32
          %add3A_634 = arith.addi %add3A_523, %add3A_633 : i32
          %add3A_635 = vector.broadcast %add3A_634 : i32 to vector<16xi32>
          %add3A_636 = arith.addi %iota3A, %add3A_635 : vector<16xi32>
          %gather3A_637 = tpu.vector_load_idx %arg15[%add3A_636] : memref<2016xi32, #tpu.memory_space<vmem>>[vector<16xi32>], vector<16xi32>,
          %ne3A_638 = arith.cmpi ne, %get3A_525, %gather3A_637 : vector<16xi32>
          %eq3A_639 = arith.constant 15 : i32
          %eq3A_640 = vector.broadcast %eq3A_639 : i32 to vector<16xi32>
          %eq3A_641 = arith.cmpi eq, %iota3A, %eq3A_640 : vector<16xi32>
          %or3A_642 = arith.ori %ne3A_638, %eq3A_641 : vector<16xi1>
          %gather3A_643 = tpu.vector_load_idx %arg11[%get3A_525] masked %or3A_642 : memref<10000xf32, #tpu.memory_space<vmem>>[vector<16xi32>], vector<16xf32>, vector<16xi1>
          %max3A_644 = arith.maximumf %gather3A_643, %select_n3A_632 : vector<16xf32>
          tpu.vector_store_idx %arg11[%get3A_525], %max3A_644 masked %or3A_642 : memref<10000xf32, #tpu.memory_space<vmem>>[vector<16xi32>], vector<16xf32>, vector<16xi1>
          %add3A_645 = arith.constant 48 : i32
          %add3A_646 = arith.addi %mul3A_196, %add3A_645 : i32
          %get3A_647 = arith.index_cast %add3A_646 : i32 to index
          %get3A_648 = tpu.vector_load %arg15[%get3A_647] {strides = array<i32>} : memref<2016xi32, #tpu.memory_space<vmem>>, vector<16xi32>,
          %gather3A_649 = tpu.vector_load_idx %arg8[%get3A_648] : memref<10000xf32, #tpu.memory_space<vmem>>[vector<16xi32>], vector<16xf32>,
          %gather3A_650 = tpu.vector_load_idx %arg9[%get3A_648] : memref<10000xf32, #tpu.memory_space<vmem>>[vector<16xi32>], vector<16xf32>,
          %gather3A_651 = tpu.vector_load_idx %arg10[%get3A_648] : memref<10000xf32, #tpu.memory_space<vmem>>[vector<16xi32>], vector<16xf32>,
          %sub3A_652 = arith.subf %get3A_212, %gather3A_649 : vector<16xf32>
          %sub3A_653 = arith.subf %get3A_232, %gather3A_650 : vector<16xf32>
          %sub3A_654 = arith.subf %get3A_252, %gather3A_651 : vector<16xf32>
          %mul3A_655 = arith.mulf %sub3A_652, %sub3A_652 : vector<16xf32>
          %mul3A_656 = arith.mulf %sub3A_653, %sub3A_653 : vector<16xf32>
          %add3A_657 = arith.addf %mul3A_655, %mul3A_656 : vector<16xf32>
          %mul3A_658 = arith.mulf %sub3A_654, %sub3A_654 : vector<16xf32>
          %add3A_659 = arith.addf %add3A_657, %mul3A_658 : vector<16xf32>
          %swap3A_660 = arith.constant 0 : index
          %swap3A_661 = tpu.vector_load %arg20[%swap3A_660] {strides = array<i32>} : memref<16xf32, #tpu.memory_space<vmem>>, vector<16xf32>,
          tpu.vector_store %arg20[%swap3A_660], %add3A_659 {strides = array<i32>} : memref<16xf32, #tpu.memory_space<vmem>>, vector<16xf32>,
          %sub3A_662 = arith.constant 1 : i32
          %sub3A_663 = vector.broadcast %sub3A_662 : i32 to vector<16xi32>
          %sub3A_664 = arith.subi %iota3A, %sub3A_663 : vector<16xi32>
          %max3A_665 = arith.constant 0 : i32
          %max3A_666 = vector.broadcast %max3A_665 : i32 to vector<16xi32>
          %max3A_667 = arith.maxsi %sub3A_664, %max3A_666 : vector<16xi32>
          %gather3A_668 = tpu.vector_load_idx %arg20[%max3A_667] : memref<16xf32, #tpu.memory_space<vmem>>[vector<16xi32>], vector<16xf32>,
          %sub3A_669 = arith.constant 1 : i32
          %sub3A_670 = arith.subi %add3A_646, %sub3A_669 : i32
          %add3A_671 = vector.broadcast %sub3A_670 : i32 to vector<16xi32>
          %add3A_672 = arith.addi %iota3A, %add3A_671 : vector<16xi32>
          %max3A_673 = arith.constant 0 : i32
          %max3A_674 = vector.broadcast %max3A_673 : i32 to vector<16xi32>
          %max3A_675 = arith.maxsi %add3A_672, %max3A_674 : vector<16xi32>
          %gather3A_676 = tpu.vector_load_idx %arg15[%max3A_675] : memref<2016xi32, #tpu.memory_space<vmem>>[vector<16xi32>], vector<16xi32>,
          %ge3A_677 = arith.constant 1 : i32
          %ge3A_678 = vector.broadcast %ge3A_677 : i32 to vector<16xi32>
          %ge3A_679 = arith.cmpi sge, %iota3A, %ge3A_678 : vector<16xi32>
          %eq3A_680 = arith.cmpi eq, %get3A_648, %gather3A_676 : vector<16xi32>
          %and3A_681 = arith.andi %ge3A_679, %eq3A_680 : vector<16xi1>
          %max3A_682 = arith.maximumf %add3A_659, %gather3A_668 : vector<16xf32>
          %select_n3A_683 = arith.select %and3A_681, %max3A_682, %add3A_659 : vector<16xi1>, vector<16xf32>
          %swap3A_684 = arith.constant 0 : index
          %swap3A_685 = tpu.vector_load %arg20[%swap3A_684] {strides = array<i32>} : memref<16xf32, #tpu.memory_space<vmem>>, vector<16xf32>,
          tpu.vector_store %arg20[%swap3A_684], %select_n3A_683 {strides = array<i32>} : memref<16xf32, #tpu.memory_space<vmem>>, vector<16xf32>,
          %sub3A_686 = arith.constant 2 : i32
          %sub3A_687 = vector.broadcast %sub3A_686 : i32 to vector<16xi32>
          %sub3A_688 = arith.subi %iota3A, %sub3A_687 : vector<16xi32>
          %max3A_689 = arith.constant 0 : i32
          %max3A_690 = vector.broadcast %max3A_689 : i32 to vector<16xi32>
          %max3A_691 = arith.maxsi %sub3A_688, %max3A_690 : vector<16xi32>
          %gather3A_692 = tpu.vector_load_idx %arg20[%max3A_691] : memref<16xf32, #tpu.memory_space<vmem>>[vector<16xi32>], vector<16xf32>,
          %sub3A_693 = arith.constant 2 : i32
          %sub3A_694 = arith.subi %add3A_646, %sub3A_693 : i32
          %add3A_695 = vector.broadcast %sub3A_694 : i32 to vector<16xi32>
          %add3A_696 = arith.addi %iota3A, %add3A_695 : vector<16xi32>
          %max3A_697 = arith.constant 0 : i32
          %max3A_698 = vector.broadcast %max3A_697 : i32 to vector<16xi32>
          %max3A_699 = arith.maxsi %add3A_696, %max3A_698 : vector<16xi32>
          %gather3A_700 = tpu.vector_load_idx %arg15[%max3A_699] : memref<2016xi32, #tpu.memory_space<vmem>>[vector<16xi32>], vector<16xi32>,
          %ge3A_701 = arith.constant 2 : i32
          %ge3A_702 = vector.broadcast %ge3A_701 : i32 to vector<16xi32>
          %ge3A_703 = arith.cmpi sge, %iota3A, %ge3A_702 : vector<16xi32>
          %eq3A_704 = arith.cmpi eq, %get3A_648, %gather3A_700 : vector<16xi32>
          %and3A_705 = arith.andi %ge3A_703, %eq3A_704 : vector<16xi1>
          %max3A_706 = arith.maximumf %select_n3A_683, %gather3A_692 : vector<16xf32>
          %select_n3A_707 = arith.select %and3A_705, %max3A_706, %select_n3A_683 : vector<16xi1>, vector<16xf32>
          %swap3A_708 = arith.constant 0 : index
          %swap3A_709 = tpu.vector_load %arg20[%swap3A_708] {strides = array<i32>} : memref<16xf32, #tpu.memory_space<vmem>>, vector<16xf32>,
          tpu.vector_store %arg20[%swap3A_708], %select_n3A_707 {strides = array<i32>} : memref<16xf32, #tpu.memory_space<vmem>>, vector<16xf32>,
          %sub3A_710 = arith.constant 4 : i32
          %sub3A_711 = vector.broadcast %sub3A_710 : i32 to vector<16xi32>
          %sub3A_712 = arith.subi %iota3A, %sub3A_711 : vector<16xi32>
          %max3A_713 = arith.constant 0 : i32
          %max3A_714 = vector.broadcast %max3A_713 : i32 to vector<16xi32>
          %max3A_715 = arith.maxsi %sub3A_712, %max3A_714 : vector<16xi32>
          %gather3A_716 = tpu.vector_load_idx %arg20[%max3A_715] : memref<16xf32, #tpu.memory_space<vmem>>[vector<16xi32>], vector<16xf32>,
          %sub3A_717 = arith.constant 4 : i32
          %sub3A_718 = arith.subi %add3A_646, %sub3A_717 : i32
          %add3A_719 = vector.broadcast %sub3A_718 : i32 to vector<16xi32>
          %add3A_720 = arith.addi %iota3A, %add3A_719 : vector<16xi32>
          %max3A_721 = arith.constant 0 : i32
          %max3A_722 = vector.broadcast %max3A_721 : i32 to vector<16xi32>
          %max3A_723 = arith.maxsi %add3A_720, %max3A_722 : vector<16xi32>
          %gather3A_724 = tpu.vector_load_idx %arg15[%max3A_723] : memref<2016xi32, #tpu.memory_space<vmem>>[vector<16xi32>], vector<16xi32>,
          %ge3A_725 = arith.constant 4 : i32
          %ge3A_726 = vector.broadcast %ge3A_725 : i32 to vector<16xi32>
          %ge3A_727 = arith.cmpi sge, %iota3A, %ge3A_726 : vector<16xi32>
          %eq3A_728 = arith.cmpi eq, %get3A_648, %gather3A_724 : vector<16xi32>
          %and3A_729 = arith.andi %ge3A_727, %eq3A_728 : vector<16xi1>
          %max3A_730 = arith.maximumf %select_n3A_707, %gather3A_716 : vector<16xf32>
          %select_n3A_731 = arith.select %and3A_729, %max3A_730, %select_n3A_707 : vector<16xi1>, vector<16xf32>
          %swap3A_732 = arith.constant 0 : index
          %swap3A_733 = tpu.vector_load %arg20[%swap3A_732] {strides = array<i32>} : memref<16xf32, #tpu.memory_space<vmem>>, vector<16xf32>,
          tpu.vector_store %arg20[%swap3A_732], %select_n3A_731 {strides = array<i32>} : memref<16xf32, #tpu.memory_space<vmem>>, vector<16xf32>,
          %sub3A_734 = arith.constant 8 : i32
          %sub3A_735 = vector.broadcast %sub3A_734 : i32 to vector<16xi32>
          %sub3A_736 = arith.subi %iota3A, %sub3A_735 : vector<16xi32>
          %max3A_737 = arith.constant 0 : i32
          %max3A_738 = vector.broadcast %max3A_737 : i32 to vector<16xi32>
          %max3A_739 = arith.maxsi %sub3A_736, %max3A_738 : vector<16xi32>
          %gather3A_740 = tpu.vector_load_idx %arg20[%max3A_739] : memref<16xf32, #tpu.memory_space<vmem>>[vector<16xi32>], vector<16xf32>,
          %sub3A_741 = arith.constant 8 : i32
          %sub3A_742 = arith.subi %add3A_646, %sub3A_741 : i32
          %add3A_743 = vector.broadcast %sub3A_742 : i32 to vector<16xi32>
          %add3A_744 = arith.addi %iota3A, %add3A_743 : vector<16xi32>
          %max3A_745 = arith.constant 0 : i32
          %max3A_746 = vector.broadcast %max3A_745 : i32 to vector<16xi32>
          %max3A_747 = arith.maxsi %add3A_744, %max3A_746 : vector<16xi32>
          %gather3A_748 = tpu.vector_load_idx %arg15[%max3A_747] : memref<2016xi32, #tpu.memory_space<vmem>>[vector<16xi32>], vector<16xi32>,
          %ge3A_749 = arith.constant 8 : i32
          %ge3A_750 = vector.broadcast %ge3A_749 : i32 to vector<16xi32>
          %ge3A_751 = arith.cmpi sge, %iota3A, %ge3A_750 : vector<16xi32>
          %eq3A_752 = arith.cmpi eq, %get3A_648, %gather3A_748 : vector<16xi32>
          %and3A_753 = arith.andi %ge3A_751, %eq3A_752 : vector<16xi1>
          %max3A_754 = arith.maximumf %select_n3A_731, %gather3A_740 : vector<16xf32>
          %select_n3A_755 = arith.select %and3A_753, %max3A_754, %select_n3A_731 : vector<16xi1>, vector<16xf32>
          %add3A_756 = arith.constant 1 : i32
          %add3A_757 = arith.addi %add3A_646, %add3A_756 : i32
          %add3A_758 = vector.broadcast %add3A_757 : i32 to vector<16xi32>
          %add3A_759 = arith.addi %iota3A, %add3A_758 : vector<16xi32>
          %gather3A_760 = tpu.vector_load_idx %arg15[%add3A_759] : memref<2016xi32, #tpu.memory_space<vmem>>[vector<16xi32>], vector<16xi32>,
          %ne3A_761 = arith.cmpi ne, %get3A_648, %gather3A_760 : vector<16xi32>
          %eq3A_762 = arith.constant 15 : i32
          %eq3A_763 = vector.broadcast %eq3A_762 : i32 to vector<16xi32>
          %eq3A_764 = arith.cmpi eq, %iota3A, %eq3A_763 : vector<16xi32>
          %or3A_765 = arith.ori %ne3A_761, %eq3A_764 : vector<16xi1>
          %gather3A_766 = tpu.vector_load_idx %arg11[%get3A_648] masked %or3A_765 : memref<10000xf32, #tpu.memory_space<vmem>>[vector<16xi32>], vector<16xf32>, vector<16xi1>
          %max3A_767 = arith.maximumf %gather3A_766, %select_n3A_755 : vector<16xf32>
          tpu.vector_store_idx %arg11[%get3A_648], %max3A_767 masked %or3A_765 : memref<10000xf32, #tpu.memory_space<vmem>>[vector<16xi32>], vector<16xf32>, vector<16xi1>
          %add3A_768 = arith.constant 64 : i32
          %add3A_769 = arith.addi %mul3A_196, %add3A_768 : i32
          %get3A_770 = arith.index_cast %add3A_769 : i32 to index
          %get3A_771 = tpu.vector_load %arg15[%get3A_770] {strides = array<i32>} : memref<2016xi32, #tpu.memory_space<vmem>>, vector<16xi32>,
          %gather3A_772 = tpu.vector_load_idx %arg8[%get3A_771] : memref<10000xf32, #tpu.memory_space<vmem>>[vector<16xi32>], vector<16xf32>,
          %gather3A_773 = tpu.vector_load_idx %arg9[%get3A_771] : memref<10000xf32, #tpu.memory_space<vmem>>[vector<16xi32>], vector<16xf32>,
          %gather3A_774 = tpu.vector_load_idx %arg10[%get3A_771] : memref<10000xf32, #tpu.memory_space<vmem>>[vector<16xi32>], vector<16xf32>,
          %sub3A_775 = arith.subf %get3A_216, %gather3A_772 : vector<16xf32>
          %sub3A_776 = arith.subf %get3A_236, %gather3A_773 : vector<16xf32>
          %sub3A_777 = arith.subf %get3A_256, %gather3A_774 : vector<16xf32>
          %mul3A_778 = arith.mulf %sub3A_775, %sub3A_775 : vector<16xf32>
          %mul3A_779 = arith.mulf %sub3A_776, %sub3A_776 : vector<16xf32>
          %add3A_780 = arith.addf %mul3A_778, %mul3A_779 : vector<16xf32>
          %mul3A_781 = arith.mulf %sub3A_777, %sub3A_777 : vector<16xf32>
          %add3A_782 = arith.addf %add3A_780, %mul3A_781 : vector<16xf32>
          %swap3A_783 = arith.constant 0 : index
          %swap3A_784 = tpu.vector_load %arg20[%swap3A_783] {strides = array<i32>} : memref<16xf32, #tpu.memory_space<vmem>>, vector<16xf32>,
          tpu.vector_store %arg20[%swap3A_783], %add3A_782 {strides = array<i32>} : memref<16xf32, #tpu.memory_space<vmem>>, vector<16xf32>,
          %sub3A_785 = arith.constant 1 : i32
          %sub3A_786 = vector.broadcast %sub3A_785 : i32 to vector<16xi32>
          %sub3A_787 = arith.subi %iota3A, %sub3A_786 : vector<16xi32>
          %max3A_788 = arith.constant 0 : i32
          %max3A_789 = vector.broadcast %max3A_788 : i32 to vector<16xi32>
          %max3A_790 = arith.maxsi %sub3A_787, %max3A_789 : vector<16xi32>
          %gather3A_791 = tpu.vector_load_idx %arg20[%max3A_790] : memref<16xf32, #tpu.memory_space<vmem>>[vector<16xi32>], vector<16xf32>,
          %sub3A_792 = arith.constant 1 : i32
          %sub3A_793 = arith.subi %add3A_769, %sub3A_792 : i32
          %add3A_794 = vector.broadcast %sub3A_793 : i32 to vector<16xi32>
          %add3A_795 = arith.addi %iota3A, %add3A_794 : vector<16xi32>
          %max3A_796 = arith.constant 0 : i32
          %max3A_797 = vector.broadcast %max3A_796 : i32 to vector<16xi32>
          %max3A_798 = arith.maxsi %add3A_795, %max3A_797 : vector<16xi32>
          %gather3A_799 = tpu.vector_load_idx %arg15[%max3A_798] : memref<2016xi32, #tpu.memory_space<vmem>>[vector<16xi32>], vector<16xi32>,
          %ge3A_800 = arith.constant 1 : i32
          %ge3A_801 = vector.broadcast %ge3A_800 : i32 to vector<16xi32>
          %ge3A_802 = arith.cmpi sge, %iota3A, %ge3A_801 : vector<16xi32>
          %eq3A_803 = arith.cmpi eq, %get3A_771, %gather3A_799 : vector<16xi32>
          %and3A_804 = arith.andi %ge3A_802, %eq3A_803 : vector<16xi1>
          %max3A_805 = arith.maximumf %add3A_782, %gather3A_791 : vector<16xf32>
          %select_n3A_806 = arith.select %and3A_804, %max3A_805, %add3A_782 : vector<16xi1>, vector<16xf32>
          %swap3A_807 = arith.constant 0 : index
          %swap3A_808 = tpu.vector_load %arg20[%swap3A_807] {strides = array<i32>} : memref<16xf32, #tpu.memory_space<vmem>>, vector<16xf32>,
          tpu.vector_store %arg20[%swap3A_807], %select_n3A_806 {strides = array<i32>} : memref<16xf32, #tpu.memory_space<vmem>>, vector<16xf32>,
          %sub3A_809 = arith.constant 2 : i32
          %sub3A_810 = vector.broadcast %sub3A_809 : i32 to vector<16xi32>
          %sub3A_811 = arith.subi %iota3A, %sub3A_810 : vector<16xi32>
          %max3A_812 = arith.constant 0 : i32
          %max3A_813 = vector.broadcast %max3A_812 : i32 to vector<16xi32>
          %max3A_814 = arith.maxsi %sub3A_811, %max3A_813 : vector<16xi32>
          %gather3A_815 = tpu.vector_load_idx %arg20[%max3A_814] : memref<16xf32, #tpu.memory_space<vmem>>[vector<16xi32>], vector<16xf32>,
          %sub3A_816 = arith.constant 2 : i32
          %sub3A_817 = arith.subi %add3A_769, %sub3A_816 : i32
          %add3A_818 = vector.broadcast %sub3A_817 : i32 to vector<16xi32>
          %add3A_819 = arith.addi %iota3A, %add3A_818 : vector<16xi32>
          %max3A_820 = arith.constant 0 : i32
          %max3A_821 = vector.broadcast %max3A_820 : i32 to vector<16xi32>
          %max3A_822 = arith.maxsi %add3A_819, %max3A_821 : vector<16xi32>
          %gather3A_823 = tpu.vector_load_idx %arg15[%max3A_822] : memref<2016xi32, #tpu.memory_space<vmem>>[vector<16xi32>], vector<16xi32>,
          %ge3A_824 = arith.constant 2 : i32
          %ge3A_825 = vector.broadcast %ge3A_824 : i32 to vector<16xi32>
          %ge3A_826 = arith.cmpi sge, %iota3A, %ge3A_825 : vector<16xi32>
          %eq3A_827 = arith.cmpi eq, %get3A_771, %gather3A_823 : vector<16xi32>
          %and3A_828 = arith.andi %ge3A_826, %eq3A_827 : vector<16xi1>
          %max3A_829 = arith.maximumf %select_n3A_806, %gather3A_815 : vector<16xf32>
          %select_n3A_830 = arith.select %and3A_828, %max3A_829, %select_n3A_806 : vector<16xi1>, vector<16xf32>
          %swap3A_831 = arith.constant 0 : index
          %swap3A_832 = tpu.vector_load %arg20[%swap3A_831] {strides = array<i32>} : memref<16xf32, #tpu.memory_space<vmem>>, vector<16xf32>,
          tpu.vector_store %arg20[%swap3A_831], %select_n3A_830 {strides = array<i32>} : memref<16xf32, #tpu.memory_space<vmem>>, vector<16xf32>,
          %sub3A_833 = arith.constant 4 : i32
          %sub3A_834 = vector.broadcast %sub3A_833 : i32 to vector<16xi32>
          %sub3A_835 = arith.subi %iota3A, %sub3A_834 : vector<16xi32>
          %max3A_836 = arith.constant 0 : i32
          %max3A_837 = vector.broadcast %max3A_836 : i32 to vector<16xi32>
          %max3A_838 = arith.maxsi %sub3A_835, %max3A_837 : vector<16xi32>
          %gather3A_839 = tpu.vector_load_idx %arg20[%max3A_838] : memref<16xf32, #tpu.memory_space<vmem>>[vector<16xi32>], vector<16xf32>,
          %sub3A_840 = arith.constant 4 : i32
          %sub3A_841 = arith.subi %add3A_769, %sub3A_840 : i32
          %add3A_842 = vector.broadcast %sub3A_841 : i32 to vector<16xi32>
          %add3A_843 = arith.addi %iota3A, %add3A_842 : vector<16xi32>
          %max3A_844 = arith.constant 0 : i32
          %max3A_845 = vector.broadcast %max3A_844 : i32 to vector<16xi32>
          %max3A_846 = arith.maxsi %add3A_843, %max3A_845 : vector<16xi32>
          %gather3A_847 = tpu.vector_load_idx %arg15[%max3A_846] : memref<2016xi32, #tpu.memory_space<vmem>>[vector<16xi32>], vector<16xi32>,
          %ge3A_848 = arith.constant 4 : i32
          %ge3A_849 = vector.broadcast %ge3A_848 : i32 to vector<16xi32>
          %ge3A_850 = arith.cmpi sge, %iota3A, %ge3A_849 : vector<16xi32>
          %eq3A_851 = arith.cmpi eq, %get3A_771, %gather3A_847 : vector<16xi32>
          %and3A_852 = arith.andi %ge3A_850, %eq3A_851 : vector<16xi1>
          %max3A_853 = arith.maximumf %select_n3A_830, %gather3A_839 : vector<16xf32>
          %select_n3A_854 = arith.select %and3A_852, %max3A_853, %select_n3A_830 : vector<16xi1>, vector<16xf32>
          %swap3A_855 = arith.constant 0 : index
          %swap3A_856 = tpu.vector_load %arg20[%swap3A_855] {strides = array<i32>} : memref<16xf32, #tpu.memory_space<vmem>>, vector<16xf32>,
          tpu.vector_store %arg20[%swap3A_855], %select_n3A_854 {strides = array<i32>} : memref<16xf32, #tpu.memory_space<vmem>>, vector<16xf32>,
          %sub3A_857 = arith.constant 8 : i32
          %sub3A_858 = vector.broadcast %sub3A_857 : i32 to vector<16xi32>
          %sub3A_859 = arith.subi %iota3A, %sub3A_858 : vector<16xi32>
          %max3A_860 = arith.constant 0 : i32
          %max3A_861 = vector.broadcast %max3A_860 : i32 to vector<16xi32>
          %max3A_862 = arith.maxsi %sub3A_859, %max3A_861 : vector<16xi32>
          %gather3A_863 = tpu.vector_load_idx %arg20[%max3A_862] : memref<16xf32, #tpu.memory_space<vmem>>[vector<16xi32>], vector<16xf32>,
          %sub3A_864 = arith.constant 8 : i32
          %sub3A_865 = arith.subi %add3A_769, %sub3A_864 : i32
          %add3A_866 = vector.broadcast %sub3A_865 : i32 to vector<16xi32>
          %add3A_867 = arith.addi %iota3A, %add3A_866 : vector<16xi32>
          %max3A_868 = arith.constant 0 : i32
          %max3A_869 = vector.broadcast %max3A_868 : i32 to vector<16xi32>
          %max3A_870 = arith.maxsi %add3A_867, %max3A_869 : vector<16xi32>
          %gather3A_871 = tpu.vector_load_idx %arg15[%max3A_870] : memref<2016xi32, #tpu.memory_space<vmem>>[vector<16xi32>], vector<16xi32>,
          %ge3A_872 = arith.constant 8 : i32
          %ge3A_873 = vector.broadcast %ge3A_872 : i32 to vector<16xi32>
          %ge3A_874 = arith.cmpi sge, %iota3A, %ge3A_873 : vector<16xi32>
          %eq3A_875 = arith.cmpi eq, %get3A_771, %gather3A_871 : vector<16xi32>
          %and3A_876 = arith.andi %ge3A_874, %eq3A_875 : vector<16xi1>
          %max3A_877 = arith.maximumf %select_n3A_854, %gather3A_863 : vector<16xf32>
          %select_n3A_878 = arith.select %and3A_876, %max3A_877, %select_n3A_854 : vector<16xi1>, vector<16xf32>
          %add3A_879 = arith.constant 1 : i32
          %add3A_880 = arith.addi %add3A_769, %add3A_879 : i32
          %add3A_881 = vector.broadcast %add3A_880 : i32 to vector<16xi32>
          %add3A_882 = arith.addi %iota3A, %add3A_881 : vector<16xi32>
          %gather3A_883 = tpu.vector_load_idx %arg15[%add3A_882] : memref<2016xi32, #tpu.memory_space<vmem>>[vector<16xi32>], vector<16xi32>,
          %ne3A_884 = arith.cmpi ne, %get3A_771, %gather3A_883 : vector<16xi32>
          %eq3A_885 = arith.constant 15 : i32
          %eq3A_886 = vector.broadcast %eq3A_885 : i32 to vector<16xi32>
          %eq3A_887 = arith.cmpi eq, %iota3A, %eq3A_886 : vector<16xi32>
          %or3A_888 = arith.ori %ne3A_884, %eq3A_887 : vector<16xi1>
          %gather3A_889 = tpu.vector_load_idx %arg11[%get3A_771] masked %or3A_888 : memref<10000xf32, #tpu.memory_space<vmem>>[vector<16xi32>], vector<16xf32>, vector<16xi1>
          %max3A_890 = arith.maximumf %gather3A_889, %select_n3A_878 : vector<16xf32>
          tpu.vector_store_idx %arg11[%get3A_771], %max3A_890 masked %or3A_888 : memref<10000xf32, #tpu.memory_space<vmem>>[vector<16xi32>], vector<16xf32>, vector<16xi1>
          %broadcast_in_dim3A_891 = vector.broadcast %squeeze3A_267 : i32 to vector<16xi32>
          %gather3A_892 = tpu.vector_load_idx %arg8[%broadcast_in_dim3A_891] : memref<10000xf32, #tpu.memory_space<vmem>>[vector<16xi32>], vector<16xf32>,
          %gather3A_893 = tpu.vector_load_idx %arg9[%broadcast_in_dim3A_891] : memref<10000xf32, #tpu.memory_space<vmem>>[vector<16xi32>], vector<16xf32>,
          %gather3A_894 = tpu.vector_load_idx %arg10[%broadcast_in_dim3A_891] : memref<10000xf32, #tpu.memory_space<vmem>>[vector<16xi32>], vector<16xf32>,
          scf.yield %squeeze3A_267, %broadcast_in_dim3A_5, %gather3A_892, %gather3A_893, %gather3A_894 : i32, vector<16xf32>, vector<16xf32>, vector<16xf32>, vector<16xf32>
        }
        scf.yield %cond3A_271#0, %cond3A_271#1, %cond3A_271#2, %cond3A_271#3, %cond3A_271#4 : i32, vector<16xf32>, vector<16xf32>, vector<16xf32>, vector<16xf32>
      }
      %scan3A_120 = arith.constant 25 : i32
      %broadcast_in_dim3A_121 = vector.broadcast %scan3A_119#0 : i32 to vector<16xi32>
      %reduce_max3A_122 = arith.constant true
      %reduce_max3A_123 = vector.broadcast %reduce_max3A_122 : i1 to vector<16xi1>
      %reduce_max3A_124 = tpu.scan <max>, %scan3A_119#1 masked %reduce_max3A_123 : vector<16xf32>, vector<16xi1> -> vector<16xf32>
      %reduce_max3A_125 = vector.extract %reduce_max3A_124[15] : f32 from vector<16xf32>
      %broadcast_in_dim3A_126 = vector.broadcast %reduce_max3A_125 : f32 to vector<16xf32>
      %gather3A_127 = tpu.vector_load_idx %arg11[%broadcast_in_dim3A_121] masked %eq3A_4 : memref<10000xf32, #tpu.memory_space<vmem>>[vector<16xi32>], vector<16xf32>, vector<16xi1>
      %max3A_128 = arith.maximumf %gather3A_127, %broadcast_in_dim3A_126 : vector<16xf32>
      tpu.vector_store_idx %arg11[%broadcast_in_dim3A_121], %max3A_128 masked %eq3A_4 : memref<10000xf32, #tpu.memory_space<vmem>>[vector<16xi32>], vector<16xf32>, vector<16xi1>
      %mul3A_129 = arith.constant 2 : i32
      %mul3A_130 = arith.muli %mul3A_129, %add3A_70 : i32
      %add3A_131 = arith.constant 1 : i32
      %add3A_132 = arith.addi %mul3A_130, %add3A_131 : i32
      %mul3A_133 = arith.constant 2000 : i32
      %mul3A_134 = arith.muli %add3A_132, %mul3A_133 : i32
      %add3A_135 = arith.addi %mul3A_2, %mul3A_134 : i32
      %dma_wait3A_136 = tpu.memref_slice %arg2[%add3A_135] : memref<1600000xf32, #tpu.memory_space<hbm>> -> memref<2000xf32, #tpu.memory_space<hbm>>
      %dma_wait3A_137 = tpu.memref_slice %arg2[%add3A_135] : memref<1600000xf32, #tpu.memory_space<hbm>> -> memref<2000xf32, #tpu.memory_space<hbm>>
      tpu.wait_dma2 semaphore(%arg22 : memref<!tpu.dma_semaphore, #tpu.memory_space<semaphore_mem>>) src(%dma_wait3A_137 : memref<2000xf32, #tpu.memory_space<hbm>>) dst(%arg16 : memref<2000xf32, #tpu.memory_space<vmem>>)
      %dma_wait3A_138 = tpu.memref_slice %arg3[%add3A_135] : memref<1600000xf32, #tpu.memory_space<hbm>> -> memref<2000xf32, #tpu.memory_space<hbm>>
      %dma_wait3A_139 = tpu.memref_slice %arg3[%add3A_135] : memref<1600000xf32, #tpu.memory_space<hbm>> -> memref<2000xf32, #tpu.memory_space<hbm>>
      tpu.wait_dma2 semaphore(%arg22 : memref<!tpu.dma_semaphore, #tpu.memory_space<semaphore_mem>>) src(%dma_wait3A_139 : memref<2000xf32, #tpu.memory_space<hbm>>) dst(%arg17 : memref<2000xf32, #tpu.memory_space<vmem>>)
      %dma_wait3A_140 = tpu.memref_slice %arg4[%add3A_135] : memref<1600000xf32, #tpu.memory_space<hbm>> -> memref<2000xf32, #tpu.memory_space<hbm>>
      %dma_wait3A_141 = tpu.memref_slice %arg4[%add3A_135] : memref<1600000xf32, #tpu.memory_space<hbm>> -> memref<2000xf32, #tpu.memory_space<hbm>>
      tpu.wait_dma2 semaphore(%arg22 : memref<!tpu.dma_semaphore, #tpu.memory_space<semaphore_mem>>) src(%dma_wait3A_141 : memref<2000xf32, #tpu.memory_space<hbm>>) dst(%arg18 : memref<2000xf32, #tpu.memory_space<vmem>>)
      %dma_wait3A_142 = arith.constant 0 : i32
      %dma_wait3A_143 = tpu.memref_slice %arg19[%dma_wait3A_142] : memref<2016xi32, #tpu.memory_space<vmem>> -> memref<2000xi32, #tpu.memory_space<vmem>>
      %dma_wait3A_144 = tpu.memref_slice %arg5[%add3A_135] : memref<1600000xi32, #tpu.memory_space<hbm>> -> memref<2000xi32, #tpu.memory_space<hbm>>
      %dma_wait3A_145 = arith.constant 0 : i32
      %dma_wait3A_146 = tpu.memref_slice %arg19[%dma_wait3A_145] : memref<2016xi32, #tpu.memory_space<vmem>> -> memref<2000xi32, #tpu.memory_space<vmem>>
      %dma_wait3A_147 = tpu.memref_slice %arg5[%add3A_135] : memref<1600000xi32, #tpu.memory_space<hbm>> -> memref<2000xi32, #tpu.memory_space<hbm>>
      tpu.wait_dma2 semaphore(%arg22 : memref<!tpu.dma_semaphore, #tpu.memory_space<semaphore_mem>>) src(%dma_wait3A_147 : memref<2000xi32, #tpu.memory_space<hbm>>) dst(%dma_wait3A_146 : memref<2000xi32, #tpu.memory_space<vmem>>)
      %mul3A_148 = arith.constant 2 : i32
      %mul3A_149 = arith.muli %mul3A_148, %add3A_70 : i32
      %add3A_150 = arith.constant 2 : i32
      %add3A_151 = arith.addi %mul3A_149, %add3A_150 : i32
      %mul3A_152 = arith.constant 2000 : i32
      %mul3A_153 = arith.muli %add3A_151, %mul3A_152 : i32
      %add3A_154 = arith.addi %mul3A_2, %mul3A_153 : i32
      %dma_start3A_155 = tpu.memref_slice %arg2[%add3A_154] : memref<1600000xf32, #tpu.memory_space<hbm>> -> memref<2000xf32, #tpu.memory_space<hbm>>
      %dma_start3A_156 = tpu.memref_slice %arg2[%add3A_154] : memref<1600000xf32, #tpu.memory_space<hbm>> -> memref<2000xf32, #tpu.memory_space<hbm>>
      tpu.enqueue_dma source(%dma_start3A_156 : memref<2000xf32, #tpu.memory_space<hbm>>) target(%arg12 : memref<2000xf32, #tpu.memory_space<vmem>>) target_semaphore(%arg21 : memref<!tpu.dma_semaphore, #tpu.memory_space<semaphore_mem>>)
      %dma_start3A_157 = tpu.memref_slice %arg3[%add3A_154] : memref<1600000xf32, #tpu.memory_space<hbm>> -> memref<2000xf32, #tpu.memory_space<hbm>>
      %dma_start3A_158 = tpu.memref_slice %arg3[%add3A_154] : memref<1600000xf32, #tpu.memory_space<hbm>> -> memref<2000xf32, #tpu.memory_space<hbm>>
      tpu.enqueue_dma source(%dma_start3A_158 : memref<2000xf32, #tpu.memory_space<hbm>>) target(%arg13 : memref<2000xf32, #tpu.memory_space<vmem>>) target_semaphore(%arg21 : memref<!tpu.dma_semaphore, #tpu.memory_space<semaphore_mem>>)
      %dma_start3A_159 = tpu.memref_slice %arg4[%add3A_154] : memref<1600000xf32, #tpu.memory_space<hbm>> -> memref<2000xf32, #tpu.memory_space<hbm>>
      %dma_start3A_160 = tpu.memref_slice %arg4[%add3A_154] : memref<1600000xf32, #tpu.memory_space<hbm>> -> memref<2000xf32, #tpu.memory_space<hbm>>
      tpu.enqueue_dma source(%dma_start3A_160 : memref<2000xf32, #tpu.memory_space<hbm>>) target(%arg14 : memref<2000xf32, #tpu.memory_space<vmem>>) target_semaphore(%arg21 : memref<!tpu.dma_semaphore, #tpu.memory_space<semaphore_mem>>)
      %dma_start3A_161 = arith.constant 0 : i32
      %dma_start3A_162 = tpu.memref_slice %arg15[%dma_start3A_161] : memref<2016xi32, #tpu.memory_space<vmem>> -> memref<2000xi32, #tpu.memory_space<vmem>>
      %dma_start3A_163 = tpu.memref_slice %arg5[%add3A_154] : memref<1600000xi32, #tpu.memory_space<hbm>> -> memref<2000xi32, #tpu.memory_space<hbm>>
      %dma_start3A_164 = arith.constant 0 : i32
      %dma_start3A_165 = tpu.memref_slice %arg15[%dma_start3A_164] : memref<2016xi32, #tpu.memory_space<vmem>> -> memref<2000xi32, #tpu.memory_space<vmem>>
      %dma_start3A_166 = tpu.memref_slice %arg5[%add3A_154] : memref<1600000xi32, #tpu.memory_space<hbm>> -> memref<2000xi32, #tpu.memory_space<hbm>>
      tpu.enqueue_dma source(%dma_start3A_166 : memref<2000xi32, #tpu.memory_space<hbm>>) target(%dma_start3A_165 : memref<2000xi32, #tpu.memory_space<vmem>>) target_semaphore(%arg21 : memref<!tpu.dma_semaphore, #tpu.memory_space<semaphore_mem>>)
      %get3A_167 = arith.constant 0 : index
      %get3A_168 = tpu.vector_load %arg19[%get3A_167] {strides = array<i32>} : memref<2016xi32, #tpu.memory_space<vmem>>, vector<16xi32>,
      %slice3A_169 = vector.extract_strided_slice %get3A_168 {offsets = [0], sizes = [1], strides = [1]} : vector<16xi32> to vector<1xi32>
      %squeeze3A_170 = vector.extract %slice3A_169[0] : i32 from vector<1xi32>
      %broadcast_in_dim3A_171 = vector.broadcast %squeeze3A_170 : i32 to vector<16xi32>
      %gather3A_172 = tpu.vector_load_idx %arg8[%broadcast_in_dim3A_171] : memref<10000xf32, #tpu.memory_space<vmem>>[vector<16xi32>], vector<16xf32>,
      %gather3A_173 = tpu.vector_load_idx %arg9[%broadcast_in_dim3A_171] : memref<10000xf32, #tpu.memory_space<vmem>>[vector<16xi32>], vector<16xf32>,
      %gather3A_174 = tpu.vector_load_idx %arg10[%broadcast_in_dim3A_171] : memref<10000xf32, #tpu.memory_space<vmem>>[vector<16xi32>], vector<16xf32>,
      %scan3A_175 = arith.constant 0 : i32
      %scan3A_176 = arith.constant 25 : i32
      %scan3A_177 = arith.addi %scan3A_175, %scan3A_176 : i32
      %scan3A_178 = arith.constant 1 : i32
      %scan3A_179:5 = scf.for %scan3A_189 = %scan3A_175 to %scan3A_177 step %scan3A_178 iter_args(%scan3A_190 = %squeeze3A_170, %scan3A_191 = %broadcast_in_dim3A_5, %scan3A_192 = %gather3A_172, %scan3A_193 = %gather3A_173, %scan3A_194 = %gather3A_174) -> (i32, vector<16xf32>, vector<16xf32>, vector<16xf32>, vector<16xf32>)  : i32 {
        %mul3A_195 = arith.constant 80 : i32
        %mul3A_196 = arith.muli %scan3A_189, %mul3A_195 : i32
        %add3A_197 = arith.constant 0 : i32
        %add3A_198 = arith.addi %mul3A_196, %add3A_197 : i32
        %get3A_199 = arith.index_cast %add3A_198 : i32 to index
        %get3A_200 = tpu.vector_load %arg16[%get3A_199] {strides = array<i32>} : memref<2000xf32, #tpu.memory_space<vmem>>, vector<16xf32>,
        %add3A_201 = arith.constant 16 : i32
        %add3A_202 = arith.addi %mul3A_196, %add3A_201 : i32
        %get3A_203 = arith.index_cast %add3A_202 : i32 to index
        %get3A_204 = tpu.vector_load %arg16[%get3A_203] {strides = array<i32>} : memref<2000xf32, #tpu.memory_space<vmem>>, vector<16xf32>,
        %add3A_205 = arith.constant 32 : i32
        %add3A_206 = arith.addi %mul3A_196, %add3A_205 : i32
        %get3A_207 = arith.index_cast %add3A_206 : i32 to index
        %get3A_208 = tpu.vector_load %arg16[%get3A_207] {strides = array<i32>} : memref<2000xf32, #tpu.memory_space<vmem>>, vector<16xf32>,
        %add3A_209 = arith.constant 48 : i32
        %add3A_210 = arith.addi %mul3A_196, %add3A_209 : i32
        %get3A_211 = arith.index_cast %add3A_210 : i32 to index
        %get3A_212 = tpu.vector_load %arg16[%get3A_211] {strides = array<i32>} : memref<2000xf32, #tpu.memory_space<vmem>>, vector<16xf32>,
        %add3A_213 = arith.constant 64 : i32
        %add3A_214 = arith.addi %mul3A_196, %add3A_213 : i32
        %get3A_215 = arith.index_cast %add3A_214 : i32 to index
        %get3A_216 = tpu.vector_load %arg16[%get3A_215] {strides = array<i32>} : memref<2000xf32, #tpu.memory_space<vmem>>, vector<16xf32>,
        %add3A_217 = arith.constant 0 : i32
        %add3A_218 = arith.addi %mul3A_196, %add3A_217 : i32
        %get3A_219 = arith.index_cast %add3A_218 : i32 to index
        %get3A_220 = tpu.vector_load %arg17[%get3A_219] {strides = array<i32>} : memref<2000xf32, #tpu.memory_space<vmem>>, vector<16xf32>,
        %add3A_221 = arith.constant 16 : i32
        %add3A_222 = arith.addi %mul3A_196, %add3A_221 : i32
        %get3A_223 = arith.index_cast %add3A_222 : i32 to index
        %get3A_224 = tpu.vector_load %arg17[%get3A_223] {strides = array<i32>} : memref<2000xf32, #tpu.memory_space<vmem>>, vector<16xf32>,
        %add3A_225 = arith.constant 32 : i32
        %add3A_226 = arith.addi %mul3A_196, %add3A_225 : i32
        %get3A_227 = arith.index_cast %add3A_226 : i32 to index
        %get3A_228 = tpu.vector_load %arg17[%get3A_227] {strides = array<i32>} : memref<2000xf32, #tpu.memory_space<vmem>>, vector<16xf32>,
        %add3A_229 = arith.constant 48 : i32
        %add3A_230 = arith.addi %mul3A_196, %add3A_229 : i32
        %get3A_231 = arith.index_cast %add3A_230 : i32 to index
        %get3A_232 = tpu.vector_load %arg17[%get3A_231] {strides = array<i32>} : memref<2000xf32, #tpu.memory_space<vmem>>, vector<16xf32>,
        %add3A_233 = arith.constant 64 : i32
        %add3A_234 = arith.addi %mul3A_196, %add3A_233 : i32
        %get3A_235 = arith.index_cast %add3A_234 : i32 to index
        %get3A_236 = tpu.vector_load %arg17[%get3A_235] {strides = array<i32>} : memref<2000xf32, #tpu.memory_space<vmem>>, vector<16xf32>,
        %add3A_237 = arith.constant 0 : i32
        %add3A_238 = arith.addi %mul3A_196, %add3A_237 : i32
        %get3A_239 = arith.index_cast %add3A_238 : i32 to index
        %get3A_240 = tpu.vector_load %arg18[%get3A_239] {strides = array<i32>} : memref<2000xf32, #tpu.memory_space<vmem>>, vector<16xf32>,
        %add3A_241 = arith.constant 16 : i32
        %add3A_242 = arith.addi %mul3A_196, %add3A_241 : i32
        %get3A_243 = arith.index_cast %add3A_242 : i32 to index
        %get3A_244 = tpu.vector_load %arg18[%get3A_243] {strides = array<i32>} : memref<2000xf32, #tpu.memory_space<vmem>>, vector<16xf32>,
        %add3A_245 = arith.constant 32 : i32
        %add3A_246 = arith.addi %mul3A_196, %add3A_245 : i32
        %get3A_247 = arith.index_cast %add3A_246 : i32 to index
        %get3A_248 = tpu.vector_load %arg18[%get3A_247] {strides = array<i32>} : memref<2000xf32, #tpu.memory_space<vmem>>, vector<16xf32>,
        %add3A_249 = arith.constant 48 : i32
        %add3A_250 = arith.addi %mul3A_196, %add3A_249 : i32
        %get3A_251 = arith.index_cast %add3A_250 : i32 to index
        %get3A_252 = tpu.vector_load %arg18[%get3A_251] {strides = array<i32>} : memref<2000xf32, #tpu.memory_space<vmem>>, vector<16xf32>,
        %add3A_253 = arith.constant 64 : i32
        %add3A_254 = arith.addi %mul3A_196, %add3A_253 : i32
        %get3A_255 = arith.index_cast %add3A_254 : i32 to index
        %get3A_256 = tpu.vector_load %arg18[%get3A_255] {strides = array<i32>} : memref<2000xf32, #tpu.memory_space<vmem>>, vector<16xf32>,
        %get3A_257 = arith.index_cast %mul3A_196 : i32 to index
        %get3A_258 = tpu.vector_load %arg19[%get3A_257] {strides = array<i32>} : memref<2016xi32, #tpu.memory_space<vmem>>, vector<16xi32>,
        %add3A_259 = arith.constant 80 : i32
        %add3A_260 = arith.addi %mul3A_196, %add3A_259 : i32
        %sub3A = arith.constant 16 : i32
        %sub3A_261 = arith.subi %add3A_260, %sub3A : i32
        %get3A_262 = arith.index_cast %sub3A_261 : i32 to index
        %get3A_263 = tpu.vector_load %arg19[%get3A_262] {strides = array<i32>} : memref<2016xi32, #tpu.memory_space<vmem>>, vector<16xi32>,
        %slice3A_264 = vector.extract_strided_slice %get3A_258 {offsets = [0], sizes = [1], strides = [1]} : vector<16xi32> to vector<1xi32>
        %squeeze3A_265 = vector.extract %slice3A_264[0] : i32 from vector<1xi32>
        %slice3A_266 = vector.extract_strided_slice %get3A_263 {offsets = [15], sizes = [1], strides = [1]} : vector<16xi32> to vector<1xi32>
        %squeeze3A_267 = vector.extract %slice3A_266[0] : i32 from vector<1xi32>
        %eq3A_268 = arith.cmpi eq, %squeeze3A_265, %scan3A_190 : i32
        %eq3A_269 = arith.cmpi eq, %squeeze3A_265, %squeeze3A_267 : i32
        %and3A = arith.andi %eq3A_268, %eq3A_269 : i1
        %convert_element_type3A = arith.extui %and3A : i1 to i32
        %cond3A = arith.constant 0 : i32
        %cond3A_270 = arith.cmpi ne, %convert_element_type3A, %cond3A : i32
        %cond3A_271:5 = scf.if %cond3A_270 -> (i32, vector<16xf32>, vector<16xf32>, vector<16xf32>, vector<16xf32>) {
          %sub3A_272 = arith.subf %get3A_200, %scan3A_192 : vector<16xf32>
          %sub3A_273 = arith.subf %get3A_220, %scan3A_193 : vector<16xf32>
          %sub3A_274 = arith.subf %get3A_240, %scan3A_194 : vector<16xf32>
          %mul3A_275 = arith.mulf %sub3A_272, %sub3A_272 : vector<16xf32>
          %mul3A_276 = arith.mulf %sub3A_273, %sub3A_273 : vector<16xf32>
          %add3A_277 = arith.addf %mul3A_275, %mul3A_276 : vector<16xf32>
          %mul3A_278 = arith.mulf %sub3A_274, %sub3A_274 : vector<16xf32>
          %add3A_279 = arith.addf %add3A_277, %mul3A_278 : vector<16xf32>
          %max3A_280 = arith.maximumf %scan3A_191, %add3A_279 : vector<16xf32>
          %sub3A_281 = arith.subf %get3A_204, %scan3A_192 : vector<16xf32>
          %sub3A_282 = arith.subf %get3A_224, %scan3A_193 : vector<16xf32>
          %sub3A_283 = arith.subf %get3A_244, %scan3A_194 : vector<16xf32>
          %mul3A_284 = arith.mulf %sub3A_281, %sub3A_281 : vector<16xf32>
          %mul3A_285 = arith.mulf %sub3A_282, %sub3A_282 : vector<16xf32>
          %add3A_286 = arith.addf %mul3A_284, %mul3A_285 : vector<16xf32>
          %mul3A_287 = arith.mulf %sub3A_283, %sub3A_283 : vector<16xf32>
          %add3A_288 = arith.addf %add3A_286, %mul3A_287 : vector<16xf32>
          %max3A_289 = arith.maximumf %max3A_280, %add3A_288 : vector<16xf32>
          %sub3A_290 = arith.subf %get3A_208, %scan3A_192 : vector<16xf32>
          %sub3A_291 = arith.subf %get3A_228, %scan3A_193 : vector<16xf32>
          %sub3A_292 = arith.subf %get3A_248, %scan3A_194 : vector<16xf32>
          %mul3A_293 = arith.mulf %sub3A_290, %sub3A_290 : vector<16xf32>
          %mul3A_294 = arith.mulf %sub3A_291, %sub3A_291 : vector<16xf32>
          %add3A_295 = arith.addf %mul3A_293, %mul3A_294 : vector<16xf32>
          %mul3A_296 = arith.mulf %sub3A_292, %sub3A_292 : vector<16xf32>
          %add3A_297 = arith.addf %add3A_295, %mul3A_296 : vector<16xf32>
          %max3A_298 = arith.maximumf %max3A_289, %add3A_297 : vector<16xf32>
          %sub3A_299 = arith.subf %get3A_212, %scan3A_192 : vector<16xf32>
          %sub3A_300 = arith.subf %get3A_232, %scan3A_193 : vector<16xf32>
          %sub3A_301 = arith.subf %get3A_252, %scan3A_194 : vector<16xf32>
          %mul3A_302 = arith.mulf %sub3A_299, %sub3A_299 : vector<16xf32>
          %mul3A_303 = arith.mulf %sub3A_300, %sub3A_300 : vector<16xf32>
          %add3A_304 = arith.addf %mul3A_302, %mul3A_303 : vector<16xf32>
          %mul3A_305 = arith.mulf %sub3A_301, %sub3A_301 : vector<16xf32>
          %add3A_306 = arith.addf %add3A_304, %mul3A_305 : vector<16xf32>
          %max3A_307 = arith.maximumf %max3A_298, %add3A_306 : vector<16xf32>
          %sub3A_308 = arith.subf %get3A_216, %scan3A_192 : vector<16xf32>
          %sub3A_309 = arith.subf %get3A_236, %scan3A_193 : vector<16xf32>
          %sub3A_310 = arith.subf %get3A_256, %scan3A_194 : vector<16xf32>
          %mul3A_311 = arith.mulf %sub3A_308, %sub3A_308 : vector<16xf32>
          %mul3A_312 = arith.mulf %sub3A_309, %sub3A_309 : vector<16xf32>
          %add3A_313 = arith.addf %mul3A_311, %mul3A_312 : vector<16xf32>
          %mul3A_314 = arith.mulf %sub3A_310, %sub3A_310 : vector<16xf32>
          %add3A_315 = arith.addf %add3A_313, %mul3A_314 : vector<16xf32>
          %max3A_316 = arith.maximumf %max3A_307, %add3A_315 : vector<16xf32>
          scf.yield %scan3A_190, %max3A_316, %scan3A_192, %scan3A_193, %scan3A_194 : i32, vector<16xf32>, vector<16xf32>, vector<16xf32>, vector<16xf32>
        } else {
          %broadcast_in_dim3A_272 = vector.broadcast %scan3A_190 : i32 to vector<16xi32>
          %reduce_max3A_273 = arith.constant true
          %reduce_max3A_274 = vector.broadcast %reduce_max3A_273 : i1 to vector<16xi1>
          %reduce_max3A_275 = tpu.scan <max>, %scan3A_191 masked %reduce_max3A_274 : vector<16xf32>, vector<16xi1> -> vector<16xf32>
          %reduce_max3A_276 = vector.extract %reduce_max3A_275[15] : f32 from vector<16xf32>
          %broadcast_in_dim3A_277 = vector.broadcast %reduce_max3A_276 : f32 to vector<16xf32>
          %gather3A_278 = tpu.vector_load_idx %arg11[%broadcast_in_dim3A_272] masked %eq3A_4 : memref<10000xf32, #tpu.memory_space<vmem>>[vector<16xi32>], vector<16xf32>, vector<16xi1>
          %max3A_279 = arith.maximumf %gather3A_278, %broadcast_in_dim3A_277 : vector<16xf32>
          tpu.vector_store_idx %arg11[%broadcast_in_dim3A_272], %max3A_279 masked %eq3A_4 : memref<10000xf32, #tpu.memory_space<vmem>>[vector<16xi32>], vector<16xf32>, vector<16xi1>
          %add3A_280 = arith.constant 0 : i32
          %add3A_281 = arith.addi %mul3A_196, %add3A_280 : i32
          %get3A_282 = arith.index_cast %add3A_281 : i32 to index
          %get3A_283 = tpu.vector_load %arg19[%get3A_282] {strides = array<i32>} : memref<2016xi32, #tpu.memory_space<vmem>>, vector<16xi32>,
          %gather3A_284 = tpu.vector_load_idx %arg8[%get3A_283] : memref<10000xf32, #tpu.memory_space<vmem>>[vector<16xi32>], vector<16xf32>,
          %gather3A_285 = tpu.vector_load_idx %arg9[%get3A_283] : memref<10000xf32, #tpu.memory_space<vmem>>[vector<16xi32>], vector<16xf32>,
          %gather3A_286 = tpu.vector_load_idx %arg10[%get3A_283] : memref<10000xf32, #tpu.memory_space<vmem>>[vector<16xi32>], vector<16xf32>,
          %sub3A_287 = arith.subf %get3A_200, %gather3A_284 : vector<16xf32>
          %sub3A_288 = arith.subf %get3A_220, %gather3A_285 : vector<16xf32>
          %sub3A_289 = arith.subf %get3A_240, %gather3A_286 : vector<16xf32>
          %mul3A_290 = arith.mulf %sub3A_287, %sub3A_287 : vector<16xf32>
          %mul3A_291 = arith.mulf %sub3A_288, %sub3A_288 : vector<16xf32>
          %add3A_292 = arith.addf %mul3A_290, %mul3A_291 : vector<16xf32>
          %mul3A_293 = arith.mulf %sub3A_289, %sub3A_289 : vector<16xf32>
          %add3A_294 = arith.addf %add3A_292, %mul3A_293 : vector<16xf32>
          %swap3A_295 = arith.constant 0 : index
          %swap3A_296 = tpu.vector_load %arg20[%swap3A_295] {strides = array<i32>} : memref<16xf32, #tpu.memory_space<vmem>>, vector<16xf32>,
          tpu.vector_store %arg20[%swap3A_295], %add3A_294 {strides = array<i32>} : memref<16xf32, #tpu.memory_space<vmem>>, vector<16xf32>,
          %sub3A_297 = arith.constant 1 : i32
          %sub3A_298 = vector.broadcast %sub3A_297 : i32 to vector<16xi32>
          %sub3A_299 = arith.subi %iota3A, %sub3A_298 : vector<16xi32>
          %max3A_300 = arith.constant 0 : i32
          %max3A_301 = vector.broadcast %max3A_300 : i32 to vector<16xi32>
          %max3A_302 = arith.maxsi %sub3A_299, %max3A_301 : vector<16xi32>
          %gather3A_303 = tpu.vector_load_idx %arg20[%max3A_302] : memref<16xf32, #tpu.memory_space<vmem>>[vector<16xi32>], vector<16xf32>,
          %sub3A_304 = arith.constant 1 : i32
          %sub3A_305 = arith.subi %add3A_281, %sub3A_304 : i32
          %add3A_306 = vector.broadcast %sub3A_305 : i32 to vector<16xi32>
          %add3A_307 = arith.addi %iota3A, %add3A_306 : vector<16xi32>
          %max3A_308 = arith.constant 0 : i32
          %max3A_309 = vector.broadcast %max3A_308 : i32 to vector<16xi32>
          %max3A_310 = arith.maxsi %add3A_307, %max3A_309 : vector<16xi32>
          %gather3A_311 = tpu.vector_load_idx %arg19[%max3A_310] : memref<2016xi32, #tpu.memory_space<vmem>>[vector<16xi32>], vector<16xi32>,
          %ge3A = arith.constant 1 : i32
          %ge3A_312 = vector.broadcast %ge3A : i32 to vector<16xi32>
          %ge3A_313 = arith.cmpi sge, %iota3A, %ge3A_312 : vector<16xi32>
          %eq3A_314 = arith.cmpi eq, %get3A_283, %gather3A_311 : vector<16xi32>
          %and3A_315 = arith.andi %ge3A_313, %eq3A_314 : vector<16xi1>
          %max3A_316 = arith.maximumf %add3A_294, %gather3A_303 : vector<16xf32>
          %select_n3A = arith.select %and3A_315, %max3A_316, %add3A_294 : vector<16xi1>, vector<16xf32>
          %swap3A_317 = arith.constant 0 : index
          %swap3A_318 = tpu.vector_load %arg20[%swap3A_317] {strides = array<i32>} : memref<16xf32, #tpu.memory_space<vmem>>, vector<16xf32>,
          tpu.vector_store %arg20[%swap3A_317], %select_n3A {strides = array<i32>} : memref<16xf32, #tpu.memory_space<vmem>>, vector<16xf32>,
          %sub3A_319 = arith.constant 2 : i32
          %sub3A_320 = vector.broadcast %sub3A_319 : i32 to vector<16xi32>
          %sub3A_321 = arith.subi %iota3A, %sub3A_320 : vector<16xi32>
          %max3A_322 = arith.constant 0 : i32
          %max3A_323 = vector.broadcast %max3A_322 : i32 to vector<16xi32>
          %max3A_324 = arith.maxsi %sub3A_321, %max3A_323 : vector<16xi32>
          %gather3A_325 = tpu.vector_load_idx %arg20[%max3A_324] : memref<16xf32, #tpu.memory_space<vmem>>[vector<16xi32>], vector<16xf32>,
          %sub3A_326 = arith.constant 2 : i32
          %sub3A_327 = arith.subi %add3A_281, %sub3A_326 : i32
          %add3A_328 = vector.broadcast %sub3A_327 : i32 to vector<16xi32>
          %add3A_329 = arith.addi %iota3A, %add3A_328 : vector<16xi32>
          %max3A_330 = arith.constant 0 : i32
          %max3A_331 = vector.broadcast %max3A_330 : i32 to vector<16xi32>
          %max3A_332 = arith.maxsi %add3A_329, %max3A_331 : vector<16xi32>
          %gather3A_333 = tpu.vector_load_idx %arg19[%max3A_332] : memref<2016xi32, #tpu.memory_space<vmem>>[vector<16xi32>], vector<16xi32>,
          %ge3A_334 = arith.constant 2 : i32
          %ge3A_335 = vector.broadcast %ge3A_334 : i32 to vector<16xi32>
          %ge3A_336 = arith.cmpi sge, %iota3A, %ge3A_335 : vector<16xi32>
          %eq3A_337 = arith.cmpi eq, %get3A_283, %gather3A_333 : vector<16xi32>
          %and3A_338 = arith.andi %ge3A_336, %eq3A_337 : vector<16xi1>
          %max3A_339 = arith.maximumf %select_n3A, %gather3A_325 : vector<16xf32>
          %select_n3A_340 = arith.select %and3A_338, %max3A_339, %select_n3A : vector<16xi1>, vector<16xf32>
          %swap3A_341 = arith.constant 0 : index
          %swap3A_342 = tpu.vector_load %arg20[%swap3A_341] {strides = array<i32>} : memref<16xf32, #tpu.memory_space<vmem>>, vector<16xf32>,
          tpu.vector_store %arg20[%swap3A_341], %select_n3A_340 {strides = array<i32>} : memref<16xf32, #tpu.memory_space<vmem>>, vector<16xf32>,
          %sub3A_343 = arith.constant 4 : i32
          %sub3A_344 = vector.broadcast %sub3A_343 : i32 to vector<16xi32>
          %sub3A_345 = arith.subi %iota3A, %sub3A_344 : vector<16xi32>
          %max3A_346 = arith.constant 0 : i32
          %max3A_347 = vector.broadcast %max3A_346 : i32 to vector<16xi32>
          %max3A_348 = arith.maxsi %sub3A_345, %max3A_347 : vector<16xi32>
          %gather3A_349 = tpu.vector_load_idx %arg20[%max3A_348] : memref<16xf32, #tpu.memory_space<vmem>>[vector<16xi32>], vector<16xf32>,
          %sub3A_350 = arith.constant 4 : i32
          %sub3A_351 = arith.subi %add3A_281, %sub3A_350 : i32
          %add3A_352 = vector.broadcast %sub3A_351 : i32 to vector<16xi32>
          %add3A_353 = arith.addi %iota3A, %add3A_352 : vector<16xi32>
          %max3A_354 = arith.constant 0 : i32
          %max3A_355 = vector.broadcast %max3A_354 : i32 to vector<16xi32>
          %max3A_356 = arith.maxsi %add3A_353, %max3A_355 : vector<16xi32>
          %gather3A_357 = tpu.vector_load_idx %arg19[%max3A_356] : memref<2016xi32, #tpu.memory_space<vmem>>[vector<16xi32>], vector<16xi32>,
          %ge3A_358 = arith.constant 4 : i32
          %ge3A_359 = vector.broadcast %ge3A_358 : i32 to vector<16xi32>
          %ge3A_360 = arith.cmpi sge, %iota3A, %ge3A_359 : vector<16xi32>
          %eq3A_361 = arith.cmpi eq, %get3A_283, %gather3A_357 : vector<16xi32>
          %and3A_362 = arith.andi %ge3A_360, %eq3A_361 : vector<16xi1>
          %max3A_363 = arith.maximumf %select_n3A_340, %gather3A_349 : vector<16xf32>
          %select_n3A_364 = arith.select %and3A_362, %max3A_363, %select_n3A_340 : vector<16xi1>, vector<16xf32>
          %swap3A_365 = arith.constant 0 : index
          %swap3A_366 = tpu.vector_load %arg20[%swap3A_365] {strides = array<i32>} : memref<16xf32, #tpu.memory_space<vmem>>, vector<16xf32>,
          tpu.vector_store %arg20[%swap3A_365], %select_n3A_364 {strides = array<i32>} : memref<16xf32, #tpu.memory_space<vmem>>, vector<16xf32>,
          %sub3A_367 = arith.constant 8 : i32
          %sub3A_368 = vector.broadcast %sub3A_367 : i32 to vector<16xi32>
          %sub3A_369 = arith.subi %iota3A, %sub3A_368 : vector<16xi32>
          %max3A_370 = arith.constant 0 : i32
          %max3A_371 = vector.broadcast %max3A_370 : i32 to vector<16xi32>
          %max3A_372 = arith.maxsi %sub3A_369, %max3A_371 : vector<16xi32>
          %gather3A_373 = tpu.vector_load_idx %arg20[%max3A_372] : memref<16xf32, #tpu.memory_space<vmem>>[vector<16xi32>], vector<16xf32>,
          %sub3A_374 = arith.constant 8 : i32
          %sub3A_375 = arith.subi %add3A_281, %sub3A_374 : i32
          %add3A_376 = vector.broadcast %sub3A_375 : i32 to vector<16xi32>
          %add3A_377 = arith.addi %iota3A, %add3A_376 : vector<16xi32>
          %max3A_378 = arith.constant 0 : i32
          %max3A_379 = vector.broadcast %max3A_378 : i32 to vector<16xi32>
          %max3A_380 = arith.maxsi %add3A_377, %max3A_379 : vector<16xi32>
          %gather3A_381 = tpu.vector_load_idx %arg19[%max3A_380] : memref<2016xi32, #tpu.memory_space<vmem>>[vector<16xi32>], vector<16xi32>,
          %ge3A_382 = arith.constant 8 : i32
          %ge3A_383 = vector.broadcast %ge3A_382 : i32 to vector<16xi32>
          %ge3A_384 = arith.cmpi sge, %iota3A, %ge3A_383 : vector<16xi32>
          %eq3A_385 = arith.cmpi eq, %get3A_283, %gather3A_381 : vector<16xi32>
          %and3A_386 = arith.andi %ge3A_384, %eq3A_385 : vector<16xi1>
          %max3A_387 = arith.maximumf %select_n3A_364, %gather3A_373 : vector<16xf32>
          %select_n3A_388 = arith.select %and3A_386, %max3A_387, %select_n3A_364 : vector<16xi1>, vector<16xf32>
          %add3A_389 = arith.constant 1 : i32
          %add3A_390 = arith.addi %add3A_281, %add3A_389 : i32
          %add3A_391 = vector.broadcast %add3A_390 : i32 to vector<16xi32>
          %add3A_392 = arith.addi %iota3A, %add3A_391 : vector<16xi32>
          %gather3A_393 = tpu.vector_load_idx %arg19[%add3A_392] : memref<2016xi32, #tpu.memory_space<vmem>>[vector<16xi32>], vector<16xi32>,
          %ne3A = arith.cmpi ne, %get3A_283, %gather3A_393 : vector<16xi32>
          %eq3A_394 = arith.constant 15 : i32
          %eq3A_395 = vector.broadcast %eq3A_394 : i32 to vector<16xi32>
          %eq3A_396 = arith.cmpi eq, %iota3A, %eq3A_395 : vector<16xi32>
          %or3A = arith.ori %ne3A, %eq3A_396 : vector<16xi1>
          %gather3A_397 = tpu.vector_load_idx %arg11[%get3A_283] masked %or3A : memref<10000xf32, #tpu.memory_space<vmem>>[vector<16xi32>], vector<16xf32>, vector<16xi1>
          %max3A_398 = arith.maximumf %gather3A_397, %select_n3A_388 : vector<16xf32>
          tpu.vector_store_idx %arg11[%get3A_283], %max3A_398 masked %or3A : memref<10000xf32, #tpu.memory_space<vmem>>[vector<16xi32>], vector<16xf32>, vector<16xi1>
          %add3A_399 = arith.constant 16 : i32
          %add3A_400 = arith.addi %mul3A_196, %add3A_399 : i32
          %get3A_401 = arith.index_cast %add3A_400 : i32 to index
          %get3A_402 = tpu.vector_load %arg19[%get3A_401] {strides = array<i32>} : memref<2016xi32, #tpu.memory_space<vmem>>, vector<16xi32>,
          %gather3A_403 = tpu.vector_load_idx %arg8[%get3A_402] : memref<10000xf32, #tpu.memory_space<vmem>>[vector<16xi32>], vector<16xf32>,
          %gather3A_404 = tpu.vector_load_idx %arg9[%get3A_402] : memref<10000xf32, #tpu.memory_space<vmem>>[vector<16xi32>], vector<16xf32>,
          %gather3A_405 = tpu.vector_load_idx %arg10[%get3A_402] : memref<10000xf32, #tpu.memory_space<vmem>>[vector<16xi32>], vector<16xf32>,
          %sub3A_406 = arith.subf %get3A_204, %gather3A_403 : vector<16xf32>
          %sub3A_407 = arith.subf %get3A_224, %gather3A_404 : vector<16xf32>
          %sub3A_408 = arith.subf %get3A_244, %gather3A_405 : vector<16xf32>
          %mul3A_409 = arith.mulf %sub3A_406, %sub3A_406 : vector<16xf32>
          %mul3A_410 = arith.mulf %sub3A_407, %sub3A_407 : vector<16xf32>
          %add3A_411 = arith.addf %mul3A_409, %mul3A_410 : vector<16xf32>
          %mul3A_412 = arith.mulf %sub3A_408, %sub3A_408 : vector<16xf32>
          %add3A_413 = arith.addf %add3A_411, %mul3A_412 : vector<16xf32>
          %swap3A_414 = arith.constant 0 : index
          %swap3A_415 = tpu.vector_load %arg20[%swap3A_414] {strides = array<i32>} : memref<16xf32, #tpu.memory_space<vmem>>, vector<16xf32>,
          tpu.vector_store %arg20[%swap3A_414], %add3A_413 {strides = array<i32>} : memref<16xf32, #tpu.memory_space<vmem>>, vector<16xf32>,
          %sub3A_416 = arith.constant 1 : i32
          %sub3A_417 = vector.broadcast %sub3A_416 : i32 to vector<16xi32>
          %sub3A_418 = arith.subi %iota3A, %sub3A_417 : vector<16xi32>
          %max3A_419 = arith.constant 0 : i32
          %max3A_420 = vector.broadcast %max3A_419 : i32 to vector<16xi32>
          %max3A_421 = arith.maxsi %sub3A_418, %max3A_420 : vector<16xi32>
          %gather3A_422 = tpu.vector_load_idx %arg20[%max3A_421] : memref<16xf32, #tpu.memory_space<vmem>>[vector<16xi32>], vector<16xf32>,
          %sub3A_423 = arith.constant 1 : i32
          %sub3A_424 = arith.subi %add3A_400, %sub3A_423 : i32
          %add3A_425 = vector.broadcast %sub3A_424 : i32 to vector<16xi32>
          %add3A_426 = arith.addi %iota3A, %add3A_425 : vector<16xi32>
          %max3A_427 = arith.constant 0 : i32
          %max3A_428 = vector.broadcast %max3A_427 : i32 to vector<16xi32>
          %max3A_429 = arith.maxsi %add3A_426, %max3A_428 : vector<16xi32>
          %gather3A_430 = tpu.vector_load_idx %arg19[%max3A_429] : memref<2016xi32, #tpu.memory_space<vmem>>[vector<16xi32>], vector<16xi32>,
          %ge3A_431 = arith.constant 1 : i32
          %ge3A_432 = vector.broadcast %ge3A_431 : i32 to vector<16xi32>
          %ge3A_433 = arith.cmpi sge, %iota3A, %ge3A_432 : vector<16xi32>
          %eq3A_434 = arith.cmpi eq, %get3A_402, %gather3A_430 : vector<16xi32>
          %and3A_435 = arith.andi %ge3A_433, %eq3A_434 : vector<16xi1>
          %max3A_436 = arith.maximumf %add3A_413, %gather3A_422 : vector<16xf32>
          %select_n3A_437 = arith.select %and3A_435, %max3A_436, %add3A_413 : vector<16xi1>, vector<16xf32>
          %swap3A_438 = arith.constant 0 : index
          %swap3A_439 = tpu.vector_load %arg20[%swap3A_438] {strides = array<i32>} : memref<16xf32, #tpu.memory_space<vmem>>, vector<16xf32>,
          tpu.vector_store %arg20[%swap3A_438], %select_n3A_437 {strides = array<i32>} : memref<16xf32, #tpu.memory_space<vmem>>, vector<16xf32>,
          %sub3A_440 = arith.constant 2 : i32
          %sub3A_441 = vector.broadcast %sub3A_440 : i32 to vector<16xi32>
          %sub3A_442 = arith.subi %iota3A, %sub3A_441 : vector<16xi32>
          %max3A_443 = arith.constant 0 : i32
          %max3A_444 = vector.broadcast %max3A_443 : i32 to vector<16xi32>
          %max3A_445 = arith.maxsi %sub3A_442, %max3A_444 : vector<16xi32>
          %gather3A_446 = tpu.vector_load_idx %arg20[%max3A_445] : memref<16xf32, #tpu.memory_space<vmem>>[vector<16xi32>], vector<16xf32>,
          %sub3A_447 = arith.constant 2 : i32
          %sub3A_448 = arith.subi %add3A_400, %sub3A_447 : i32
          %add3A_449 = vector.broadcast %sub3A_448 : i32 to vector<16xi32>
          %add3A_450 = arith.addi %iota3A, %add3A_449 : vector<16xi32>
          %max3A_451 = arith.constant 0 : i32
          %max3A_452 = vector.broadcast %max3A_451 : i32 to vector<16xi32>
          %max3A_453 = arith.maxsi %add3A_450, %max3A_452 : vector<16xi32>
          %gather3A_454 = tpu.vector_load_idx %arg19[%max3A_453] : memref<2016xi32, #tpu.memory_space<vmem>>[vector<16xi32>], vector<16xi32>,
          %ge3A_455 = arith.constant 2 : i32
          %ge3A_456 = vector.broadcast %ge3A_455 : i32 to vector<16xi32>
          %ge3A_457 = arith.cmpi sge, %iota3A, %ge3A_456 : vector<16xi32>
          %eq3A_458 = arith.cmpi eq, %get3A_402, %gather3A_454 : vector<16xi32>
          %and3A_459 = arith.andi %ge3A_457, %eq3A_458 : vector<16xi1>
          %max3A_460 = arith.maximumf %select_n3A_437, %gather3A_446 : vector<16xf32>
          %select_n3A_461 = arith.select %and3A_459, %max3A_460, %select_n3A_437 : vector<16xi1>, vector<16xf32>
          %swap3A_462 = arith.constant 0 : index
          %swap3A_463 = tpu.vector_load %arg20[%swap3A_462] {strides = array<i32>} : memref<16xf32, #tpu.memory_space<vmem>>, vector<16xf32>,
          tpu.vector_store %arg20[%swap3A_462], %select_n3A_461 {strides = array<i32>} : memref<16xf32, #tpu.memory_space<vmem>>, vector<16xf32>,
          %sub3A_464 = arith.constant 4 : i32
          %sub3A_465 = vector.broadcast %sub3A_464 : i32 to vector<16xi32>
          %sub3A_466 = arith.subi %iota3A, %sub3A_465 : vector<16xi32>
          %max3A_467 = arith.constant 0 : i32
          %max3A_468 = vector.broadcast %max3A_467 : i32 to vector<16xi32>
          %max3A_469 = arith.maxsi %sub3A_466, %max3A_468 : vector<16xi32>
          %gather3A_470 = tpu.vector_load_idx %arg20[%max3A_469] : memref<16xf32, #tpu.memory_space<vmem>>[vector<16xi32>], vector<16xf32>,
          %sub3A_471 = arith.constant 4 : i32
          %sub3A_472 = arith.subi %add3A_400, %sub3A_471 : i32
          %add3A_473 = vector.broadcast %sub3A_472 : i32 to vector<16xi32>
          %add3A_474 = arith.addi %iota3A, %add3A_473 : vector<16xi32>
          %max3A_475 = arith.constant 0 : i32
          %max3A_476 = vector.broadcast %max3A_475 : i32 to vector<16xi32>
          %max3A_477 = arith.maxsi %add3A_474, %max3A_476 : vector<16xi32>
          %gather3A_478 = tpu.vector_load_idx %arg19[%max3A_477] : memref<2016xi32, #tpu.memory_space<vmem>>[vector<16xi32>], vector<16xi32>,
          %ge3A_479 = arith.constant 4 : i32
          %ge3A_480 = vector.broadcast %ge3A_479 : i32 to vector<16xi32>
          %ge3A_481 = arith.cmpi sge, %iota3A, %ge3A_480 : vector<16xi32>
          %eq3A_482 = arith.cmpi eq, %get3A_402, %gather3A_478 : vector<16xi32>
          %and3A_483 = arith.andi %ge3A_481, %eq3A_482 : vector<16xi1>
          %max3A_484 = arith.maximumf %select_n3A_461, %gather3A_470 : vector<16xf32>
          %select_n3A_485 = arith.select %and3A_483, %max3A_484, %select_n3A_461 : vector<16xi1>, vector<16xf32>
          %swap3A_486 = arith.constant 0 : index
          %swap3A_487 = tpu.vector_load %arg20[%swap3A_486] {strides = array<i32>} : memref<16xf32, #tpu.memory_space<vmem>>, vector<16xf32>,
          tpu.vector_store %arg20[%swap3A_486], %select_n3A_485 {strides = array<i32>} : memref<16xf32, #tpu.memory_space<vmem>>, vector<16xf32>,
          %sub3A_488 = arith.constant 8 : i32
          %sub3A_489 = vector.broadcast %sub3A_488 : i32 to vector<16xi32>
          %sub3A_490 = arith.subi %iota3A, %sub3A_489 : vector<16xi32>
          %max3A_491 = arith.constant 0 : i32
          %max3A_492 = vector.broadcast %max3A_491 : i32 to vector<16xi32>
          %max3A_493 = arith.maxsi %sub3A_490, %max3A_492 : vector<16xi32>
          %gather3A_494 = tpu.vector_load_idx %arg20[%max3A_493] : memref<16xf32, #tpu.memory_space<vmem>>[vector<16xi32>], vector<16xf32>,
          %sub3A_495 = arith.constant 8 : i32
          %sub3A_496 = arith.subi %add3A_400, %sub3A_495 : i32
          %add3A_497 = vector.broadcast %sub3A_496 : i32 to vector<16xi32>
          %add3A_498 = arith.addi %iota3A, %add3A_497 : vector<16xi32>
          %max3A_499 = arith.constant 0 : i32
          %max3A_500 = vector.broadcast %max3A_499 : i32 to vector<16xi32>
          %max3A_501 = arith.maxsi %add3A_498, %max3A_500 : vector<16xi32>
          %gather3A_502 = tpu.vector_load_idx %arg19[%max3A_501] : memref<2016xi32, #tpu.memory_space<vmem>>[vector<16xi32>], vector<16xi32>,
          %ge3A_503 = arith.constant 8 : i32
          %ge3A_504 = vector.broadcast %ge3A_503 : i32 to vector<16xi32>
          %ge3A_505 = arith.cmpi sge, %iota3A, %ge3A_504 : vector<16xi32>
          %eq3A_506 = arith.cmpi eq, %get3A_402, %gather3A_502 : vector<16xi32>
          %and3A_507 = arith.andi %ge3A_505, %eq3A_506 : vector<16xi1>
          %max3A_508 = arith.maximumf %select_n3A_485, %gather3A_494 : vector<16xf32>
          %select_n3A_509 = arith.select %and3A_507, %max3A_508, %select_n3A_485 : vector<16xi1>, vector<16xf32>
          %add3A_510 = arith.constant 1 : i32
          %add3A_511 = arith.addi %add3A_400, %add3A_510 : i32
          %add3A_512 = vector.broadcast %add3A_511 : i32 to vector<16xi32>
          %add3A_513 = arith.addi %iota3A, %add3A_512 : vector<16xi32>
          %gather3A_514 = tpu.vector_load_idx %arg19[%add3A_513] : memref<2016xi32, #tpu.memory_space<vmem>>[vector<16xi32>], vector<16xi32>,
          %ne3A_515 = arith.cmpi ne, %get3A_402, %gather3A_514 : vector<16xi32>
          %eq3A_516 = arith.constant 15 : i32
          %eq3A_517 = vector.broadcast %eq3A_516 : i32 to vector<16xi32>
          %eq3A_518 = arith.cmpi eq, %iota3A, %eq3A_517 : vector<16xi32>
          %or3A_519 = arith.ori %ne3A_515, %eq3A_518 : vector<16xi1>
          %gather3A_520 = tpu.vector_load_idx %arg11[%get3A_402] masked %or3A_519 : memref<10000xf32, #tpu.memory_space<vmem>>[vector<16xi32>], vector<16xf32>, vector<16xi1>
          %max3A_521 = arith.maximumf %gather3A_520, %select_n3A_509 : vector<16xf32>
          tpu.vector_store_idx %arg11[%get3A_402], %max3A_521 masked %or3A_519 : memref<10000xf32, #tpu.memory_space<vmem>>[vector<16xi32>], vector<16xf32>, vector<16xi1>
          %add3A_522 = arith.constant 32 : i32
          %add3A_523 = arith.addi %mul3A_196, %add3A_522 : i32
          %get3A_524 = arith.index_cast %add3A_523 : i32 to index
          %get3A_525 = tpu.vector_load %arg19[%get3A_524] {strides = array<i32>} : memref<2016xi32, #tpu.memory_space<vmem>>, vector<16xi32>,
          %gather3A_526 = tpu.vector_load_idx %arg8[%get3A_525] : memref<10000xf32, #tpu.memory_space<vmem>>[vector<16xi32>], vector<16xf32>,
          %gather3A_527 = tpu.vector_load_idx %arg9[%get3A_525] : memref<10000xf32, #tpu.memory_space<vmem>>[vector<16xi32>], vector<16xf32>,
          %gather3A_528 = tpu.vector_load_idx %arg10[%get3A_525] : memref<10000xf32, #tpu.memory_space<vmem>>[vector<16xi32>], vector<16xf32>,
          %sub3A_529 = arith.subf %get3A_208, %gather3A_526 : vector<16xf32>
          %sub3A_530 = arith.subf %get3A_228, %gather3A_527 : vector<16xf32>
          %sub3A_531 = arith.subf %get3A_248, %gather3A_528 : vector<16xf32>
          %mul3A_532 = arith.mulf %sub3A_529, %sub3A_529 : vector<16xf32>
          %mul3A_533 = arith.mulf %sub3A_530, %sub3A_530 : vector<16xf32>
          %add3A_534 = arith.addf %mul3A_532, %mul3A_533 : vector<16xf32>
          %mul3A_535 = arith.mulf %sub3A_531, %sub3A_531 : vector<16xf32>
          %add3A_536 = arith.addf %add3A_534, %mul3A_535 : vector<16xf32>
          %swap3A_537 = arith.constant 0 : index
          %swap3A_538 = tpu.vector_load %arg20[%swap3A_537] {strides = array<i32>} : memref<16xf32, #tpu.memory_space<vmem>>, vector<16xf32>,
          tpu.vector_store %arg20[%swap3A_537], %add3A_536 {strides = array<i32>} : memref<16xf32, #tpu.memory_space<vmem>>, vector<16xf32>,
          %sub3A_539 = arith.constant 1 : i32
          %sub3A_540 = vector.broadcast %sub3A_539 : i32 to vector<16xi32>
          %sub3A_541 = arith.subi %iota3A, %sub3A_540 : vector<16xi32>
          %max3A_542 = arith.constant 0 : i32
          %max3A_543 = vector.broadcast %max3A_542 : i32 to vector<16xi32>
          %max3A_544 = arith.maxsi %sub3A_541, %max3A_543 : vector<16xi32>
          %gather3A_545 = tpu.vector_load_idx %arg20[%max3A_544] : memref<16xf32, #tpu.memory_space<vmem>>[vector<16xi32>], vector<16xf32>,
          %sub3A_546 = arith.constant 1 : i32
          %sub3A_547 = arith.subi %add3A_523, %sub3A_546 : i32
          %add3A_548 = vector.broadcast %sub3A_547 : i32 to vector<16xi32>
          %add3A_549 = arith.addi %iota3A, %add3A_548 : vector<16xi32>
          %max3A_550 = arith.constant 0 : i32
          %max3A_551 = vector.broadcast %max3A_550 : i32 to vector<16xi32>
          %max3A_552 = arith.maxsi %add3A_549, %max3A_551 : vector<16xi32>
          %gather3A_553 = tpu.vector_load_idx %arg19[%max3A_552] : memref<2016xi32, #tpu.memory_space<vmem>>[vector<16xi32>], vector<16xi32>,
          %ge3A_554 = arith.constant 1 : i32
          %ge3A_555 = vector.broadcast %ge3A_554 : i32 to vector<16xi32>
          %ge3A_556 = arith.cmpi sge, %iota3A, %ge3A_555 : vector<16xi32>
          %eq3A_557 = arith.cmpi eq, %get3A_525, %gather3A_553 : vector<16xi32>
          %and3A_558 = arith.andi %ge3A_556, %eq3A_557 : vector<16xi1>
          %max3A_559 = arith.maximumf %add3A_536, %gather3A_545 : vector<16xf32>
          %select_n3A_560 = arith.select %and3A_558, %max3A_559, %add3A_536 : vector<16xi1>, vector<16xf32>
          %swap3A_561 = arith.constant 0 : index
          %swap3A_562 = tpu.vector_load %arg20[%swap3A_561] {strides = array<i32>} : memref<16xf32, #tpu.memory_space<vmem>>, vector<16xf32>,
          tpu.vector_store %arg20[%swap3A_561], %select_n3A_560 {strides = array<i32>} : memref<16xf32, #tpu.memory_space<vmem>>, vector<16xf32>,
          %sub3A_563 = arith.constant 2 : i32
          %sub3A_564 = vector.broadcast %sub3A_563 : i32 to vector<16xi32>
          %sub3A_565 = arith.subi %iota3A, %sub3A_564 : vector<16xi32>
          %max3A_566 = arith.constant 0 : i32
          %max3A_567 = vector.broadcast %max3A_566 : i32 to vector<16xi32>
          %max3A_568 = arith.maxsi %sub3A_565, %max3A_567 : vector<16xi32>
          %gather3A_569 = tpu.vector_load_idx %arg20[%max3A_568] : memref<16xf32, #tpu.memory_space<vmem>>[vector<16xi32>], vector<16xf32>,
          %sub3A_570 = arith.constant 2 : i32
          %sub3A_571 = arith.subi %add3A_523, %sub3A_570 : i32
          %add3A_572 = vector.broadcast %sub3A_571 : i32 to vector<16xi32>
          %add3A_573 = arith.addi %iota3A, %add3A_572 : vector<16xi32>
          %max3A_574 = arith.constant 0 : i32
          %max3A_575 = vector.broadcast %max3A_574 : i32 to vector<16xi32>
          %max3A_576 = arith.maxsi %add3A_573, %max3A_575 : vector<16xi32>
          %gather3A_577 = tpu.vector_load_idx %arg19[%max3A_576] : memref<2016xi32, #tpu.memory_space<vmem>>[vector<16xi32>], vector<16xi32>,
          %ge3A_578 = arith.constant 2 : i32
          %ge3A_579 = vector.broadcast %ge3A_578 : i32 to vector<16xi32>
          %ge3A_580 = arith.cmpi sge, %iota3A, %ge3A_579 : vector<16xi32>
          %eq3A_581 = arith.cmpi eq, %get3A_525, %gather3A_577 : vector<16xi32>
          %and3A_582 = arith.andi %ge3A_580, %eq3A_581 : vector<16xi1>
          %max3A_583 = arith.maximumf %select_n3A_560, %gather3A_569 : vector<16xf32>
          %select_n3A_584 = arith.select %and3A_582, %max3A_583, %select_n3A_560 : vector<16xi1>, vector<16xf32>
          %swap3A_585 = arith.constant 0 : index
          %swap3A_586 = tpu.vector_load %arg20[%swap3A_585] {strides = array<i32>} : memref<16xf32, #tpu.memory_space<vmem>>, vector<16xf32>,
          tpu.vector_store %arg20[%swap3A_585], %select_n3A_584 {strides = array<i32>} : memref<16xf32, #tpu.memory_space<vmem>>, vector<16xf32>,
          %sub3A_587 = arith.constant 4 : i32
          %sub3A_588 = vector.broadcast %sub3A_587 : i32 to vector<16xi32>
          %sub3A_589 = arith.subi %iota3A, %sub3A_588 : vector<16xi32>
          %max3A_590 = arith.constant 0 : i32
          %max3A_591 = vector.broadcast %max3A_590 : i32 to vector<16xi32>
          %max3A_592 = arith.maxsi %sub3A_589, %max3A_591 : vector<16xi32>
          %gather3A_593 = tpu.vector_load_idx %arg20[%max3A_592] : memref<16xf32, #tpu.memory_space<vmem>>[vector<16xi32>], vector<16xf32>,
          %sub3A_594 = arith.constant 4 : i32
          %sub3A_595 = arith.subi %add3A_523, %sub3A_594 : i32
          %add3A_596 = vector.broadcast %sub3A_595 : i32 to vector<16xi32>
          %add3A_597 = arith.addi %iota3A, %add3A_596 : vector<16xi32>
          %max3A_598 = arith.constant 0 : i32
          %max3A_599 = vector.broadcast %max3A_598 : i32 to vector<16xi32>
          %max3A_600 = arith.maxsi %add3A_597, %max3A_599 : vector<16xi32>
          %gather3A_601 = tpu.vector_load_idx %arg19[%max3A_600] : memref<2016xi32, #tpu.memory_space<vmem>>[vector<16xi32>], vector<16xi32>,
          %ge3A_602 = arith.constant 4 : i32
          %ge3A_603 = vector.broadcast %ge3A_602 : i32 to vector<16xi32>
          %ge3A_604 = arith.cmpi sge, %iota3A, %ge3A_603 : vector<16xi32>
          %eq3A_605 = arith.cmpi eq, %get3A_525, %gather3A_601 : vector<16xi32>
          %and3A_606 = arith.andi %ge3A_604, %eq3A_605 : vector<16xi1>
          %max3A_607 = arith.maximumf %select_n3A_584, %gather3A_593 : vector<16xf32>
          %select_n3A_608 = arith.select %and3A_606, %max3A_607, %select_n3A_584 : vector<16xi1>, vector<16xf32>
          %swap3A_609 = arith.constant 0 : index
          %swap3A_610 = tpu.vector_load %arg20[%swap3A_609] {strides = array<i32>} : memref<16xf32, #tpu.memory_space<vmem>>, vector<16xf32>,
          tpu.vector_store %arg20[%swap3A_609], %select_n3A_608 {strides = array<i32>} : memref<16xf32, #tpu.memory_space<vmem>>, vector<16xf32>,
          %sub3A_611 = arith.constant 8 : i32
          %sub3A_612 = vector.broadcast %sub3A_611 : i32 to vector<16xi32>
          %sub3A_613 = arith.subi %iota3A, %sub3A_612 : vector<16xi32>
          %max3A_614 = arith.constant 0 : i32
          %max3A_615 = vector.broadcast %max3A_614 : i32 to vector<16xi32>
          %max3A_616 = arith.maxsi %sub3A_613, %max3A_615 : vector<16xi32>
          %gather3A_617 = tpu.vector_load_idx %arg20[%max3A_616] : memref<16xf32, #tpu.memory_space<vmem>>[vector<16xi32>], vector<16xf32>,
          %sub3A_618 = arith.constant 8 : i32
          %sub3A_619 = arith.subi %add3A_523, %sub3A_618 : i32
          %add3A_620 = vector.broadcast %sub3A_619 : i32 to vector<16xi32>
          %add3A_621 = arith.addi %iota3A, %add3A_620 : vector<16xi32>
          %max3A_622 = arith.constant 0 : i32
          %max3A_623 = vector.broadcast %max3A_622 : i32 to vector<16xi32>
          %max3A_624 = arith.maxsi %add3A_621, %max3A_623 : vector<16xi32>
          %gather3A_625 = tpu.vector_load_idx %arg19[%max3A_624] : memref<2016xi32, #tpu.memory_space<vmem>>[vector<16xi32>], vector<16xi32>,
          %ge3A_626 = arith.constant 8 : i32
          %ge3A_627 = vector.broadcast %ge3A_626 : i32 to vector<16xi32>
          %ge3A_628 = arith.cmpi sge, %iota3A, %ge3A_627 : vector<16xi32>
          %eq3A_629 = arith.cmpi eq, %get3A_525, %gather3A_625 : vector<16xi32>
          %and3A_630 = arith.andi %ge3A_628, %eq3A_629 : vector<16xi1>
          %max3A_631 = arith.maximumf %select_n3A_608, %gather3A_617 : vector<16xf32>
          %select_n3A_632 = arith.select %and3A_630, %max3A_631, %select_n3A_608 : vector<16xi1>, vector<16xf32>
          %add3A_633 = arith.constant 1 : i32
          %add3A_634 = arith.addi %add3A_523, %add3A_633 : i32
          %add3A_635 = vector.broadcast %add3A_634 : i32 to vector<16xi32>
          %add3A_636 = arith.addi %iota3A, %add3A_635 : vector<16xi32>
          %gather3A_637 = tpu.vector_load_idx %arg19[%add3A_636] : memref<2016xi32, #tpu.memory_space<vmem>>[vector<16xi32>], vector<16xi32>,
          %ne3A_638 = arith.cmpi ne, %get3A_525, %gather3A_637 : vector<16xi32>
          %eq3A_639 = arith.constant 15 : i32
          %eq3A_640 = vector.broadcast %eq3A_639 : i32 to vector<16xi32>
          %eq3A_641 = arith.cmpi eq, %iota3A, %eq3A_640 : vector<16xi32>
          %or3A_642 = arith.ori %ne3A_638, %eq3A_641 : vector<16xi1>
          %gather3A_643 = tpu.vector_load_idx %arg11[%get3A_525] masked %or3A_642 : memref<10000xf32, #tpu.memory_space<vmem>>[vector<16xi32>], vector<16xf32>, vector<16xi1>
          %max3A_644 = arith.maximumf %gather3A_643, %select_n3A_632 : vector<16xf32>
          tpu.vector_store_idx %arg11[%get3A_525], %max3A_644 masked %or3A_642 : memref<10000xf32, #tpu.memory_space<vmem>>[vector<16xi32>], vector<16xf32>, vector<16xi1>
          %add3A_645 = arith.constant 48 : i32
          %add3A_646 = arith.addi %mul3A_196, %add3A_645 : i32
          %get3A_647 = arith.index_cast %add3A_646 : i32 to index
          %get3A_648 = tpu.vector_load %arg19[%get3A_647] {strides = array<i32>} : memref<2016xi32, #tpu.memory_space<vmem>>, vector<16xi32>,
          %gather3A_649 = tpu.vector_load_idx %arg8[%get3A_648] : memref<10000xf32, #tpu.memory_space<vmem>>[vector<16xi32>], vector<16xf32>,
          %gather3A_650 = tpu.vector_load_idx %arg9[%get3A_648] : memref<10000xf32, #tpu.memory_space<vmem>>[vector<16xi32>], vector<16xf32>,
          %gather3A_651 = tpu.vector_load_idx %arg10[%get3A_648] : memref<10000xf32, #tpu.memory_space<vmem>>[vector<16xi32>], vector<16xf32>,
          %sub3A_652 = arith.subf %get3A_212, %gather3A_649 : vector<16xf32>
          %sub3A_653 = arith.subf %get3A_232, %gather3A_650 : vector<16xf32>
          %sub3A_654 = arith.subf %get3A_252, %gather3A_651 : vector<16xf32>
          %mul3A_655 = arith.mulf %sub3A_652, %sub3A_652 : vector<16xf32>
          %mul3A_656 = arith.mulf %sub3A_653, %sub3A_653 : vector<16xf32>
          %add3A_657 = arith.addf %mul3A_655, %mul3A_656 : vector<16xf32>
          %mul3A_658 = arith.mulf %sub3A_654, %sub3A_654 : vector<16xf32>
          %add3A_659 = arith.addf %add3A_657, %mul3A_658 : vector<16xf32>
          %swap3A_660 = arith.constant 0 : index
          %swap3A_661 = tpu.vector_load %arg20[%swap3A_660] {strides = array<i32>} : memref<16xf32, #tpu.memory_space<vmem>>, vector<16xf32>,
          tpu.vector_store %arg20[%swap3A_660], %add3A_659 {strides = array<i32>} : memref<16xf32, #tpu.memory_space<vmem>>, vector<16xf32>,
          %sub3A_662 = arith.constant 1 : i32
          %sub3A_663 = vector.broadcast %sub3A_662 : i32 to vector<16xi32>
          %sub3A_664 = arith.subi %iota3A, %sub3A_663 : vector<16xi32>
          %max3A_665 = arith.constant 0 : i32
          %max3A_666 = vector.broadcast %max3A_665 : i32 to vector<16xi32>
          %max3A_667 = arith.maxsi %sub3A_664, %max3A_666 : vector<16xi32>
          %gather3A_668 = tpu.vector_load_idx %arg20[%max3A_667] : memref<16xf32, #tpu.memory_space<vmem>>[vector<16xi32>], vector<16xf32>,
          %sub3A_669 = arith.constant 1 : i32
          %sub3A_670 = arith.subi %add3A_646, %sub3A_669 : i32
          %add3A_671 = vector.broadcast %sub3A_670 : i32 to vector<16xi32>
          %add3A_672 = arith.addi %iota3A, %add3A_671 : vector<16xi32>
          %max3A_673 = arith.constant 0 : i32
          %max3A_674 = vector.broadcast %max3A_673 : i32 to vector<16xi32>
          %max3A_675 = arith.maxsi %add3A_672, %max3A_674 : vector<16xi32>
          %gather3A_676 = tpu.vector_load_idx %arg19[%max3A_675] : memref<2016xi32, #tpu.memory_space<vmem>>[vector<16xi32>], vector<16xi32>,
          %ge3A_677 = arith.constant 1 : i32
          %ge3A_678 = vector.broadcast %ge3A_677 : i32 to vector<16xi32>
          %ge3A_679 = arith.cmpi sge, %iota3A, %ge3A_678 : vector<16xi32>
          %eq3A_680 = arith.cmpi eq, %get3A_648, %gather3A_676 : vector<16xi32>
          %and3A_681 = arith.andi %ge3A_679, %eq3A_680 : vector<16xi1>
          %max3A_682 = arith.maximumf %add3A_659, %gather3A_668 : vector<16xf32>
          %select_n3A_683 = arith.select %and3A_681, %max3A_682, %add3A_659 : vector<16xi1>, vector<16xf32>
          %swap3A_684 = arith.constant 0 : index
          %swap3A_685 = tpu.vector_load %arg20[%swap3A_684] {strides = array<i32>} : memref<16xf32, #tpu.memory_space<vmem>>, vector<16xf32>,
          tpu.vector_store %arg20[%swap3A_684], %select_n3A_683 {strides = array<i32>} : memref<16xf32, #tpu.memory_space<vmem>>, vector<16xf32>,
          %sub3A_686 = arith.constant 2 : i32
          %sub3A_687 = vector.broadcast %sub3A_686 : i32 to vector<16xi32>
          %sub3A_688 = arith.subi %iota3A, %sub3A_687 : vector<16xi32>
          %max3A_689 = arith.constant 0 : i32
          %max3A_690 = vector.broadcast %max3A_689 : i32 to vector<16xi32>
          %max3A_691 = arith.maxsi %sub3A_688, %max3A_690 : vector<16xi32>
          %gather3A_692 = tpu.vector_load_idx %arg20[%max3A_691] : memref<16xf32, #tpu.memory_space<vmem>>[vector<16xi32>], vector<16xf32>,
          %sub3A_693 = arith.constant 2 : i32
          %sub3A_694 = arith.subi %add3A_646, %sub3A_693 : i32
          %add3A_695 = vector.broadcast %sub3A_694 : i32 to vector<16xi32>
          %add3A_696 = arith.addi %iota3A, %add3A_695 : vector<16xi32>
          %max3A_697 = arith.constant 0 : i32
          %max3A_698 = vector.broadcast %max3A_697 : i32 to vector<16xi32>
          %max3A_699 = arith.maxsi %add3A_696, %max3A_698 : vector<16xi32>
          %gather3A_700 = tpu.vector_load_idx %arg19[%max3A_699] : memref<2016xi32, #tpu.memory_space<vmem>>[vector<16xi32>], vector<16xi32>,
          %ge3A_701 = arith.constant 2 : i32
          %ge3A_702 = vector.broadcast %ge3A_701 : i32 to vector<16xi32>
          %ge3A_703 = arith.cmpi sge, %iota3A, %ge3A_702 : vector<16xi32>
          %eq3A_704 = arith.cmpi eq, %get3A_648, %gather3A_700 : vector<16xi32>
          %and3A_705 = arith.andi %ge3A_703, %eq3A_704 : vector<16xi1>
          %max3A_706 = arith.maximumf %select_n3A_683, %gather3A_692 : vector<16xf32>
          %select_n3A_707 = arith.select %and3A_705, %max3A_706, %select_n3A_683 : vector<16xi1>, vector<16xf32>
          %swap3A_708 = arith.constant 0 : index
          %swap3A_709 = tpu.vector_load %arg20[%swap3A_708] {strides = array<i32>} : memref<16xf32, #tpu.memory_space<vmem>>, vector<16xf32>,
          tpu.vector_store %arg20[%swap3A_708], %select_n3A_707 {strides = array<i32>} : memref<16xf32, #tpu.memory_space<vmem>>, vector<16xf32>,
          %sub3A_710 = arith.constant 4 : i32
          %sub3A_711 = vector.broadcast %sub3A_710 : i32 to vector<16xi32>
          %sub3A_712 = arith.subi %iota3A, %sub3A_711 : vector<16xi32>
          %max3A_713 = arith.constant 0 : i32
          %max3A_714 = vector.broadcast %max3A_713 : i32 to vector<16xi32>
          %max3A_715 = arith.maxsi %sub3A_712, %max3A_714 : vector<16xi32>
          %gather3A_716 = tpu.vector_load_idx %arg20[%max3A_715] : memref<16xf32, #tpu.memory_space<vmem>>[vector<16xi32>], vector<16xf32>,
          %sub3A_717 = arith.constant 4 : i32
          %sub3A_718 = arith.subi %add3A_646, %sub3A_717 : i32
          %add3A_719 = vector.broadcast %sub3A_718 : i32 to vector<16xi32>
          %add3A_720 = arith.addi %iota3A, %add3A_719 : vector<16xi32>
          %max3A_721 = arith.constant 0 : i32
          %max3A_722 = vector.broadcast %max3A_721 : i32 to vector<16xi32>
          %max3A_723 = arith.maxsi %add3A_720, %max3A_722 : vector<16xi32>
          %gather3A_724 = tpu.vector_load_idx %arg19[%max3A_723] : memref<2016xi32, #tpu.memory_space<vmem>>[vector<16xi32>], vector<16xi32>,
          %ge3A_725 = arith.constant 4 : i32
          %ge3A_726 = vector.broadcast %ge3A_725 : i32 to vector<16xi32>
          %ge3A_727 = arith.cmpi sge, %iota3A, %ge3A_726 : vector<16xi32>
          %eq3A_728 = arith.cmpi eq, %get3A_648, %gather3A_724 : vector<16xi32>
          %and3A_729 = arith.andi %ge3A_727, %eq3A_728 : vector<16xi1>
          %max3A_730 = arith.maximumf %select_n3A_707, %gather3A_716 : vector<16xf32>
          %select_n3A_731 = arith.select %and3A_729, %max3A_730, %select_n3A_707 : vector<16xi1>, vector<16xf32>
          %swap3A_732 = arith.constant 0 : index
          %swap3A_733 = tpu.vector_load %arg20[%swap3A_732] {strides = array<i32>} : memref<16xf32, #tpu.memory_space<vmem>>, vector<16xf32>,
          tpu.vector_store %arg20[%swap3A_732], %select_n3A_731 {strides = array<i32>} : memref<16xf32, #tpu.memory_space<vmem>>, vector<16xf32>,
          %sub3A_734 = arith.constant 8 : i32
          %sub3A_735 = vector.broadcast %sub3A_734 : i32 to vector<16xi32>
          %sub3A_736 = arith.subi %iota3A, %sub3A_735 : vector<16xi32>
          %max3A_737 = arith.constant 0 : i32
          %max3A_738 = vector.broadcast %max3A_737 : i32 to vector<16xi32>
          %max3A_739 = arith.maxsi %sub3A_736, %max3A_738 : vector<16xi32>
          %gather3A_740 = tpu.vector_load_idx %arg20[%max3A_739] : memref<16xf32, #tpu.memory_space<vmem>>[vector<16xi32>], vector<16xf32>,
          %sub3A_741 = arith.constant 8 : i32
          %sub3A_742 = arith.subi %add3A_646, %sub3A_741 : i32
          %add3A_743 = vector.broadcast %sub3A_742 : i32 to vector<16xi32>
          %add3A_744 = arith.addi %iota3A, %add3A_743 : vector<16xi32>
          %max3A_745 = arith.constant 0 : i32
          %max3A_746 = vector.broadcast %max3A_745 : i32 to vector<16xi32>
          %max3A_747 = arith.maxsi %add3A_744, %max3A_746 : vector<16xi32>
          %gather3A_748 = tpu.vector_load_idx %arg19[%max3A_747] : memref<2016xi32, #tpu.memory_space<vmem>>[vector<16xi32>], vector<16xi32>,
          %ge3A_749 = arith.constant 8 : i32
          %ge3A_750 = vector.broadcast %ge3A_749 : i32 to vector<16xi32>
          %ge3A_751 = arith.cmpi sge, %iota3A, %ge3A_750 : vector<16xi32>
          %eq3A_752 = arith.cmpi eq, %get3A_648, %gather3A_748 : vector<16xi32>
          %and3A_753 = arith.andi %ge3A_751, %eq3A_752 : vector<16xi1>
          %max3A_754 = arith.maximumf %select_n3A_731, %gather3A_740 : vector<16xf32>
          %select_n3A_755 = arith.select %and3A_753, %max3A_754, %select_n3A_731 : vector<16xi1>, vector<16xf32>
          %add3A_756 = arith.constant 1 : i32
          %add3A_757 = arith.addi %add3A_646, %add3A_756 : i32
          %add3A_758 = vector.broadcast %add3A_757 : i32 to vector<16xi32>
          %add3A_759 = arith.addi %iota3A, %add3A_758 : vector<16xi32>
          %gather3A_760 = tpu.vector_load_idx %arg19[%add3A_759] : memref<2016xi32, #tpu.memory_space<vmem>>[vector<16xi32>], vector<16xi32>,
          %ne3A_761 = arith.cmpi ne, %get3A_648, %gather3A_760 : vector<16xi32>
          %eq3A_762 = arith.constant 15 : i32
          %eq3A_763 = vector.broadcast %eq3A_762 : i32 to vector<16xi32>
          %eq3A_764 = arith.cmpi eq, %iota3A, %eq3A_763 : vector<16xi32>
          %or3A_765 = arith.ori %ne3A_761, %eq3A_764 : vector<16xi1>
          %gather3A_766 = tpu.vector_load_idx %arg11[%get3A_648] masked %or3A_765 : memref<10000xf32, #tpu.memory_space<vmem>>[vector<16xi32>], vector<16xf32>, vector<16xi1>
          %max3A_767 = arith.maximumf %gather3A_766, %select_n3A_755 : vector<16xf32>
          tpu.vector_store_idx %arg11[%get3A_648], %max3A_767 masked %or3A_765 : memref<10000xf32, #tpu.memory_space<vmem>>[vector<16xi32>], vector<16xf32>, vector<16xi1>
          %add3A_768 = arith.constant 64 : i32
          %add3A_769 = arith.addi %mul3A_196, %add3A_768 : i32
          %get3A_770 = arith.index_cast %add3A_769 : i32 to index
          %get3A_771 = tpu.vector_load %arg19[%get3A_770] {strides = array<i32>} : memref<2016xi32, #tpu.memory_space<vmem>>, vector<16xi32>,
          %gather3A_772 = tpu.vector_load_idx %arg8[%get3A_771] : memref<10000xf32, #tpu.memory_space<vmem>>[vector<16xi32>], vector<16xf32>,
          %gather3A_773 = tpu.vector_load_idx %arg9[%get3A_771] : memref<10000xf32, #tpu.memory_space<vmem>>[vector<16xi32>], vector<16xf32>,
          %gather3A_774 = tpu.vector_load_idx %arg10[%get3A_771] : memref<10000xf32, #tpu.memory_space<vmem>>[vector<16xi32>], vector<16xf32>,
          %sub3A_775 = arith.subf %get3A_216, %gather3A_772 : vector<16xf32>
          %sub3A_776 = arith.subf %get3A_236, %gather3A_773 : vector<16xf32>
          %sub3A_777 = arith.subf %get3A_256, %gather3A_774 : vector<16xf32>
          %mul3A_778 = arith.mulf %sub3A_775, %sub3A_775 : vector<16xf32>
          %mul3A_779 = arith.mulf %sub3A_776, %sub3A_776 : vector<16xf32>
          %add3A_780 = arith.addf %mul3A_778, %mul3A_779 : vector<16xf32>
          %mul3A_781 = arith.mulf %sub3A_777, %sub3A_777 : vector<16xf32>
          %add3A_782 = arith.addf %add3A_780, %mul3A_781 : vector<16xf32>
          %swap3A_783 = arith.constant 0 : index
          %swap3A_784 = tpu.vector_load %arg20[%swap3A_783] {strides = array<i32>} : memref<16xf32, #tpu.memory_space<vmem>>, vector<16xf32>,
          tpu.vector_store %arg20[%swap3A_783], %add3A_782 {strides = array<i32>} : memref<16xf32, #tpu.memory_space<vmem>>, vector<16xf32>,
          %sub3A_785 = arith.constant 1 : i32
          %sub3A_786 = vector.broadcast %sub3A_785 : i32 to vector<16xi32>
          %sub3A_787 = arith.subi %iota3A, %sub3A_786 : vector<16xi32>
          %max3A_788 = arith.constant 0 : i32
          %max3A_789 = vector.broadcast %max3A_788 : i32 to vector<16xi32>
          %max3A_790 = arith.maxsi %sub3A_787, %max3A_789 : vector<16xi32>
          %gather3A_791 = tpu.vector_load_idx %arg20[%max3A_790] : memref<16xf32, #tpu.memory_space<vmem>>[vector<16xi32>], vector<16xf32>,
          %sub3A_792 = arith.constant 1 : i32
          %sub3A_793 = arith.subi %add3A_769, %sub3A_792 : i32
          %add3A_794 = vector.broadcast %sub3A_793 : i32 to vector<16xi32>
          %add3A_795 = arith.addi %iota3A, %add3A_794 : vector<16xi32>
          %max3A_796 = arith.constant 0 : i32
          %max3A_797 = vector.broadcast %max3A_796 : i32 to vector<16xi32>
          %max3A_798 = arith.maxsi %add3A_795, %max3A_797 : vector<16xi32>
          %gather3A_799 = tpu.vector_load_idx %arg19[%max3A_798] : memref<2016xi32, #tpu.memory_space<vmem>>[vector<16xi32>], vector<16xi32>,
          %ge3A_800 = arith.constant 1 : i32
          %ge3A_801 = vector.broadcast %ge3A_800 : i32 to vector<16xi32>
          %ge3A_802 = arith.cmpi sge, %iota3A, %ge3A_801 : vector<16xi32>
          %eq3A_803 = arith.cmpi eq, %get3A_771, %gather3A_799 : vector<16xi32>
          %and3A_804 = arith.andi %ge3A_802, %eq3A_803 : vector<16xi1>
          %max3A_805 = arith.maximumf %add3A_782, %gather3A_791 : vector<16xf32>
          %select_n3A_806 = arith.select %and3A_804, %max3A_805, %add3A_782 : vector<16xi1>, vector<16xf32>
          %swap3A_807 = arith.constant 0 : index
          %swap3A_808 = tpu.vector_load %arg20[%swap3A_807] {strides = array<i32>} : memref<16xf32, #tpu.memory_space<vmem>>, vector<16xf32>,
          tpu.vector_store %arg20[%swap3A_807], %select_n3A_806 {strides = array<i32>} : memref<16xf32, #tpu.memory_space<vmem>>, vector<16xf32>,
          %sub3A_809 = arith.constant 2 : i32
          %sub3A_810 = vector.broadcast %sub3A_809 : i32 to vector<16xi32>
          %sub3A_811 = arith.subi %iota3A, %sub3A_810 : vector<16xi32>
          %max3A_812 = arith.constant 0 : i32
          %max3A_813 = vector.broadcast %max3A_812 : i32 to vector<16xi32>
          %max3A_814 = arith.maxsi %sub3A_811, %max3A_813 : vector<16xi32>
          %gather3A_815 = tpu.vector_load_idx %arg20[%max3A_814] : memref<16xf32, #tpu.memory_space<vmem>>[vector<16xi32>], vector<16xf32>,
          %sub3A_816 = arith.constant 2 : i32
          %sub3A_817 = arith.subi %add3A_769, %sub3A_816 : i32
          %add3A_818 = vector.broadcast %sub3A_817 : i32 to vector<16xi32>
          %add3A_819 = arith.addi %iota3A, %add3A_818 : vector<16xi32>
          %max3A_820 = arith.constant 0 : i32
          %max3A_821 = vector.broadcast %max3A_820 : i32 to vector<16xi32>
          %max3A_822 = arith.maxsi %add3A_819, %max3A_821 : vector<16xi32>
          %gather3A_823 = tpu.vector_load_idx %arg19[%max3A_822] : memref<2016xi32, #tpu.memory_space<vmem>>[vector<16xi32>], vector<16xi32>,
          %ge3A_824 = arith.constant 2 : i32
          %ge3A_825 = vector.broadcast %ge3A_824 : i32 to vector<16xi32>
          %ge3A_826 = arith.cmpi sge, %iota3A, %ge3A_825 : vector<16xi32>
          %eq3A_827 = arith.cmpi eq, %get3A_771, %gather3A_823 : vector<16xi32>
          %and3A_828 = arith.andi %ge3A_826, %eq3A_827 : vector<16xi1>
          %max3A_829 = arith.maximumf %select_n3A_806, %gather3A_815 : vector<16xf32>
          %select_n3A_830 = arith.select %and3A_828, %max3A_829, %select_n3A_806 : vector<16xi1>, vector<16xf32>
          %swap3A_831 = arith.constant 0 : index
          %swap3A_832 = tpu.vector_load %arg20[%swap3A_831] {strides = array<i32>} : memref<16xf32, #tpu.memory_space<vmem>>, vector<16xf32>,
          tpu.vector_store %arg20[%swap3A_831], %select_n3A_830 {strides = array<i32>} : memref<16xf32, #tpu.memory_space<vmem>>, vector<16xf32>,
          %sub3A_833 = arith.constant 4 : i32
          %sub3A_834 = vector.broadcast %sub3A_833 : i32 to vector<16xi32>
          %sub3A_835 = arith.subi %iota3A, %sub3A_834 : vector<16xi32>
          %max3A_836 = arith.constant 0 : i32
          %max3A_837 = vector.broadcast %max3A_836 : i32 to vector<16xi32>
          %max3A_838 = arith.maxsi %sub3A_835, %max3A_837 : vector<16xi32>
          %gather3A_839 = tpu.vector_load_idx %arg20[%max3A_838] : memref<16xf32, #tpu.memory_space<vmem>>[vector<16xi32>], vector<16xf32>,
          %sub3A_840 = arith.constant 4 : i32
          %sub3A_841 = arith.subi %add3A_769, %sub3A_840 : i32
          %add3A_842 = vector.broadcast %sub3A_841 : i32 to vector<16xi32>
          %add3A_843 = arith.addi %iota3A, %add3A_842 : vector<16xi32>
          %max3A_844 = arith.constant 0 : i32
          %max3A_845 = vector.broadcast %max3A_844 : i32 to vector<16xi32>
          %max3A_846 = arith.maxsi %add3A_843, %max3A_845 : vector<16xi32>
          %gather3A_847 = tpu.vector_load_idx %arg19[%max3A_846] : memref<2016xi32, #tpu.memory_space<vmem>>[vector<16xi32>], vector<16xi32>,
          %ge3A_848 = arith.constant 4 : i32
          %ge3A_849 = vector.broadcast %ge3A_848 : i32 to vector<16xi32>
          %ge3A_850 = arith.cmpi sge, %iota3A, %ge3A_849 : vector<16xi32>
          %eq3A_851 = arith.cmpi eq, %get3A_771, %gather3A_847 : vector<16xi32>
          %and3A_852 = arith.andi %ge3A_850, %eq3A_851 : vector<16xi1>
          %max3A_853 = arith.maximumf %select_n3A_830, %gather3A_839 : vector<16xf32>
          %select_n3A_854 = arith.select %and3A_852, %max3A_853, %select_n3A_830 : vector<16xi1>, vector<16xf32>
          %swap3A_855 = arith.constant 0 : index
          %swap3A_856 = tpu.vector_load %arg20[%swap3A_855] {strides = array<i32>} : memref<16xf32, #tpu.memory_space<vmem>>, vector<16xf32>,
          tpu.vector_store %arg20[%swap3A_855], %select_n3A_854 {strides = array<i32>} : memref<16xf32, #tpu.memory_space<vmem>>, vector<16xf32>,
          %sub3A_857 = arith.constant 8 : i32
          %sub3A_858 = vector.broadcast %sub3A_857 : i32 to vector<16xi32>
          %sub3A_859 = arith.subi %iota3A, %sub3A_858 : vector<16xi32>
          %max3A_860 = arith.constant 0 : i32
          %max3A_861 = vector.broadcast %max3A_860 : i32 to vector<16xi32>
          %max3A_862 = arith.maxsi %sub3A_859, %max3A_861 : vector<16xi32>
          %gather3A_863 = tpu.vector_load_idx %arg20[%max3A_862] : memref<16xf32, #tpu.memory_space<vmem>>[vector<16xi32>], vector<16xf32>,
          %sub3A_864 = arith.constant 8 : i32
          %sub3A_865 = arith.subi %add3A_769, %sub3A_864 : i32
          %add3A_866 = vector.broadcast %sub3A_865 : i32 to vector<16xi32>
          %add3A_867 = arith.addi %iota3A, %add3A_866 : vector<16xi32>
          %max3A_868 = arith.constant 0 : i32
          %max3A_869 = vector.broadcast %max3A_868 : i32 to vector<16xi32>
          %max3A_870 = arith.maxsi %add3A_867, %max3A_869 : vector<16xi32>
          %gather3A_871 = tpu.vector_load_idx %arg19[%max3A_870] : memref<2016xi32, #tpu.memory_space<vmem>>[vector<16xi32>], vector<16xi32>,
          %ge3A_872 = arith.constant 8 : i32
          %ge3A_873 = vector.broadcast %ge3A_872 : i32 to vector<16xi32>
          %ge3A_874 = arith.cmpi sge, %iota3A, %ge3A_873 : vector<16xi32>
          %eq3A_875 = arith.cmpi eq, %get3A_771, %gather3A_871 : vector<16xi32>
          %and3A_876 = arith.andi %ge3A_874, %eq3A_875 : vector<16xi1>
          %max3A_877 = arith.maximumf %select_n3A_854, %gather3A_863 : vector<16xf32>
          %select_n3A_878 = arith.select %and3A_876, %max3A_877, %select_n3A_854 : vector<16xi1>, vector<16xf32>
          %add3A_879 = arith.constant 1 : i32
          %add3A_880 = arith.addi %add3A_769, %add3A_879 : i32
          %add3A_881 = vector.broadcast %add3A_880 : i32 to vector<16xi32>
          %add3A_882 = arith.addi %iota3A, %add3A_881 : vector<16xi32>
          %gather3A_883 = tpu.vector_load_idx %arg19[%add3A_882] : memref<2016xi32, #tpu.memory_space<vmem>>[vector<16xi32>], vector<16xi32>,
          %ne3A_884 = arith.cmpi ne, %get3A_771, %gather3A_883 : vector<16xi32>
          %eq3A_885 = arith.constant 15 : i32
          %eq3A_886 = vector.broadcast %eq3A_885 : i32 to vector<16xi32>
          %eq3A_887 = arith.cmpi eq, %iota3A, %eq3A_886 : vector<16xi32>
          %or3A_888 = arith.ori %ne3A_884, %eq3A_887 : vector<16xi1>
          %gather3A_889 = tpu.vector_load_idx %arg11[%get3A_771] masked %or3A_888 : memref<10000xf32, #tpu.memory_space<vmem>>[vector<16xi32>], vector<16xf32>, vector<16xi1>
          %max3A_890 = arith.maximumf %gather3A_889, %select_n3A_878 : vector<16xf32>
          tpu.vector_store_idx %arg11[%get3A_771], %max3A_890 masked %or3A_888 : memref<10000xf32, #tpu.memory_space<vmem>>[vector<16xi32>], vector<16xf32>, vector<16xi1>
          %broadcast_in_dim3A_891 = vector.broadcast %squeeze3A_267 : i32 to vector<16xi32>
          %gather3A_892 = tpu.vector_load_idx %arg8[%broadcast_in_dim3A_891] : memref<10000xf32, #tpu.memory_space<vmem>>[vector<16xi32>], vector<16xf32>,
          %gather3A_893 = tpu.vector_load_idx %arg9[%broadcast_in_dim3A_891] : memref<10000xf32, #tpu.memory_space<vmem>>[vector<16xi32>], vector<16xf32>,
          %gather3A_894 = tpu.vector_load_idx %arg10[%broadcast_in_dim3A_891] : memref<10000xf32, #tpu.memory_space<vmem>>[vector<16xi32>], vector<16xf32>,
          scf.yield %squeeze3A_267, %broadcast_in_dim3A_5, %gather3A_892, %gather3A_893, %gather3A_894 : i32, vector<16xf32>, vector<16xf32>, vector<16xf32>, vector<16xf32>
        }
        scf.yield %cond3A_271#0, %cond3A_271#1, %cond3A_271#2, %cond3A_271#3, %cond3A_271#4 : i32, vector<16xf32>, vector<16xf32>, vector<16xf32>, vector<16xf32>
      }
      %scan3A_180 = arith.constant 25 : i32
      %broadcast_in_dim3A_181 = vector.broadcast %scan3A_179#0 : i32 to vector<16xi32>
      %reduce_max3A_182 = arith.constant true
      %reduce_max3A_183 = vector.broadcast %reduce_max3A_182 : i1 to vector<16xi1>
      %reduce_max3A_184 = tpu.scan <max>, %scan3A_179#1 masked %reduce_max3A_183 : vector<16xf32>, vector<16xi1> -> vector<16xf32>
      %reduce_max3A_185 = vector.extract %reduce_max3A_184[15] : f32 from vector<16xf32>
      %broadcast_in_dim3A_186 = vector.broadcast %reduce_max3A_185 : f32 to vector<16xf32>
      %gather3A_187 = tpu.vector_load_idx %arg11[%broadcast_in_dim3A_181] masked %eq3A_4 : memref<10000xf32, #tpu.memory_space<vmem>>[vector<16xi32>], vector<16xf32>, vector<16xi1>
      %max3A_188 = arith.maximumf %gather3A_187, %broadcast_in_dim3A_186 : vector<16xf32>
      tpu.vector_store_idx %arg11[%broadcast_in_dim3A_181], %max3A_188 masked %eq3A_4 : memref<10000xf32, #tpu.memory_space<vmem>>[vector<16xi32>], vector<16xf32>, vector<16xi1>
    }
    %scan3A_36 = arith.constant 12 : i32
    %add3A_37 = arith.constant 48000 : i32
    %add3A_38 = arith.addi %mul3A_2, %add3A_37 : i32
    %dma_wait3A = tpu.memref_slice %arg2[%add3A_38] : memref<1600000xf32, #tpu.memory_space<hbm>> -> memref<2000xf32, #tpu.memory_space<hbm>>
    %dma_wait3A_39 = tpu.memref_slice %arg2[%add3A_38] : memref<1600000xf32, #tpu.memory_space<hbm>> -> memref<2000xf32, #tpu.memory_space<hbm>>
    tpu.wait_dma2 semaphore(%arg21 : memref<!tpu.dma_semaphore, #tpu.memory_space<semaphore_mem>>) src(%dma_wait3A_39 : memref<2000xf32, #tpu.memory_space<hbm>>) dst(%arg12 : memref<2000xf32, #tpu.memory_space<vmem>>)
    %dma_wait3A_40 = tpu.memref_slice %arg3[%add3A_38] : memref<1600000xf32, #tpu.memory_space<hbm>> -> memref<2000xf32, #tpu.memory_space<hbm>>
    %dma_wait3A_41 = tpu.memref_slice %arg3[%add3A_38] : memref<1600000xf32, #tpu.memory_space<hbm>> -> memref<2000xf32, #tpu.memory_space<hbm>>
    tpu.wait_dma2 semaphore(%arg21 : memref<!tpu.dma_semaphore, #tpu.memory_space<semaphore_mem>>) src(%dma_wait3A_41 : memref<2000xf32, #tpu.memory_space<hbm>>) dst(%arg13 : memref<2000xf32, #tpu.memory_space<vmem>>)
    %dma_wait3A_42 = tpu.memref_slice %arg4[%add3A_38] : memref<1600000xf32, #tpu.memory_space<hbm>> -> memref<2000xf32, #tpu.memory_space<hbm>>
    %dma_wait3A_43 = tpu.memref_slice %arg4[%add3A_38] : memref<1600000xf32, #tpu.memory_space<hbm>> -> memref<2000xf32, #tpu.memory_space<hbm>>
    tpu.wait_dma2 semaphore(%arg21 : memref<!tpu.dma_semaphore, #tpu.memory_space<semaphore_mem>>) src(%dma_wait3A_43 : memref<2000xf32, #tpu.memory_space<hbm>>) dst(%arg14 : memref<2000xf32, #tpu.memory_space<vmem>>)
    %dma_wait3A_44 = arith.constant 0 : i32
    %dma_wait3A_45 = tpu.memref_slice %arg15[%dma_wait3A_44] : memref<2016xi32, #tpu.memory_space<vmem>> -> memref<2000xi32, #tpu.memory_space<vmem>>
    %dma_wait3A_46 = tpu.memref_slice %arg5[%add3A_38] : memref<1600000xi32, #tpu.memory_space<hbm>> -> memref<2000xi32, #tpu.memory_space<hbm>>
    %dma_wait3A_47 = arith.constant 0 : i32
    %dma_wait3A_48 = tpu.memref_slice %arg15[%dma_wait3A_47] : memref<2016xi32, #tpu.memory_space<vmem>> -> memref<2000xi32, #tpu.memory_space<vmem>>
    %dma_wait3A_49 = tpu.memref_slice %arg5[%add3A_38] : memref<1600000xi32, #tpu.memory_space<hbm>> -> memref<2000xi32, #tpu.memory_space<hbm>>
    tpu.wait_dma2 semaphore(%arg21 : memref<!tpu.dma_semaphore, #tpu.memory_space<semaphore_mem>>) src(%dma_wait3A_49 : memref<2000xi32, #tpu.memory_space<hbm>>) dst(%dma_wait3A_48 : memref<2000xi32, #tpu.memory_space<vmem>>)
    %get3A = arith.constant 0 : index
    %get3A_50 = tpu.vector_load %arg15[%get3A] {strides = array<i32>} : memref<2016xi32, #tpu.memory_space<vmem>>, vector<16xi32>,
    %slice3A = vector.extract_strided_slice %get3A_50 {offsets = [0], sizes = [1], strides = [1]} : vector<16xi32> to vector<1xi32>
    %squeeze3A = vector.extract %slice3A[0] : i32 from vector<1xi32>
    %broadcast_in_dim3A_51 = vector.broadcast %squeeze3A : i32 to vector<16xi32>
    %gather3A = tpu.vector_load_idx %arg8[%broadcast_in_dim3A_51] : memref<10000xf32, #tpu.memory_space<vmem>>[vector<16xi32>], vector<16xf32>,
    %gather3A_52 = tpu.vector_load_idx %arg9[%broadcast_in_dim3A_51] : memref<10000xf32, #tpu.memory_space<vmem>>[vector<16xi32>], vector<16xf32>,
    %gather3A_53 = tpu.vector_load_idx %arg10[%broadcast_in_dim3A_51] : memref<10000xf32, #tpu.memory_space<vmem>>[vector<16xi32>], vector<16xf32>,
    %scan3A_54 = arith.constant 0 : i32
    %scan3A_55 = arith.constant 25 : i32
    %scan3A_56 = arith.addi %scan3A_54, %scan3A_55 : i32
    %scan3A_57 = arith.constant 1 : i32
    %scan3A_58:5 = scf.for %scan3A_66 = %scan3A_54 to %scan3A_56 step %scan3A_57 iter_args(%scan3A_67 = %squeeze3A, %scan3A_68 = %broadcast_in_dim3A_5, %scan3A_69 = %gather3A, %scan3A_70 = %gather3A_52, %scan3A_71 = %gather3A_53) -> (i32, vector<16xf32>, vector<16xf32>, vector<16xf32>, vector<16xf32>)  : i32 {
      %mul3A_72 = arith.constant 80 : i32
      %mul3A_73 = arith.muli %scan3A_66, %mul3A_72 : i32
      %add3A_74 = arith.constant 0 : i32
      %add3A_75 = arith.addi %mul3A_73, %add3A_74 : i32
      %get3A_76 = arith.index_cast %add3A_75 : i32 to index
      %get3A_77 = tpu.vector_load %arg12[%get3A_76] {strides = array<i32>} : memref<2000xf32, #tpu.memory_space<vmem>>, vector<16xf32>,
      %add3A_78 = arith.constant 16 : i32
      %add3A_79 = arith.addi %mul3A_73, %add3A_78 : i32
      %get3A_80 = arith.index_cast %add3A_79 : i32 to index
      %get3A_81 = tpu.vector_load %arg12[%get3A_80] {strides = array<i32>} : memref<2000xf32, #tpu.memory_space<vmem>>, vector<16xf32>,
      %add3A_82 = arith.constant 32 : i32
      %add3A_83 = arith.addi %mul3A_73, %add3A_82 : i32
      %get3A_84 = arith.index_cast %add3A_83 : i32 to index
      %get3A_85 = tpu.vector_load %arg12[%get3A_84] {strides = array<i32>} : memref<2000xf32, #tpu.memory_space<vmem>>, vector<16xf32>,
      %add3A_86 = arith.constant 48 : i32
      %add3A_87 = arith.addi %mul3A_73, %add3A_86 : i32
      %get3A_88 = arith.index_cast %add3A_87 : i32 to index
      %get3A_89 = tpu.vector_load %arg12[%get3A_88] {strides = array<i32>} : memref<2000xf32, #tpu.memory_space<vmem>>, vector<16xf32>,
      %add3A_90 = arith.constant 64 : i32
      %add3A_91 = arith.addi %mul3A_73, %add3A_90 : i32
      %get3A_92 = arith.index_cast %add3A_91 : i32 to index
      %get3A_93 = tpu.vector_load %arg12[%get3A_92] {strides = array<i32>} : memref<2000xf32, #tpu.memory_space<vmem>>, vector<16xf32>,
      %add3A_94 = arith.constant 0 : i32
      %add3A_95 = arith.addi %mul3A_73, %add3A_94 : i32
      %get3A_96 = arith.index_cast %add3A_95 : i32 to index
      %get3A_97 = tpu.vector_load %arg13[%get3A_96] {strides = array<i32>} : memref<2000xf32, #tpu.memory_space<vmem>>, vector<16xf32>,
      %add3A_98 = arith.constant 16 : i32
      %add3A_99 = arith.addi %mul3A_73, %add3A_98 : i32
      %get3A_100 = arith.index_cast %add3A_99 : i32 to index
      %get3A_101 = tpu.vector_load %arg13[%get3A_100] {strides = array<i32>} : memref<2000xf32, #tpu.memory_space<vmem>>, vector<16xf32>,
      %add3A_102 = arith.constant 32 : i32
      %add3A_103 = arith.addi %mul3A_73, %add3A_102 : i32
      %get3A_104 = arith.index_cast %add3A_103 : i32 to index
      %get3A_105 = tpu.vector_load %arg13[%get3A_104] {strides = array<i32>} : memref<2000xf32, #tpu.memory_space<vmem>>, vector<16xf32>,
      %add3A_106 = arith.constant 48 : i32
      %add3A_107 = arith.addi %mul3A_73, %add3A_106 : i32
      %get3A_108 = arith.index_cast %add3A_107 : i32 to index
      %get3A_109 = tpu.vector_load %arg13[%get3A_108] {strides = array<i32>} : memref<2000xf32, #tpu.memory_space<vmem>>, vector<16xf32>,
      %add3A_110 = arith.constant 64 : i32
      %add3A_111 = arith.addi %mul3A_73, %add3A_110 : i32
      %get3A_112 = arith.index_cast %add3A_111 : i32 to index
      %get3A_113 = tpu.vector_load %arg13[%get3A_112] {strides = array<i32>} : memref<2000xf32, #tpu.memory_space<vmem>>, vector<16xf32>,
      %add3A_114 = arith.constant 0 : i32
      %add3A_115 = arith.addi %mul3A_73, %add3A_114 : i32
      %get3A_116 = arith.index_cast %add3A_115 : i32 to index
      %get3A_117 = tpu.vector_load %arg14[%get3A_116] {strides = array<i32>} : memref<2000xf32, #tpu.memory_space<vmem>>, vector<16xf32>,
      %add3A_118 = arith.constant 16 : i32
      %add3A_119 = arith.addi %mul3A_73, %add3A_118 : i32
      %get3A_120 = arith.index_cast %add3A_119 : i32 to index
      %get3A_121 = tpu.vector_load %arg14[%get3A_120] {strides = array<i32>} : memref<2000xf32, #tpu.memory_space<vmem>>, vector<16xf32>,
      %add3A_122 = arith.constant 32 : i32
      %add3A_123 = arith.addi %mul3A_73, %add3A_122 : i32
      %get3A_124 = arith.index_cast %add3A_123 : i32 to index
      %get3A_125 = tpu.vector_load %arg14[%get3A_124] {strides = array<i32>} : memref<2000xf32, #tpu.memory_space<vmem>>, vector<16xf32>,
      %add3A_126 = arith.constant 48 : i32
      %add3A_127 = arith.addi %mul3A_73, %add3A_126 : i32
      %get3A_128 = arith.index_cast %add3A_127 : i32 to index
      %get3A_129 = tpu.vector_load %arg14[%get3A_128] {strides = array<i32>} : memref<2000xf32, #tpu.memory_space<vmem>>, vector<16xf32>,
      %add3A_130 = arith.constant 64 : i32
      %add3A_131 = arith.addi %mul3A_73, %add3A_130 : i32
      %get3A_132 = arith.index_cast %add3A_131 : i32 to index
      %get3A_133 = tpu.vector_load %arg14[%get3A_132] {strides = array<i32>} : memref<2000xf32, #tpu.memory_space<vmem>>, vector<16xf32>,
      %get3A_134 = arith.index_cast %mul3A_73 : i32 to index
      %get3A_135 = tpu.vector_load %arg15[%get3A_134] {strides = array<i32>} : memref<2016xi32, #tpu.memory_space<vmem>>, vector<16xi32>,
      %add3A_136 = arith.constant 80 : i32
      %add3A_137 = arith.addi %mul3A_73, %add3A_136 : i32
      %sub3A = arith.constant 16 : i32
      %sub3A_138 = arith.subi %add3A_137, %sub3A : i32
      %get3A_139 = arith.index_cast %sub3A_138 : i32 to index
      %get3A_140 = tpu.vector_load %arg15[%get3A_139] {strides = array<i32>} : memref<2016xi32, #tpu.memory_space<vmem>>, vector<16xi32>,
      %slice3A_141 = vector.extract_strided_slice %get3A_135 {offsets = [0], sizes = [1], strides = [1]} : vector<16xi32> to vector<1xi32>
      %squeeze3A_142 = vector.extract %slice3A_141[0] : i32 from vector<1xi32>
      %slice3A_143 = vector.extract_strided_slice %get3A_140 {offsets = [15], sizes = [1], strides = [1]} : vector<16xi32> to vector<1xi32>
      %squeeze3A_144 = vector.extract %slice3A_143[0] : i32 from vector<1xi32>
      %eq3A_145 = arith.cmpi eq, %squeeze3A_142, %scan3A_67 : i32
      %eq3A_146 = arith.cmpi eq, %squeeze3A_142, %squeeze3A_144 : i32
      %and3A = arith.andi %eq3A_145, %eq3A_146 : i1
      %convert_element_type3A = arith.extui %and3A : i1 to i32
      %cond3A = arith.constant 0 : i32
      %cond3A_147 = arith.cmpi ne, %convert_element_type3A, %cond3A : i32
      %cond3A_148:5 = scf.if %cond3A_147 -> (i32, vector<16xf32>, vector<16xf32>, vector<16xf32>, vector<16xf32>) {
        %sub3A_149 = arith.subf %get3A_77, %scan3A_69 : vector<16xf32>
        %sub3A_150 = arith.subf %get3A_97, %scan3A_70 : vector<16xf32>
        %sub3A_151 = arith.subf %get3A_117, %scan3A_71 : vector<16xf32>
        %mul3A_152 = arith.mulf %sub3A_149, %sub3A_149 : vector<16xf32>
        %mul3A_153 = arith.mulf %sub3A_150, %sub3A_150 : vector<16xf32>
        %add3A_154 = arith.addf %mul3A_152, %mul3A_153 : vector<16xf32>
        %mul3A_155 = arith.mulf %sub3A_151, %sub3A_151 : vector<16xf32>
        %add3A_156 = arith.addf %add3A_154, %mul3A_155 : vector<16xf32>
        %max3A_157 = arith.maximumf %scan3A_68, %add3A_156 : vector<16xf32>
        %sub3A_158 = arith.subf %get3A_81, %scan3A_69 : vector<16xf32>
        %sub3A_159 = arith.subf %get3A_101, %scan3A_70 : vector<16xf32>
        %sub3A_160 = arith.subf %get3A_121, %scan3A_71 : vector<16xf32>
        %mul3A_161 = arith.mulf %sub3A_158, %sub3A_158 : vector<16xf32>
        %mul3A_162 = arith.mulf %sub3A_159, %sub3A_159 : vector<16xf32>
        %add3A_163 = arith.addf %mul3A_161, %mul3A_162 : vector<16xf32>
        %mul3A_164 = arith.mulf %sub3A_160, %sub3A_160 : vector<16xf32>
        %add3A_165 = arith.addf %add3A_163, %mul3A_164 : vector<16xf32>
        %max3A_166 = arith.maximumf %max3A_157, %add3A_165 : vector<16xf32>
        %sub3A_167 = arith.subf %get3A_85, %scan3A_69 : vector<16xf32>
        %sub3A_168 = arith.subf %get3A_105, %scan3A_70 : vector<16xf32>
        %sub3A_169 = arith.subf %get3A_125, %scan3A_71 : vector<16xf32>
        %mul3A_170 = arith.mulf %sub3A_167, %sub3A_167 : vector<16xf32>
        %mul3A_171 = arith.mulf %sub3A_168, %sub3A_168 : vector<16xf32>
        %add3A_172 = arith.addf %mul3A_170, %mul3A_171 : vector<16xf32>
        %mul3A_173 = arith.mulf %sub3A_169, %sub3A_169 : vector<16xf32>
        %add3A_174 = arith.addf %add3A_172, %mul3A_173 : vector<16xf32>
        %max3A_175 = arith.maximumf %max3A_166, %add3A_174 : vector<16xf32>
        %sub3A_176 = arith.subf %get3A_89, %scan3A_69 : vector<16xf32>
        %sub3A_177 = arith.subf %get3A_109, %scan3A_70 : vector<16xf32>
        %sub3A_178 = arith.subf %get3A_129, %scan3A_71 : vector<16xf32>
        %mul3A_179 = arith.mulf %sub3A_176, %sub3A_176 : vector<16xf32>
        %mul3A_180 = arith.mulf %sub3A_177, %sub3A_177 : vector<16xf32>
        %add3A_181 = arith.addf %mul3A_179, %mul3A_180 : vector<16xf32>
        %mul3A_182 = arith.mulf %sub3A_178, %sub3A_178 : vector<16xf32>
        %add3A_183 = arith.addf %add3A_181, %mul3A_182 : vector<16xf32>
        %max3A_184 = arith.maximumf %max3A_175, %add3A_183 : vector<16xf32>
        %sub3A_185 = arith.subf %get3A_93, %scan3A_69 : vector<16xf32>
        %sub3A_186 = arith.subf %get3A_113, %scan3A_70 : vector<16xf32>
        %sub3A_187 = arith.subf %get3A_133, %scan3A_71 : vector<16xf32>
        %mul3A_188 = arith.mulf %sub3A_185, %sub3A_185 : vector<16xf32>
        %mul3A_189 = arith.mulf %sub3A_186, %sub3A_186 : vector<16xf32>
        %add3A_190 = arith.addf %mul3A_188, %mul3A_189 : vector<16xf32>
        %mul3A_191 = arith.mulf %sub3A_187, %sub3A_187 : vector<16xf32>
        %add3A_192 = arith.addf %add3A_190, %mul3A_191 : vector<16xf32>
        %max3A_193 = arith.maximumf %max3A_184, %add3A_192 : vector<16xf32>
        scf.yield %scan3A_67, %max3A_193, %scan3A_69, %scan3A_70, %scan3A_71 : i32, vector<16xf32>, vector<16xf32>, vector<16xf32>, vector<16xf32>
      } else {
        %broadcast_in_dim3A_149 = vector.broadcast %scan3A_67 : i32 to vector<16xi32>
        %reduce_max3A_150 = arith.constant true
        %reduce_max3A_151 = vector.broadcast %reduce_max3A_150 : i1 to vector<16xi1>
        %reduce_max3A_152 = tpu.scan <max>, %scan3A_68 masked %reduce_max3A_151 : vector<16xf32>, vector<16xi1> -> vector<16xf32>
        %reduce_max3A_153 = vector.extract %reduce_max3A_152[15] : f32 from vector<16xf32>
        %broadcast_in_dim3A_154 = vector.broadcast %reduce_max3A_153 : f32 to vector<16xf32>
        %gather3A_155 = tpu.vector_load_idx %arg11[%broadcast_in_dim3A_149] masked %eq3A_4 : memref<10000xf32, #tpu.memory_space<vmem>>[vector<16xi32>], vector<16xf32>, vector<16xi1>
        %max3A_156 = arith.maximumf %gather3A_155, %broadcast_in_dim3A_154 : vector<16xf32>
        tpu.vector_store_idx %arg11[%broadcast_in_dim3A_149], %max3A_156 masked %eq3A_4 : memref<10000xf32, #tpu.memory_space<vmem>>[vector<16xi32>], vector<16xf32>, vector<16xi1>
        %add3A_157 = arith.constant 0 : i32
        %add3A_158 = arith.addi %mul3A_73, %add3A_157 : i32
        %get3A_159 = arith.index_cast %add3A_158 : i32 to index
        %get3A_160 = tpu.vector_load %arg15[%get3A_159] {strides = array<i32>} : memref<2016xi32, #tpu.memory_space<vmem>>, vector<16xi32>,
        %gather3A_161 = tpu.vector_load_idx %arg8[%get3A_160] : memref<10000xf32, #tpu.memory_space<vmem>>[vector<16xi32>], vector<16xf32>,
        %gather3A_162 = tpu.vector_load_idx %arg9[%get3A_160] : memref<10000xf32, #tpu.memory_space<vmem>>[vector<16xi32>], vector<16xf32>,
        %gather3A_163 = tpu.vector_load_idx %arg10[%get3A_160] : memref<10000xf32, #tpu.memory_space<vmem>>[vector<16xi32>], vector<16xf32>,
        %sub3A_164 = arith.subf %get3A_77, %gather3A_161 : vector<16xf32>
        %sub3A_165 = arith.subf %get3A_97, %gather3A_162 : vector<16xf32>
        %sub3A_166 = arith.subf %get3A_117, %gather3A_163 : vector<16xf32>
        %mul3A_167 = arith.mulf %sub3A_164, %sub3A_164 : vector<16xf32>
        %mul3A_168 = arith.mulf %sub3A_165, %sub3A_165 : vector<16xf32>
        %add3A_169 = arith.addf %mul3A_167, %mul3A_168 : vector<16xf32>
        %mul3A_170 = arith.mulf %sub3A_166, %sub3A_166 : vector<16xf32>
        %add3A_171 = arith.addf %add3A_169, %mul3A_170 : vector<16xf32>
        %swap3A_172 = arith.constant 0 : index
        %swap3A_173 = tpu.vector_load %arg20[%swap3A_172] {strides = array<i32>} : memref<16xf32, #tpu.memory_space<vmem>>, vector<16xf32>,
        tpu.vector_store %arg20[%swap3A_172], %add3A_171 {strides = array<i32>} : memref<16xf32, #tpu.memory_space<vmem>>, vector<16xf32>,
        %sub3A_174 = arith.constant 1 : i32
        %sub3A_175 = vector.broadcast %sub3A_174 : i32 to vector<16xi32>
        %sub3A_176 = arith.subi %iota3A, %sub3A_175 : vector<16xi32>
        %max3A_177 = arith.constant 0 : i32
        %max3A_178 = vector.broadcast %max3A_177 : i32 to vector<16xi32>
        %max3A_179 = arith.maxsi %sub3A_176, %max3A_178 : vector<16xi32>
        %gather3A_180 = tpu.vector_load_idx %arg20[%max3A_179] : memref<16xf32, #tpu.memory_space<vmem>>[vector<16xi32>], vector<16xf32>,
        %sub3A_181 = arith.constant 1 : i32
        %sub3A_182 = arith.subi %add3A_158, %sub3A_181 : i32
        %add3A_183 = vector.broadcast %sub3A_182 : i32 to vector<16xi32>
        %add3A_184 = arith.addi %iota3A, %add3A_183 : vector<16xi32>
        %max3A_185 = arith.constant 0 : i32
        %max3A_186 = vector.broadcast %max3A_185 : i32 to vector<16xi32>
        %max3A_187 = arith.maxsi %add3A_184, %max3A_186 : vector<16xi32>
        %gather3A_188 = tpu.vector_load_idx %arg15[%max3A_187] : memref<2016xi32, #tpu.memory_space<vmem>>[vector<16xi32>], vector<16xi32>,
        %ge3A = arith.constant 1 : i32
        %ge3A_189 = vector.broadcast %ge3A : i32 to vector<16xi32>
        %ge3A_190 = arith.cmpi sge, %iota3A, %ge3A_189 : vector<16xi32>
        %eq3A_191 = arith.cmpi eq, %get3A_160, %gather3A_188 : vector<16xi32>
        %and3A_192 = arith.andi %ge3A_190, %eq3A_191 : vector<16xi1>
        %max3A_193 = arith.maximumf %add3A_171, %gather3A_180 : vector<16xf32>
        %select_n3A = arith.select %and3A_192, %max3A_193, %add3A_171 : vector<16xi1>, vector<16xf32>
        %swap3A_194 = arith.constant 0 : index
        %swap3A_195 = tpu.vector_load %arg20[%swap3A_194] {strides = array<i32>} : memref<16xf32, #tpu.memory_space<vmem>>, vector<16xf32>,
        tpu.vector_store %arg20[%swap3A_194], %select_n3A {strides = array<i32>} : memref<16xf32, #tpu.memory_space<vmem>>, vector<16xf32>,
        %sub3A_196 = arith.constant 2 : i32
        %sub3A_197 = vector.broadcast %sub3A_196 : i32 to vector<16xi32>
        %sub3A_198 = arith.subi %iota3A, %sub3A_197 : vector<16xi32>
        %max3A_199 = arith.constant 0 : i32
        %max3A_200 = vector.broadcast %max3A_199 : i32 to vector<16xi32>
        %max3A_201 = arith.maxsi %sub3A_198, %max3A_200 : vector<16xi32>
        %gather3A_202 = tpu.vector_load_idx %arg20[%max3A_201] : memref<16xf32, #tpu.memory_space<vmem>>[vector<16xi32>], vector<16xf32>,
        %sub3A_203 = arith.constant 2 : i32
        %sub3A_204 = arith.subi %add3A_158, %sub3A_203 : i32
        %add3A_205 = vector.broadcast %sub3A_204 : i32 to vector<16xi32>
        %add3A_206 = arith.addi %iota3A, %add3A_205 : vector<16xi32>
        %max3A_207 = arith.constant 0 : i32
        %max3A_208 = vector.broadcast %max3A_207 : i32 to vector<16xi32>
        %max3A_209 = arith.maxsi %add3A_206, %max3A_208 : vector<16xi32>
        %gather3A_210 = tpu.vector_load_idx %arg15[%max3A_209] : memref<2016xi32, #tpu.memory_space<vmem>>[vector<16xi32>], vector<16xi32>,
        %ge3A_211 = arith.constant 2 : i32
        %ge3A_212 = vector.broadcast %ge3A_211 : i32 to vector<16xi32>
        %ge3A_213 = arith.cmpi sge, %iota3A, %ge3A_212 : vector<16xi32>
        %eq3A_214 = arith.cmpi eq, %get3A_160, %gather3A_210 : vector<16xi32>
        %and3A_215 = arith.andi %ge3A_213, %eq3A_214 : vector<16xi1>
        %max3A_216 = arith.maximumf %select_n3A, %gather3A_202 : vector<16xf32>
        %select_n3A_217 = arith.select %and3A_215, %max3A_216, %select_n3A : vector<16xi1>, vector<16xf32>
        %swap3A_218 = arith.constant 0 : index
        %swap3A_219 = tpu.vector_load %arg20[%swap3A_218] {strides = array<i32>} : memref<16xf32, #tpu.memory_space<vmem>>, vector<16xf32>,
        tpu.vector_store %arg20[%swap3A_218], %select_n3A_217 {strides = array<i32>} : memref<16xf32, #tpu.memory_space<vmem>>, vector<16xf32>,
        %sub3A_220 = arith.constant 4 : i32
        %sub3A_221 = vector.broadcast %sub3A_220 : i32 to vector<16xi32>
        %sub3A_222 = arith.subi %iota3A, %sub3A_221 : vector<16xi32>
        %max3A_223 = arith.constant 0 : i32
        %max3A_224 = vector.broadcast %max3A_223 : i32 to vector<16xi32>
        %max3A_225 = arith.maxsi %sub3A_222, %max3A_224 : vector<16xi32>
        %gather3A_226 = tpu.vector_load_idx %arg20[%max3A_225] : memref<16xf32, #tpu.memory_space<vmem>>[vector<16xi32>], vector<16xf32>,
        %sub3A_227 = arith.constant 4 : i32
        %sub3A_228 = arith.subi %add3A_158, %sub3A_227 : i32
        %add3A_229 = vector.broadcast %sub3A_228 : i32 to vector<16xi32>
        %add3A_230 = arith.addi %iota3A, %add3A_229 : vector<16xi32>
        %max3A_231 = arith.constant 0 : i32
        %max3A_232 = vector.broadcast %max3A_231 : i32 to vector<16xi32>
        %max3A_233 = arith.maxsi %add3A_230, %max3A_232 : vector<16xi32>
        %gather3A_234 = tpu.vector_load_idx %arg15[%max3A_233] : memref<2016xi32, #tpu.memory_space<vmem>>[vector<16xi32>], vector<16xi32>,
        %ge3A_235 = arith.constant 4 : i32
        %ge3A_236 = vector.broadcast %ge3A_235 : i32 to vector<16xi32>
        %ge3A_237 = arith.cmpi sge, %iota3A, %ge3A_236 : vector<16xi32>
        %eq3A_238 = arith.cmpi eq, %get3A_160, %gather3A_234 : vector<16xi32>
        %and3A_239 = arith.andi %ge3A_237, %eq3A_238 : vector<16xi1>
        %max3A_240 = arith.maximumf %select_n3A_217, %gather3A_226 : vector<16xf32>
        %select_n3A_241 = arith.select %and3A_239, %max3A_240, %select_n3A_217 : vector<16xi1>, vector<16xf32>
        %swap3A_242 = arith.constant 0 : index
        %swap3A_243 = tpu.vector_load %arg20[%swap3A_242] {strides = array<i32>} : memref<16xf32, #tpu.memory_space<vmem>>, vector<16xf32>,
        tpu.vector_store %arg20[%swap3A_242], %select_n3A_241 {strides = array<i32>} : memref<16xf32, #tpu.memory_space<vmem>>, vector<16xf32>,
        %sub3A_244 = arith.constant 8 : i32
        %sub3A_245 = vector.broadcast %sub3A_244 : i32 to vector<16xi32>
        %sub3A_246 = arith.subi %iota3A, %sub3A_245 : vector<16xi32>
        %max3A_247 = arith.constant 0 : i32
        %max3A_248 = vector.broadcast %max3A_247 : i32 to vector<16xi32>
        %max3A_249 = arith.maxsi %sub3A_246, %max3A_248 : vector<16xi32>
        %gather3A_250 = tpu.vector_load_idx %arg20[%max3A_249] : memref<16xf32, #tpu.memory_space<vmem>>[vector<16xi32>], vector<16xf32>,
        %sub3A_251 = arith.constant 8 : i32
        %sub3A_252 = arith.subi %add3A_158, %sub3A_251 : i32
        %add3A_253 = vector.broadcast %sub3A_252 : i32 to vector<16xi32>
        %add3A_254 = arith.addi %iota3A, %add3A_253 : vector<16xi32>
        %max3A_255 = arith.constant 0 : i32
        %max3A_256 = vector.broadcast %max3A_255 : i32 to vector<16xi32>
        %max3A_257 = arith.maxsi %add3A_254, %max3A_256 : vector<16xi32>
        %gather3A_258 = tpu.vector_load_idx %arg15[%max3A_257] : memref<2016xi32, #tpu.memory_space<vmem>>[vector<16xi32>], vector<16xi32>,
        %ge3A_259 = arith.constant 8 : i32
        %ge3A_260 = vector.broadcast %ge3A_259 : i32 to vector<16xi32>
        %ge3A_261 = arith.cmpi sge, %iota3A, %ge3A_260 : vector<16xi32>
        %eq3A_262 = arith.cmpi eq, %get3A_160, %gather3A_258 : vector<16xi32>
        %and3A_263 = arith.andi %ge3A_261, %eq3A_262 : vector<16xi1>
        %max3A_264 = arith.maximumf %select_n3A_241, %gather3A_250 : vector<16xf32>
        %select_n3A_265 = arith.select %and3A_263, %max3A_264, %select_n3A_241 : vector<16xi1>, vector<16xf32>
        %add3A_266 = arith.constant 1 : i32
        %add3A_267 = arith.addi %add3A_158, %add3A_266 : i32
        %add3A_268 = vector.broadcast %add3A_267 : i32 to vector<16xi32>
        %add3A_269 = arith.addi %iota3A, %add3A_268 : vector<16xi32>
        %gather3A_270 = tpu.vector_load_idx %arg15[%add3A_269] : memref<2016xi32, #tpu.memory_space<vmem>>[vector<16xi32>], vector<16xi32>,
        %ne3A = arith.cmpi ne, %get3A_160, %gather3A_270 : vector<16xi32>
        %eq3A_271 = arith.constant 15 : i32
        %eq3A_272 = vector.broadcast %eq3A_271 : i32 to vector<16xi32>
        %eq3A_273 = arith.cmpi eq, %iota3A, %eq3A_272 : vector<16xi32>
        %or3A = arith.ori %ne3A, %eq3A_273 : vector<16xi1>
        %gather3A_274 = tpu.vector_load_idx %arg11[%get3A_160] masked %or3A : memref<10000xf32, #tpu.memory_space<vmem>>[vector<16xi32>], vector<16xf32>, vector<16xi1>
        %max3A_275 = arith.maximumf %gather3A_274, %select_n3A_265 : vector<16xf32>
        tpu.vector_store_idx %arg11[%get3A_160], %max3A_275 masked %or3A : memref<10000xf32, #tpu.memory_space<vmem>>[vector<16xi32>], vector<16xf32>, vector<16xi1>
        %add3A_276 = arith.constant 16 : i32
        %add3A_277 = arith.addi %mul3A_73, %add3A_276 : i32
        %get3A_278 = arith.index_cast %add3A_277 : i32 to index
        %get3A_279 = tpu.vector_load %arg15[%get3A_278] {strides = array<i32>} : memref<2016xi32, #tpu.memory_space<vmem>>, vector<16xi32>,
        %gather3A_280 = tpu.vector_load_idx %arg8[%get3A_279] : memref<10000xf32, #tpu.memory_space<vmem>>[vector<16xi32>], vector<16xf32>,
        %gather3A_281 = tpu.vector_load_idx %arg9[%get3A_279] : memref<10000xf32, #tpu.memory_space<vmem>>[vector<16xi32>], vector<16xf32>,
        %gather3A_282 = tpu.vector_load_idx %arg10[%get3A_279] : memref<10000xf32, #tpu.memory_space<vmem>>[vector<16xi32>], vector<16xf32>,
        %sub3A_283 = arith.subf %get3A_81, %gather3A_280 : vector<16xf32>
        %sub3A_284 = arith.subf %get3A_101, %gather3A_281 : vector<16xf32>
        %sub3A_285 = arith.subf %get3A_121, %gather3A_282 : vector<16xf32>
        %mul3A_286 = arith.mulf %sub3A_283, %sub3A_283 : vector<16xf32>
        %mul3A_287 = arith.mulf %sub3A_284, %sub3A_284 : vector<16xf32>
        %add3A_288 = arith.addf %mul3A_286, %mul3A_287 : vector<16xf32>
        %mul3A_289 = arith.mulf %sub3A_285, %sub3A_285 : vector<16xf32>
        %add3A_290 = arith.addf %add3A_288, %mul3A_289 : vector<16xf32>
        %swap3A_291 = arith.constant 0 : index
        %swap3A_292 = tpu.vector_load %arg20[%swap3A_291] {strides = array<i32>} : memref<16xf32, #tpu.memory_space<vmem>>, vector<16xf32>,
        tpu.vector_store %arg20[%swap3A_291], %add3A_290 {strides = array<i32>} : memref<16xf32, #tpu.memory_space<vmem>>, vector<16xf32>,
        %sub3A_293 = arith.constant 1 : i32
        %sub3A_294 = vector.broadcast %sub3A_293 : i32 to vector<16xi32>
        %sub3A_295 = arith.subi %iota3A, %sub3A_294 : vector<16xi32>
        %max3A_296 = arith.constant 0 : i32
        %max3A_297 = vector.broadcast %max3A_296 : i32 to vector<16xi32>
        %max3A_298 = arith.maxsi %sub3A_295, %max3A_297 : vector<16xi32>
        %gather3A_299 = tpu.vector_load_idx %arg20[%max3A_298] : memref<16xf32, #tpu.memory_space<vmem>>[vector<16xi32>], vector<16xf32>,
        %sub3A_300 = arith.constant 1 : i32
        %sub3A_301 = arith.subi %add3A_277, %sub3A_300 : i32
        %add3A_302 = vector.broadcast %sub3A_301 : i32 to vector<16xi32>
        %add3A_303 = arith.addi %iota3A, %add3A_302 : vector<16xi32>
        %max3A_304 = arith.constant 0 : i32
        %max3A_305 = vector.broadcast %max3A_304 : i32 to vector<16xi32>
        %max3A_306 = arith.maxsi %add3A_303, %max3A_305 : vector<16xi32>
        %gather3A_307 = tpu.vector_load_idx %arg15[%max3A_306] : memref<2016xi32, #tpu.memory_space<vmem>>[vector<16xi32>], vector<16xi32>,
        %ge3A_308 = arith.constant 1 : i32
        %ge3A_309 = vector.broadcast %ge3A_308 : i32 to vector<16xi32>
        %ge3A_310 = arith.cmpi sge, %iota3A, %ge3A_309 : vector<16xi32>
        %eq3A_311 = arith.cmpi eq, %get3A_279, %gather3A_307 : vector<16xi32>
        %and3A_312 = arith.andi %ge3A_310, %eq3A_311 : vector<16xi1>
        %max3A_313 = arith.maximumf %add3A_290, %gather3A_299 : vector<16xf32>
        %select_n3A_314 = arith.select %and3A_312, %max3A_313, %add3A_290 : vector<16xi1>, vector<16xf32>
        %swap3A_315 = arith.constant 0 : index
        %swap3A_316 = tpu.vector_load %arg20[%swap3A_315] {strides = array<i32>} : memref<16xf32, #tpu.memory_space<vmem>>, vector<16xf32>,
        tpu.vector_store %arg20[%swap3A_315], %select_n3A_314 {strides = array<i32>} : memref<16xf32, #tpu.memory_space<vmem>>, vector<16xf32>,
        %sub3A_317 = arith.constant 2 : i32
        %sub3A_318 = vector.broadcast %sub3A_317 : i32 to vector<16xi32>
        %sub3A_319 = arith.subi %iota3A, %sub3A_318 : vector<16xi32>
        %max3A_320 = arith.constant 0 : i32
        %max3A_321 = vector.broadcast %max3A_320 : i32 to vector<16xi32>
        %max3A_322 = arith.maxsi %sub3A_319, %max3A_321 : vector<16xi32>
        %gather3A_323 = tpu.vector_load_idx %arg20[%max3A_322] : memref<16xf32, #tpu.memory_space<vmem>>[vector<16xi32>], vector<16xf32>,
        %sub3A_324 = arith.constant 2 : i32
        %sub3A_325 = arith.subi %add3A_277, %sub3A_324 : i32
        %add3A_326 = vector.broadcast %sub3A_325 : i32 to vector<16xi32>
        %add3A_327 = arith.addi %iota3A, %add3A_326 : vector<16xi32>
        %max3A_328 = arith.constant 0 : i32
        %max3A_329 = vector.broadcast %max3A_328 : i32 to vector<16xi32>
        %max3A_330 = arith.maxsi %add3A_327, %max3A_329 : vector<16xi32>
        %gather3A_331 = tpu.vector_load_idx %arg15[%max3A_330] : memref<2016xi32, #tpu.memory_space<vmem>>[vector<16xi32>], vector<16xi32>,
        %ge3A_332 = arith.constant 2 : i32
        %ge3A_333 = vector.broadcast %ge3A_332 : i32 to vector<16xi32>
        %ge3A_334 = arith.cmpi sge, %iota3A, %ge3A_333 : vector<16xi32>
        %eq3A_335 = arith.cmpi eq, %get3A_279, %gather3A_331 : vector<16xi32>
        %and3A_336 = arith.andi %ge3A_334, %eq3A_335 : vector<16xi1>
        %max3A_337 = arith.maximumf %select_n3A_314, %gather3A_323 : vector<16xf32>
        %select_n3A_338 = arith.select %and3A_336, %max3A_337, %select_n3A_314 : vector<16xi1>, vector<16xf32>
        %swap3A_339 = arith.constant 0 : index
        %swap3A_340 = tpu.vector_load %arg20[%swap3A_339] {strides = array<i32>} : memref<16xf32, #tpu.memory_space<vmem>>, vector<16xf32>,
        tpu.vector_store %arg20[%swap3A_339], %select_n3A_338 {strides = array<i32>} : memref<16xf32, #tpu.memory_space<vmem>>, vector<16xf32>,
        %sub3A_341 = arith.constant 4 : i32
        %sub3A_342 = vector.broadcast %sub3A_341 : i32 to vector<16xi32>
        %sub3A_343 = arith.subi %iota3A, %sub3A_342 : vector<16xi32>
        %max3A_344 = arith.constant 0 : i32
        %max3A_345 = vector.broadcast %max3A_344 : i32 to vector<16xi32>
        %max3A_346 = arith.maxsi %sub3A_343, %max3A_345 : vector<16xi32>
        %gather3A_347 = tpu.vector_load_idx %arg20[%max3A_346] : memref<16xf32, #tpu.memory_space<vmem>>[vector<16xi32>], vector<16xf32>,
        %sub3A_348 = arith.constant 4 : i32
        %sub3A_349 = arith.subi %add3A_277, %sub3A_348 : i32
        %add3A_350 = vector.broadcast %sub3A_349 : i32 to vector<16xi32>
        %add3A_351 = arith.addi %iota3A, %add3A_350 : vector<16xi32>
        %max3A_352 = arith.constant 0 : i32
        %max3A_353 = vector.broadcast %max3A_352 : i32 to vector<16xi32>
        %max3A_354 = arith.maxsi %add3A_351, %max3A_353 : vector<16xi32>
        %gather3A_355 = tpu.vector_load_idx %arg15[%max3A_354] : memref<2016xi32, #tpu.memory_space<vmem>>[vector<16xi32>], vector<16xi32>,
        %ge3A_356 = arith.constant 4 : i32
        %ge3A_357 = vector.broadcast %ge3A_356 : i32 to vector<16xi32>
        %ge3A_358 = arith.cmpi sge, %iota3A, %ge3A_357 : vector<16xi32>
        %eq3A_359 = arith.cmpi eq, %get3A_279, %gather3A_355 : vector<16xi32>
        %and3A_360 = arith.andi %ge3A_358, %eq3A_359 : vector<16xi1>
        %max3A_361 = arith.maximumf %select_n3A_338, %gather3A_347 : vector<16xf32>
        %select_n3A_362 = arith.select %and3A_360, %max3A_361, %select_n3A_338 : vector<16xi1>, vector<16xf32>
        %swap3A_363 = arith.constant 0 : index
        %swap3A_364 = tpu.vector_load %arg20[%swap3A_363] {strides = array<i32>} : memref<16xf32, #tpu.memory_space<vmem>>, vector<16xf32>,
        tpu.vector_store %arg20[%swap3A_363], %select_n3A_362 {strides = array<i32>} : memref<16xf32, #tpu.memory_space<vmem>>, vector<16xf32>,
        %sub3A_365 = arith.constant 8 : i32
        %sub3A_366 = vector.broadcast %sub3A_365 : i32 to vector<16xi32>
        %sub3A_367 = arith.subi %iota3A, %sub3A_366 : vector<16xi32>
        %max3A_368 = arith.constant 0 : i32
        %max3A_369 = vector.broadcast %max3A_368 : i32 to vector<16xi32>
        %max3A_370 = arith.maxsi %sub3A_367, %max3A_369 : vector<16xi32>
        %gather3A_371 = tpu.vector_load_idx %arg20[%max3A_370] : memref<16xf32, #tpu.memory_space<vmem>>[vector<16xi32>], vector<16xf32>,
        %sub3A_372 = arith.constant 8 : i32
        %sub3A_373 = arith.subi %add3A_277, %sub3A_372 : i32
        %add3A_374 = vector.broadcast %sub3A_373 : i32 to vector<16xi32>
        %add3A_375 = arith.addi %iota3A, %add3A_374 : vector<16xi32>
        %max3A_376 = arith.constant 0 : i32
        %max3A_377 = vector.broadcast %max3A_376 : i32 to vector<16xi32>
        %max3A_378 = arith.maxsi %add3A_375, %max3A_377 : vector<16xi32>
        %gather3A_379 = tpu.vector_load_idx %arg15[%max3A_378] : memref<2016xi32, #tpu.memory_space<vmem>>[vector<16xi32>], vector<16xi32>,
        %ge3A_380 = arith.constant 8 : i32
        %ge3A_381 = vector.broadcast %ge3A_380 : i32 to vector<16xi32>
        %ge3A_382 = arith.cmpi sge, %iota3A, %ge3A_381 : vector<16xi32>
        %eq3A_383 = arith.cmpi eq, %get3A_279, %gather3A_379 : vector<16xi32>
        %and3A_384 = arith.andi %ge3A_382, %eq3A_383 : vector<16xi1>
        %max3A_385 = arith.maximumf %select_n3A_362, %gather3A_371 : vector<16xf32>
        %select_n3A_386 = arith.select %and3A_384, %max3A_385, %select_n3A_362 : vector<16xi1>, vector<16xf32>
        %add3A_387 = arith.constant 1 : i32
        %add3A_388 = arith.addi %add3A_277, %add3A_387 : i32
        %add3A_389 = vector.broadcast %add3A_388 : i32 to vector<16xi32>
        %add3A_390 = arith.addi %iota3A, %add3A_389 : vector<16xi32>
        %gather3A_391 = tpu.vector_load_idx %arg15[%add3A_390] : memref<2016xi32, #tpu.memory_space<vmem>>[vector<16xi32>], vector<16xi32>,
        %ne3A_392 = arith.cmpi ne, %get3A_279, %gather3A_391 : vector<16xi32>
        %eq3A_393 = arith.constant 15 : i32
        %eq3A_394 = vector.broadcast %eq3A_393 : i32 to vector<16xi32>
        %eq3A_395 = arith.cmpi eq, %iota3A, %eq3A_394 : vector<16xi32>
        %or3A_396 = arith.ori %ne3A_392, %eq3A_395 : vector<16xi1>
        %gather3A_397 = tpu.vector_load_idx %arg11[%get3A_279] masked %or3A_396 : memref<10000xf32, #tpu.memory_space<vmem>>[vector<16xi32>], vector<16xf32>, vector<16xi1>
        %max3A_398 = arith.maximumf %gather3A_397, %select_n3A_386 : vector<16xf32>
        tpu.vector_store_idx %arg11[%get3A_279], %max3A_398 masked %or3A_396 : memref<10000xf32, #tpu.memory_space<vmem>>[vector<16xi32>], vector<16xf32>, vector<16xi1>
        %add3A_399 = arith.constant 32 : i32
        %add3A_400 = arith.addi %mul3A_73, %add3A_399 : i32
        %get3A_401 = arith.index_cast %add3A_400 : i32 to index
        %get3A_402 = tpu.vector_load %arg15[%get3A_401] {strides = array<i32>} : memref<2016xi32, #tpu.memory_space<vmem>>, vector<16xi32>,
        %gather3A_403 = tpu.vector_load_idx %arg8[%get3A_402] : memref<10000xf32, #tpu.memory_space<vmem>>[vector<16xi32>], vector<16xf32>,
        %gather3A_404 = tpu.vector_load_idx %arg9[%get3A_402] : memref<10000xf32, #tpu.memory_space<vmem>>[vector<16xi32>], vector<16xf32>,
        %gather3A_405 = tpu.vector_load_idx %arg10[%get3A_402] : memref<10000xf32, #tpu.memory_space<vmem>>[vector<16xi32>], vector<16xf32>,
        %sub3A_406 = arith.subf %get3A_85, %gather3A_403 : vector<16xf32>
        %sub3A_407 = arith.subf %get3A_105, %gather3A_404 : vector<16xf32>
        %sub3A_408 = arith.subf %get3A_125, %gather3A_405 : vector<16xf32>
        %mul3A_409 = arith.mulf %sub3A_406, %sub3A_406 : vector<16xf32>
        %mul3A_410 = arith.mulf %sub3A_407, %sub3A_407 : vector<16xf32>
        %add3A_411 = arith.addf %mul3A_409, %mul3A_410 : vector<16xf32>
        %mul3A_412 = arith.mulf %sub3A_408, %sub3A_408 : vector<16xf32>
        %add3A_413 = arith.addf %add3A_411, %mul3A_412 : vector<16xf32>
        %swap3A_414 = arith.constant 0 : index
        %swap3A_415 = tpu.vector_load %arg20[%swap3A_414] {strides = array<i32>} : memref<16xf32, #tpu.memory_space<vmem>>, vector<16xf32>,
        tpu.vector_store %arg20[%swap3A_414], %add3A_413 {strides = array<i32>} : memref<16xf32, #tpu.memory_space<vmem>>, vector<16xf32>,
        %sub3A_416 = arith.constant 1 : i32
        %sub3A_417 = vector.broadcast %sub3A_416 : i32 to vector<16xi32>
        %sub3A_418 = arith.subi %iota3A, %sub3A_417 : vector<16xi32>
        %max3A_419 = arith.constant 0 : i32
        %max3A_420 = vector.broadcast %max3A_419 : i32 to vector<16xi32>
        %max3A_421 = arith.maxsi %sub3A_418, %max3A_420 : vector<16xi32>
        %gather3A_422 = tpu.vector_load_idx %arg20[%max3A_421] : memref<16xf32, #tpu.memory_space<vmem>>[vector<16xi32>], vector<16xf32>,
        %sub3A_423 = arith.constant 1 : i32
        %sub3A_424 = arith.subi %add3A_400, %sub3A_423 : i32
        %add3A_425 = vector.broadcast %sub3A_424 : i32 to vector<16xi32>
        %add3A_426 = arith.addi %iota3A, %add3A_425 : vector<16xi32>
        %max3A_427 = arith.constant 0 : i32
        %max3A_428 = vector.broadcast %max3A_427 : i32 to vector<16xi32>
        %max3A_429 = arith.maxsi %add3A_426, %max3A_428 : vector<16xi32>
        %gather3A_430 = tpu.vector_load_idx %arg15[%max3A_429] : memref<2016xi32, #tpu.memory_space<vmem>>[vector<16xi32>], vector<16xi32>,
        %ge3A_431 = arith.constant 1 : i32
        %ge3A_432 = vector.broadcast %ge3A_431 : i32 to vector<16xi32>
        %ge3A_433 = arith.cmpi sge, %iota3A, %ge3A_432 : vector<16xi32>
        %eq3A_434 = arith.cmpi eq, %get3A_402, %gather3A_430 : vector<16xi32>
        %and3A_435 = arith.andi %ge3A_433, %eq3A_434 : vector<16xi1>
        %max3A_436 = arith.maximumf %add3A_413, %gather3A_422 : vector<16xf32>
        %select_n3A_437 = arith.select %and3A_435, %max3A_436, %add3A_413 : vector<16xi1>, vector<16xf32>
        %swap3A_438 = arith.constant 0 : index
        %swap3A_439 = tpu.vector_load %arg20[%swap3A_438] {strides = array<i32>} : memref<16xf32, #tpu.memory_space<vmem>>, vector<16xf32>,
        tpu.vector_store %arg20[%swap3A_438], %select_n3A_437 {strides = array<i32>} : memref<16xf32, #tpu.memory_space<vmem>>, vector<16xf32>,
        %sub3A_440 = arith.constant 2 : i32
        %sub3A_441 = vector.broadcast %sub3A_440 : i32 to vector<16xi32>
        %sub3A_442 = arith.subi %iota3A, %sub3A_441 : vector<16xi32>
        %max3A_443 = arith.constant 0 : i32
        %max3A_444 = vector.broadcast %max3A_443 : i32 to vector<16xi32>
        %max3A_445 = arith.maxsi %sub3A_442, %max3A_444 : vector<16xi32>
        %gather3A_446 = tpu.vector_load_idx %arg20[%max3A_445] : memref<16xf32, #tpu.memory_space<vmem>>[vector<16xi32>], vector<16xf32>,
        %sub3A_447 = arith.constant 2 : i32
        %sub3A_448 = arith.subi %add3A_400, %sub3A_447 : i32
        %add3A_449 = vector.broadcast %sub3A_448 : i32 to vector<16xi32>
        %add3A_450 = arith.addi %iota3A, %add3A_449 : vector<16xi32>
        %max3A_451 = arith.constant 0 : i32
        %max3A_452 = vector.broadcast %max3A_451 : i32 to vector<16xi32>
        %max3A_453 = arith.maxsi %add3A_450, %max3A_452 : vector<16xi32>
        %gather3A_454 = tpu.vector_load_idx %arg15[%max3A_453] : memref<2016xi32, #tpu.memory_space<vmem>>[vector<16xi32>], vector<16xi32>,
        %ge3A_455 = arith.constant 2 : i32
        %ge3A_456 = vector.broadcast %ge3A_455 : i32 to vector<16xi32>
        %ge3A_457 = arith.cmpi sge, %iota3A, %ge3A_456 : vector<16xi32>
        %eq3A_458 = arith.cmpi eq, %get3A_402, %gather3A_454 : vector<16xi32>
        %and3A_459 = arith.andi %ge3A_457, %eq3A_458 : vector<16xi1>
        %max3A_460 = arith.maximumf %select_n3A_437, %gather3A_446 : vector<16xf32>
        %select_n3A_461 = arith.select %and3A_459, %max3A_460, %select_n3A_437 : vector<16xi1>, vector<16xf32>
        %swap3A_462 = arith.constant 0 : index
        %swap3A_463 = tpu.vector_load %arg20[%swap3A_462] {strides = array<i32>} : memref<16xf32, #tpu.memory_space<vmem>>, vector<16xf32>,
        tpu.vector_store %arg20[%swap3A_462], %select_n3A_461 {strides = array<i32>} : memref<16xf32, #tpu.memory_space<vmem>>, vector<16xf32>,
        %sub3A_464 = arith.constant 4 : i32
        %sub3A_465 = vector.broadcast %sub3A_464 : i32 to vector<16xi32>
        %sub3A_466 = arith.subi %iota3A, %sub3A_465 : vector<16xi32>
        %max3A_467 = arith.constant 0 : i32
        %max3A_468 = vector.broadcast %max3A_467 : i32 to vector<16xi32>
        %max3A_469 = arith.maxsi %sub3A_466, %max3A_468 : vector<16xi32>
        %gather3A_470 = tpu.vector_load_idx %arg20[%max3A_469] : memref<16xf32, #tpu.memory_space<vmem>>[vector<16xi32>], vector<16xf32>,
        %sub3A_471 = arith.constant 4 : i32
        %sub3A_472 = arith.subi %add3A_400, %sub3A_471 : i32
        %add3A_473 = vector.broadcast %sub3A_472 : i32 to vector<16xi32>
        %add3A_474 = arith.addi %iota3A, %add3A_473 : vector<16xi32>
        %max3A_475 = arith.constant 0 : i32
        %max3A_476 = vector.broadcast %max3A_475 : i32 to vector<16xi32>
        %max3A_477 = arith.maxsi %add3A_474, %max3A_476 : vector<16xi32>
        %gather3A_478 = tpu.vector_load_idx %arg15[%max3A_477] : memref<2016xi32, #tpu.memory_space<vmem>>[vector<16xi32>], vector<16xi32>,
        %ge3A_479 = arith.constant 4 : i32
        %ge3A_480 = vector.broadcast %ge3A_479 : i32 to vector<16xi32>
        %ge3A_481 = arith.cmpi sge, %iota3A, %ge3A_480 : vector<16xi32>
        %eq3A_482 = arith.cmpi eq, %get3A_402, %gather3A_478 : vector<16xi32>
        %and3A_483 = arith.andi %ge3A_481, %eq3A_482 : vector<16xi1>
        %max3A_484 = arith.maximumf %select_n3A_461, %gather3A_470 : vector<16xf32>
        %select_n3A_485 = arith.select %and3A_483, %max3A_484, %select_n3A_461 : vector<16xi1>, vector<16xf32>
        %swap3A_486 = arith.constant 0 : index
        %swap3A_487 = tpu.vector_load %arg20[%swap3A_486] {strides = array<i32>} : memref<16xf32, #tpu.memory_space<vmem>>, vector<16xf32>,
        tpu.vector_store %arg20[%swap3A_486], %select_n3A_485 {strides = array<i32>} : memref<16xf32, #tpu.memory_space<vmem>>, vector<16xf32>,
        %sub3A_488 = arith.constant 8 : i32
        %sub3A_489 = vector.broadcast %sub3A_488 : i32 to vector<16xi32>
        %sub3A_490 = arith.subi %iota3A, %sub3A_489 : vector<16xi32>
        %max3A_491 = arith.constant 0 : i32
        %max3A_492 = vector.broadcast %max3A_491 : i32 to vector<16xi32>
        %max3A_493 = arith.maxsi %sub3A_490, %max3A_492 : vector<16xi32>
        %gather3A_494 = tpu.vector_load_idx %arg20[%max3A_493] : memref<16xf32, #tpu.memory_space<vmem>>[vector<16xi32>], vector<16xf32>,
        %sub3A_495 = arith.constant 8 : i32
        %sub3A_496 = arith.subi %add3A_400, %sub3A_495 : i32
        %add3A_497 = vector.broadcast %sub3A_496 : i32 to vector<16xi32>
        %add3A_498 = arith.addi %iota3A, %add3A_497 : vector<16xi32>
        %max3A_499 = arith.constant 0 : i32
        %max3A_500 = vector.broadcast %max3A_499 : i32 to vector<16xi32>
        %max3A_501 = arith.maxsi %add3A_498, %max3A_500 : vector<16xi32>
        %gather3A_502 = tpu.vector_load_idx %arg15[%max3A_501] : memref<2016xi32, #tpu.memory_space<vmem>>[vector<16xi32>], vector<16xi32>,
        %ge3A_503 = arith.constant 8 : i32
        %ge3A_504 = vector.broadcast %ge3A_503 : i32 to vector<16xi32>
        %ge3A_505 = arith.cmpi sge, %iota3A, %ge3A_504 : vector<16xi32>
        %eq3A_506 = arith.cmpi eq, %get3A_402, %gather3A_502 : vector<16xi32>
        %and3A_507 = arith.andi %ge3A_505, %eq3A_506 : vector<16xi1>
        %max3A_508 = arith.maximumf %select_n3A_485, %gather3A_494 : vector<16xf32>
        %select_n3A_509 = arith.select %and3A_507, %max3A_508, %select_n3A_485 : vector<16xi1>, vector<16xf32>
        %add3A_510 = arith.constant 1 : i32
        %add3A_511 = arith.addi %add3A_400, %add3A_510 : i32
        %add3A_512 = vector.broadcast %add3A_511 : i32 to vector<16xi32>
        %add3A_513 = arith.addi %iota3A, %add3A_512 : vector<16xi32>
        %gather3A_514 = tpu.vector_load_idx %arg15[%add3A_513] : memref<2016xi32, #tpu.memory_space<vmem>>[vector<16xi32>], vector<16xi32>,
        %ne3A_515 = arith.cmpi ne, %get3A_402, %gather3A_514 : vector<16xi32>
        %eq3A_516 = arith.constant 15 : i32
        %eq3A_517 = vector.broadcast %eq3A_516 : i32 to vector<16xi32>
        %eq3A_518 = arith.cmpi eq, %iota3A, %eq3A_517 : vector<16xi32>
        %or3A_519 = arith.ori %ne3A_515, %eq3A_518 : vector<16xi1>
        %gather3A_520 = tpu.vector_load_idx %arg11[%get3A_402] masked %or3A_519 : memref<10000xf32, #tpu.memory_space<vmem>>[vector<16xi32>], vector<16xf32>, vector<16xi1>
        %max3A_521 = arith.maximumf %gather3A_520, %select_n3A_509 : vector<16xf32>
        tpu.vector_store_idx %arg11[%get3A_402], %max3A_521 masked %or3A_519 : memref<10000xf32, #tpu.memory_space<vmem>>[vector<16xi32>], vector<16xf32>, vector<16xi1>
        %add3A_522 = arith.constant 48 : i32
        %add3A_523 = arith.addi %mul3A_73, %add3A_522 : i32
        %get3A_524 = arith.index_cast %add3A_523 : i32 to index
        %get3A_525 = tpu.vector_load %arg15[%get3A_524] {strides = array<i32>} : memref<2016xi32, #tpu.memory_space<vmem>>, vector<16xi32>,
        %gather3A_526 = tpu.vector_load_idx %arg8[%get3A_525] : memref<10000xf32, #tpu.memory_space<vmem>>[vector<16xi32>], vector<16xf32>,
        %gather3A_527 = tpu.vector_load_idx %arg9[%get3A_525] : memref<10000xf32, #tpu.memory_space<vmem>>[vector<16xi32>], vector<16xf32>,
        %gather3A_528 = tpu.vector_load_idx %arg10[%get3A_525] : memref<10000xf32, #tpu.memory_space<vmem>>[vector<16xi32>], vector<16xf32>,
        %sub3A_529 = arith.subf %get3A_89, %gather3A_526 : vector<16xf32>
        %sub3A_530 = arith.subf %get3A_109, %gather3A_527 : vector<16xf32>
        %sub3A_531 = arith.subf %get3A_129, %gather3A_528 : vector<16xf32>
        %mul3A_532 = arith.mulf %sub3A_529, %sub3A_529 : vector<16xf32>
        %mul3A_533 = arith.mulf %sub3A_530, %sub3A_530 : vector<16xf32>
        %add3A_534 = arith.addf %mul3A_532, %mul3A_533 : vector<16xf32>
        %mul3A_535 = arith.mulf %sub3A_531, %sub3A_531 : vector<16xf32>
        %add3A_536 = arith.addf %add3A_534, %mul3A_535 : vector<16xf32>
        %swap3A_537 = arith.constant 0 : index
        %swap3A_538 = tpu.vector_load %arg20[%swap3A_537] {strides = array<i32>} : memref<16xf32, #tpu.memory_space<vmem>>, vector<16xf32>,
        tpu.vector_store %arg20[%swap3A_537], %add3A_536 {strides = array<i32>} : memref<16xf32, #tpu.memory_space<vmem>>, vector<16xf32>,
        %sub3A_539 = arith.constant 1 : i32
        %sub3A_540 = vector.broadcast %sub3A_539 : i32 to vector<16xi32>
        %sub3A_541 = arith.subi %iota3A, %sub3A_540 : vector<16xi32>
        %max3A_542 = arith.constant 0 : i32
        %max3A_543 = vector.broadcast %max3A_542 : i32 to vector<16xi32>
        %max3A_544 = arith.maxsi %sub3A_541, %max3A_543 : vector<16xi32>
        %gather3A_545 = tpu.vector_load_idx %arg20[%max3A_544] : memref<16xf32, #tpu.memory_space<vmem>>[vector<16xi32>], vector<16xf32>,
        %sub3A_546 = arith.constant 1 : i32
        %sub3A_547 = arith.subi %add3A_523, %sub3A_546 : i32
        %add3A_548 = vector.broadcast %sub3A_547 : i32 to vector<16xi32>
        %add3A_549 = arith.addi %iota3A, %add3A_548 : vector<16xi32>
        %max3A_550 = arith.constant 0 : i32
        %max3A_551 = vector.broadcast %max3A_550 : i32 to vector<16xi32>
        %max3A_552 = arith.maxsi %add3A_549, %max3A_551 : vector<16xi32>
        %gather3A_553 = tpu.vector_load_idx %arg15[%max3A_552] : memref<2016xi32, #tpu.memory_space<vmem>>[vector<16xi32>], vector<16xi32>,
        %ge3A_554 = arith.constant 1 : i32
        %ge3A_555 = vector.broadcast %ge3A_554 : i32 to vector<16xi32>
        %ge3A_556 = arith.cmpi sge, %iota3A, %ge3A_555 : vector<16xi32>
        %eq3A_557 = arith.cmpi eq, %get3A_525, %gather3A_553 : vector<16xi32>
        %and3A_558 = arith.andi %ge3A_556, %eq3A_557 : vector<16xi1>
        %max3A_559 = arith.maximumf %add3A_536, %gather3A_545 : vector<16xf32>
        %select_n3A_560 = arith.select %and3A_558, %max3A_559, %add3A_536 : vector<16xi1>, vector<16xf32>
        %swap3A_561 = arith.constant 0 : index
        %swap3A_562 = tpu.vector_load %arg20[%swap3A_561] {strides = array<i32>} : memref<16xf32, #tpu.memory_space<vmem>>, vector<16xf32>,
        tpu.vector_store %arg20[%swap3A_561], %select_n3A_560 {strides = array<i32>} : memref<16xf32, #tpu.memory_space<vmem>>, vector<16xf32>,
        %sub3A_563 = arith.constant 2 : i32
        %sub3A_564 = vector.broadcast %sub3A_563 : i32 to vector<16xi32>
        %sub3A_565 = arith.subi %iota3A, %sub3A_564 : vector<16xi32>
        %max3A_566 = arith.constant 0 : i32
        %max3A_567 = vector.broadcast %max3A_566 : i32 to vector<16xi32>
        %max3A_568 = arith.maxsi %sub3A_565, %max3A_567 : vector<16xi32>
        %gather3A_569 = tpu.vector_load_idx %arg20[%max3A_568] : memref<16xf32, #tpu.memory_space<vmem>>[vector<16xi32>], vector<16xf32>,
        %sub3A_570 = arith.constant 2 : i32
        %sub3A_571 = arith.subi %add3A_523, %sub3A_570 : i32
        %add3A_572 = vector.broadcast %sub3A_571 : i32 to vector<16xi32>
        %add3A_573 = arith.addi %iota3A, %add3A_572 : vector<16xi32>
        %max3A_574 = arith.constant 0 : i32
        %max3A_575 = vector.broadcast %max3A_574 : i32 to vector<16xi32>
        %max3A_576 = arith.maxsi %add3A_573, %max3A_575 : vector<16xi32>
        %gather3A_577 = tpu.vector_load_idx %arg15[%max3A_576] : memref<2016xi32, #tpu.memory_space<vmem>>[vector<16xi32>], vector<16xi32>,
        %ge3A_578 = arith.constant 2 : i32
        %ge3A_579 = vector.broadcast %ge3A_578 : i32 to vector<16xi32>
        %ge3A_580 = arith.cmpi sge, %iota3A, %ge3A_579 : vector<16xi32>
        %eq3A_581 = arith.cmpi eq, %get3A_525, %gather3A_577 : vector<16xi32>
        %and3A_582 = arith.andi %ge3A_580, %eq3A_581 : vector<16xi1>
        %max3A_583 = arith.maximumf %select_n3A_560, %gather3A_569 : vector<16xf32>
        %select_n3A_584 = arith.select %and3A_582, %max3A_583, %select_n3A_560 : vector<16xi1>, vector<16xf32>
        %swap3A_585 = arith.constant 0 : index
        %swap3A_586 = tpu.vector_load %arg20[%swap3A_585] {strides = array<i32>} : memref<16xf32, #tpu.memory_space<vmem>>, vector<16xf32>,
        tpu.vector_store %arg20[%swap3A_585], %select_n3A_584 {strides = array<i32>} : memref<16xf32, #tpu.memory_space<vmem>>, vector<16xf32>,
        %sub3A_587 = arith.constant 4 : i32
        %sub3A_588 = vector.broadcast %sub3A_587 : i32 to vector<16xi32>
        %sub3A_589 = arith.subi %iota3A, %sub3A_588 : vector<16xi32>
        %max3A_590 = arith.constant 0 : i32
        %max3A_591 = vector.broadcast %max3A_590 : i32 to vector<16xi32>
        %max3A_592 = arith.maxsi %sub3A_589, %max3A_591 : vector<16xi32>
        %gather3A_593 = tpu.vector_load_idx %arg20[%max3A_592] : memref<16xf32, #tpu.memory_space<vmem>>[vector<16xi32>], vector<16xf32>,
        %sub3A_594 = arith.constant 4 : i32
        %sub3A_595 = arith.subi %add3A_523, %sub3A_594 : i32
        %add3A_596 = vector.broadcast %sub3A_595 : i32 to vector<16xi32>
        %add3A_597 = arith.addi %iota3A, %add3A_596 : vector<16xi32>
        %max3A_598 = arith.constant 0 : i32
        %max3A_599 = vector.broadcast %max3A_598 : i32 to vector<16xi32>
        %max3A_600 = arith.maxsi %add3A_597, %max3A_599 : vector<16xi32>
        %gather3A_601 = tpu.vector_load_idx %arg15[%max3A_600] : memref<2016xi32, #tpu.memory_space<vmem>>[vector<16xi32>], vector<16xi32>,
        %ge3A_602 = arith.constant 4 : i32
        %ge3A_603 = vector.broadcast %ge3A_602 : i32 to vector<16xi32>
        %ge3A_604 = arith.cmpi sge, %iota3A, %ge3A_603 : vector<16xi32>
        %eq3A_605 = arith.cmpi eq, %get3A_525, %gather3A_601 : vector<16xi32>
        %and3A_606 = arith.andi %ge3A_604, %eq3A_605 : vector<16xi1>
        %max3A_607 = arith.maximumf %select_n3A_584, %gather3A_593 : vector<16xf32>
        %select_n3A_608 = arith.select %and3A_606, %max3A_607, %select_n3A_584 : vector<16xi1>, vector<16xf32>
        %swap3A_609 = arith.constant 0 : index
        %swap3A_610 = tpu.vector_load %arg20[%swap3A_609] {strides = array<i32>} : memref<16xf32, #tpu.memory_space<vmem>>, vector<16xf32>,
        tpu.vector_store %arg20[%swap3A_609], %select_n3A_608 {strides = array<i32>} : memref<16xf32, #tpu.memory_space<vmem>>, vector<16xf32>,
        %sub3A_611 = arith.constant 8 : i32
        %sub3A_612 = vector.broadcast %sub3A_611 : i32 to vector<16xi32>
        %sub3A_613 = arith.subi %iota3A, %sub3A_612 : vector<16xi32>
        %max3A_614 = arith.constant 0 : i32
        %max3A_615 = vector.broadcast %max3A_614 : i32 to vector<16xi32>
        %max3A_616 = arith.maxsi %sub3A_613, %max3A_615 : vector<16xi32>
        %gather3A_617 = tpu.vector_load_idx %arg20[%max3A_616] : memref<16xf32, #tpu.memory_space<vmem>>[vector<16xi32>], vector<16xf32>,
        %sub3A_618 = arith.constant 8 : i32
        %sub3A_619 = arith.subi %add3A_523, %sub3A_618 : i32
        %add3A_620 = vector.broadcast %sub3A_619 : i32 to vector<16xi32>
        %add3A_621 = arith.addi %iota3A, %add3A_620 : vector<16xi32>
        %max3A_622 = arith.constant 0 : i32
        %max3A_623 = vector.broadcast %max3A_622 : i32 to vector<16xi32>
        %max3A_624 = arith.maxsi %add3A_621, %max3A_623 : vector<16xi32>
        %gather3A_625 = tpu.vector_load_idx %arg15[%max3A_624] : memref<2016xi32, #tpu.memory_space<vmem>>[vector<16xi32>], vector<16xi32>,
        %ge3A_626 = arith.constant 8 : i32
        %ge3A_627 = vector.broadcast %ge3A_626 : i32 to vector<16xi32>
        %ge3A_628 = arith.cmpi sge, %iota3A, %ge3A_627 : vector<16xi32>
        %eq3A_629 = arith.cmpi eq, %get3A_525, %gather3A_625 : vector<16xi32>
        %and3A_630 = arith.andi %ge3A_628, %eq3A_629 : vector<16xi1>
        %max3A_631 = arith.maximumf %select_n3A_608, %gather3A_617 : vector<16xf32>
        %select_n3A_632 = arith.select %and3A_630, %max3A_631, %select_n3A_608 : vector<16xi1>, vector<16xf32>
        %add3A_633 = arith.constant 1 : i32
        %add3A_634 = arith.addi %add3A_523, %add3A_633 : i32
        %add3A_635 = vector.broadcast %add3A_634 : i32 to vector<16xi32>
        %add3A_636 = arith.addi %iota3A, %add3A_635 : vector<16xi32>
        %gather3A_637 = tpu.vector_load_idx %arg15[%add3A_636] : memref<2016xi32, #tpu.memory_space<vmem>>[vector<16xi32>], vector<16xi32>,
        %ne3A_638 = arith.cmpi ne, %get3A_525, %gather3A_637 : vector<16xi32>
        %eq3A_639 = arith.constant 15 : i32
        %eq3A_640 = vector.broadcast %eq3A_639 : i32 to vector<16xi32>
        %eq3A_641 = arith.cmpi eq, %iota3A, %eq3A_640 : vector<16xi32>
        %or3A_642 = arith.ori %ne3A_638, %eq3A_641 : vector<16xi1>
        %gather3A_643 = tpu.vector_load_idx %arg11[%get3A_525] masked %or3A_642 : memref<10000xf32, #tpu.memory_space<vmem>>[vector<16xi32>], vector<16xf32>, vector<16xi1>
        %max3A_644 = arith.maximumf %gather3A_643, %select_n3A_632 : vector<16xf32>
        tpu.vector_store_idx %arg11[%get3A_525], %max3A_644 masked %or3A_642 : memref<10000xf32, #tpu.memory_space<vmem>>[vector<16xi32>], vector<16xf32>, vector<16xi1>
        %add3A_645 = arith.constant 64 : i32
        %add3A_646 = arith.addi %mul3A_73, %add3A_645 : i32
        %get3A_647 = arith.index_cast %add3A_646 : i32 to index
        %get3A_648 = tpu.vector_load %arg15[%get3A_647] {strides = array<i32>} : memref<2016xi32, #tpu.memory_space<vmem>>, vector<16xi32>,
        %gather3A_649 = tpu.vector_load_idx %arg8[%get3A_648] : memref<10000xf32, #tpu.memory_space<vmem>>[vector<16xi32>], vector<16xf32>,
        %gather3A_650 = tpu.vector_load_idx %arg9[%get3A_648] : memref<10000xf32, #tpu.memory_space<vmem>>[vector<16xi32>], vector<16xf32>,
        %gather3A_651 = tpu.vector_load_idx %arg10[%get3A_648] : memref<10000xf32, #tpu.memory_space<vmem>>[vector<16xi32>], vector<16xf32>,
        %sub3A_652 = arith.subf %get3A_93, %gather3A_649 : vector<16xf32>
        %sub3A_653 = arith.subf %get3A_113, %gather3A_650 : vector<16xf32>
        %sub3A_654 = arith.subf %get3A_133, %gather3A_651 : vector<16xf32>
        %mul3A_655 = arith.mulf %sub3A_652, %sub3A_652 : vector<16xf32>
        %mul3A_656 = arith.mulf %sub3A_653, %sub3A_653 : vector<16xf32>
        %add3A_657 = arith.addf %mul3A_655, %mul3A_656 : vector<16xf32>
        %mul3A_658 = arith.mulf %sub3A_654, %sub3A_654 : vector<16xf32>
        %add3A_659 = arith.addf %add3A_657, %mul3A_658 : vector<16xf32>
        %swap3A_660 = arith.constant 0 : index
        %swap3A_661 = tpu.vector_load %arg20[%swap3A_660] {strides = array<i32>} : memref<16xf32, #tpu.memory_space<vmem>>, vector<16xf32>,
        tpu.vector_store %arg20[%swap3A_660], %add3A_659 {strides = array<i32>} : memref<16xf32, #tpu.memory_space<vmem>>, vector<16xf32>,
        %sub3A_662 = arith.constant 1 : i32
        %sub3A_663 = vector.broadcast %sub3A_662 : i32 to vector<16xi32>
        %sub3A_664 = arith.subi %iota3A, %sub3A_663 : vector<16xi32>
        %max3A_665 = arith.constant 0 : i32
        %max3A_666 = vector.broadcast %max3A_665 : i32 to vector<16xi32>
        %max3A_667 = arith.maxsi %sub3A_664, %max3A_666 : vector<16xi32>
        %gather3A_668 = tpu.vector_load_idx %arg20[%max3A_667] : memref<16xf32, #tpu.memory_space<vmem>>[vector<16xi32>], vector<16xf32>,
        %sub3A_669 = arith.constant 1 : i32
        %sub3A_670 = arith.subi %add3A_646, %sub3A_669 : i32
        %add3A_671 = vector.broadcast %sub3A_670 : i32 to vector<16xi32>
        %add3A_672 = arith.addi %iota3A, %add3A_671 : vector<16xi32>
        %max3A_673 = arith.constant 0 : i32
        %max3A_674 = vector.broadcast %max3A_673 : i32 to vector<16xi32>
        %max3A_675 = arith.maxsi %add3A_672, %max3A_674 : vector<16xi32>
        %gather3A_676 = tpu.vector_load_idx %arg15[%max3A_675] : memref<2016xi32, #tpu.memory_space<vmem>>[vector<16xi32>], vector<16xi32>,
        %ge3A_677 = arith.constant 1 : i32
        %ge3A_678 = vector.broadcast %ge3A_677 : i32 to vector<16xi32>
        %ge3A_679 = arith.cmpi sge, %iota3A, %ge3A_678 : vector<16xi32>
        %eq3A_680 = arith.cmpi eq, %get3A_648, %gather3A_676 : vector<16xi32>
        %and3A_681 = arith.andi %ge3A_679, %eq3A_680 : vector<16xi1>
        %max3A_682 = arith.maximumf %add3A_659, %gather3A_668 : vector<16xf32>
        %select_n3A_683 = arith.select %and3A_681, %max3A_682, %add3A_659 : vector<16xi1>, vector<16xf32>
        %swap3A_684 = arith.constant 0 : index
        %swap3A_685 = tpu.vector_load %arg20[%swap3A_684] {strides = array<i32>} : memref<16xf32, #tpu.memory_space<vmem>>, vector<16xf32>,
        tpu.vector_store %arg20[%swap3A_684], %select_n3A_683 {strides = array<i32>} : memref<16xf32, #tpu.memory_space<vmem>>, vector<16xf32>,
        %sub3A_686 = arith.constant 2 : i32
        %sub3A_687 = vector.broadcast %sub3A_686 : i32 to vector<16xi32>
        %sub3A_688 = arith.subi %iota3A, %sub3A_687 : vector<16xi32>
        %max3A_689 = arith.constant 0 : i32
        %max3A_690 = vector.broadcast %max3A_689 : i32 to vector<16xi32>
        %max3A_691 = arith.maxsi %sub3A_688, %max3A_690 : vector<16xi32>
        %gather3A_692 = tpu.vector_load_idx %arg20[%max3A_691] : memref<16xf32, #tpu.memory_space<vmem>>[vector<16xi32>], vector<16xf32>,
        %sub3A_693 = arith.constant 2 : i32
        %sub3A_694 = arith.subi %add3A_646, %sub3A_693 : i32
        %add3A_695 = vector.broadcast %sub3A_694 : i32 to vector<16xi32>
        %add3A_696 = arith.addi %iota3A, %add3A_695 : vector<16xi32>
        %max3A_697 = arith.constant 0 : i32
        %max3A_698 = vector.broadcast %max3A_697 : i32 to vector<16xi32>
        %max3A_699 = arith.maxsi %add3A_696, %max3A_698 : vector<16xi32>
        %gather3A_700 = tpu.vector_load_idx %arg15[%max3A_699] : memref<2016xi32, #tpu.memory_space<vmem>>[vector<16xi32>], vector<16xi32>,
        %ge3A_701 = arith.constant 2 : i32
        %ge3A_702 = vector.broadcast %ge3A_701 : i32 to vector<16xi32>
        %ge3A_703 = arith.cmpi sge, %iota3A, %ge3A_702 : vector<16xi32>
        %eq3A_704 = arith.cmpi eq, %get3A_648, %gather3A_700 : vector<16xi32>
        %and3A_705 = arith.andi %ge3A_703, %eq3A_704 : vector<16xi1>
        %max3A_706 = arith.maximumf %select_n3A_683, %gather3A_692 : vector<16xf32>
        %select_n3A_707 = arith.select %and3A_705, %max3A_706, %select_n3A_683 : vector<16xi1>, vector<16xf32>
        %swap3A_708 = arith.constant 0 : index
        %swap3A_709 = tpu.vector_load %arg20[%swap3A_708] {strides = array<i32>} : memref<16xf32, #tpu.memory_space<vmem>>, vector<16xf32>,
        tpu.vector_store %arg20[%swap3A_708], %select_n3A_707 {strides = array<i32>} : memref<16xf32, #tpu.memory_space<vmem>>, vector<16xf32>,
        %sub3A_710 = arith.constant 4 : i32
        %sub3A_711 = vector.broadcast %sub3A_710 : i32 to vector<16xi32>
        %sub3A_712 = arith.subi %iota3A, %sub3A_711 : vector<16xi32>
        %max3A_713 = arith.constant 0 : i32
        %max3A_714 = vector.broadcast %max3A_713 : i32 to vector<16xi32>
        %max3A_715 = arith.maxsi %sub3A_712, %max3A_714 : vector<16xi32>
        %gather3A_716 = tpu.vector_load_idx %arg20[%max3A_715] : memref<16xf32, #tpu.memory_space<vmem>>[vector<16xi32>], vector<16xf32>,
        %sub3A_717 = arith.constant 4 : i32
        %sub3A_718 = arith.subi %add3A_646, %sub3A_717 : i32
        %add3A_719 = vector.broadcast %sub3A_718 : i32 to vector<16xi32>
        %add3A_720 = arith.addi %iota3A, %add3A_719 : vector<16xi32>
        %max3A_721 = arith.constant 0 : i32
        %max3A_722 = vector.broadcast %max3A_721 : i32 to vector<16xi32>
        %max3A_723 = arith.maxsi %add3A_720, %max3A_722 : vector<16xi32>
        %gather3A_724 = tpu.vector_load_idx %arg15[%max3A_723] : memref<2016xi32, #tpu.memory_space<vmem>>[vector<16xi32>], vector<16xi32>,
        %ge3A_725 = arith.constant 4 : i32
        %ge3A_726 = vector.broadcast %ge3A_725 : i32 to vector<16xi32>
        %ge3A_727 = arith.cmpi sge, %iota3A, %ge3A_726 : vector<16xi32>
        %eq3A_728 = arith.cmpi eq, %get3A_648, %gather3A_724 : vector<16xi32>
        %and3A_729 = arith.andi %ge3A_727, %eq3A_728 : vector<16xi1>
        %max3A_730 = arith.maximumf %select_n3A_707, %gather3A_716 : vector<16xf32>
        %select_n3A_731 = arith.select %and3A_729, %max3A_730, %select_n3A_707 : vector<16xi1>, vector<16xf32>
        %swap3A_732 = arith.constant 0 : index
        %swap3A_733 = tpu.vector_load %arg20[%swap3A_732] {strides = array<i32>} : memref<16xf32, #tpu.memory_space<vmem>>, vector<16xf32>,
        tpu.vector_store %arg20[%swap3A_732], %select_n3A_731 {strides = array<i32>} : memref<16xf32, #tpu.memory_space<vmem>>, vector<16xf32>,
        %sub3A_734 = arith.constant 8 : i32
        %sub3A_735 = vector.broadcast %sub3A_734 : i32 to vector<16xi32>
        %sub3A_736 = arith.subi %iota3A, %sub3A_735 : vector<16xi32>
        %max3A_737 = arith.constant 0 : i32
        %max3A_738 = vector.broadcast %max3A_737 : i32 to vector<16xi32>
        %max3A_739 = arith.maxsi %sub3A_736, %max3A_738 : vector<16xi32>
        %gather3A_740 = tpu.vector_load_idx %arg20[%max3A_739] : memref<16xf32, #tpu.memory_space<vmem>>[vector<16xi32>], vector<16xf32>,
        %sub3A_741 = arith.constant 8 : i32
        %sub3A_742 = arith.subi %add3A_646, %sub3A_741 : i32
        %add3A_743 = vector.broadcast %sub3A_742 : i32 to vector<16xi32>
        %add3A_744 = arith.addi %iota3A, %add3A_743 : vector<16xi32>
        %max3A_745 = arith.constant 0 : i32
        %max3A_746 = vector.broadcast %max3A_745 : i32 to vector<16xi32>
        %max3A_747 = arith.maxsi %add3A_744, %max3A_746 : vector<16xi32>
        %gather3A_748 = tpu.vector_load_idx %arg15[%max3A_747] : memref<2016xi32, #tpu.memory_space<vmem>>[vector<16xi32>], vector<16xi32>,
        %ge3A_749 = arith.constant 8 : i32
        %ge3A_750 = vector.broadcast %ge3A_749 : i32 to vector<16xi32>
        %ge3A_751 = arith.cmpi sge, %iota3A, %ge3A_750 : vector<16xi32>
        %eq3A_752 = arith.cmpi eq, %get3A_648, %gather3A_748 : vector<16xi32>
        %and3A_753 = arith.andi %ge3A_751, %eq3A_752 : vector<16xi1>
        %max3A_754 = arith.maximumf %select_n3A_731, %gather3A_740 : vector<16xf32>
        %select_n3A_755 = arith.select %and3A_753, %max3A_754, %select_n3A_731 : vector<16xi1>, vector<16xf32>
        %add3A_756 = arith.constant 1 : i32
        %add3A_757 = arith.addi %add3A_646, %add3A_756 : i32
        %add3A_758 = vector.broadcast %add3A_757 : i32 to vector<16xi32>
        %add3A_759 = arith.addi %iota3A, %add3A_758 : vector<16xi32>
        %gather3A_760 = tpu.vector_load_idx %arg15[%add3A_759] : memref<2016xi32, #tpu.memory_space<vmem>>[vector<16xi32>], vector<16xi32>,
        %ne3A_761 = arith.cmpi ne, %get3A_648, %gather3A_760 : vector<16xi32>
        %eq3A_762 = arith.constant 15 : i32
        %eq3A_763 = vector.broadcast %eq3A_762 : i32 to vector<16xi32>
        %eq3A_764 = arith.cmpi eq, %iota3A, %eq3A_763 : vector<16xi32>
        %or3A_765 = arith.ori %ne3A_761, %eq3A_764 : vector<16xi1>
        %gather3A_766 = tpu.vector_load_idx %arg11[%get3A_648] masked %or3A_765 : memref<10000xf32, #tpu.memory_space<vmem>>[vector<16xi32>], vector<16xf32>, vector<16xi1>
        %max3A_767 = arith.maximumf %gather3A_766, %select_n3A_755 : vector<16xf32>
        tpu.vector_store_idx %arg11[%get3A_648], %max3A_767 masked %or3A_765 : memref<10000xf32, #tpu.memory_space<vmem>>[vector<16xi32>], vector<16xf32>, vector<16xi1>
        %broadcast_in_dim3A_768 = vector.broadcast %squeeze3A_144 : i32 to vector<16xi32>
        %gather3A_769 = tpu.vector_load_idx %arg8[%broadcast_in_dim3A_768] : memref<10000xf32, #tpu.memory_space<vmem>>[vector<16xi32>], vector<16xf32>,
        %gather3A_770 = tpu.vector_load_idx %arg9[%broadcast_in_dim3A_768] : memref<10000xf32, #tpu.memory_space<vmem>>[vector<16xi32>], vector<16xf32>,
        %gather3A_771 = tpu.vector_load_idx %arg10[%broadcast_in_dim3A_768] : memref<10000xf32, #tpu.memory_space<vmem>>[vector<16xi32>], vector<16xf32>,
        scf.yield %squeeze3A_144, %broadcast_in_dim3A_5, %gather3A_769, %gather3A_770, %gather3A_771 : i32, vector<16xf32>, vector<16xf32>, vector<16xf32>, vector<16xf32>
      }
      scf.yield %cond3A_148#0, %cond3A_148#1, %cond3A_148#2, %cond3A_148#3, %cond3A_148#4 : i32, vector<16xf32>, vector<16xf32>, vector<16xf32>, vector<16xf32>
    }
    %scan3A_59 = arith.constant 25 : i32
    %broadcast_in_dim3A_60 = vector.broadcast %scan3A_58#0 : i32 to vector<16xi32>
    %reduce_max3A = arith.constant true
    %reduce_max3A_61 = vector.broadcast %reduce_max3A : i1 to vector<16xi1>
    %reduce_max3A_62 = tpu.scan <max>, %scan3A_58#1 masked %reduce_max3A_61 : vector<16xf32>, vector<16xi1> -> vector<16xf32>
    %reduce_max3A_63 = vector.extract %reduce_max3A_62[15] : f32 from vector<16xf32>
    %broadcast_in_dim3A_64 = vector.broadcast %reduce_max3A_63 : f32 to vector<16xf32>
    %gather3A_65 = tpu.vector_load_idx %arg11[%broadcast_in_dim3A_60] masked %eq3A_4 : memref<10000xf32, #tpu.memory_space<vmem>>[vector<16xi32>], vector<16xf32>, vector<16xi1>
    %max3A = arith.maximumf %gather3A_65, %broadcast_in_dim3A_64 : vector<16xf32>
    tpu.vector_store_idx %arg11[%broadcast_in_dim3A_60], %max3A masked %eq3A_4 : memref<10000xf32, #tpu.memory_space<vmem>>[vector<16xi32>], vector<16xf32>, vector<16xi1>
    "tpu.region"() ({
      %run_scoped3A_66 = tpu.sem_alloc : memref<!tpu.dma_semaphore, #tpu.memory_space<semaphore_mem>>
      %dma_start3A_67 = arith.constant 0 : i32
      %dma_start3A_68 = tpu.memref_slice %arg7[%add3A, %dma_start3A_67] : memref<32x10000xf32, #tpu.memory_space<hbm>> -> memref<1x10000xf32, #tpu.memory_space<hbm>>
      %dma_start3A_69 = tpu.memref_squeeze %dma_start3A_68 : memref<1x10000xf32, #tpu.memory_space<hbm>> -> memref<10000xf32, #tpu.memory_space<hbm>>
      %dma_start3A_70 = arith.constant 0 : i32
      %dma_start3A_71 = tpu.memref_slice %arg7[%add3A, %dma_start3A_70] : memref<32x10000xf32, #tpu.memory_space<hbm>> -> memref<1x10000xf32, #tpu.memory_space<hbm>>
      %dma_start3A_72 = tpu.memref_squeeze %dma_start3A_71 : memref<1x10000xf32, #tpu.memory_space<hbm>> -> memref<10000xf32, #tpu.memory_space<hbm>>
      tpu.enqueue_dma source(%arg11 : memref<10000xf32, #tpu.memory_space<vmem>>) target(%dma_start3A_72 : memref<10000xf32, #tpu.memory_space<hbm>>) target_semaphore(%run_scoped3A_66 : memref<!tpu.dma_semaphore, #tpu.memory_space<semaphore_mem>>)
      %dma_wait3A_73 = arith.constant 0 : i32
      %dma_wait3A_74 = tpu.memref_slice %arg7[%add3A, %dma_wait3A_73] : memref<32x10000xf32, #tpu.memory_space<hbm>> -> memref<1x10000xf32, #tpu.memory_space<hbm>>
      %dma_wait3A_75 = tpu.memref_squeeze %dma_wait3A_74 : memref<1x10000xf32, #tpu.memory_space<hbm>> -> memref<10000xf32, #tpu.memory_space<hbm>>
      %dma_wait3A_76 = arith.constant 0 : i32
      %dma_wait3A_77 = tpu.memref_slice %arg7[%add3A, %dma_wait3A_76] : memref<32x10000xf32, #tpu.memory_space<hbm>> -> memref<1x10000xf32, #tpu.memory_space<hbm>>
      %dma_wait3A_78 = tpu.memref_squeeze %dma_wait3A_77 : memref<1x10000xf32, #tpu.memory_space<hbm>> -> memref<10000xf32, #tpu.memory_space<hbm>>
      tpu.wait_dma2 semaphore(%run_scoped3A_66 : memref<!tpu.dma_semaphore, #tpu.memory_space<semaphore_mem>>) src(%arg11 : memref<10000xf32, #tpu.memory_space<vmem>>) dst(%dma_wait3A_78 : memref<10000xf32, #tpu.memory_space<hbm>>)
      tpu.yield
    }) : () -> ()
    return
  }
}

#map = affine_map<(d0, d1) -> (0)>
#map1 = affine_map<(d0, d1) -> (0, 0, 0)>
module attributes {stable_mosaic.version = 14 : i64} {
  func.func @_k1_body(%arg0: i32, %arg1: i32, %arg2: memref<1600000xf32, #tpu.memory_space<hbm>>, %arg3: memref<1600000xf32, #tpu.memory_space<hbm>>, %arg4: memref<1600000xf32, #tpu.memory_space<hbm>>, %arg5: memref<1600000xi32, #tpu.memory_space<hbm>>, %arg6: memref<32x4x10000xf32, #tpu.memory_space<hbm>>, %arg7: memref<20000xf32, #tpu.memory_space<vmem>>, %arg8: memref<20000xf32, #tpu.memory_space<vmem>>, %arg9: memref<20000xf32, #tpu.memory_space<vmem>>, %arg10: memref<20000xf32, #tpu.memory_space<vmem>>, %arg11: memref<2000xf32, #tpu.memory_space<vmem>>, %arg12: memref<2000xf32, #tpu.memory_space<vmem>>, %arg13: memref<2000xf32, #tpu.memory_space<vmem>>, %arg14: memref<2000xi32, #tpu.memory_space<vmem>>, %arg15: memref<2000xf32, #tpu.memory_space<vmem>>, %arg16: memref<2000xf32, #tpu.memory_space<vmem>>, %arg17: memref<2000xf32, #tpu.memory_space<vmem>>, %arg18: memref<2000xi32, #tpu.memory_space<vmem>>, %arg19: memref<!tpu.dma_semaphore, #tpu.memory_space<semaphore_mem>>, %arg20: memref<!tpu.dma_semaphore, #tpu.memory_space<semaphore_mem>>) attributes {dimension_semantics = [#tpu.dimension_semantics<core_parallel>, #tpu.dimension_semantics<subcore_parallel>], iteration_bounds = array<i64: 2, 16>, scalar_prefetch = 0 : i64, scratch_operands = 14 : i64, tpu.core_type = #tpu.core_type<sc_vector_subcore>, window_params = [{transform_indices = #map}, {transform_indices = #map}, {transform_indices = #map}, {transform_indices = #map}, {transform_indices = #map1}]} {
    %mul3A = arith.constant 2 : i32
    %mul3A_0 = arith.muli %arg1, %mul3A : i32
    %add3A = arith.addi %mul3A_0, %arg0 : i32
    %mul3A_1 = arith.constant 50000 : i32
    %mul3A_2 = arith.muli %add3A, %mul3A_1 : i32
    %iota3A = tpu.iota {dimensions = array<i32: 0>} : vector<16xi32>
    %broadcast_in_dim3A = arith.constant 0.000000e+00 : f32
    %broadcast_in_dim3A_3 = vector.broadcast %broadcast_in_dim3A : f32 to vector<16xf32>
    %broadcast_in_dim3A_4 = arith.constant 1.000000e+00 : f32
    %broadcast_in_dim3A_5 = vector.broadcast %broadcast_in_dim3A_4 : f32 to vector<16xf32>
    %broadcast_in_dim3A_6 = arith.constant 5.000000e+00 : f32
    %broadcast_in_dim3A_7 = vector.broadcast %broadcast_in_dim3A_6 : f32 to vector<16xf32>
    %and3A = arith.constant 1 : i32
    %and3A_8 = vector.broadcast %and3A : i32 to vector<16xi32>
    %and3A_9 = arith.andi %iota3A, %and3A_8 : vector<16xi32>
    %mul3A_10 = arith.constant 10000 : i32
    %mul3A_11 = vector.broadcast %mul3A_10 : i32 to vector<16xi32>
    %mul3A_12 = arith.muli %and3A_9, %mul3A_11 : vector<16xi32>
    %scan3A = arith.constant 0 : i32
    %scan3A_13 = arith.constant 1250 : i32
    %scan3A_14 = arith.addi %scan3A, %scan3A_13 : i32
    %scan3A_15 = arith.constant 1 : i32
    scf.for %scan3A_77 = %scan3A to %scan3A_14 step %scan3A_15  : i32 {
      %mul3A_78 = arith.constant 16 : i32
      %mul3A_79 = arith.muli %scan3A_77, %mul3A_78 : i32
      %add3A_80 = arith.constant 0 : i32
      %add3A_81 = arith.addi %add3A_80, %mul3A_79 : i32
      %swap3A = arith.index_cast %add3A_81 : i32 to index
      %swap3A_82 = tpu.vector_load %arg7[%swap3A] {strides = array<i32>} : memref<20000xf32, #tpu.memory_space<vmem>>, vector<16xf32>,
      tpu.vector_store %arg7[%swap3A], %broadcast_in_dim3A_3 {strides = array<i32>} : memref<20000xf32, #tpu.memory_space<vmem>>, vector<16xf32>,
      %swap3A_83 = arith.index_cast %add3A_81 : i32 to index
      %swap3A_84 = tpu.vector_load %arg8[%swap3A_83] {strides = array<i32>} : memref<20000xf32, #tpu.memory_space<vmem>>, vector<16xf32>,
      tpu.vector_store %arg8[%swap3A_83], %broadcast_in_dim3A_3 {strides = array<i32>} : memref<20000xf32, #tpu.memory_space<vmem>>, vector<16xf32>,
      %swap3A_85 = arith.index_cast %add3A_81 : i32 to index
      %swap3A_86 = tpu.vector_load %arg9[%swap3A_85] {strides = array<i32>} : memref<20000xf32, #tpu.memory_space<vmem>>, vector<16xf32>,
      tpu.vector_store %arg9[%swap3A_85], %broadcast_in_dim3A_3 {strides = array<i32>} : memref<20000xf32, #tpu.memory_space<vmem>>, vector<16xf32>,
      %swap3A_87 = arith.index_cast %add3A_81 : i32 to index
      %swap3A_88 = tpu.vector_load %arg10[%swap3A_87] {strides = array<i32>} : memref<20000xf32, #tpu.memory_space<vmem>>, vector<16xf32>,
      tpu.vector_store %arg10[%swap3A_87], %broadcast_in_dim3A_3 {strides = array<i32>} : memref<20000xf32, #tpu.memory_space<vmem>>, vector<16xf32>,
    }
    %scan3A_16 = arith.constant 1250 : i32
    %eq3A = arith.constant 0 : i32
    %eq3A_17 = vector.broadcast %eq3A : i32 to vector<16xi32>
    %eq3A_18 = arith.cmpi eq, %iota3A, %eq3A_17 : vector<16xi32>
    %add3A_19 = arith.constant 0 : i32
    %add3A_20 = arith.addi %mul3A_2, %add3A_19 : i32
    %dma_start3A = tpu.memref_slice %arg2[%add3A_20] : memref<1600000xf32, #tpu.memory_space<hbm>> -> memref<2000xf32, #tpu.memory_space<hbm>>
    %dma_start3A_21 = tpu.memref_slice %arg2[%add3A_20] : memref<1600000xf32, #tpu.memory_space<hbm>> -> memref<2000xf32, #tpu.memory_space<hbm>>
    tpu.enqueue_dma source(%dma_start3A_21 : memref<2000xf32, #tpu.memory_space<hbm>>) target(%arg11 : memref<2000xf32, #tpu.memory_space<vmem>>) target_semaphore(%arg19 : memref<!tpu.dma_semaphore, #tpu.memory_space<semaphore_mem>>)
    %dma_start3A_22 = tpu.memref_slice %arg3[%add3A_20] : memref<1600000xf32, #tpu.memory_space<hbm>> -> memref<2000xf32, #tpu.memory_space<hbm>>
    %dma_start3A_23 = tpu.memref_slice %arg3[%add3A_20] : memref<1600000xf32, #tpu.memory_space<hbm>> -> memref<2000xf32, #tpu.memory_space<hbm>>
    tpu.enqueue_dma source(%dma_start3A_23 : memref<2000xf32, #tpu.memory_space<hbm>>) target(%arg12 : memref<2000xf32, #tpu.memory_space<vmem>>) target_semaphore(%arg19 : memref<!tpu.dma_semaphore, #tpu.memory_space<semaphore_mem>>)
    %dma_start3A_24 = tpu.memref_slice %arg4[%add3A_20] : memref<1600000xf32, #tpu.memory_space<hbm>> -> memref<2000xf32, #tpu.memory_space<hbm>>
    %dma_start3A_25 = tpu.memref_slice %arg4[%add3A_20] : memref<1600000xf32, #tpu.memory_space<hbm>> -> memref<2000xf32, #tpu.memory_space<hbm>>
    tpu.enqueue_dma source(%dma_start3A_25 : memref<2000xf32, #tpu.memory_space<hbm>>) target(%arg13 : memref<2000xf32, #tpu.memory_space<vmem>>) target_semaphore(%arg19 : memref<!tpu.dma_semaphore, #tpu.memory_space<semaphore_mem>>)
    %dma_start3A_26 = tpu.memref_slice %arg5[%add3A_20] : memref<1600000xi32, #tpu.memory_space<hbm>> -> memref<2000xi32, #tpu.memory_space<hbm>>
    %dma_start3A_27 = tpu.memref_slice %arg5[%add3A_20] : memref<1600000xi32, #tpu.memory_space<hbm>> -> memref<2000xi32, #tpu.memory_space<hbm>>
    tpu.enqueue_dma source(%dma_start3A_27 : memref<2000xi32, #tpu.memory_space<hbm>>) target(%arg14 : memref<2000xi32, #tpu.memory_space<vmem>>) target_semaphore(%arg19 : memref<!tpu.dma_semaphore, #tpu.memory_space<semaphore_mem>>)
    %scan3A_28 = arith.constant 0 : i32
    %scan3A_29 = arith.constant 12 : i32
    %scan3A_30 = arith.addi %scan3A_28, %scan3A_29 : i32
    %scan3A_31 = arith.constant 1 : i32
    scf.for %scan3A_77 = %scan3A_28 to %scan3A_30 step %scan3A_31  : i32 {
      %mul3A_78 = arith.constant 1 : i32
      %mul3A_79 = arith.muli %scan3A_77, %mul3A_78 : i32
      %add3A_80 = arith.constant 0 : i32
      %add3A_81 = arith.addi %add3A_80, %mul3A_79 : i32
      %mul3A_82 = arith.constant 2 : i32
      %mul3A_83 = arith.muli %mul3A_82, %add3A_81 : i32
      %mul3A_84 = arith.constant 2000 : i32
      %mul3A_85 = arith.muli %mul3A_83, %mul3A_84 : i32
      %add3A_86 = arith.addi %mul3A_2, %mul3A_85 : i32
      %dma_wait3A_87 = tpu.memref_slice %arg2[%add3A_86] : memref<1600000xf32, #tpu.memory_space<hbm>> -> memref<2000xf32, #tpu.memory_space<hbm>>
      %dma_wait3A_88 = tpu.memref_slice %arg2[%add3A_86] : memref<1600000xf32, #tpu.memory_space<hbm>> -> memref<2000xf32, #tpu.memory_space<hbm>>
      tpu.wait_dma2 semaphore(%arg19 : memref<!tpu.dma_semaphore, #tpu.memory_space<semaphore_mem>>) src(%dma_wait3A_88 : memref<2000xf32, #tpu.memory_space<hbm>>) dst(%arg11 : memref<2000xf32, #tpu.memory_space<vmem>>)
      %dma_wait3A_89 = tpu.memref_slice %arg3[%add3A_86] : memref<1600000xf32, #tpu.memory_space<hbm>> -> memref<2000xf32, #tpu.memory_space<hbm>>
      %dma_wait3A_90 = tpu.memref_slice %arg3[%add3A_86] : memref<1600000xf32, #tpu.memory_space<hbm>> -> memref<2000xf32, #tpu.memory_space<hbm>>
      tpu.wait_dma2 semaphore(%arg19 : memref<!tpu.dma_semaphore, #tpu.memory_space<semaphore_mem>>) src(%dma_wait3A_90 : memref<2000xf32, #tpu.memory_space<hbm>>) dst(%arg12 : memref<2000xf32, #tpu.memory_space<vmem>>)
      %dma_wait3A_91 = tpu.memref_slice %arg4[%add3A_86] : memref<1600000xf32, #tpu.memory_space<hbm>> -> memref<2000xf32, #tpu.memory_space<hbm>>
      %dma_wait3A_92 = tpu.memref_slice %arg4[%add3A_86] : memref<1600000xf32, #tpu.memory_space<hbm>> -> memref<2000xf32, #tpu.memory_space<hbm>>
      tpu.wait_dma2 semaphore(%arg19 : memref<!tpu.dma_semaphore, #tpu.memory_space<semaphore_mem>>) src(%dma_wait3A_92 : memref<2000xf32, #tpu.memory_space<hbm>>) dst(%arg13 : memref<2000xf32, #tpu.memory_space<vmem>>)
      %dma_wait3A_93 = tpu.memref_slice %arg5[%add3A_86] : memref<1600000xi32, #tpu.memory_space<hbm>> -> memref<2000xi32, #tpu.memory_space<hbm>>
      %dma_wait3A_94 = tpu.memref_slice %arg5[%add3A_86] : memref<1600000xi32, #tpu.memory_space<hbm>> -> memref<2000xi32, #tpu.memory_space<hbm>>
      tpu.wait_dma2 semaphore(%arg19 : memref<!tpu.dma_semaphore, #tpu.memory_space<semaphore_mem>>) src(%dma_wait3A_94 : memref<2000xi32, #tpu.memory_space<hbm>>) dst(%arg14 : memref<2000xi32, #tpu.memory_space<vmem>>)
      %mul3A_95 = arith.constant 2 : i32
      %mul3A_96 = arith.muli %mul3A_95, %add3A_81 : i32
      %add3A_97 = arith.constant 1 : i32
      %add3A_98 = arith.addi %mul3A_96, %add3A_97 : i32
      %mul3A_99 = arith.constant 2000 : i32
      %mul3A_100 = arith.muli %add3A_98, %mul3A_99 : i32
      %add3A_101 = arith.addi %mul3A_2, %mul3A_100 : i32
      %dma_start3A_102 = tpu.memref_slice %arg2[%add3A_101] : memref<1600000xf32, #tpu.memory_space<hbm>> -> memref<2000xf32, #tpu.memory_space<hbm>>
      %dma_start3A_103 = tpu.memref_slice %arg2[%add3A_101] : memref<1600000xf32, #tpu.memory_space<hbm>> -> memref<2000xf32, #tpu.memory_space<hbm>>
      tpu.enqueue_dma source(%dma_start3A_103 : memref<2000xf32, #tpu.memory_space<hbm>>) target(%arg15 : memref<2000xf32, #tpu.memory_space<vmem>>) target_semaphore(%arg20 : memref<!tpu.dma_semaphore, #tpu.memory_space<semaphore_mem>>)
      %dma_start3A_104 = tpu.memref_slice %arg3[%add3A_101] : memref<1600000xf32, #tpu.memory_space<hbm>> -> memref<2000xf32, #tpu.memory_space<hbm>>
      %dma_start3A_105 = tpu.memref_slice %arg3[%add3A_101] : memref<1600000xf32, #tpu.memory_space<hbm>> -> memref<2000xf32, #tpu.memory_space<hbm>>
      tpu.enqueue_dma source(%dma_start3A_105 : memref<2000xf32, #tpu.memory_space<hbm>>) target(%arg16 : memref<2000xf32, #tpu.memory_space<vmem>>) target_semaphore(%arg20 : memref<!tpu.dma_semaphore, #tpu.memory_space<semaphore_mem>>)
      %dma_start3A_106 = tpu.memref_slice %arg4[%add3A_101] : memref<1600000xf32, #tpu.memory_space<hbm>> -> memref<2000xf32, #tpu.memory_space<hbm>>
      %dma_start3A_107 = tpu.memref_slice %arg4[%add3A_101] : memref<1600000xf32, #tpu.memory_space<hbm>> -> memref<2000xf32, #tpu.memory_space<hbm>>
      tpu.enqueue_dma source(%dma_start3A_107 : memref<2000xf32, #tpu.memory_space<hbm>>) target(%arg17 : memref<2000xf32, #tpu.memory_space<vmem>>) target_semaphore(%arg20 : memref<!tpu.dma_semaphore, #tpu.memory_space<semaphore_mem>>)
      %dma_start3A_108 = tpu.memref_slice %arg5[%add3A_101] : memref<1600000xi32, #tpu.memory_space<hbm>> -> memref<2000xi32, #tpu.memory_space<hbm>>
      %dma_start3A_109 = tpu.memref_slice %arg5[%add3A_101] : memref<1600000xi32, #tpu.memory_space<hbm>> -> memref<2000xi32, #tpu.memory_space<hbm>>
      tpu.enqueue_dma source(%dma_start3A_109 : memref<2000xi32, #tpu.memory_space<hbm>>) target(%arg18 : memref<2000xi32, #tpu.memory_space<vmem>>) target_semaphore(%arg20 : memref<!tpu.dma_semaphore, #tpu.memory_space<semaphore_mem>>)
      %get3A_110 = arith.constant 0 : index
      %get3A_111 = tpu.vector_load %arg14[%get3A_110] {strides = array<i32>} : memref<2000xi32, #tpu.memory_space<vmem>>, vector<16xi32>,
      %slice3A_112 = vector.extract_strided_slice %get3A_111 {offsets = [0], sizes = [1], strides = [1]} : vector<16xi32> to vector<1xi32>
      %squeeze3A_113 = vector.extract %slice3A_112[0] : i32 from vector<1xi32>
      %scan3A_114 = arith.constant 0 : i32
      %scan3A_115 = arith.constant 25 : i32
      %scan3A_116 = arith.addi %scan3A_114, %scan3A_115 : i32
      %scan3A_117 = arith.constant 1 : i32
      %scan3A_118:5 = scf.for %scan3A_202 = %scan3A_114 to %scan3A_116 step %scan3A_117 iter_args(%scan3A_203 = %squeeze3A_113, %scan3A_204 = %broadcast_in_dim3A_3, %scan3A_205 = %broadcast_in_dim3A_3, %scan3A_206 = %broadcast_in_dim3A_3, %scan3A_207 = %broadcast_in_dim3A_3) -> (i32, vector<16xf32>, vector<16xf32>, vector<16xf32>, vector<16xf32>)  : i32 {
        %mul3A_208 = arith.constant 80 : i32
        %mul3A_209 = arith.muli %scan3A_202, %mul3A_208 : i32
        %add3A_210 = arith.constant 0 : i32
        %add3A_211 = arith.addi %mul3A_209, %add3A_210 : i32
        %get3A_212 = arith.index_cast %add3A_211 : i32 to index
        %get3A_213 = tpu.vector_load %arg11[%get3A_212] {strides = array<i32>} : memref<2000xf32, #tpu.memory_space<vmem>>, vector<16xf32>,
        %add3A_214 = arith.constant 16 : i32
        %add3A_215 = arith.addi %mul3A_209, %add3A_214 : i32
        %get3A_216 = arith.index_cast %add3A_215 : i32 to index
        %get3A_217 = tpu.vector_load %arg11[%get3A_216] {strides = array<i32>} : memref<2000xf32, #tpu.memory_space<vmem>>, vector<16xf32>,
        %add3A_218 = arith.constant 32 : i32
        %add3A_219 = arith.addi %mul3A_209, %add3A_218 : i32
        %get3A_220 = arith.index_cast %add3A_219 : i32 to index
        %get3A_221 = tpu.vector_load %arg11[%get3A_220] {strides = array<i32>} : memref<2000xf32, #tpu.memory_space<vmem>>, vector<16xf32>,
        %add3A_222 = arith.constant 48 : i32
        %add3A_223 = arith.addi %mul3A_209, %add3A_222 : i32
        %get3A_224 = arith.index_cast %add3A_223 : i32 to index
        %get3A_225 = tpu.vector_load %arg11[%get3A_224] {strides = array<i32>} : memref<2000xf32, #tpu.memory_space<vmem>>, vector<16xf32>,
        %add3A_226 = arith.constant 64 : i32
        %add3A_227 = arith.addi %mul3A_209, %add3A_226 : i32
        %get3A_228 = arith.index_cast %add3A_227 : i32 to index
        %get3A_229 = tpu.vector_load %arg11[%get3A_228] {strides = array<i32>} : memref<2000xf32, #tpu.memory_space<vmem>>, vector<16xf32>,
        %add3A_230 = arith.constant 0 : i32
        %add3A_231 = arith.addi %mul3A_209, %add3A_230 : i32
        %get3A_232 = arith.index_cast %add3A_231 : i32 to index
        %get3A_233 = tpu.vector_load %arg12[%get3A_232] {strides = array<i32>} : memref<2000xf32, #tpu.memory_space<vmem>>, vector<16xf32>,
        %add3A_234 = arith.constant 16 : i32
        %add3A_235 = arith.addi %mul3A_209, %add3A_234 : i32
        %get3A_236 = arith.index_cast %add3A_235 : i32 to index
        %get3A_237 = tpu.vector_load %arg12[%get3A_236] {strides = array<i32>} : memref<2000xf32, #tpu.memory_space<vmem>>, vector<16xf32>,
        %add3A_238 = arith.constant 32 : i32
        %add3A_239 = arith.addi %mul3A_209, %add3A_238 : i32
        %get3A_240 = arith.index_cast %add3A_239 : i32 to index
        %get3A_241 = tpu.vector_load %arg12[%get3A_240] {strides = array<i32>} : memref<2000xf32, #tpu.memory_space<vmem>>, vector<16xf32>,
        %add3A_242 = arith.constant 48 : i32
        %add3A_243 = arith.addi %mul3A_209, %add3A_242 : i32
        %get3A_244 = arith.index_cast %add3A_243 : i32 to index
        %get3A_245 = tpu.vector_load %arg12[%get3A_244] {strides = array<i32>} : memref<2000xf32, #tpu.memory_space<vmem>>, vector<16xf32>,
        %add3A_246 = arith.constant 64 : i32
        %add3A_247 = arith.addi %mul3A_209, %add3A_246 : i32
        %get3A_248 = arith.index_cast %add3A_247 : i32 to index
        %get3A_249 = tpu.vector_load %arg12[%get3A_248] {strides = array<i32>} : memref<2000xf32, #tpu.memory_space<vmem>>, vector<16xf32>,
        %add3A_250 = arith.constant 0 : i32
        %add3A_251 = arith.addi %mul3A_209, %add3A_250 : i32
        %get3A_252 = arith.index_cast %add3A_251 : i32 to index
        %get3A_253 = tpu.vector_load %arg13[%get3A_252] {strides = array<i32>} : memref<2000xf32, #tpu.memory_space<vmem>>, vector<16xf32>,
        %add3A_254 = arith.constant 16 : i32
        %add3A_255 = arith.addi %mul3A_209, %add3A_254 : i32
        %get3A_256 = arith.index_cast %add3A_255 : i32 to index
        %get3A_257 = tpu.vector_load %arg13[%get3A_256] {strides = array<i32>} : memref<2000xf32, #tpu.memory_space<vmem>>, vector<16xf32>,
        %add3A_258 = arith.constant 32 : i32
        %add3A_259 = arith.addi %mul3A_209, %add3A_258 : i32
        %get3A_260 = arith.index_cast %add3A_259 : i32 to index
        %get3A_261 = tpu.vector_load %arg13[%get3A_260] {strides = array<i32>} : memref<2000xf32, #tpu.memory_space<vmem>>, vector<16xf32>,
        %add3A_262 = arith.constant 48 : i32
        %add3A_263 = arith.addi %mul3A_209, %add3A_262 : i32
        %get3A_264 = arith.index_cast %add3A_263 : i32 to index
        %get3A_265 = tpu.vector_load %arg13[%get3A_264] {strides = array<i32>} : memref<2000xf32, #tpu.memory_space<vmem>>, vector<16xf32>,
        %add3A_266 = arith.constant 64 : i32
        %add3A_267 = arith.addi %mul3A_209, %add3A_266 : i32
        %get3A_268 = arith.index_cast %add3A_267 : i32 to index
        %get3A_269 = tpu.vector_load %arg13[%get3A_268] {strides = array<i32>} : memref<2000xf32, #tpu.memory_space<vmem>>, vector<16xf32>,
        %get3A_270 = arith.index_cast %mul3A_209 : i32 to index
        %get3A_271 = tpu.vector_load %arg14[%get3A_270] {strides = array<i32>} : memref<2000xi32, #tpu.memory_space<vmem>>, vector<16xi32>,
        %add3A_272 = arith.constant 80 : i32
        %add3A_273 = arith.addi %mul3A_209, %add3A_272 : i32
        %sub3A = arith.constant 16 : i32
        %sub3A_274 = arith.subi %add3A_273, %sub3A : i32
        %get3A_275 = arith.index_cast %sub3A_274 : i32 to index
        %get3A_276 = tpu.vector_load %arg14[%get3A_275] {strides = array<i32>} : memref<2000xi32, #tpu.memory_space<vmem>>, vector<16xi32>,
        %slice3A_277 = vector.extract_strided_slice %get3A_271 {offsets = [0], sizes = [1], strides = [1]} : vector<16xi32> to vector<1xi32>
        %squeeze3A_278 = vector.extract %slice3A_277[0] : i32 from vector<1xi32>
        %slice3A_279 = vector.extract_strided_slice %get3A_276 {offsets = [15], sizes = [1], strides = [1]} : vector<16xi32> to vector<1xi32>
        %squeeze3A_280 = vector.extract %slice3A_279[0] : i32 from vector<1xi32>
        %eq3A_281 = arith.cmpi eq, %squeeze3A_278, %scan3A_203 : i32
        %eq3A_282 = arith.cmpi eq, %squeeze3A_278, %squeeze3A_280 : i32
        %and3A_283 = arith.andi %eq3A_281, %eq3A_282 : i1
        %convert_element_type3A = arith.extui %and3A_283 : i1 to i32
        %cond3A = arith.constant 0 : i32
        %cond3A_284 = arith.cmpi ne, %convert_element_type3A, %cond3A : i32
        %cond3A_285:5 = scf.if %cond3A_284 -> (i32, vector<16xf32>, vector<16xf32>, vector<16xf32>, vector<16xf32>) {
          %add3A_286 = arith.addf %get3A_213, %get3A_217 : vector<16xf32>
          %add3A_287 = arith.addf %get3A_233, %get3A_237 : vector<16xf32>
          %add3A_288 = arith.addf %get3A_253, %get3A_257 : vector<16xf32>
          %add3A_289 = arith.addf %add3A_286, %get3A_221 : vector<16xf32>
          %add3A_290 = arith.addf %add3A_287, %get3A_241 : vector<16xf32>
          %add3A_291 = arith.addf %add3A_288, %get3A_261 : vector<16xf32>
          %add3A_292 = arith.addf %add3A_289, %get3A_225 : vector<16xf32>
          %add3A_293 = arith.addf %add3A_290, %get3A_245 : vector<16xf32>
          %add3A_294 = arith.addf %add3A_291, %get3A_265 : vector<16xf32>
          %add3A_295 = arith.addf %add3A_292, %get3A_229 : vector<16xf32>
          %add3A_296 = arith.addf %add3A_293, %get3A_249 : vector<16xf32>
          %add3A_297 = arith.addf %add3A_294, %get3A_269 : vector<16xf32>
          %add3A_298 = arith.addf %scan3A_204, %broadcast_in_dim3A_7 : vector<16xf32>
          %add3A_299 = arith.addf %scan3A_205, %add3A_295 : vector<16xf32>
          %add3A_300 = arith.addf %scan3A_206, %add3A_296 : vector<16xf32>
          %add3A_301 = arith.addf %scan3A_207, %add3A_297 : vector<16xf32>
          scf.yield %scan3A_203, %add3A_298, %add3A_299, %add3A_300, %add3A_301 : i32, vector<16xf32>, vector<16xf32>, vector<16xf32>, vector<16xf32>
        } else {
          %broadcast_in_dim3A_286 = vector.broadcast %scan3A_203 : i32 to vector<16xi32>
          %reduce_sum3A_287 = arith.constant true
          %reduce_sum3A_288 = vector.broadcast %reduce_sum3A_287 : i1 to vector<16xi1>
          %reduce_sum3A_289 = tpu.scan <sum>, %scan3A_204 masked %reduce_sum3A_288 : vector<16xf32>, vector<16xi1> -> vector<16xf32>
          %reduce_sum3A_290 = vector.extract %reduce_sum3A_289[15] : f32 from vector<16xf32>
          %broadcast_in_dim3A_291 = vector.broadcast %reduce_sum3A_290 : f32 to vector<16xf32>
          tpu.vector_store_idx %arg7[%broadcast_in_dim3A_286], %broadcast_in_dim3A_291 masked %eq3A_18 {add = true} : memref<20000xf32, #tpu.memory_space<vmem>>[vector<16xi32>], vector<16xf32>, vector<16xi1>
          %reduce_sum3A_292 = arith.constant true
          %reduce_sum3A_293 = vector.broadcast %reduce_sum3A_292 : i1 to vector<16xi1>
          %reduce_sum3A_294 = tpu.scan <sum>, %scan3A_205 masked %reduce_sum3A_293 : vector<16xf32>, vector<16xi1> -> vector<16xf32>
          %reduce_sum3A_295 = vector.extract %reduce_sum3A_294[15] : f32 from vector<16xf32>
          %broadcast_in_dim3A_296 = vector.broadcast %reduce_sum3A_295 : f32 to vector<16xf32>
          tpu.vector_store_idx %arg8[%broadcast_in_dim3A_286], %broadcast_in_dim3A_296 masked %eq3A_18 {add = true} : memref<20000xf32, #tpu.memory_space<vmem>>[vector<16xi32>], vector<16xf32>, vector<16xi1>
          %reduce_sum3A_297 = arith.constant true
          %reduce_sum3A_298 = vector.broadcast %reduce_sum3A_297 : i1 to vector<16xi1>
          %reduce_sum3A_299 = tpu.scan <sum>, %scan3A_206 masked %reduce_sum3A_298 : vector<16xf32>, vector<16xi1> -> vector<16xf32>
          %reduce_sum3A_300 = vector.extract %reduce_sum3A_299[15] : f32 from vector<16xf32>
          %broadcast_in_dim3A_301 = vector.broadcast %reduce_sum3A_300 : f32 to vector<16xf32>
          tpu.vector_store_idx %arg9[%broadcast_in_dim3A_286], %broadcast_in_dim3A_301 masked %eq3A_18 {add = true} : memref<20000xf32, #tpu.memory_space<vmem>>[vector<16xi32>], vector<16xf32>, vector<16xi1>
          %reduce_sum3A_302 = arith.constant true
          %reduce_sum3A_303 = vector.broadcast %reduce_sum3A_302 : i1 to vector<16xi1>
          %reduce_sum3A_304 = tpu.scan <sum>, %scan3A_207 masked %reduce_sum3A_303 : vector<16xf32>, vector<16xi1> -> vector<16xf32>
          %reduce_sum3A_305 = vector.extract %reduce_sum3A_304[15] : f32 from vector<16xf32>
          %broadcast_in_dim3A_306 = vector.broadcast %reduce_sum3A_305 : f32 to vector<16xf32>
          tpu.vector_store_idx %arg10[%broadcast_in_dim3A_286], %broadcast_in_dim3A_306 masked %eq3A_18 {add = true} : memref<20000xf32, #tpu.memory_space<vmem>>[vector<16xi32>], vector<16xf32>, vector<16xi1>
          %add3A_307 = arith.constant 0 : i32
          %add3A_308 = arith.addi %mul3A_209, %add3A_307 : i32
          %get3A_309 = arith.index_cast %add3A_308 : i32 to index
          %get3A_310 = tpu.vector_load %arg14[%get3A_309] {strides = array<i32>} : memref<2000xi32, #tpu.memory_space<vmem>>, vector<16xi32>,
          %add3A_311 = arith.addi %get3A_310, %mul3A_12 : vector<16xi32>
          tpu.vector_store_idx %arg7[%add3A_311], %broadcast_in_dim3A_5 {add = true} : memref<20000xf32, #tpu.memory_space<vmem>>[vector<16xi32>], vector<16xf32>,
          tpu.vector_store_idx %arg8[%add3A_311], %get3A_213 {add = true} : memref<20000xf32, #tpu.memory_space<vmem>>[vector<16xi32>], vector<16xf32>,
          tpu.vector_store_idx %arg9[%add3A_311], %get3A_233 {add = true} : memref<20000xf32, #tpu.memory_space<vmem>>[vector<16xi32>], vector<16xf32>,
          tpu.vector_store_idx %arg10[%add3A_311], %get3A_253 {add = true} : memref<20000xf32, #tpu.memory_space<vmem>>[vector<16xi32>], vector<16xf32>,
          %add3A_312 = arith.constant 16 : i32
          %add3A_313 = arith.addi %mul3A_209, %add3A_312 : i32
          %get3A_314 = arith.index_cast %add3A_313 : i32 to index
          %get3A_315 = tpu.vector_load %arg14[%get3A_314] {strides = array<i32>} : memref<2000xi32, #tpu.memory_space<vmem>>, vector<16xi32>,
          %add3A_316 = arith.addi %get3A_315, %mul3A_12 : vector<16xi32>
          tpu.vector_store_idx %arg7[%add3A_316], %broadcast_in_dim3A_5 {add = true} : memref<20000xf32, #tpu.memory_space<vmem>>[vector<16xi32>], vector<16xf32>,
          tpu.vector_store_idx %arg8[%add3A_316], %get3A_217 {add = true} : memref<20000xf32, #tpu.memory_space<vmem>>[vector<16xi32>], vector<16xf32>,
          tpu.vector_store_idx %arg9[%add3A_316], %get3A_237 {add = true} : memref<20000xf32, #tpu.memory_space<vmem>>[vector<16xi32>], vector<16xf32>,
          tpu.vector_store_idx %arg10[%add3A_316], %get3A_257 {add = true} : memref<20000xf32, #tpu.memory_space<vmem>>[vector<16xi32>], vector<16xf32>,
          %add3A_317 = arith.constant 32 : i32
          %add3A_318 = arith.addi %mul3A_209, %add3A_317 : i32
          %get3A_319 = arith.index_cast %add3A_318 : i32 to index
          %get3A_320 = tpu.vector_load %arg14[%get3A_319] {strides = array<i32>} : memref<2000xi32, #tpu.memory_space<vmem>>, vector<16xi32>,
          %add3A_321 = arith.addi %get3A_320, %mul3A_12 : vector<16xi32>
          tpu.vector_store_idx %arg7[%add3A_321], %broadcast_in_dim3A_5 {add = true} : memref<20000xf32, #tpu.memory_space<vmem>>[vector<16xi32>], vector<16xf32>,
          tpu.vector_store_idx %arg8[%add3A_321], %get3A_221 {add = true} : memref<20000xf32, #tpu.memory_space<vmem>>[vector<16xi32>], vector<16xf32>,
          tpu.vector_store_idx %arg9[%add3A_321], %get3A_241 {add = true} : memref<20000xf32, #tpu.memory_space<vmem>>[vector<16xi32>], vector<16xf32>,
          tpu.vector_store_idx %arg10[%add3A_321], %get3A_261 {add = true} : memref<20000xf32, #tpu.memory_space<vmem>>[vector<16xi32>], vector<16xf32>,
          %add3A_322 = arith.constant 48 : i32
          %add3A_323 = arith.addi %mul3A_209, %add3A_322 : i32
          %get3A_324 = arith.index_cast %add3A_323 : i32 to index
          %get3A_325 = tpu.vector_load %arg14[%get3A_324] {strides = array<i32>} : memref<2000xi32, #tpu.memory_space<vmem>>, vector<16xi32>,
          %add3A_326 = arith.addi %get3A_325, %mul3A_12 : vector<16xi32>
          tpu.vector_store_idx %arg7[%add3A_326], %broadcast_in_dim3A_5 {add = true} : memref<20000xf32, #tpu.memory_space<vmem>>[vector<16xi32>], vector<16xf32>,
          tpu.vector_store_idx %arg8[%add3A_326], %get3A_225 {add = true} : memref<20000xf32, #tpu.memory_space<vmem>>[vector<16xi32>], vector<16xf32>,
          tpu.vector_store_idx %arg9[%add3A_326], %get3A_245 {add = true} : memref<20000xf32, #tpu.memory_space<vmem>>[vector<16xi32>], vector<16xf32>,
          tpu.vector_store_idx %arg10[%add3A_326], %get3A_265 {add = true} : memref<20000xf32, #tpu.memory_space<vmem>>[vector<16xi32>], vector<16xf32>,
          %add3A_327 = arith.constant 64 : i32
          %add3A_328 = arith.addi %mul3A_209, %add3A_327 : i32
          %get3A_329 = arith.index_cast %add3A_328 : i32 to index
          %get3A_330 = tpu.vector_load %arg14[%get3A_329] {strides = array<i32>} : memref<2000xi32, #tpu.memory_space<vmem>>, vector<16xi32>,
          %add3A_331 = arith.addi %get3A_330, %mul3A_12 : vector<16xi32>
          tpu.vector_store_idx %arg7[%add3A_331], %broadcast_in_dim3A_5 {add = true} : memref<20000xf32, #tpu.memory_space<vmem>>[vector<16xi32>], vector<16xf32>,
          tpu.vector_store_idx %arg8[%add3A_331], %get3A_229 {add = true} : memref<20000xf32, #tpu.memory_space<vmem>>[vector<16xi32>], vector<16xf32>,
          tpu.vector_store_idx %arg9[%add3A_331], %get3A_249 {add = true} : memref<20000xf32, #tpu.memory_space<vmem>>[vector<16xi32>], vector<16xf32>,
          tpu.vector_store_idx %arg10[%add3A_331], %get3A_269 {add = true} : memref<20000xf32, #tpu.memory_space<vmem>>[vector<16xi32>], vector<16xf32>,
          scf.yield %squeeze3A_280, %broadcast_in_dim3A_3, %broadcast_in_dim3A_3, %broadcast_in_dim3A_3, %broadcast_in_dim3A_3 : i32, vector<16xf32>, vector<16xf32>, vector<16xf32>, vector<16xf32>
        }
        scf.yield %cond3A_285#0, %cond3A_285#1, %cond3A_285#2, %cond3A_285#3, %cond3A_285#4 : i32, vector<16xf32>, vector<16xf32>, vector<16xf32>, vector<16xf32>
      }
      %scan3A_119 = arith.constant 25 : i32
      %broadcast_in_dim3A_120 = vector.broadcast %scan3A_118#0 : i32 to vector<16xi32>
      %reduce_sum3A_121 = arith.constant true
      %reduce_sum3A_122 = vector.broadcast %reduce_sum3A_121 : i1 to vector<16xi1>
      %reduce_sum3A_123 = tpu.scan <sum>, %scan3A_118#1 masked %reduce_sum3A_122 : vector<16xf32>, vector<16xi1> -> vector<16xf32>
      %reduce_sum3A_124 = vector.extract %reduce_sum3A_123[15] : f32 from vector<16xf32>
      %broadcast_in_dim3A_125 = vector.broadcast %reduce_sum3A_124 : f32 to vector<16xf32>
      tpu.vector_store_idx %arg7[%broadcast_in_dim3A_120], %broadcast_in_dim3A_125 masked %eq3A_18 {add = true} : memref<20000xf32, #tpu.memory_space<vmem>>[vector<16xi32>], vector<16xf32>, vector<16xi1>
      %reduce_sum3A_126 = arith.constant true
      %reduce_sum3A_127 = vector.broadcast %reduce_sum3A_126 : i1 to vector<16xi1>
      %reduce_sum3A_128 = tpu.scan <sum>, %scan3A_118#2 masked %reduce_sum3A_127 : vector<16xf32>, vector<16xi1> -> vector<16xf32>
      %reduce_sum3A_129 = vector.extract %reduce_sum3A_128[15] : f32 from vector<16xf32>
      %broadcast_in_dim3A_130 = vector.broadcast %reduce_sum3A_129 : f32 to vector<16xf32>
      tpu.vector_store_idx %arg8[%broadcast_in_dim3A_120], %broadcast_in_dim3A_130 masked %eq3A_18 {add = true} : memref<20000xf32, #tpu.memory_space<vmem>>[vector<16xi32>], vector<16xf32>, vector<16xi1>
      %reduce_sum3A_131 = arith.constant true
      %reduce_sum3A_132 = vector.broadcast %reduce_sum3A_131 : i1 to vector<16xi1>
      %reduce_sum3A_133 = tpu.scan <sum>, %scan3A_118#3 masked %reduce_sum3A_132 : vector<16xf32>, vector<16xi1> -> vector<16xf32>
      %reduce_sum3A_134 = vector.extract %reduce_sum3A_133[15] : f32 from vector<16xf32>
      %broadcast_in_dim3A_135 = vector.broadcast %reduce_sum3A_134 : f32 to vector<16xf32>
      tpu.vector_store_idx %arg9[%broadcast_in_dim3A_120], %broadcast_in_dim3A_135 masked %eq3A_18 {add = true} : memref<20000xf32, #tpu.memory_space<vmem>>[vector<16xi32>], vector<16xf32>, vector<16xi1>
      %reduce_sum3A_136 = arith.constant true
      %reduce_sum3A_137 = vector.broadcast %reduce_sum3A_136 : i1 to vector<16xi1>
      %reduce_sum3A_138 = tpu.scan <sum>, %scan3A_118#4 masked %reduce_sum3A_137 : vector<16xf32>, vector<16xi1> -> vector<16xf32>
      %reduce_sum3A_139 = vector.extract %reduce_sum3A_138[15] : f32 from vector<16xf32>
      %broadcast_in_dim3A_140 = vector.broadcast %reduce_sum3A_139 : f32 to vector<16xf32>
      tpu.vector_store_idx %arg10[%broadcast_in_dim3A_120], %broadcast_in_dim3A_140 masked %eq3A_18 {add = true} : memref<20000xf32, #tpu.memory_space<vmem>>[vector<16xi32>], vector<16xf32>, vector<16xi1>
      %mul3A_141 = arith.constant 2 : i32
      %mul3A_142 = arith.muli %mul3A_141, %add3A_81 : i32
      %add3A_143 = arith.constant 1 : i32
      %add3A_144 = arith.addi %mul3A_142, %add3A_143 : i32
      %mul3A_145 = arith.constant 2000 : i32
      %mul3A_146 = arith.muli %add3A_144, %mul3A_145 : i32
      %add3A_147 = arith.addi %mul3A_2, %mul3A_146 : i32
      %dma_wait3A_148 = tpu.memref_slice %arg2[%add3A_147] : memref<1600000xf32, #tpu.memory_space<hbm>> -> memref<2000xf32, #tpu.memory_space<hbm>>
      %dma_wait3A_149 = tpu.memref_slice %arg2[%add3A_147] : memref<1600000xf32, #tpu.memory_space<hbm>> -> memref<2000xf32, #tpu.memory_space<hbm>>
      tpu.wait_dma2 semaphore(%arg20 : memref<!tpu.dma_semaphore, #tpu.memory_space<semaphore_mem>>) src(%dma_wait3A_149 : memref<2000xf32, #tpu.memory_space<hbm>>) dst(%arg15 : memref<2000xf32, #tpu.memory_space<vmem>>)
      %dma_wait3A_150 = tpu.memref_slice %arg3[%add3A_147] : memref<1600000xf32, #tpu.memory_space<hbm>> -> memref<2000xf32, #tpu.memory_space<hbm>>
      %dma_wait3A_151 = tpu.memref_slice %arg3[%add3A_147] : memref<1600000xf32, #tpu.memory_space<hbm>> -> memref<2000xf32, #tpu.memory_space<hbm>>
      tpu.wait_dma2 semaphore(%arg20 : memref<!tpu.dma_semaphore, #tpu.memory_space<semaphore_mem>>) src(%dma_wait3A_151 : memref<2000xf32, #tpu.memory_space<hbm>>) dst(%arg16 : memref<2000xf32, #tpu.memory_space<vmem>>)
      %dma_wait3A_152 = tpu.memref_slice %arg4[%add3A_147] : memref<1600000xf32, #tpu.memory_space<hbm>> -> memref<2000xf32, #tpu.memory_space<hbm>>
      %dma_wait3A_153 = tpu.memref_slice %arg4[%add3A_147] : memref<1600000xf32, #tpu.memory_space<hbm>> -> memref<2000xf32, #tpu.memory_space<hbm>>
      tpu.wait_dma2 semaphore(%arg20 : memref<!tpu.dma_semaphore, #tpu.memory_space<semaphore_mem>>) src(%dma_wait3A_153 : memref<2000xf32, #tpu.memory_space<hbm>>) dst(%arg17 : memref<2000xf32, #tpu.memory_space<vmem>>)
      %dma_wait3A_154 = tpu.memref_slice %arg5[%add3A_147] : memref<1600000xi32, #tpu.memory_space<hbm>> -> memref<2000xi32, #tpu.memory_space<hbm>>
      %dma_wait3A_155 = tpu.memref_slice %arg5[%add3A_147] : memref<1600000xi32, #tpu.memory_space<hbm>> -> memref<2000xi32, #tpu.memory_space<hbm>>
      tpu.wait_dma2 semaphore(%arg20 : memref<!tpu.dma_semaphore, #tpu.memory_space<semaphore_mem>>) src(%dma_wait3A_155 : memref<2000xi32, #tpu.memory_space<hbm>>) dst(%arg18 : memref<2000xi32, #tpu.memory_space<vmem>>)
      %mul3A_156 = arith.constant 2 : i32
      %mul3A_157 = arith.muli %mul3A_156, %add3A_81 : i32
      %add3A_158 = arith.constant 2 : i32
      %add3A_159 = arith.addi %mul3A_157, %add3A_158 : i32
      %mul3A_160 = arith.constant 2000 : i32
      %mul3A_161 = arith.muli %add3A_159, %mul3A_160 : i32
      %add3A_162 = arith.addi %mul3A_2, %mul3A_161 : i32
      %dma_start3A_163 = tpu.memref_slice %arg2[%add3A_162] : memref<1600000xf32, #tpu.memory_space<hbm>> -> memref<2000xf32, #tpu.memory_space<hbm>>
      %dma_start3A_164 = tpu.memref_slice %arg2[%add3A_162] : memref<1600000xf32, #tpu.memory_space<hbm>> -> memref<2000xf32, #tpu.memory_space<hbm>>
      tpu.enqueue_dma source(%dma_start3A_164 : memref<2000xf32, #tpu.memory_space<hbm>>) target(%arg11 : memref<2000xf32, #tpu.memory_space<vmem>>) target_semaphore(%arg19 : memref<!tpu.dma_semaphore, #tpu.memory_space<semaphore_mem>>)
      %dma_start3A_165 = tpu.memref_slice %arg3[%add3A_162] : memref<1600000xf32, #tpu.memory_space<hbm>> -> memref<2000xf32, #tpu.memory_space<hbm>>
      %dma_start3A_166 = tpu.memref_slice %arg3[%add3A_162] : memref<1600000xf32, #tpu.memory_space<hbm>> -> memref<2000xf32, #tpu.memory_space<hbm>>
      tpu.enqueue_dma source(%dma_start3A_166 : memref<2000xf32, #tpu.memory_space<hbm>>) target(%arg12 : memref<2000xf32, #tpu.memory_space<vmem>>) target_semaphore(%arg19 : memref<!tpu.dma_semaphore, #tpu.memory_space<semaphore_mem>>)
      %dma_start3A_167 = tpu.memref_slice %arg4[%add3A_162] : memref<1600000xf32, #tpu.memory_space<hbm>> -> memref<2000xf32, #tpu.memory_space<hbm>>
      %dma_start3A_168 = tpu.memref_slice %arg4[%add3A_162] : memref<1600000xf32, #tpu.memory_space<hbm>> -> memref<2000xf32, #tpu.memory_space<hbm>>
      tpu.enqueue_dma source(%dma_start3A_168 : memref<2000xf32, #tpu.memory_space<hbm>>) target(%arg13 : memref<2000xf32, #tpu.memory_space<vmem>>) target_semaphore(%arg19 : memref<!tpu.dma_semaphore, #tpu.memory_space<semaphore_mem>>)
      %dma_start3A_169 = tpu.memref_slice %arg5[%add3A_162] : memref<1600000xi32, #tpu.memory_space<hbm>> -> memref<2000xi32, #tpu.memory_space<hbm>>
      %dma_start3A_170 = tpu.memref_slice %arg5[%add3A_162] : memref<1600000xi32, #tpu.memory_space<hbm>> -> memref<2000xi32, #tpu.memory_space<hbm>>
      tpu.enqueue_dma source(%dma_start3A_170 : memref<2000xi32, #tpu.memory_space<hbm>>) target(%arg14 : memref<2000xi32, #tpu.memory_space<vmem>>) target_semaphore(%arg19 : memref<!tpu.dma_semaphore, #tpu.memory_space<semaphore_mem>>)
      %get3A_171 = arith.constant 0 : index
      %get3A_172 = tpu.vector_load %arg18[%get3A_171] {strides = array<i32>} : memref<2000xi32, #tpu.memory_space<vmem>>, vector<16xi32>,
      %slice3A_173 = vector.extract_strided_slice %get3A_172 {offsets = [0], sizes = [1], strides = [1]} : vector<16xi32> to vector<1xi32>
      %squeeze3A_174 = vector.extract %slice3A_173[0] : i32 from vector<1xi32>
      %scan3A_175 = arith.constant 0 : i32
      %scan3A_176 = arith.constant 25 : i32
      %scan3A_177 = arith.addi %scan3A_175, %scan3A_176 : i32
      %scan3A_178 = arith.constant 1 : i32
      %scan3A_179:5 = scf.for %scan3A_202 = %scan3A_175 to %scan3A_177 step %scan3A_178 iter_args(%scan3A_203 = %squeeze3A_174, %scan3A_204 = %broadcast_in_dim3A_3, %scan3A_205 = %broadcast_in_dim3A_3, %scan3A_206 = %broadcast_in_dim3A_3, %scan3A_207 = %broadcast_in_dim3A_3) -> (i32, vector<16xf32>, vector<16xf32>, vector<16xf32>, vector<16xf32>)  : i32 {
        %mul3A_208 = arith.constant 80 : i32
        %mul3A_209 = arith.muli %scan3A_202, %mul3A_208 : i32
        %add3A_210 = arith.constant 0 : i32
        %add3A_211 = arith.addi %mul3A_209, %add3A_210 : i32
        %get3A_212 = arith.index_cast %add3A_211 : i32 to index
        %get3A_213 = tpu.vector_load %arg15[%get3A_212] {strides = array<i32>} : memref<2000xf32, #tpu.memory_space<vmem>>, vector<16xf32>,
        %add3A_214 = arith.constant 16 : i32
        %add3A_215 = arith.addi %mul3A_209, %add3A_214 : i32
        %get3A_216 = arith.index_cast %add3A_215 : i32 to index
        %get3A_217 = tpu.vector_load %arg15[%get3A_216] {strides = array<i32>} : memref<2000xf32, #tpu.memory_space<vmem>>, vector<16xf32>,
        %add3A_218 = arith.constant 32 : i32
        %add3A_219 = arith.addi %mul3A_209, %add3A_218 : i32
        %get3A_220 = arith.index_cast %add3A_219 : i32 to index
        %get3A_221 = tpu.vector_load %arg15[%get3A_220] {strides = array<i32>} : memref<2000xf32, #tpu.memory_space<vmem>>, vector<16xf32>,
        %add3A_222 = arith.constant 48 : i32
        %add3A_223 = arith.addi %mul3A_209, %add3A_222 : i32
        %get3A_224 = arith.index_cast %add3A_223 : i32 to index
        %get3A_225 = tpu.vector_load %arg15[%get3A_224] {strides = array<i32>} : memref<2000xf32, #tpu.memory_space<vmem>>, vector<16xf32>,
        %add3A_226 = arith.constant 64 : i32
        %add3A_227 = arith.addi %mul3A_209, %add3A_226 : i32
        %get3A_228 = arith.index_cast %add3A_227 : i32 to index
        %get3A_229 = tpu.vector_load %arg15[%get3A_228] {strides = array<i32>} : memref<2000xf32, #tpu.memory_space<vmem>>, vector<16xf32>,
        %add3A_230 = arith.constant 0 : i32
        %add3A_231 = arith.addi %mul3A_209, %add3A_230 : i32
        %get3A_232 = arith.index_cast %add3A_231 : i32 to index
        %get3A_233 = tpu.vector_load %arg16[%get3A_232] {strides = array<i32>} : memref<2000xf32, #tpu.memory_space<vmem>>, vector<16xf32>,
        %add3A_234 = arith.constant 16 : i32
        %add3A_235 = arith.addi %mul3A_209, %add3A_234 : i32
        %get3A_236 = arith.index_cast %add3A_235 : i32 to index
        %get3A_237 = tpu.vector_load %arg16[%get3A_236] {strides = array<i32>} : memref<2000xf32, #tpu.memory_space<vmem>>, vector<16xf32>,
        %add3A_238 = arith.constant 32 : i32
        %add3A_239 = arith.addi %mul3A_209, %add3A_238 : i32
        %get3A_240 = arith.index_cast %add3A_239 : i32 to index
        %get3A_241 = tpu.vector_load %arg16[%get3A_240] {strides = array<i32>} : memref<2000xf32, #tpu.memory_space<vmem>>, vector<16xf32>,
        %add3A_242 = arith.constant 48 : i32
        %add3A_243 = arith.addi %mul3A_209, %add3A_242 : i32
        %get3A_244 = arith.index_cast %add3A_243 : i32 to index
        %get3A_245 = tpu.vector_load %arg16[%get3A_244] {strides = array<i32>} : memref<2000xf32, #tpu.memory_space<vmem>>, vector<16xf32>,
        %add3A_246 = arith.constant 64 : i32
        %add3A_247 = arith.addi %mul3A_209, %add3A_246 : i32
        %get3A_248 = arith.index_cast %add3A_247 : i32 to index
        %get3A_249 = tpu.vector_load %arg16[%get3A_248] {strides = array<i32>} : memref<2000xf32, #tpu.memory_space<vmem>>, vector<16xf32>,
        %add3A_250 = arith.constant 0 : i32
        %add3A_251 = arith.addi %mul3A_209, %add3A_250 : i32
        %get3A_252 = arith.index_cast %add3A_251 : i32 to index
        %get3A_253 = tpu.vector_load %arg17[%get3A_252] {strides = array<i32>} : memref<2000xf32, #tpu.memory_space<vmem>>, vector<16xf32>,
        %add3A_254 = arith.constant 16 : i32
        %add3A_255 = arith.addi %mul3A_209, %add3A_254 : i32
        %get3A_256 = arith.index_cast %add3A_255 : i32 to index
        %get3A_257 = tpu.vector_load %arg17[%get3A_256] {strides = array<i32>} : memref<2000xf32, #tpu.memory_space<vmem>>, vector<16xf32>,
        %add3A_258 = arith.constant 32 : i32
        %add3A_259 = arith.addi %mul3A_209, %add3A_258 : i32
        %get3A_260 = arith.index_cast %add3A_259 : i32 to index
        %get3A_261 = tpu.vector_load %arg17[%get3A_260] {strides = array<i32>} : memref<2000xf32, #tpu.memory_space<vmem>>, vector<16xf32>,
        %add3A_262 = arith.constant 48 : i32
        %add3A_263 = arith.addi %mul3A_209, %add3A_262 : i32
        %get3A_264 = arith.index_cast %add3A_263 : i32 to index
        %get3A_265 = tpu.vector_load %arg17[%get3A_264] {strides = array<i32>} : memref<2000xf32, #tpu.memory_space<vmem>>, vector<16xf32>,
        %add3A_266 = arith.constant 64 : i32
        %add3A_267 = arith.addi %mul3A_209, %add3A_266 : i32
        %get3A_268 = arith.index_cast %add3A_267 : i32 to index
        %get3A_269 = tpu.vector_load %arg17[%get3A_268] {strides = array<i32>} : memref<2000xf32, #tpu.memory_space<vmem>>, vector<16xf32>,
        %get3A_270 = arith.index_cast %mul3A_209 : i32 to index
        %get3A_271 = tpu.vector_load %arg18[%get3A_270] {strides = array<i32>} : memref<2000xi32, #tpu.memory_space<vmem>>, vector<16xi32>,
        %add3A_272 = arith.constant 80 : i32
        %add3A_273 = arith.addi %mul3A_209, %add3A_272 : i32
        %sub3A = arith.constant 16 : i32
        %sub3A_274 = arith.subi %add3A_273, %sub3A : i32
        %get3A_275 = arith.index_cast %sub3A_274 : i32 to index
        %get3A_276 = tpu.vector_load %arg18[%get3A_275] {strides = array<i32>} : memref<2000xi32, #tpu.memory_space<vmem>>, vector<16xi32>,
        %slice3A_277 = vector.extract_strided_slice %get3A_271 {offsets = [0], sizes = [1], strides = [1]} : vector<16xi32> to vector<1xi32>
        %squeeze3A_278 = vector.extract %slice3A_277[0] : i32 from vector<1xi32>
        %slice3A_279 = vector.extract_strided_slice %get3A_276 {offsets = [15], sizes = [1], strides = [1]} : vector<16xi32> to vector<1xi32>
        %squeeze3A_280 = vector.extract %slice3A_279[0] : i32 from vector<1xi32>
        %eq3A_281 = arith.cmpi eq, %squeeze3A_278, %scan3A_203 : i32
        %eq3A_282 = arith.cmpi eq, %squeeze3A_278, %squeeze3A_280 : i32
        %and3A_283 = arith.andi %eq3A_281, %eq3A_282 : i1
        %convert_element_type3A = arith.extui %and3A_283 : i1 to i32
        %cond3A = arith.constant 0 : i32
        %cond3A_284 = arith.cmpi ne, %convert_element_type3A, %cond3A : i32
        %cond3A_285:5 = scf.if %cond3A_284 -> (i32, vector<16xf32>, vector<16xf32>, vector<16xf32>, vector<16xf32>) {
          %add3A_286 = arith.addf %get3A_213, %get3A_217 : vector<16xf32>
          %add3A_287 = arith.addf %get3A_233, %get3A_237 : vector<16xf32>
          %add3A_288 = arith.addf %get3A_253, %get3A_257 : vector<16xf32>
          %add3A_289 = arith.addf %add3A_286, %get3A_221 : vector<16xf32>
          %add3A_290 = arith.addf %add3A_287, %get3A_241 : vector<16xf32>
          %add3A_291 = arith.addf %add3A_288, %get3A_261 : vector<16xf32>
          %add3A_292 = arith.addf %add3A_289, %get3A_225 : vector<16xf32>
          %add3A_293 = arith.addf %add3A_290, %get3A_245 : vector<16xf32>
          %add3A_294 = arith.addf %add3A_291, %get3A_265 : vector<16xf32>
          %add3A_295 = arith.addf %add3A_292, %get3A_229 : vector<16xf32>
          %add3A_296 = arith.addf %add3A_293, %get3A_249 : vector<16xf32>
          %add3A_297 = arith.addf %add3A_294, %get3A_269 : vector<16xf32>
          %add3A_298 = arith.addf %scan3A_204, %broadcast_in_dim3A_7 : vector<16xf32>
          %add3A_299 = arith.addf %scan3A_205, %add3A_295 : vector<16xf32>
          %add3A_300 = arith.addf %scan3A_206, %add3A_296 : vector<16xf32>
          %add3A_301 = arith.addf %scan3A_207, %add3A_297 : vector<16xf32>
          scf.yield %scan3A_203, %add3A_298, %add3A_299, %add3A_300, %add3A_301 : i32, vector<16xf32>, vector<16xf32>, vector<16xf32>, vector<16xf32>
        } else {
          %broadcast_in_dim3A_286 = vector.broadcast %scan3A_203 : i32 to vector<16xi32>
          %reduce_sum3A_287 = arith.constant true
          %reduce_sum3A_288 = vector.broadcast %reduce_sum3A_287 : i1 to vector<16xi1>
          %reduce_sum3A_289 = tpu.scan <sum>, %scan3A_204 masked %reduce_sum3A_288 : vector<16xf32>, vector<16xi1> -> vector<16xf32>
          %reduce_sum3A_290 = vector.extract %reduce_sum3A_289[15] : f32 from vector<16xf32>
          %broadcast_in_dim3A_291 = vector.broadcast %reduce_sum3A_290 : f32 to vector<16xf32>
          tpu.vector_store_idx %arg7[%broadcast_in_dim3A_286], %broadcast_in_dim3A_291 masked %eq3A_18 {add = true} : memref<20000xf32, #tpu.memory_space<vmem>>[vector<16xi32>], vector<16xf32>, vector<16xi1>
          %reduce_sum3A_292 = arith.constant true
          %reduce_sum3A_293 = vector.broadcast %reduce_sum3A_292 : i1 to vector<16xi1>
          %reduce_sum3A_294 = tpu.scan <sum>, %scan3A_205 masked %reduce_sum3A_293 : vector<16xf32>, vector<16xi1> -> vector<16xf32>
          %reduce_sum3A_295 = vector.extract %reduce_sum3A_294[15] : f32 from vector<16xf32>
          %broadcast_in_dim3A_296 = vector.broadcast %reduce_sum3A_295 : f32 to vector<16xf32>
          tpu.vector_store_idx %arg8[%broadcast_in_dim3A_286], %broadcast_in_dim3A_296 masked %eq3A_18 {add = true} : memref<20000xf32, #tpu.memory_space<vmem>>[vector<16xi32>], vector<16xf32>, vector<16xi1>
          %reduce_sum3A_297 = arith.constant true
          %reduce_sum3A_298 = vector.broadcast %reduce_sum3A_297 : i1 to vector<16xi1>
          %reduce_sum3A_299 = tpu.scan <sum>, %scan3A_206 masked %reduce_sum3A_298 : vector<16xf32>, vector<16xi1> -> vector<16xf32>
          %reduce_sum3A_300 = vector.extract %reduce_sum3A_299[15] : f32 from vector<16xf32>
          %broadcast_in_dim3A_301 = vector.broadcast %reduce_sum3A_300 : f32 to vector<16xf32>
          tpu.vector_store_idx %arg9[%broadcast_in_dim3A_286], %broadcast_in_dim3A_301 masked %eq3A_18 {add = true} : memref<20000xf32, #tpu.memory_space<vmem>>[vector<16xi32>], vector<16xf32>, vector<16xi1>
          %reduce_sum3A_302 = arith.constant true
          %reduce_sum3A_303 = vector.broadcast %reduce_sum3A_302 : i1 to vector<16xi1>
          %reduce_sum3A_304 = tpu.scan <sum>, %scan3A_207 masked %reduce_sum3A_303 : vector<16xf32>, vector<16xi1> -> vector<16xf32>
          %reduce_sum3A_305 = vector.extract %reduce_sum3A_304[15] : f32 from vector<16xf32>
          %broadcast_in_dim3A_306 = vector.broadcast %reduce_sum3A_305 : f32 to vector<16xf32>
          tpu.vector_store_idx %arg10[%broadcast_in_dim3A_286], %broadcast_in_dim3A_306 masked %eq3A_18 {add = true} : memref<20000xf32, #tpu.memory_space<vmem>>[vector<16xi32>], vector<16xf32>, vector<16xi1>
          %add3A_307 = arith.constant 0 : i32
          %add3A_308 = arith.addi %mul3A_209, %add3A_307 : i32
          %get3A_309 = arith.index_cast %add3A_308 : i32 to index
          %get3A_310 = tpu.vector_load %arg18[%get3A_309] {strides = array<i32>} : memref<2000xi32, #tpu.memory_space<vmem>>, vector<16xi32>,
          %add3A_311 = arith.addi %get3A_310, %mul3A_12 : vector<16xi32>
          tpu.vector_store_idx %arg7[%add3A_311], %broadcast_in_dim3A_5 {add = true} : memref<20000xf32, #tpu.memory_space<vmem>>[vector<16xi32>], vector<16xf32>,
          tpu.vector_store_idx %arg8[%add3A_311], %get3A_213 {add = true} : memref<20000xf32, #tpu.memory_space<vmem>>[vector<16xi32>], vector<16xf32>,
          tpu.vector_store_idx %arg9[%add3A_311], %get3A_233 {add = true} : memref<20000xf32, #tpu.memory_space<vmem>>[vector<16xi32>], vector<16xf32>,
          tpu.vector_store_idx %arg10[%add3A_311], %get3A_253 {add = true} : memref<20000xf32, #tpu.memory_space<vmem>>[vector<16xi32>], vector<16xf32>,
          %add3A_312 = arith.constant 16 : i32
          %add3A_313 = arith.addi %mul3A_209, %add3A_312 : i32
          %get3A_314 = arith.index_cast %add3A_313 : i32 to index
          %get3A_315 = tpu.vector_load %arg18[%get3A_314] {strides = array<i32>} : memref<2000xi32, #tpu.memory_space<vmem>>, vector<16xi32>,
          %add3A_316 = arith.addi %get3A_315, %mul3A_12 : vector<16xi32>
          tpu.vector_store_idx %arg7[%add3A_316], %broadcast_in_dim3A_5 {add = true} : memref<20000xf32, #tpu.memory_space<vmem>>[vector<16xi32>], vector<16xf32>,
          tpu.vector_store_idx %arg8[%add3A_316], %get3A_217 {add = true} : memref<20000xf32, #tpu.memory_space<vmem>>[vector<16xi32>], vector<16xf32>,
          tpu.vector_store_idx %arg9[%add3A_316], %get3A_237 {add = true} : memref<20000xf32, #tpu.memory_space<vmem>>[vector<16xi32>], vector<16xf32>,
          tpu.vector_store_idx %arg10[%add3A_316], %get3A_257 {add = true} : memref<20000xf32, #tpu.memory_space<vmem>>[vector<16xi32>], vector<16xf32>,
          %add3A_317 = arith.constant 32 : i32
          %add3A_318 = arith.addi %mul3A_209, %add3A_317 : i32
          %get3A_319 = arith.index_cast %add3A_318 : i32 to index
          %get3A_320 = tpu.vector_load %arg18[%get3A_319] {strides = array<i32>} : memref<2000xi32, #tpu.memory_space<vmem>>, vector<16xi32>,
          %add3A_321 = arith.addi %get3A_320, %mul3A_12 : vector<16xi32>
          tpu.vector_store_idx %arg7[%add3A_321], %broadcast_in_dim3A_5 {add = true} : memref<20000xf32, #tpu.memory_space<vmem>>[vector<16xi32>], vector<16xf32>,
          tpu.vector_store_idx %arg8[%add3A_321], %get3A_221 {add = true} : memref<20000xf32, #tpu.memory_space<vmem>>[vector<16xi32>], vector<16xf32>,
          tpu.vector_store_idx %arg9[%add3A_321], %get3A_241 {add = true} : memref<20000xf32, #tpu.memory_space<vmem>>[vector<16xi32>], vector<16xf32>,
          tpu.vector_store_idx %arg10[%add3A_321], %get3A_261 {add = true} : memref<20000xf32, #tpu.memory_space<vmem>>[vector<16xi32>], vector<16xf32>,
          %add3A_322 = arith.constant 48 : i32
          %add3A_323 = arith.addi %mul3A_209, %add3A_322 : i32
          %get3A_324 = arith.index_cast %add3A_323 : i32 to index
          %get3A_325 = tpu.vector_load %arg18[%get3A_324] {strides = array<i32>} : memref<2000xi32, #tpu.memory_space<vmem>>, vector<16xi32>,
          %add3A_326 = arith.addi %get3A_325, %mul3A_12 : vector<16xi32>
          tpu.vector_store_idx %arg7[%add3A_326], %broadcast_in_dim3A_5 {add = true} : memref<20000xf32, #tpu.memory_space<vmem>>[vector<16xi32>], vector<16xf32>,
          tpu.vector_store_idx %arg8[%add3A_326], %get3A_225 {add = true} : memref<20000xf32, #tpu.memory_space<vmem>>[vector<16xi32>], vector<16xf32>,
          tpu.vector_store_idx %arg9[%add3A_326], %get3A_245 {add = true} : memref<20000xf32, #tpu.memory_space<vmem>>[vector<16xi32>], vector<16xf32>,
          tpu.vector_store_idx %arg10[%add3A_326], %get3A_265 {add = true} : memref<20000xf32, #tpu.memory_space<vmem>>[vector<16xi32>], vector<16xf32>,
          %add3A_327 = arith.constant 64 : i32
          %add3A_328 = arith.addi %mul3A_209, %add3A_327 : i32
          %get3A_329 = arith.index_cast %add3A_328 : i32 to index
          %get3A_330 = tpu.vector_load %arg18[%get3A_329] {strides = array<i32>} : memref<2000xi32, #tpu.memory_space<vmem>>, vector<16xi32>,
          %add3A_331 = arith.addi %get3A_330, %mul3A_12 : vector<16xi32>
          tpu.vector_store_idx %arg7[%add3A_331], %broadcast_in_dim3A_5 {add = true} : memref<20000xf32, #tpu.memory_space<vmem>>[vector<16xi32>], vector<16xf32>,
          tpu.vector_store_idx %arg8[%add3A_331], %get3A_229 {add = true} : memref<20000xf32, #tpu.memory_space<vmem>>[vector<16xi32>], vector<16xf32>,
          tpu.vector_store_idx %arg9[%add3A_331], %get3A_249 {add = true} : memref<20000xf32, #tpu.memory_space<vmem>>[vector<16xi32>], vector<16xf32>,
          tpu.vector_store_idx %arg10[%add3A_331], %get3A_269 {add = true} : memref<20000xf32, #tpu.memory_space<vmem>>[vector<16xi32>], vector<16xf32>,
          scf.yield %squeeze3A_280, %broadcast_in_dim3A_3, %broadcast_in_dim3A_3, %broadcast_in_dim3A_3, %broadcast_in_dim3A_3 : i32, vector<16xf32>, vector<16xf32>, vector<16xf32>, vector<16xf32>
        }
        scf.yield %cond3A_285#0, %cond3A_285#1, %cond3A_285#2, %cond3A_285#3, %cond3A_285#4 : i32, vector<16xf32>, vector<16xf32>, vector<16xf32>, vector<16xf32>
      }
      %scan3A_180 = arith.constant 25 : i32
      %broadcast_in_dim3A_181 = vector.broadcast %scan3A_179#0 : i32 to vector<16xi32>
      %reduce_sum3A_182 = arith.constant true
      %reduce_sum3A_183 = vector.broadcast %reduce_sum3A_182 : i1 to vector<16xi1>
      %reduce_sum3A_184 = tpu.scan <sum>, %scan3A_179#1 masked %reduce_sum3A_183 : vector<16xf32>, vector<16xi1> -> vector<16xf32>
      %reduce_sum3A_185 = vector.extract %reduce_sum3A_184[15] : f32 from vector<16xf32>
      %broadcast_in_dim3A_186 = vector.broadcast %reduce_sum3A_185 : f32 to vector<16xf32>
      tpu.vector_store_idx %arg7[%broadcast_in_dim3A_181], %broadcast_in_dim3A_186 masked %eq3A_18 {add = true} : memref<20000xf32, #tpu.memory_space<vmem>>[vector<16xi32>], vector<16xf32>, vector<16xi1>
      %reduce_sum3A_187 = arith.constant true
      %reduce_sum3A_188 = vector.broadcast %reduce_sum3A_187 : i1 to vector<16xi1>
      %reduce_sum3A_189 = tpu.scan <sum>, %scan3A_179#2 masked %reduce_sum3A_188 : vector<16xf32>, vector<16xi1> -> vector<16xf32>
      %reduce_sum3A_190 = vector.extract %reduce_sum3A_189[15] : f32 from vector<16xf32>
      %broadcast_in_dim3A_191 = vector.broadcast %reduce_sum3A_190 : f32 to vector<16xf32>
      tpu.vector_store_idx %arg8[%broadcast_in_dim3A_181], %broadcast_in_dim3A_191 masked %eq3A_18 {add = true} : memref<20000xf32, #tpu.memory_space<vmem>>[vector<16xi32>], vector<16xf32>, vector<16xi1>
      %reduce_sum3A_192 = arith.constant true
      %reduce_sum3A_193 = vector.broadcast %reduce_sum3A_192 : i1 to vector<16xi1>
      %reduce_sum3A_194 = tpu.scan <sum>, %scan3A_179#3 masked %reduce_sum3A_193 : vector<16xf32>, vector<16xi1> -> vector<16xf32>
      %reduce_sum3A_195 = vector.extract %reduce_sum3A_194[15] : f32 from vector<16xf32>
      %broadcast_in_dim3A_196 = vector.broadcast %reduce_sum3A_195 : f32 to vector<16xf32>
      tpu.vector_store_idx %arg9[%broadcast_in_dim3A_181], %broadcast_in_dim3A_196 masked %eq3A_18 {add = true} : memref<20000xf32, #tpu.memory_space<vmem>>[vector<16xi32>], vector<16xf32>, vector<16xi1>
      %reduce_sum3A_197 = arith.constant true
      %reduce_sum3A_198 = vector.broadcast %reduce_sum3A_197 : i1 to vector<16xi1>
      %reduce_sum3A_199 = tpu.scan <sum>, %scan3A_179#4 masked %reduce_sum3A_198 : vector<16xf32>, vector<16xi1> -> vector<16xf32>
      %reduce_sum3A_200 = vector.extract %reduce_sum3A_199[15] : f32 from vector<16xf32>
      %broadcast_in_dim3A_201 = vector.broadcast %reduce_sum3A_200 : f32 to vector<16xf32>
      tpu.vector_store_idx %arg10[%broadcast_in_dim3A_181], %broadcast_in_dim3A_201 masked %eq3A_18 {add = true} : memref<20000xf32, #tpu.memory_space<vmem>>[vector<16xi32>], vector<16xf32>, vector<16xi1>
    }
    %scan3A_32 = arith.constant 12 : i32
    %add3A_33 = arith.constant 48000 : i32
    %add3A_34 = arith.addi %mul3A_2, %add3A_33 : i32
    %dma_wait3A = tpu.memref_slice %arg2[%add3A_34] : memref<1600000xf32, #tpu.memory_space<hbm>> -> memref<2000xf32, #tpu.memory_space<hbm>>
    %dma_wait3A_35 = tpu.memref_slice %arg2[%add3A_34] : memref<1600000xf32, #tpu.memory_space<hbm>> -> memref<2000xf32, #tpu.memory_space<hbm>>
    tpu.wait_dma2 semaphore(%arg19 : memref<!tpu.dma_semaphore, #tpu.memory_space<semaphore_mem>>) src(%dma_wait3A_35 : memref<2000xf32, #tpu.memory_space<hbm>>) dst(%arg11 : memref<2000xf32, #tpu.memory_space<vmem>>)
    %dma_wait3A_36 = tpu.memref_slice %arg3[%add3A_34] : memref<1600000xf32, #tpu.memory_space<hbm>> -> memref<2000xf32, #tpu.memory_space<hbm>>
    %dma_wait3A_37 = tpu.memref_slice %arg3[%add3A_34] : memref<1600000xf32, #tpu.memory_space<hbm>> -> memref<2000xf32, #tpu.memory_space<hbm>>
    tpu.wait_dma2 semaphore(%arg19 : memref<!tpu.dma_semaphore, #tpu.memory_space<semaphore_mem>>) src(%dma_wait3A_37 : memref<2000xf32, #tpu.memory_space<hbm>>) dst(%arg12 : memref<2000xf32, #tpu.memory_space<vmem>>)
    %dma_wait3A_38 = tpu.memref_slice %arg4[%add3A_34] : memref<1600000xf32, #tpu.memory_space<hbm>> -> memref<2000xf32, #tpu.memory_space<hbm>>
    %dma_wait3A_39 = tpu.memref_slice %arg4[%add3A_34] : memref<1600000xf32, #tpu.memory_space<hbm>> -> memref<2000xf32, #tpu.memory_space<hbm>>
    tpu.wait_dma2 semaphore(%arg19 : memref<!tpu.dma_semaphore, #tpu.memory_space<semaphore_mem>>) src(%dma_wait3A_39 : memref<2000xf32, #tpu.memory_space<hbm>>) dst(%arg13 : memref<2000xf32, #tpu.memory_space<vmem>>)
    %dma_wait3A_40 = tpu.memref_slice %arg5[%add3A_34] : memref<1600000xi32, #tpu.memory_space<hbm>> -> memref<2000xi32, #tpu.memory_space<hbm>>
    %dma_wait3A_41 = tpu.memref_slice %arg5[%add3A_34] : memref<1600000xi32, #tpu.memory_space<hbm>> -> memref<2000xi32, #tpu.memory_space<hbm>>
    tpu.wait_dma2 semaphore(%arg19 : memref<!tpu.dma_semaphore, #tpu.memory_space<semaphore_mem>>) src(%dma_wait3A_41 : memref<2000xi32, #tpu.memory_space<hbm>>) dst(%arg14 : memref<2000xi32, #tpu.memory_space<vmem>>)
    %get3A = arith.constant 0 : index
    %get3A_42 = tpu.vector_load %arg14[%get3A] {strides = array<i32>} : memref<2000xi32, #tpu.memory_space<vmem>>, vector<16xi32>,
    %slice3A = vector.extract_strided_slice %get3A_42 {offsets = [0], sizes = [1], strides = [1]} : vector<16xi32> to vector<1xi32>
    %squeeze3A = vector.extract %slice3A[0] : i32 from vector<1xi32>
    %scan3A_43 = arith.constant 0 : i32
    %scan3A_44 = arith.constant 25 : i32
    %scan3A_45 = arith.addi %scan3A_43, %scan3A_44 : i32
    %scan3A_46 = arith.constant 1 : i32
    %scan3A_47:5 = scf.for %scan3A_77 = %scan3A_43 to %scan3A_45 step %scan3A_46 iter_args(%scan3A_78 = %squeeze3A, %scan3A_79 = %broadcast_in_dim3A_3, %scan3A_80 = %broadcast_in_dim3A_3, %scan3A_81 = %broadcast_in_dim3A_3, %scan3A_82 = %broadcast_in_dim3A_3) -> (i32, vector<16xf32>, vector<16xf32>, vector<16xf32>, vector<16xf32>)  : i32 {
      %mul3A_83 = arith.constant 80 : i32
      %mul3A_84 = arith.muli %scan3A_77, %mul3A_83 : i32
      %add3A_85 = arith.constant 0 : i32
      %add3A_86 = arith.addi %mul3A_84, %add3A_85 : i32
      %get3A_87 = arith.index_cast %add3A_86 : i32 to index
      %get3A_88 = tpu.vector_load %arg11[%get3A_87] {strides = array<i32>} : memref<2000xf32, #tpu.memory_space<vmem>>, vector<16xf32>,
      %add3A_89 = arith.constant 16 : i32
      %add3A_90 = arith.addi %mul3A_84, %add3A_89 : i32
      %get3A_91 = arith.index_cast %add3A_90 : i32 to index
      %get3A_92 = tpu.vector_load %arg11[%get3A_91] {strides = array<i32>} : memref<2000xf32, #tpu.memory_space<vmem>>, vector<16xf32>,
      %add3A_93 = arith.constant 32 : i32
      %add3A_94 = arith.addi %mul3A_84, %add3A_93 : i32
      %get3A_95 = arith.index_cast %add3A_94 : i32 to index
      %get3A_96 = tpu.vector_load %arg11[%get3A_95] {strides = array<i32>} : memref<2000xf32, #tpu.memory_space<vmem>>, vector<16xf32>,
      %add3A_97 = arith.constant 48 : i32
      %add3A_98 = arith.addi %mul3A_84, %add3A_97 : i32
      %get3A_99 = arith.index_cast %add3A_98 : i32 to index
      %get3A_100 = tpu.vector_load %arg11[%get3A_99] {strides = array<i32>} : memref<2000xf32, #tpu.memory_space<vmem>>, vector<16xf32>,
      %add3A_101 = arith.constant 64 : i32
      %add3A_102 = arith.addi %mul3A_84, %add3A_101 : i32
      %get3A_103 = arith.index_cast %add3A_102 : i32 to index
      %get3A_104 = tpu.vector_load %arg11[%get3A_103] {strides = array<i32>} : memref<2000xf32, #tpu.memory_space<vmem>>, vector<16xf32>,
      %add3A_105 = arith.constant 0 : i32
      %add3A_106 = arith.addi %mul3A_84, %add3A_105 : i32
      %get3A_107 = arith.index_cast %add3A_106 : i32 to index
      %get3A_108 = tpu.vector_load %arg12[%get3A_107] {strides = array<i32>} : memref<2000xf32, #tpu.memory_space<vmem>>, vector<16xf32>,
      %add3A_109 = arith.constant 16 : i32
      %add3A_110 = arith.addi %mul3A_84, %add3A_109 : i32
      %get3A_111 = arith.index_cast %add3A_110 : i32 to index
      %get3A_112 = tpu.vector_load %arg12[%get3A_111] {strides = array<i32>} : memref<2000xf32, #tpu.memory_space<vmem>>, vector<16xf32>,
      %add3A_113 = arith.constant 32 : i32
      %add3A_114 = arith.addi %mul3A_84, %add3A_113 : i32
      %get3A_115 = arith.index_cast %add3A_114 : i32 to index
      %get3A_116 = tpu.vector_load %arg12[%get3A_115] {strides = array<i32>} : memref<2000xf32, #tpu.memory_space<vmem>>, vector<16xf32>,
      %add3A_117 = arith.constant 48 : i32
      %add3A_118 = arith.addi %mul3A_84, %add3A_117 : i32
      %get3A_119 = arith.index_cast %add3A_118 : i32 to index
      %get3A_120 = tpu.vector_load %arg12[%get3A_119] {strides = array<i32>} : memref<2000xf32, #tpu.memory_space<vmem>>, vector<16xf32>,
      %add3A_121 = arith.constant 64 : i32
      %add3A_122 = arith.addi %mul3A_84, %add3A_121 : i32
      %get3A_123 = arith.index_cast %add3A_122 : i32 to index
      %get3A_124 = tpu.vector_load %arg12[%get3A_123] {strides = array<i32>} : memref<2000xf32, #tpu.memory_space<vmem>>, vector<16xf32>,
      %add3A_125 = arith.constant 0 : i32
      %add3A_126 = arith.addi %mul3A_84, %add3A_125 : i32
      %get3A_127 = arith.index_cast %add3A_126 : i32 to index
      %get3A_128 = tpu.vector_load %arg13[%get3A_127] {strides = array<i32>} : memref<2000xf32, #tpu.memory_space<vmem>>, vector<16xf32>,
      %add3A_129 = arith.constant 16 : i32
      %add3A_130 = arith.addi %mul3A_84, %add3A_129 : i32
      %get3A_131 = arith.index_cast %add3A_130 : i32 to index
      %get3A_132 = tpu.vector_load %arg13[%get3A_131] {strides = array<i32>} : memref<2000xf32, #tpu.memory_space<vmem>>, vector<16xf32>,
      %add3A_133 = arith.constant 32 : i32
      %add3A_134 = arith.addi %mul3A_84, %add3A_133 : i32
      %get3A_135 = arith.index_cast %add3A_134 : i32 to index
      %get3A_136 = tpu.vector_load %arg13[%get3A_135] {strides = array<i32>} : memref<2000xf32, #tpu.memory_space<vmem>>, vector<16xf32>,
      %add3A_137 = arith.constant 48 : i32
      %add3A_138 = arith.addi %mul3A_84, %add3A_137 : i32
      %get3A_139 = arith.index_cast %add3A_138 : i32 to index
      %get3A_140 = tpu.vector_load %arg13[%get3A_139] {strides = array<i32>} : memref<2000xf32, #tpu.memory_space<vmem>>, vector<16xf32>,
      %add3A_141 = arith.constant 64 : i32
      %add3A_142 = arith.addi %mul3A_84, %add3A_141 : i32
      %get3A_143 = arith.index_cast %add3A_142 : i32 to index
      %get3A_144 = tpu.vector_load %arg13[%get3A_143] {strides = array<i32>} : memref<2000xf32, #tpu.memory_space<vmem>>, vector<16xf32>,
      %get3A_145 = arith.index_cast %mul3A_84 : i32 to index
      %get3A_146 = tpu.vector_load %arg14[%get3A_145] {strides = array<i32>} : memref<2000xi32, #tpu.memory_space<vmem>>, vector<16xi32>,
      %add3A_147 = arith.constant 80 : i32
      %add3A_148 = arith.addi %mul3A_84, %add3A_147 : i32
      %sub3A = arith.constant 16 : i32
      %sub3A_149 = arith.subi %add3A_148, %sub3A : i32
      %get3A_150 = arith.index_cast %sub3A_149 : i32 to index
      %get3A_151 = tpu.vector_load %arg14[%get3A_150] {strides = array<i32>} : memref<2000xi32, #tpu.memory_space<vmem>>, vector<16xi32>,
      %slice3A_152 = vector.extract_strided_slice %get3A_146 {offsets = [0], sizes = [1], strides = [1]} : vector<16xi32> to vector<1xi32>
      %squeeze3A_153 = vector.extract %slice3A_152[0] : i32 from vector<1xi32>
      %slice3A_154 = vector.extract_strided_slice %get3A_151 {offsets = [15], sizes = [1], strides = [1]} : vector<16xi32> to vector<1xi32>
      %squeeze3A_155 = vector.extract %slice3A_154[0] : i32 from vector<1xi32>
      %eq3A_156 = arith.cmpi eq, %squeeze3A_153, %scan3A_78 : i32
      %eq3A_157 = arith.cmpi eq, %squeeze3A_153, %squeeze3A_155 : i32
      %and3A_158 = arith.andi %eq3A_156, %eq3A_157 : i1
      %convert_element_type3A = arith.extui %and3A_158 : i1 to i32
      %cond3A = arith.constant 0 : i32
      %cond3A_159 = arith.cmpi ne, %convert_element_type3A, %cond3A : i32
      %cond3A_160:5 = scf.if %cond3A_159 -> (i32, vector<16xf32>, vector<16xf32>, vector<16xf32>, vector<16xf32>) {
        %add3A_161 = arith.addf %get3A_88, %get3A_92 : vector<16xf32>
        %add3A_162 = arith.addf %get3A_108, %get3A_112 : vector<16xf32>
        %add3A_163 = arith.addf %get3A_128, %get3A_132 : vector<16xf32>
        %add3A_164 = arith.addf %add3A_161, %get3A_96 : vector<16xf32>
        %add3A_165 = arith.addf %add3A_162, %get3A_116 : vector<16xf32>
        %add3A_166 = arith.addf %add3A_163, %get3A_136 : vector<16xf32>
        %add3A_167 = arith.addf %add3A_164, %get3A_100 : vector<16xf32>
        %add3A_168 = arith.addf %add3A_165, %get3A_120 : vector<16xf32>
        %add3A_169 = arith.addf %add3A_166, %get3A_140 : vector<16xf32>
        %add3A_170 = arith.addf %add3A_167, %get3A_104 : vector<16xf32>
        %add3A_171 = arith.addf %add3A_168, %get3A_124 : vector<16xf32>
        %add3A_172 = arith.addf %add3A_169, %get3A_144 : vector<16xf32>
        %add3A_173 = arith.addf %scan3A_79, %broadcast_in_dim3A_7 : vector<16xf32>
        %add3A_174 = arith.addf %scan3A_80, %add3A_170 : vector<16xf32>
        %add3A_175 = arith.addf %scan3A_81, %add3A_171 : vector<16xf32>
        %add3A_176 = arith.addf %scan3A_82, %add3A_172 : vector<16xf32>
        scf.yield %scan3A_78, %add3A_173, %add3A_174, %add3A_175, %add3A_176 : i32, vector<16xf32>, vector<16xf32>, vector<16xf32>, vector<16xf32>
      } else {
        %broadcast_in_dim3A_161 = vector.broadcast %scan3A_78 : i32 to vector<16xi32>
        %reduce_sum3A_162 = arith.constant true
        %reduce_sum3A_163 = vector.broadcast %reduce_sum3A_162 : i1 to vector<16xi1>
        %reduce_sum3A_164 = tpu.scan <sum>, %scan3A_79 masked %reduce_sum3A_163 : vector<16xf32>, vector<16xi1> -> vector<16xf32>
        %reduce_sum3A_165 = vector.extract %reduce_sum3A_164[15] : f32 from vector<16xf32>
        %broadcast_in_dim3A_166 = vector.broadcast %reduce_sum3A_165 : f32 to vector<16xf32>
        tpu.vector_store_idx %arg7[%broadcast_in_dim3A_161], %broadcast_in_dim3A_166 masked %eq3A_18 {add = true} : memref<20000xf32, #tpu.memory_space<vmem>>[vector<16xi32>], vector<16xf32>, vector<16xi1>
        %reduce_sum3A_167 = arith.constant true
        %reduce_sum3A_168 = vector.broadcast %reduce_sum3A_167 : i1 to vector<16xi1>
        %reduce_sum3A_169 = tpu.scan <sum>, %scan3A_80 masked %reduce_sum3A_168 : vector<16xf32>, vector<16xi1> -> vector<16xf32>
        %reduce_sum3A_170 = vector.extract %reduce_sum3A_169[15] : f32 from vector<16xf32>
        %broadcast_in_dim3A_171 = vector.broadcast %reduce_sum3A_170 : f32 to vector<16xf32>
        tpu.vector_store_idx %arg8[%broadcast_in_dim3A_161], %broadcast_in_dim3A_171 masked %eq3A_18 {add = true} : memref<20000xf32, #tpu.memory_space<vmem>>[vector<16xi32>], vector<16xf32>, vector<16xi1>
        %reduce_sum3A_172 = arith.constant true
        %reduce_sum3A_173 = vector.broadcast %reduce_sum3A_172 : i1 to vector<16xi1>
        %reduce_sum3A_174 = tpu.scan <sum>, %scan3A_81 masked %reduce_sum3A_173 : vector<16xf32>, vector<16xi1> -> vector<16xf32>
        %reduce_sum3A_175 = vector.extract %reduce_sum3A_174[15] : f32 from vector<16xf32>
        %broadcast_in_dim3A_176 = vector.broadcast %reduce_sum3A_175 : f32 to vector<16xf32>
        tpu.vector_store_idx %arg9[%broadcast_in_dim3A_161], %broadcast_in_dim3A_176 masked %eq3A_18 {add = true} : memref<20000xf32, #tpu.memory_space<vmem>>[vector<16xi32>], vector<16xf32>, vector<16xi1>
        %reduce_sum3A_177 = arith.constant true
        %reduce_sum3A_178 = vector.broadcast %reduce_sum3A_177 : i1 to vector<16xi1>
        %reduce_sum3A_179 = tpu.scan <sum>, %scan3A_82 masked %reduce_sum3A_178 : vector<16xf32>, vector<16xi1> -> vector<16xf32>
        %reduce_sum3A_180 = vector.extract %reduce_sum3A_179[15] : f32 from vector<16xf32>
        %broadcast_in_dim3A_181 = vector.broadcast %reduce_sum3A_180 : f32 to vector<16xf32>
        tpu.vector_store_idx %arg10[%broadcast_in_dim3A_161], %broadcast_in_dim3A_181 masked %eq3A_18 {add = true} : memref<20000xf32, #tpu.memory_space<vmem>>[vector<16xi32>], vector<16xf32>, vector<16xi1>
        %add3A_182 = arith.constant 0 : i32
        %add3A_183 = arith.addi %mul3A_84, %add3A_182 : i32
        %get3A_184 = arith.index_cast %add3A_183 : i32 to index
        %get3A_185 = tpu.vector_load %arg14[%get3A_184] {strides = array<i32>} : memref<2000xi32, #tpu.memory_space<vmem>>, vector<16xi32>,
        %add3A_186 = arith.addi %get3A_185, %mul3A_12 : vector<16xi32>
        tpu.vector_store_idx %arg7[%add3A_186], %broadcast_in_dim3A_5 {add = true} : memref<20000xf32, #tpu.memory_space<vmem>>[vector<16xi32>], vector<16xf32>,
        tpu.vector_store_idx %arg8[%add3A_186], %get3A_88 {add = true} : memref<20000xf32, #tpu.memory_space<vmem>>[vector<16xi32>], vector<16xf32>,
        tpu.vector_store_idx %arg9[%add3A_186], %get3A_108 {add = true} : memref<20000xf32, #tpu.memory_space<vmem>>[vector<16xi32>], vector<16xf32>,
        tpu.vector_store_idx %arg10[%add3A_186], %get3A_128 {add = true} : memref<20000xf32, #tpu.memory_space<vmem>>[vector<16xi32>], vector<16xf32>,
        %add3A_187 = arith.constant 16 : i32
        %add3A_188 = arith.addi %mul3A_84, %add3A_187 : i32
        %get3A_189 = arith.index_cast %add3A_188 : i32 to index
        %get3A_190 = tpu.vector_load %arg14[%get3A_189] {strides = array<i32>} : memref<2000xi32, #tpu.memory_space<vmem>>, vector<16xi32>,
        %add3A_191 = arith.addi %get3A_190, %mul3A_12 : vector<16xi32>
        tpu.vector_store_idx %arg7[%add3A_191], %broadcast_in_dim3A_5 {add = true} : memref<20000xf32, #tpu.memory_space<vmem>>[vector<16xi32>], vector<16xf32>,
        tpu.vector_store_idx %arg8[%add3A_191], %get3A_92 {add = true} : memref<20000xf32, #tpu.memory_space<vmem>>[vector<16xi32>], vector<16xf32>,
        tpu.vector_store_idx %arg9[%add3A_191], %get3A_112 {add = true} : memref<20000xf32, #tpu.memory_space<vmem>>[vector<16xi32>], vector<16xf32>,
        tpu.vector_store_idx %arg10[%add3A_191], %get3A_132 {add = true} : memref<20000xf32, #tpu.memory_space<vmem>>[vector<16xi32>], vector<16xf32>,
        %add3A_192 = arith.constant 32 : i32
        %add3A_193 = arith.addi %mul3A_84, %add3A_192 : i32
        %get3A_194 = arith.index_cast %add3A_193 : i32 to index
        %get3A_195 = tpu.vector_load %arg14[%get3A_194] {strides = array<i32>} : memref<2000xi32, #tpu.memory_space<vmem>>, vector<16xi32>,
        %add3A_196 = arith.addi %get3A_195, %mul3A_12 : vector<16xi32>
        tpu.vector_store_idx %arg7[%add3A_196], %broadcast_in_dim3A_5 {add = true} : memref<20000xf32, #tpu.memory_space<vmem>>[vector<16xi32>], vector<16xf32>,
        tpu.vector_store_idx %arg8[%add3A_196], %get3A_96 {add = true} : memref<20000xf32, #tpu.memory_space<vmem>>[vector<16xi32>], vector<16xf32>,
        tpu.vector_store_idx %arg9[%add3A_196], %get3A_116 {add = true} : memref<20000xf32, #tpu.memory_space<vmem>>[vector<16xi32>], vector<16xf32>,
        tpu.vector_store_idx %arg10[%add3A_196], %get3A_136 {add = true} : memref<20000xf32, #tpu.memory_space<vmem>>[vector<16xi32>], vector<16xf32>,
        %add3A_197 = arith.constant 48 : i32
        %add3A_198 = arith.addi %mul3A_84, %add3A_197 : i32
        %get3A_199 = arith.index_cast %add3A_198 : i32 to index
        %get3A_200 = tpu.vector_load %arg14[%get3A_199] {strides = array<i32>} : memref<2000xi32, #tpu.memory_space<vmem>>, vector<16xi32>,
        %add3A_201 = arith.addi %get3A_200, %mul3A_12 : vector<16xi32>
        tpu.vector_store_idx %arg7[%add3A_201], %broadcast_in_dim3A_5 {add = true} : memref<20000xf32, #tpu.memory_space<vmem>>[vector<16xi32>], vector<16xf32>,
        tpu.vector_store_idx %arg8[%add3A_201], %get3A_100 {add = true} : memref<20000xf32, #tpu.memory_space<vmem>>[vector<16xi32>], vector<16xf32>,
        tpu.vector_store_idx %arg9[%add3A_201], %get3A_120 {add = true} : memref<20000xf32, #tpu.memory_space<vmem>>[vector<16xi32>], vector<16xf32>,
        tpu.vector_store_idx %arg10[%add3A_201], %get3A_140 {add = true} : memref<20000xf32, #tpu.memory_space<vmem>>[vector<16xi32>], vector<16xf32>,
        %add3A_202 = arith.constant 64 : i32
        %add3A_203 = arith.addi %mul3A_84, %add3A_202 : i32
        %get3A_204 = arith.index_cast %add3A_203 : i32 to index
        %get3A_205 = tpu.vector_load %arg14[%get3A_204] {strides = array<i32>} : memref<2000xi32, #tpu.memory_space<vmem>>, vector<16xi32>,
        %add3A_206 = arith.addi %get3A_205, %mul3A_12 : vector<16xi32>
        tpu.vector_store_idx %arg7[%add3A_206], %broadcast_in_dim3A_5 {add = true} : memref<20000xf32, #tpu.memory_space<vmem>>[vector<16xi32>], vector<16xf32>,
        tpu.vector_store_idx %arg8[%add3A_206], %get3A_104 {add = true} : memref<20000xf32, #tpu.memory_space<vmem>>[vector<16xi32>], vector<16xf32>,
        tpu.vector_store_idx %arg9[%add3A_206], %get3A_124 {add = true} : memref<20000xf32, #tpu.memory_space<vmem>>[vector<16xi32>], vector<16xf32>,
        tpu.vector_store_idx %arg10[%add3A_206], %get3A_144 {add = true} : memref<20000xf32, #tpu.memory_space<vmem>>[vector<16xi32>], vector<16xf32>,
        scf.yield %squeeze3A_155, %broadcast_in_dim3A_3, %broadcast_in_dim3A_3, %broadcast_in_dim3A_3, %broadcast_in_dim3A_3 : i32, vector<16xf32>, vector<16xf32>, vector<16xf32>, vector<16xf32>
      }
      scf.yield %cond3A_160#0, %cond3A_160#1, %cond3A_160#2, %cond3A_160#3, %cond3A_160#4 : i32, vector<16xf32>, vector<16xf32>, vector<16xf32>, vector<16xf32>
    }
    %scan3A_48 = arith.constant 25 : i32
    %broadcast_in_dim3A_49 = vector.broadcast %scan3A_47#0 : i32 to vector<16xi32>
    %reduce_sum3A = arith.constant true
    %reduce_sum3A_50 = vector.broadcast %reduce_sum3A : i1 to vector<16xi1>
    %reduce_sum3A_51 = tpu.scan <sum>, %scan3A_47#1 masked %reduce_sum3A_50 : vector<16xf32>, vector<16xi1> -> vector<16xf32>
    %reduce_sum3A_52 = vector.extract %reduce_sum3A_51[15] : f32 from vector<16xf32>
    %broadcast_in_dim3A_53 = vector.broadcast %reduce_sum3A_52 : f32 to vector<16xf32>
    tpu.vector_store_idx %arg7[%broadcast_in_dim3A_49], %broadcast_in_dim3A_53 masked %eq3A_18 {add = true} : memref<20000xf32, #tpu.memory_space<vmem>>[vector<16xi32>], vector<16xf32>, vector<16xi1>
    %reduce_sum3A_54 = arith.constant true
    %reduce_sum3A_55 = vector.broadcast %reduce_sum3A_54 : i1 to vector<16xi1>
    %reduce_sum3A_56 = tpu.scan <sum>, %scan3A_47#2 masked %reduce_sum3A_55 : vector<16xf32>, vector<16xi1> -> vector<16xf32>
    %reduce_sum3A_57 = vector.extract %reduce_sum3A_56[15] : f32 from vector<16xf32>
    %broadcast_in_dim3A_58 = vector.broadcast %reduce_sum3A_57 : f32 to vector<16xf32>
    tpu.vector_store_idx %arg8[%broadcast_in_dim3A_49], %broadcast_in_dim3A_58 masked %eq3A_18 {add = true} : memref<20000xf32, #tpu.memory_space<vmem>>[vector<16xi32>], vector<16xf32>, vector<16xi1>
    %reduce_sum3A_59 = arith.constant true
    %reduce_sum3A_60 = vector.broadcast %reduce_sum3A_59 : i1 to vector<16xi1>
    %reduce_sum3A_61 = tpu.scan <sum>, %scan3A_47#3 masked %reduce_sum3A_60 : vector<16xf32>, vector<16xi1> -> vector<16xf32>
    %reduce_sum3A_62 = vector.extract %reduce_sum3A_61[15] : f32 from vector<16xf32>
    %broadcast_in_dim3A_63 = vector.broadcast %reduce_sum3A_62 : f32 to vector<16xf32>
    tpu.vector_store_idx %arg9[%broadcast_in_dim3A_49], %broadcast_in_dim3A_63 masked %eq3A_18 {add = true} : memref<20000xf32, #tpu.memory_space<vmem>>[vector<16xi32>], vector<16xf32>, vector<16xi1>
    %reduce_sum3A_64 = arith.constant true
    %reduce_sum3A_65 = vector.broadcast %reduce_sum3A_64 : i1 to vector<16xi1>
    %reduce_sum3A_66 = tpu.scan <sum>, %scan3A_47#4 masked %reduce_sum3A_65 : vector<16xf32>, vector<16xi1> -> vector<16xf32>
    %reduce_sum3A_67 = vector.extract %reduce_sum3A_66[15] : f32 from vector<16xf32>
    %broadcast_in_dim3A_68 = vector.broadcast %reduce_sum3A_67 : f32 to vector<16xf32>
    tpu.vector_store_idx %arg10[%broadcast_in_dim3A_49], %broadcast_in_dim3A_68 masked %eq3A_18 {add = true} : memref<20000xf32, #tpu.memory_space<vmem>>[vector<16xi32>], vector<16xf32>, vector<16xi1>
    %scan3A_69 = arith.constant 0 : i32
    %scan3A_70 = arith.constant 625 : i32
    %scan3A_71 = arith.addi %scan3A_69, %scan3A_70 : i32
    %scan3A_72 = arith.constant 1 : i32
    scf.for %scan3A_77 = %scan3A_69 to %scan3A_71 step %scan3A_72  : i32 {
      %mul3A_78 = arith.constant 16 : i32
      %mul3A_79 = arith.muli %scan3A_77, %mul3A_78 : i32
      %add3A_80 = arith.constant 0 : i32
      %add3A_81 = arith.addi %add3A_80, %mul3A_79 : i32
      %get3A_82 = arith.index_cast %add3A_81 : i32 to index
      %get3A_83 = tpu.vector_load %arg7[%get3A_82] {strides = array<i32>} : memref<20000xf32, #tpu.memory_space<vmem>>, vector<16xf32>,
      %add3A_84 = arith.constant 10000 : i32
      %add3A_85 = arith.addi %add3A_84, %add3A_81 : i32
      %get3A_86 = arith.index_cast %add3A_85 : i32 to index
      %get3A_87 = tpu.vector_load %arg7[%get3A_86] {strides = array<i32>} : memref<20000xf32, #tpu.memory_space<vmem>>, vector<16xf32>,
      %add3A_88 = arith.addf %get3A_83, %get3A_87 : vector<16xf32>
      %swap3A = arith.index_cast %add3A_81 : i32 to index
      %swap3A_89 = tpu.vector_load %arg7[%swap3A] {strides = array<i32>} : memref<20000xf32, #tpu.memory_space<vmem>>, vector<16xf32>,
      tpu.vector_store %arg7[%swap3A], %add3A_88 {strides = array<i32>} : memref<20000xf32, #tpu.memory_space<vmem>>, vector<16xf32>,
      %get3A_90 = arith.index_cast %add3A_81 : i32 to index
      %get3A_91 = tpu.vector_load %arg8[%get3A_90] {strides = array<i32>} : memref<20000xf32, #tpu.memory_space<vmem>>, vector<16xf32>,
      %add3A_92 = arith.constant 10000 : i32
      %add3A_93 = arith.addi %add3A_92, %add3A_81 : i32
      %get3A_94 = arith.index_cast %add3A_93 : i32 to index
      %get3A_95 = tpu.vector_load %arg8[%get3A_94] {strides = array<i32>} : memref<20000xf32, #tpu.memory_space<vmem>>, vector<16xf32>,
      %add3A_96 = arith.addf %get3A_91, %get3A_95 : vector<16xf32>
      %swap3A_97 = arith.index_cast %add3A_81 : i32 to index
      %swap3A_98 = tpu.vector_load %arg8[%swap3A_97] {strides = array<i32>} : memref<20000xf32, #tpu.memory_space<vmem>>, vector<16xf32>,
      tpu.vector_store %arg8[%swap3A_97], %add3A_96 {strides = array<i32>} : memref<20000xf32, #tpu.memory_space<vmem>>, vector<16xf32>,
      %get3A_99 = arith.index_cast %add3A_81 : i32 to index
      %get3A_100 = tpu.vector_load %arg9[%get3A_99] {strides = array<i32>} : memref<20000xf32, #tpu.memory_space<vmem>>, vector<16xf32>,
      %add3A_101 = arith.constant 10000 : i32
      %add3A_102 = arith.addi %add3A_101, %add3A_81 : i32
      %get3A_103 = arith.index_cast %add3A_102 : i32 to index
      %get3A_104 = tpu.vector_load %arg9[%get3A_103] {strides = array<i32>} : memref<20000xf32, #tpu.memory_space<vmem>>, vector<16xf32>,
      %add3A_105 = arith.addf %get3A_100, %get3A_104 : vector<16xf32>
      %swap3A_106 = arith.index_cast %add3A_81 : i32 to index
      %swap3A_107 = tpu.vector_load %arg9[%swap3A_106] {strides = array<i32>} : memref<20000xf32, #tpu.memory_space<vmem>>, vector<16xf32>,
      tpu.vector_store %arg9[%swap3A_106], %add3A_105 {strides = array<i32>} : memref<20000xf32, #tpu.memory_space<vmem>>, vector<16xf32>,
      %get3A_108 = arith.index_cast %add3A_81 : i32 to index
      %get3A_109 = tpu.vector_load %arg10[%get3A_108] {strides = array<i32>} : memref<20000xf32, #tpu.memory_space<vmem>>, vector<16xf32>,
      %add3A_110 = arith.constant 10000 : i32
      %add3A_111 = arith.addi %add3A_110, %add3A_81 : i32
      %get3A_112 = arith.index_cast %add3A_111 : i32 to index
      %get3A_113 = tpu.vector_load %arg10[%get3A_112] {strides = array<i32>} : memref<20000xf32, #tpu.memory_space<vmem>>, vector<16xf32>,
      %add3A_114 = arith.addf %get3A_109, %get3A_113 : vector<16xf32>
      %swap3A_115 = arith.index_cast %add3A_81 : i32 to index
      %swap3A_116 = tpu.vector_load %arg10[%swap3A_115] {strides = array<i32>} : memref<20000xf32, #tpu.memory_space<vmem>>, vector<16xf32>,
      tpu.vector_store %arg10[%swap3A_115], %add3A_114 {strides = array<i32>} : memref<20000xf32, #tpu.memory_space<vmem>>, vector<16xf32>,
    }
    %scan3A_73 = arith.constant 625 : i32
    %run_scoped3A = arith.constant 0 : i32
    "tpu.region"() ({
      %run_scoped3A_77 = tpu.sem_alloc : memref<!tpu.dma_semaphore, #tpu.memory_space<semaphore_mem>>
      %dma_start3A_78 = arith.constant 0 : i32
      %dma_start3A_79 = tpu.memref_slice %arg7[%dma_start3A_78] : memref<20000xf32, #tpu.memory_space<vmem>> -> memref<10000xf32, #tpu.memory_space<vmem>>
      %dma_start3A_80 = arith.constant 0 : i32
      %dma_start3A_81 = tpu.memref_slice %arg6[%add3A, %run_scoped3A, %dma_start3A_80] : memref<32x4x10000xf32, #tpu.memory_space<hbm>> -> memref<1x1x10000xf32, #tpu.memory_space<hbm>>
      %dma_start3A_82 = tpu.memref_squeeze %dma_start3A_81 : memref<1x1x10000xf32, #tpu.memory_space<hbm>> -> memref<10000xf32, #tpu.memory_space<hbm>>
      %dma_start3A_83 = arith.constant 0 : i32
      %dma_start3A_84 = tpu.memref_slice %arg6[%add3A, %run_scoped3A, %dma_start3A_83] : memref<32x4x10000xf32, #tpu.memory_space<hbm>> -> memref<1x1x10000xf32, #tpu.memory_space<hbm>>
      %dma_start3A_85 = tpu.memref_squeeze %dma_start3A_84 : memref<1x1x10000xf32, #tpu.memory_space<hbm>> -> memref<10000xf32, #tpu.memory_space<hbm>>
      %dma_start3A_86 = arith.constant 0 : i32
      %dma_start3A_87 = tpu.memref_slice %arg7[%dma_start3A_86] : memref<20000xf32, #tpu.memory_space<vmem>> -> memref<10000xf32, #tpu.memory_space<vmem>>
      tpu.enqueue_dma source(%dma_start3A_87 : memref<10000xf32, #tpu.memory_space<vmem>>) target(%dma_start3A_85 : memref<10000xf32, #tpu.memory_space<hbm>>) target_semaphore(%run_scoped3A_77 : memref<!tpu.dma_semaphore, #tpu.memory_space<semaphore_mem>>)
      %dma_wait3A_88 = arith.constant 0 : i32
      %dma_wait3A_89 = tpu.memref_slice %arg7[%dma_wait3A_88] : memref<20000xf32, #tpu.memory_space<vmem>> -> memref<10000xf32, #tpu.memory_space<vmem>>
      %dma_wait3A_90 = arith.constant 0 : i32
      %dma_wait3A_91 = tpu.memref_slice %arg6[%add3A, %run_scoped3A, %dma_wait3A_90] : memref<32x4x10000xf32, #tpu.memory_space<hbm>> -> memref<1x1x10000xf32, #tpu.memory_space<hbm>>
      %dma_wait3A_92 = tpu.memref_squeeze %dma_wait3A_91 : memref<1x1x10000xf32, #tpu.memory_space<hbm>> -> memref<10000xf32, #tpu.memory_space<hbm>>
      %dma_wait3A_93 = arith.constant 0 : i32
      %dma_wait3A_94 = tpu.memref_slice %arg6[%add3A, %run_scoped3A, %dma_wait3A_93] : memref<32x4x10000xf32, #tpu.memory_space<hbm>> -> memref<1x1x10000xf32, #tpu.memory_space<hbm>>
      %dma_wait3A_95 = tpu.memref_squeeze %dma_wait3A_94 : memref<1x1x10000xf32, #tpu.memory_space<hbm>> -> memref<10000xf32, #tpu.memory_space<hbm>>
      %dma_wait3A_96 = arith.constant 0 : i32
      %dma_wait3A_97 = tpu.memref_slice %arg7[%dma_wait3A_96] : memref<20000xf32, #tpu.memory_space<vmem>> -> memref<10000xf32, #tpu.memory_space<vmem>>
      tpu.wait_dma2 semaphore(%run_scoped3A_77 : memref<!tpu.dma_semaphore, #tpu.memory_space<semaphore_mem>>) src(%dma_wait3A_97 : memref<10000xf32, #tpu.memory_space<vmem>>) dst(%dma_wait3A_95 : memref<10000xf32, #tpu.memory_space<hbm>>)
      tpu.yield
    }) : () -> ()
    %run_scoped3A_74 = arith.constant 1 : i32
    "tpu.region"() ({
      %run_scoped3A_77 = tpu.sem_alloc : memref<!tpu.dma_semaphore, #tpu.memory_space<semaphore_mem>>
      %dma_start3A_78 = arith.constant 0 : i32
      %dma_start3A_79 = tpu.memref_slice %arg8[%dma_start3A_78] : memref<20000xf32, #tpu.memory_space<vmem>> -> memref<10000xf32, #tpu.memory_space<vmem>>
      %dma_start3A_80 = arith.constant 0 : i32
      %dma_start3A_81 = tpu.memref_slice %arg6[%add3A, %run_scoped3A_74, %dma_start3A_80] : memref<32x4x10000xf32, #tpu.memory_space<hbm>> -> memref<1x1x10000xf32, #tpu.memory_space<hbm>>
      %dma_start3A_82 = tpu.memref_squeeze %dma_start3A_81 : memref<1x1x10000xf32, #tpu.memory_space<hbm>> -> memref<10000xf32, #tpu.memory_space<hbm>>
      %dma_start3A_83 = arith.constant 0 : i32
      %dma_start3A_84 = tpu.memref_slice %arg6[%add3A, %run_scoped3A_74, %dma_start3A_83] : memref<32x4x10000xf32, #tpu.memory_space<hbm>> -> memref<1x1x10000xf32, #tpu.memory_space<hbm>>
      %dma_start3A_85 = tpu.memref_squeeze %dma_start3A_84 : memref<1x1x10000xf32, #tpu.memory_space<hbm>> -> memref<10000xf32, #tpu.memory_space<hbm>>
      %dma_start3A_86 = arith.constant 0 : i32
      %dma_start3A_87 = tpu.memref_slice %arg8[%dma_start3A_86] : memref<20000xf32, #tpu.memory_space<vmem>> -> memref<10000xf32, #tpu.memory_space<vmem>>
      tpu.enqueue_dma source(%dma_start3A_87 : memref<10000xf32, #tpu.memory_space<vmem>>) target(%dma_start3A_85 : memref<10000xf32, #tpu.memory_space<hbm>>) target_semaphore(%run_scoped3A_77 : memref<!tpu.dma_semaphore, #tpu.memory_space<semaphore_mem>>)
      %dma_wait3A_88 = arith.constant 0 : i32
      %dma_wait3A_89 = tpu.memref_slice %arg8[%dma_wait3A_88] : memref<20000xf32, #tpu.memory_space<vmem>> -> memref<10000xf32, #tpu.memory_space<vmem>>
      %dma_wait3A_90 = arith.constant 0 : i32
      %dma_wait3A_91 = tpu.memref_slice %arg6[%add3A, %run_scoped3A_74, %dma_wait3A_90] : memref<32x4x10000xf32, #tpu.memory_space<hbm>> -> memref<1x1x10000xf32, #tpu.memory_space<hbm>>
      %dma_wait3A_92 = tpu.memref_squeeze %dma_wait3A_91 : memref<1x1x10000xf32, #tpu.memory_space<hbm>> -> memref<10000xf32, #tpu.memory_space<hbm>>
      %dma_wait3A_93 = arith.constant 0 : i32
      %dma_wait3A_94 = tpu.memref_slice %arg6[%add3A, %run_scoped3A_74, %dma_wait3A_93] : memref<32x4x10000xf32, #tpu.memory_space<hbm>> -> memref<1x1x10000xf32, #tpu.memory_space<hbm>>
      %dma_wait3A_95 = tpu.memref_squeeze %dma_wait3A_94 : memref<1x1x10000xf32, #tpu.memory_space<hbm>> -> memref<10000xf32, #tpu.memory_space<hbm>>
      %dma_wait3A_96 = arith.constant 0 : i32
      %dma_wait3A_97 = tpu.memref_slice %arg8[%dma_wait3A_96] : memref<20000xf32, #tpu.memory_space<vmem>> -> memref<10000xf32, #tpu.memory_space<vmem>>
      tpu.wait_dma2 semaphore(%run_scoped3A_77 : memref<!tpu.dma_semaphore, #tpu.memory_space<semaphore_mem>>) src(%dma_wait3A_97 : memref<10000xf32, #tpu.memory_space<vmem>>) dst(%dma_wait3A_95 : memref<10000xf32, #tpu.memory_space<hbm>>)
      tpu.yield
    }) : () -> ()
    %run_scoped3A_75 = arith.constant 2 : i32
    "tpu.region"() ({
      %run_scoped3A_77 = tpu.sem_alloc : memref<!tpu.dma_semaphore, #tpu.memory_space<semaphore_mem>>
      %dma_start3A_78 = arith.constant 0 : i32
      %dma_start3A_79 = tpu.memref_slice %arg9[%dma_start3A_78] : memref<20000xf32, #tpu.memory_space<vmem>> -> memref<10000xf32, #tpu.memory_space<vmem>>
      %dma_start3A_80 = arith.constant 0 : i32
      %dma_start3A_81 = tpu.memref_slice %arg6[%add3A, %run_scoped3A_75, %dma_start3A_80] : memref<32x4x10000xf32, #tpu.memory_space<hbm>> -> memref<1x1x10000xf32, #tpu.memory_space<hbm>>
      %dma_start3A_82 = tpu.memref_squeeze %dma_start3A_81 : memref<1x1x10000xf32, #tpu.memory_space<hbm>> -> memref<10000xf32, #tpu.memory_space<hbm>>
      %dma_start3A_83 = arith.constant 0 : i32
      %dma_start3A_84 = tpu.memref_slice %arg6[%add3A, %run_scoped3A_75, %dma_start3A_83] : memref<32x4x10000xf32, #tpu.memory_space<hbm>> -> memref<1x1x10000xf32, #tpu.memory_space<hbm>>
      %dma_start3A_85 = tpu.memref_squeeze %dma_start3A_84 : memref<1x1x10000xf32, #tpu.memory_space<hbm>> -> memref<10000xf32, #tpu.memory_space<hbm>>
      %dma_start3A_86 = arith.constant 0 : i32
      %dma_start3A_87 = tpu.memref_slice %arg9[%dma_start3A_86] : memref<20000xf32, #tpu.memory_space<vmem>> -> memref<10000xf32, #tpu.memory_space<vmem>>
      tpu.enqueue_dma source(%dma_start3A_87 : memref<10000xf32, #tpu.memory_space<vmem>>) target(%dma_start3A_85 : memref<10000xf32, #tpu.memory_space<hbm>>) target_semaphore(%run_scoped3A_77 : memref<!tpu.dma_semaphore, #tpu.memory_space<semaphore_mem>>)
      %dma_wait3A_88 = arith.constant 0 : i32
      %dma_wait3A_89 = tpu.memref_slice %arg9[%dma_wait3A_88] : memref<20000xf32, #tpu.memory_space<vmem>> -> memref<10000xf32, #tpu.memory_space<vmem>>
      %dma_wait3A_90 = arith.constant 0 : i32
      %dma_wait3A_91 = tpu.memref_slice %arg6[%add3A, %run_scoped3A_75, %dma_wait3A_90] : memref<32x4x10000xf32, #tpu.memory_space<hbm>> -> memref<1x1x10000xf32, #tpu.memory_space<hbm>>
      %dma_wait3A_92 = tpu.memref_squeeze %dma_wait3A_91 : memref<1x1x10000xf32, #tpu.memory_space<hbm>> -> memref<10000xf32, #tpu.memory_space<hbm>>
      %dma_wait3A_93 = arith.constant 0 : i32
      %dma_wait3A_94 = tpu.memref_slice %arg6[%add3A, %run_scoped3A_75, %dma_wait3A_93] : memref<32x4x10000xf32, #tpu.memory_space<hbm>> -> memref<1x1x10000xf32, #tpu.memory_space<hbm>>
      %dma_wait3A_95 = tpu.memref_squeeze %dma_wait3A_94 : memref<1x1x10000xf32, #tpu.memory_space<hbm>> -> memref<10000xf32, #tpu.memory_space<hbm>>
      %dma_wait3A_96 = arith.constant 0 : i32
      %dma_wait3A_97 = tpu.memref_slice %arg9[%dma_wait3A_96] : memref<20000xf32, #tpu.memory_space<vmem>> -> memref<10000xf32, #tpu.memory_space<vmem>>
      tpu.wait_dma2 semaphore(%run_scoped3A_77 : memref<!tpu.dma_semaphore, #tpu.memory_space<semaphore_mem>>) src(%dma_wait3A_97 : memref<10000xf32, #tpu.memory_space<vmem>>) dst(%dma_wait3A_95 : memref<10000xf32, #tpu.memory_space<hbm>>)
      tpu.yield
    }) : () -> ()
    %run_scoped3A_76 = arith.constant 3 : i32
    "tpu.region"() ({
      %run_scoped3A_77 = tpu.sem_alloc : memref<!tpu.dma_semaphore, #tpu.memory_space<semaphore_mem>>
      %dma_start3A_78 = arith.constant 0 : i32
      %dma_start3A_79 = tpu.memref_slice %arg10[%dma_start3A_78] : memref<20000xf32, #tpu.memory_space<vmem>> -> memref<10000xf32, #tpu.memory_space<vmem>>
      %dma_start3A_80 = arith.constant 0 : i32
      %dma_start3A_81 = tpu.memref_slice %arg6[%add3A, %run_scoped3A_76, %dma_start3A_80] : memref<32x4x10000xf32, #tpu.memory_space<hbm>> -> memref<1x1x10000xf32, #tpu.memory_space<hbm>>
      %dma_start3A_82 = tpu.memref_squeeze %dma_start3A_81 : memref<1x1x10000xf32, #tpu.memory_space<hbm>> -> memref<10000xf32, #tpu.memory_space<hbm>>
      %dma_start3A_83 = arith.constant 0 : i32
      %dma_start3A_84 = tpu.memref_slice %arg6[%add3A, %run_scoped3A_76, %dma_start3A_83] : memref<32x4x10000xf32, #tpu.memory_space<hbm>> -> memref<1x1x10000xf32, #tpu.memory_space<hbm>>
      %dma_start3A_85 = tpu.memref_squeeze %dma_start3A_84 : memref<1x1x10000xf32, #tpu.memory_space<hbm>> -> memref<10000xf32, #tpu.memory_space<hbm>>
      %dma_start3A_86 = arith.constant 0 : i32
      %dma_start3A_87 = tpu.memref_slice %arg10[%dma_start3A_86] : memref<20000xf32, #tpu.memory_space<vmem>> -> memref<10000xf32, #tpu.memory_space<vmem>>
      tpu.enqueue_dma source(%dma_start3A_87 : memref<10000xf32, #tpu.memory_space<vmem>>) target(%dma_start3A_85 : memref<10000xf32, #tpu.memory_space<hbm>>) target_semaphore(%run_scoped3A_77 : memref<!tpu.dma_semaphore, #tpu.memory_space<semaphore_mem>>)
      %dma_wait3A_88 = arith.constant 0 : i32
      %dma_wait3A_89 = tpu.memref_slice %arg10[%dma_wait3A_88] : memref<20000xf32, #tpu.memory_space<vmem>> -> memref<10000xf32, #tpu.memory_space<vmem>>
      %dma_wait3A_90 = arith.constant 0 : i32
      %dma_wait3A_91 = tpu.memref_slice %arg6[%add3A, %run_scoped3A_76, %dma_wait3A_90] : memref<32x4x10000xf32, #tpu.memory_space<hbm>> -> memref<1x1x10000xf32, #tpu.memory_space<hbm>>
      %dma_wait3A_92 = tpu.memref_squeeze %dma_wait3A_91 : memref<1x1x10000xf32, #tpu.memory_space<hbm>> -> memref<10000xf32, #tpu.memory_space<hbm>>
      %dma_wait3A_93 = arith.constant 0 : i32
      %dma_wait3A_94 = tpu.memref_slice %arg6[%add3A, %run_scoped3A_76, %dma_wait3A_93] : memref<32x4x10000xf32, #tpu.memory_space<hbm>> -> memref<1x1x10000xf32, #tpu.memory_space<hbm>>
      %dma_wait3A_95 = tpu.memref_squeeze %dma_wait3A_94 : memref<1x1x10000xf32, #tpu.memory_space<hbm>> -> memref<10000xf32, #tpu.memory_space<hbm>>
      %dma_wait3A_96 = arith.constant 0 : i32
      %dma_wait3A_97 = tpu.memref_slice %arg10[%dma_wait3A_96] : memref<20000xf32, #tpu.memory_space<vmem>> -> memref<10000xf32, #tpu.memory_space<vmem>>
      tpu.wait_dma2 semaphore(%run_scoped3A_77 : memref<!tpu.dma_semaphore, #tpu.memory_space<semaphore_mem>>) src(%dma_wait3A_97 : memref<10000xf32, #tpu.memory_space<vmem>>) dst(%dma_wait3A_95 : memref<10000xf32, #tpu.memory_space<hbm>>)
      tpu.yield
    }) : () -> ()
    return
  }
}

module attributes {stable_mosaic.version = 14 : i64} {
  func.func @_k2_body(%arg0: memref<32x4x10000xf32, #tpu.memory_space<vmem>>, %arg1: memref<4x10000xf32, #tpu.memory_space<vmem>>) attributes {dimension_semantics = [], scalar_prefetch = 0 : i64, scratch_operands = 0 : i64, tpu.core_type = #tpu.core_type<tc>} {
    %get3A = arith.constant 0 : index
    %get3A_0 = arith.constant 0 : index
    %get3A_1 = arith.constant 0 : index
    %get3A_2 = vector.load %arg0[%get3A, %get3A_0, %get3A_1] : memref<32x4x10000xf32, #tpu.memory_space<vmem>>, vector<32x4x10000xf32>
    %reduce_sum3A = arith.constant dense<0.000000e+00> : vector<4x10000xf32>
    %reduce_sum3A_3 = vector.multi_reduction <add>, %get3A_2, %reduce_sum3A [0] : vector<32x4x10000xf32> to vector<4x10000xf32>
    %slice3A = vector.extract_strided_slice %reduce_sum3A_3 {offsets = [0, 0], sizes = [1, 10000], strides = [1, 1]} : vector<4x10000xf32> to vector<1x10000xf32>
    %gt3A = arith.constant 5.000000e-01 : f32
    %gt3A_4 = vector.broadcast %gt3A : f32 to vector<1x10000xf32>
    %gt3A_5 = arith.cmpf ogt, %slice3A, %gt3A_4 : vector<1x10000xf32>
    %jit3A = arith.constant 1.000000e+00 : f32
    %broadcast_in_dim3A = vector.broadcast %jit3A : f32 to vector<1x10000xf32>
    %select_n3A = arith.select %gt3A_5, %slice3A, %broadcast_in_dim3A : vector<1x10000xi1>, vector<1x10000xf32>
    %slice3A_6 = vector.extract_strided_slice %reduce_sum3A_3 {offsets = [1, 0], sizes = [3, 10000], strides = [1, 1]} : vector<4x10000xf32> to vector<3x10000xf32>
    %div3A = vector.broadcast %select_n3A : vector<1x10000xf32> to vector<3x10000xf32>
    %div3A_7 = arith.divf %slice3A_6, %div3A : vector<3x10000xf32>
    %broadcast_in_dim3A_8 = vector.shape_cast %gt3A_5 : vector<1x10000xi1> to vector<1x10000xi1>
    %broadcast_in_dim3A_9 = vector.broadcast %broadcast_in_dim3A_8 : vector<1x10000xi1> to vector<3x10000xi1>
    %select_n3A_10 = arith.select %broadcast_in_dim3A_9, %div3A_7, %slice3A_6 : vector<3x10000xi1>, vector<3x10000xf32>
    %concatenate3A = tpu.concatenate %select_n3A_10, %slice3A in 0 : vector<3x10000xf32>, vector<1x10000xf32> -> vector<4x10000xf32>
    %swap3A = arith.constant 0 : index
    %swap3A_11 = arith.constant 0 : index
    %swap3A_12 = vector.load %arg1[%swap3A, %swap3A_11] : memref<4x10000xf32, #tpu.memory_space<vmem>>, vector<4x10000xf32>
    tpu.vector_store %arg1[%swap3A, %swap3A_11], %concatenate3A {strides = array<i32>} : memref<4x10000xf32, #tpu.memory_space<vmem>>, vector<4x10000xf32>,
    return
  }
}

module attributes {stable_mosaic.version = 14 : i64} {
  func.func @_k4_body(%arg0: memref<4x10000xf32, #tpu.memory_space<vmem>>, %arg1: memref<32x10000xf32, #tpu.memory_space<vmem>>, %arg2: memref<4x10000xf32, #tpu.memory_space<vmem>>) attributes {dimension_semantics = [], scalar_prefetch = 0 : i64, scratch_operands = 0 : i64, tpu.core_type = #tpu.core_type<tc>} {
    %get3A = arith.constant 0 : index
    %get3A_0 = arith.constant 0 : index
    %get3A_1 = vector.load %arg1[%get3A, %get3A_0] : memref<32x10000xf32, #tpu.memory_space<vmem>>, vector<32x10000xf32>
    %reduce_max3A = arith.constant dense<0xFF800000> : vector<10000xf32>
    %reduce_max3A_2 = vector.multi_reduction <maximumf>, %get3A_1, %reduce_max3A [0] : vector<32x10000xf32> to vector<10000xf32>
    %broadcast_in_dim3A = vector.shape_cast %reduce_max3A_2 : vector<10000xf32> to vector<1x10000xf32>
    %get3A_3 = arith.constant 3 : index
    %get3A_4 = arith.constant 0 : index
    %get3A_5 = vector.load %arg0[%get3A_3, %get3A_4] : memref<4x10000xf32, #tpu.memory_space<vmem>>, vector<1x10000xf32>
    %gt3A = arith.constant 5.000000e-01 : f32
    %gt3A_6 = vector.broadcast %gt3A : f32 to vector<1x10000xf32>
    %gt3A_7 = arith.cmpf ogt, %get3A_5, %gt3A_6 : vector<1x10000xf32>
    %add3A = arith.constant 9.99999996E-13 : f32
    %add3A_8 = vector.broadcast %add3A : f32 to vector<1x10000xf32>
    %add3A_9 = arith.addf %broadcast_in_dim3A, %add3A_8 : vector<1x10000xf32>
    %sqrt3A = math.sqrt %add3A_9 : vector<1x10000xf32>
    %mul3A = arith.constant 2.000000e+00 : f32
    %mul3A_10 = vector.broadcast %mul3A : f32 to vector<1x10000xf32>
    %mul3A_11 = arith.mulf %mul3A_10, %sqrt3A : vector<1x10000xf32>
    %jit3A = arith.constant 0.000000e+00 : f32
    %broadcast_in_dim3A_12 = vector.broadcast %jit3A : f32 to vector<1x10000xf32>
    %select_n3A = arith.select %gt3A_7, %mul3A_11, %broadcast_in_dim3A_12 : vector<1x10000xi1>, vector<1x10000xf32>
    %get3A_13 = arith.constant 0 : index
    %get3A_14 = arith.constant 0 : index
    %get3A_15 = vector.load %arg0[%get3A_13, %get3A_14] : memref<4x10000xf32, #tpu.memory_space<vmem>>, vector<3x10000xf32>
    %concatenate3A = tpu.concatenate %get3A_15, %select_n3A in 0 : vector<3x10000xf32>, vector<1x10000xf32> -> vector<4x10000xf32>
    %swap3A = arith.constant 0 : index
    %swap3A_16 = arith.constant 0 : index
    %swap3A_17 = vector.load %arg2[%swap3A, %swap3A_16] : memref<4x10000xf32, #tpu.memory_space<vmem>>, vector<4x10000xf32>
    tpu.vector_store %arg2[%swap3A, %swap3A_16], %concatenate3A {strides = array<i32>} : memref<4x10000xf32, #tpu.memory_space<vmem>>, vector<4x10000xf32>,
    return
  }
}

</mosaic_0001>

<sc_bundles>
// kernel: kernel.6.cloned.1.call-start
scs
__scs_entry_jumppad:
0x0: {  	(pc) =	sbr.rel $0x88, $3  }
0x1: {  	(tag) =	ssettag $0x0;
	lr =	simm.s32 $0x1  }
0x2: {  	[smem:$0x3F9F] =	sst lr;
	_ =	strace $0xD0000000  }
0x3: {  	_ = 	snop  }
0x4: {  	_ = 	snop  }
0x5: {  	_ = 	snop  }
0x6: {  	_ = 	snop  }
0x7: {  	_ = 	snop  }
__scs_overlays_trampoline_lowered:
0x8: {  	[smem:$0x3FAE] =	sst s0  }
0x9: {  	[smem:$0x3FAF] =	sst s1  }
0xa: {  	[smem:$0x3FB0] =	sst s2  }
0xb: {  	[smem:$0x3FB1] =	sst s3  }
0xc: {  	[smem:$0x3FB2] =	sst s4  }
0xd: {  	[smem:$0x3FB3] =	sst s5  }
0xe: {  	[smem:$0x3FB4] =	sst s6  }
0xf: {  	[smem:$0x3FB5] =	sst s7  }
0x10: {  	[smem:$0x3FB6] =	sst s8  }
0x11: {  	[smem:$0x3FB7] =	sst s9;
	s0 =	simm.s32 @!p0 $0x0  }
0x12: {  	s1 =	sld [smem:$0x3F9D];
	s0 =	simm.s32 @p0 $0x1  }
0x13: {  	[smem:$0x3FB8] =	sst s0;
	s0 =	simm.s32 @!p1 $0x0  }
0x14: {  	s2 =	sld [smem:$0x3F9C];
	s0 =	simm.s32 @p1 $0x1  }
0x15: {  	[smem:$0x3FB9] =	sst s0;
	s0 =	simm.s32 @!p2 $0x0  }
0x16: {  	s3 =	sld [smem:$0x3FDB];
	s0 =	simm.s32 @p2 $0x1  }
0x17: {  	s4 =	simm.s32 $0x1BF5;
	[smem:$0x3FBB] =	sst s0  }
0x18: {  	s0 =	sld [smem:$0x3F9E];
	_ =	swait.ge [sflag:s4], $0x0  }
0x19: {  	s7 =	sld [smem:$0x3F9F]  }
0x1a: {  	s8 =	sadd.s32 $0xFFFFE003, lr  }
0x1b: {  	s9 =	sadd.s32 $0xFFFFFEF7, lr;
	s5 =	simm.s32 $0xFFFFFFFF;
	p2 =	slt.u32 s8, $0xFFFFF086  }
0x1c: {  	p1 =	slt.u32 s9, $0xF7A;
	s5 =	simm.s32 @!p2 $0x0  }
0x1d: {  	s5 =	simm.s32 @p1 $0x1;
	p0 =	seq.s32 s7, s2  }
0x1e: {  	s7 =	smul.u32 @!p0 $0xF7A, s2;
	p2 =	seq.s32 @!p0 s5, $0x0  }
0x1f: {  	s9 =	smul.u32 $0xF7A, s1;
	s8 =	simm.s32 @!p0 $0x1BF5;
	p2 =	por !p2, p0  }
0x20: {  	[sflag:s8] =	ssyncset.s32 @!p0 $0xFFFFF086;
	s6 =	sadd.s32 @!p0 s3, s7;
	s7 =	simm.s32 @!p0 $0x108  }
0x21: {  	s3 =	sadd.s32 s3, s9;
	s6 =	sadd.s32 @!p0 $0x88, s6;
	s7 =	simm.s32 @p2 $0x1082  }
0x22: {  	[simem:s7], [sflag:s8] =	dma.local @!p0 [hbm:s6], $0xF7A  }
0x23: {  	s9 =	sor.u32 $0xD0000000, s2;
	s6 =	simm.s32 $0x108;
	_ =	swait.ge @!p0 [sflag:s8], $0x0  }
0x24: {  	s3 =	sadd.s32 $0x88, s3;
	s6 =	simm.s32 @!p1 $0x1082;
	[sflag:s4] =	ssyncset.s32 $0xFFFFF086  }
0x25: {  	[simem:s6], [sflag:s4] =	dma.local [hbm:s3], $0xF7A  }
0x26: {  	[smem:$0x3F9F] =	sst s1;
	(tag) =	ssettag s2;
	_ =	strace s9  }
0x27: {  	s1 =	sld [smem:$0x3FAF]  }
0x28: {  	s2 =	sld [smem:$0x3FB0]  }
0x29: {  	s4 =	sld [smem:$0x3FB2]  }
0x2a: {  	p0 =	seq.s32 s5, $0x0;
	s5 =	sld [smem:$0x3FB3]  }
0x2b: {  	s6 =	sld [smem:$0x3FB4]  }
0x2c: {  	s7 =	sld [smem:$0x3FB5]  }
0x2d: {  	s3 =	simm.s32 $0x108;
	s8 =	sld [smem:$0x3FB6]  }
0x2e: {  	s3 =	simm.s32 @!p0 $0x1082;
	s9 =	sld [smem:$0x3FB7]  }
0x2f: {  	lr =	sadd.s32 s0, s3;
	s0 =	sld [smem:$0x3FAE]  }
0x30: {  	s3 =	sld [smem:$0x3FB1]  }
0x31: {  	[smem:$0x3FBA] =	sst s10  }
0x32: {  	s10 =	sld [smem:$0x3FB8];
	_ =	sdelay $0x3  }
0x33: {  	p0 =	seq.s32 s10, $0x1;
	s10 =	sld [smem:$0x3FBA];
	_ =	sdelay $0x3  }
0x34: {  	[smem:$0x3FBA] =	sst s10  }
0x35: {  	s10 =	sld [smem:$0x3FB9];
	_ =	sdelay $0x3  }
0x36: {  	p1 =	seq.s32 s10, $0x1;
	s10 =	sld [smem:$0x3FBA];
	_ =	sdelay $0x3  }
0x37: {  	[smem:$0x3FBA] =	sst s10  }
0x38: {  	s10 =	sld [smem:$0x3FBB]  }
0x39: {  	_ = 	snop;
	(pc) =	sbr.ind lr, $3  }
0x3a: {  	_ = 	snop  }
0x3b: {  	_ = 	snop  }
0x3c: {  	p2 =	seq.s32 s10, $0x1;
	s10 =	sld [smem:$0x3FBA]  }
0x3d: {  	_ =	shalt  }
0x3e: {  	_ =	shalt  }
0x3f: {  	_ =	shalt  }
0x40: {  	_ =	shalt  }
0x41: {  	_ =	shalt  }
0x42: {  	_ =	shalt  }
0x43: {  	_ =	shalt  }
0x44: {  	_ =	shalt  }
0x45: {  	_ =	shalt  }
0x46: {  	_ =	shalt  }
0x47: {  	_ =	shalt  }
0x48: {  	_ =	shalt  }
0x49: {  	_ =	shalt  }
0x4a: {  	_ =	shalt  }
0x4b: {  	_ =	shalt  }
0x4c: {  	_ =	shalt  }
0x4d: {  	_ =	shalt  }
0x4e: {  	_ =	shalt  }
0x4f: {  	_ =	shalt  }
0x50: {  	_ =	shalt  }
0x51: {  	_ =	shalt  }
0x52: {  	_ =	shalt  }
0x53: {  	_ =	shalt  }
0x54: {  	_ =	shalt  }
0x55: {  	_ =	shalt  }
0x56: {  	_ =	shalt  }
0x57: {  	_ =	shalt  }
0x58: {  	_ =	shalt  }
0x59: {  	_ =	shalt  }
0x5a: {  	_ =	shalt  }
0x5b: {  	_ =	shalt  }
0x5c: {  	_ =	shalt  }
0x5d: {  	_ =	shalt  }
0x5e: {  	_ =	shalt  }
0x5f: {  	_ =	shalt  }
0x60: {  	_ =	shalt  }
0x61: {  	_ =	shalt  }
0x62: {  	_ =	shalt  }
0x63: {  	_ =	shalt  }
0x64: {  	_ =	shalt  }
0x65: {  	_ =	shalt  }
0x66: {  	_ =	shalt  }
0x67: {  	_ =	shalt  }
0x68: {  	_ =	shalt  }
0x69: {  	_ =	shalt  }
0x6a: {  	_ =	shalt  }
0x6b: {  	_ =	shalt  }
0x6c: {  	_ =	shalt  }
0x6d: {  	_ =	shalt  }
0x6e: {  	_ =	shalt  }
0x6f: {  	_ =	shalt  }
0x70: {  	_ =	shalt  }
0x71: {  	_ =	shalt  }
0x72: {  	_ =	shalt  }
0x73: {  	_ =	shalt  }
0x74: {  	_ =	shalt  }
0x75: {  	_ =	shalt  }
0x76: {  	_ =	shalt  }
0x77: {  	_ =	shalt  }
0x78: {  	_ =	shalt  }
0x79: {  	_ =	shalt  }
0x7a: {  	_ =	shalt  }
0x7b: {  	_ =	shalt  }
0x7c: {  	_ =	shalt  }
0x7d: {  	_ =	shalt  }
0x7e: {  	_ =	shalt  }
0x7f: {  	_ =	shalt  }
0x80: {  	_ =	shalt  }
0x81: {  	_ =	shalt  }
0x82: {  	_ =	shalt  }
0x83: {  	_ =	shalt  }
0x84: {  	_ =	shalt  }
0x85: {  	_ =	shalt  }
0x86: {  	_ =	shalt  }
0x87: {  	_ =	shalt  }
.Lfunc_end0:
.L_simem_size_0:
called_computation_lowered:
.L_overlay_start_0:
0x88: {  	s2 =	sld [smem:$0x3FD9]  }
0x89: {  	s3 =	sld [smem:$0x3FFE];
	_ =	sdelay $0x1  }
0x8a: {  	s1 =	srdreg.scid  }
0x8b: {  	s0 =	sand.u32 $0x1, s1  }
0x8c: {  	s17 =	sshll.u32 s0, $0xA;
	s2 =	sadd.s32 s3, s2  }
0x8d: {  	s2 =	sadd.s32 s2, s17  }
0x8e: {  	[smem:$0x3FC6] =	sst s2  }
0x8f: {  	_ = 	snop  }
0x90: {  	s2 =	sld [smem:$0x3FC8];
	(tm) =	ssettm $0x1  }
0x91: {  	s18 =	sld [smem:$0x3FFB];
	_ =	sdelay $0x3  }
0x92: {  	_ =	strace s18  }
0x93: {  	s3 =	sld [smem:$0x3FFC];
	_ =	sdelay $0x3  }
0x94: {  	_ =	strace s3  }
0x95: {  	s3 =	sld [smem:$0x3FFD];
	_ =	sdelay $0x3  }
0x96: {  	_ =	strace s3  }
0x97: {  	_ =	strace $0x8FFFFFFF  }
0x98: {  	s19 =	sld [smem:$0x3FDB];
	_ =	sdelay $0x1  }
0x99: {  	s4 =	simm.s32 $_scs_section_size  }
0x9a: {  	s5 =	simm.s32 $_size__tile_overlayer_lowered;
	s6 =	simm.s32 $_tile_overlayer_lowered  }
0x9b: {  	s22 =	simm.s32 $0x1BFF;
	s21 =	sshll.u32 s6, $0x1;
	s3 =	sadd.s32 s4, s19  }
0x9c: {  	s7 =	simm.s32 $0x0;
	s20 =	sshll.u32 s5, $0x1;
	s5 =	sadd.s32 s21, s3  }
0x9d: {  	[timem:s7], [sflag:s22] =	dma.local [hbm:s5], s20  }
0x9e: {  	_ =	swait.ge [sflag:s22], s20  }
0x9f: {  	s4 =	ssub.s32 $0x0, s20;
	[sflag:s22] =	ssyncset.done $0x0  }
0xa0: {  	[sflag:s22] =	ssyncadd.s32 s4;
	_ =	sdelay $0x1  }
0xa1: {  	s23 =	simm.s32 $0x1B8B  }
0xa2: {  	_ =	swait.ge [sflag:s23], $0x1  }
0xa3: {  	[sflag:s23] =	ssyncset.done $0x0  }
0xa4: {  	s25 =	simm.s32 $0x1B8E;
	s24 =	sld [smem:$0x3FFE];
	[sflag:s23] =	ssyncadd.s32 $0xFFFFFFFF  }
0xa5: {  	s26 =	simm.s32 $execute0_lowered;
	[smem:$0x3FD2] =	sst s25  }
0xa6: {  	s5 =	sshll.u32 s26, $0x1;
	_ =	strace $0x80000046;
	[dreg:$0x1] =	wrdreg $0xFFFFFFFF  }
0xa7: {  	s28 =	simm.s32 $_size_execute0_lowered;
	s3 =	sadd.s32 s3, s5;
	[dreg:$0x0] =	wrdreg $0x0  }
0xa8: {  	s5 =	sshll.u32 s28, $0x1;
	[dreg:$0x2] =	wrdreg s3  }
0xa9: {  	[dreg:$0x3] =	wrdreg s5  }
0xaa: {  	[dreg:$0x4] =	wrdreg $0xC0  }
0xab: {  	_ =	task [dreg:s7], $0x5FFFF  }
0xac: {  	[dreg:$0x1] =	wrdreg $0xFFFFFFFF  }
0xad: {  	[dreg:$0x0] =	wrdreg $0x60  }
0xae: {  	[dreg:$0x2] =	wrdreg s24  }
0xaf: {  	[dreg:$0x3] =	wrdreg s2  }
0xb0: {  	[dreg:$0x4] =	wrdreg $0x9  }
0xb1: {  	_ =	task.clear_ibuf [dreg:s7], $0x5FFFF;
	_ =	strace $0x90000046  }
0xb2: {  	s29 =	simm.s32 $0x9;
	_ =	strace $0x80000048  }
0xb3: {  	_ =	swait.ge [sflag:s29], $0x1  }
0xb4: {  	[sflag:s29] =	ssyncadd.s32 $0xFFFFFFFF  }
0xb5: {  	_ =	strace $0x90000048  }
0xb6: {  	_ =	sfence  }
0xb7: {  	s30 =	sld [smem:$0x0];
	_ =	sdelay $0x2  }
0xb8: {  	s31 =	sshll.u32 s1, $0xD;
	s1 =	sshrl.u32 s1, $0x2  }
0xb9: {  	s3 =	sand.u32 $0x4000, s31;
	s1 =	sadd.s32 s1, s30  }
0xba: {  	s0 =	sor.u32 s3, s0;
	s1 =	sshll.u32 s1, $0x11  }
0xbb: {  	s0 =	sor.u32 s1, s0  }
0xbc: {  	s0 =	sadd.s32 $0x8F2B, s0  }
0xbd: {  	[sflag:s0] =	ssyncadd.remote.s32 $0x1  }
0xbe: {  	_ =	sfence.sel $0xFFFF  }
0xbf: {  	[dreg:$0x0] =	wrdreg $0xFFFFFFFF;
	(pc) =	sbr.abs _section_cstart, $3  }
0xc0: {  	[dreg:$0x1] =	wrdreg $0xFFFFFFFF  }
0xc1: {  	_ =	task.clear_ibuf [dreg:s7], $0x2FFFF;
	_ =	strace $0x9FFFFFFF  }
0xc2: {  	(tm) =	ssettm $0x7FFFFFFF  }
0xc3: {  	_ =	shalt  }
tec
execute0_lowered:
.L_overlay_start_1:
0x0: {  	(tag) =	ssettag $0x1  }
0x1: {  	s2 =	rddreg [dreg:$0x0];
	s0 =	srdreg.scid  }
0x2: {  	s1 =	stileid.u32;
	s3 =	rddreg [dreg:$0x1];
	s4 =	simm.s32 $0x0  }
0x3: {  	s18 =	simm.s32 $0x13880;
	s0 =	sand.u32 $0x1, s0;
	s1 =	sshll.u32 s1, $0x1  }
0x4: {  	s28 =	simm.s32 $0x4E20;
	s29 =	simm.s32 $0x9C40;
	s1 =	sor.u32 s0, s1  }
0x5: {  	s30 =	simm.s32 $0xEA60;
	s0 =	ssub.s32 $0x2, s0;
	s7 =	smul.u32 $0x9C40, s1  }
0x6: {  	s31 =	simm.s32 $0x2;
	s1 =	smul.u32 $0xC350, s1;
	s8 =	sshrl.u32 s0, $0x1  }
0x7: {  	[smem:$0x7FF] =	sst s4;
	s5 =	sadd.s32 $0x61C00, s2;
	s0 =	ssub.s32 s0, s8  }
0x8: {  	s6 =	sadd.s32 $0x30E00, s2;
	s9 =	sshrl.u32 s1, $0x3;
	s0 =	smax.u32 s0, $0x1  }
0x9: {  	_ =	strace $0x80000047;
	s19 =	sadd.s32 s5, s9;
	[dreg:$0xb] =	wrdreg s0  }
0xa: {  	s7 =	sshrl.u32 s7, $0x3;
	s20 =	sadd.s32 s6, s9;
	[dreg:$0x3] =	wrdreg s19  }
0xb: {  	s11 =	sadd.s32 $0x7D0, s1;
	s21 =	sadd.s32 s2, s9;
	[dreg:$0x4] =	wrdreg s20  }
0xc: {  	s7 =	sadd.s32 s7, s2;
	s22 =	sadd.s32 s3, s9;
	[dreg:$0x5] =	wrdreg s21  }
0xd: {  	s12 =	sadd.s32 $0xFA0, s1;
	[dreg:$0x6] =	wrdreg s22;
	s23 =	sadd.s32 $0x92A00, s7  }
0xe: {  	s24 =	sadd.s32 $0x92EE2, s7;
	s25 =	sadd.s32 $0x933C4, s7;
	[dreg:$0x7] =	wrdreg s23  }
0xf: {  	s26 =	sadd.s32 $0x938A6, s7;
	s19 =	simm.s32 $0x14050;
	[dreg:$0x8] =	wrdreg s24  }
0x10: {  	s20 =	simm.s32 $0x14820;
	s21 =	simm.s32 $0x14FF0;
	[dreg:$0x9] =	wrdreg s25  }
0x11: {  	s22 =	simm.s32 $0x1;
	s7 =	simm.s32 $0x0;
	[dreg:$0xa] =	wrdreg s26  }
0x12: {  	v0 =	vimm.f32 $0.0e+00;
	s24 =	simm.s32 $0x15F90;
	s25 =	simm.s32 $0x16760;
	s26 =	simm.s32 $0x16F30  }
.LBB2_1:
0x13: {  	[dreg:$0xc] =	wrdreg s7;
	s8 =	simm.s32 $0x40;
	s7 =	simm.s32 $0x0  }
.LBB2_2:
0x14: {  	p0 =	sne.s32 s8, $0x13840;
	[tilespmem:s7+$0xEA60] =	vst v0;
	s9 =	smov.u32 s8;
	s8 =	sadd.s32 $0x40, s8  }
.Ltmp0:
0x15: {  	[tilespmem:s7+$0x9C40] =	vst v0;
	(pc) =	sbr.rel @p0 .LBB2_2-.Ltmp0, $3  }
0x16: {  	[tilespmem:s7+$0x0] =	vst v0  }
0x17: {  	[tilespmem:s7+$0x4E20] =	vst v0;
	_ =	sdelay $0x1  }
0x18: {  	s7 =	sshra.s32 s9, $0x2  }
0x19: {  	[tilespmem:s7+$0xEA60] =	vst v0  }
0x1a: {  	[tilespmem:s7+$0x9C40] =	vst v0  }
0x1b: {  	[tilespmem:s7+$0x0] =	vst v0  }
0x1c: {  	[tilespmem:s7+$0x4E20] =	vst v0;
	s7 =	simm.s32 $0x0;
	s0 =	rddreg [dreg:$0x3]  }
0x1d: {  	[tilespmem:s18], [sflag:$0x1] =	stream.linear.gather [hbm4b:s0+s7], $0x7D0, $0x38;
	[tilespmem:$0x17700] =	vst v63  }
0x1e: {  	s16 =	rddreg [dreg:$0x4]  }
0x1f: {  	[tilespmem:s19], [sflag:$0x1] =	stream.linear.gather [hbm4b:s16+s7], $0x7D0, $0x38;
	[tilespmem:$0x17700] =	vst v63  }
0x20: {  	s17 =	rddreg [dreg:$0x5]  }
0x21: {  	[tilespmem:s20], [sflag:$0x1] =	stream.linear.gather [hbm4b:s17+s7], $0x7D0, $0x38;
	[tilespmem:$0x17700] =	vst v63  }
0x22: {  	s23 =	rddreg [dreg:$0x6];
	s8 =	simm.s32 $0x0  }
0x23: {  	[tilespmem:s21], [sflag:$0x1] =	stream.linear.gather [hbm4b:s23+s7], $0x7D0, $0x38;
	[tilespmem:$0x17700] =	vst v63  }
.LBB2_4:
0x24: {  	_ =	swait.ge [sflag:s22], $0x7D0  }
0x25: {  	[sflag:s22] =	ssyncset.done $0x0  }
0x26: {  	[sflag:s22] =	ssyncadd.s32 $0xFFFFF830  }
0x27: {  	_ =	swait.ge [sflag:s22], $0x7D0  }
0x28: {  	[sflag:s22] =	ssyncset.done $0x0  }
0x29: {  	[sflag:s22] =	ssyncadd.s32 $0xFFFFF830  }
0x2a: {  	_ =	swait.ge [sflag:s22], $0x7D0  }
0x2b: {  	s9 =	smul.u32 $0xFA0, s8;
	[sflag:s22] =	ssyncset.done $0x0  }
0x2c: {  	[sflag:s22] =	ssyncadd.s32 $0xFFFFF830  }
0x2d: {  	s10 =	sadd.s32 s9, s11;
	_ =	swait.ge [sflag:s22], $0x7D0  }
0x2e: {  	s10 =	sshrl.u32 s10, $0x3;
	[sflag:s22] =	ssyncset.done $0x0  }
0x2f: {  	s0 =	simm.s32 $0x157C0;
	s13 =	sadd.s32 s5, s10;
	[sflag:s22] =	ssyncadd.s32 $0xFFFFF830  }
0x30: {  	[tilespmem:s0], [sflag:$0x2] =	stream.linear.gather [hbm4b:s13+s7], $0x7D0, $0x38;
	[tilespmem:$0x17700] =	vst v63  }
0x31: {  	s17 =	sadd.s32 s6, s10  }
0x32: {  	[tilespmem:s24], [sflag:$0x2] =	stream.linear.gather [hbm4b:s17+s7], $0x7D0, $0x38;
	[tilespmem:$0x17700] =	vst v63  }
0x33: {  	s23 =	sadd.s32 s2, s10  }
0x34: {  	[tilespmem:s25], [sflag:$0x2] =	stream.linear.gather [hbm4b:s23+s7], $0x7D0, $0x38;
	[tilespmem:$0x17700] =	vst v63  }
0x35: {  	s10 =	sadd.s32 s3, s10  }
0x36: {  	[tilespmem:s26], [sflag:$0x2] =	stream.linear.gather [hbm4b:s10+s7], $0x7D0, $0x38;
	[tilespmem:$0x17700] =	vst v63  }
0x37: {  	v1 =	vld [tilespmem:$0x14FF0];
	_ =	sdelay $0x4  }
0x38: {  	(v2sf) =	vpush v1, $0x0;
	_ =	sdelay $0xd  }
0x39: {  	v2 =	vimm.f32 $0.0e+00  }
0x3a: {  	v4 =	vimm.f32 $0.0e+00;
	v3 =	vimm.f32 $0.0e+00;
	s13 =	simm.s32 $0x0;
	v1 =	vimm.f32 $0.0e+00;
	s10 =	spop (v2sf)  }
.LBB2_5:
0x3b: {  	s15 =	sshra.s32 s13, $0x2  }
0x3c: {  	v5 =	vld [tilespmem:s15+$0x14FF0]  }
0x3d: {  	v6 =	vld [tilespmem:s15+$0x15030];
	_ =	sdelay $0x3  }
0x3e: {  	(v2sf) =	vpush v5, $0x0  }
0x3f: {  	(v2sf) =	vpush v6, $0xF;
	_ =	sdelay $0xd  }
0x40: {  	s16 =	spop (v2sf)  }
0x41: {  	s14 =	smov.u32 s10;
	s10 =	spop (v2sf)  }
0x42: {  	p0 =	seq.s32 s16, s14;
	p1 =	seq.s32 s16, s10  }
0x43: {  	v7 =	vld [tilespmem:s15+$0x138A0];
	p0 =	por !p0, !p1  }
0x44: {  	v8 =	vld [tilespmem:s15+$0x138B0];
	p0 =	por !p0, !p0  }
0x45: {  	v9 =	vld [tilespmem:s15+$0x138C0];
	(xrf2) =	vadd.scan.msk.f32 @!p0 $0xffff, v3  }
0x46: {  	v10 =	vld [tilespmem:s15+$0x14050];
	(xrf2) =	vadd.scan.msk.f32 @!p0 $0xffff, v4  }
0x47: {  	v11 =	vld [tilespmem:s15+$0x14060];
	(xrf2) =	vadd.scan.msk.f32 @!p0 $0xffff, v2  }
0x48: {  	v12 =	vld [tilespmem:s15+$0x14070];
	(xrf2) =	vadd.scan.msk.f32 @!p0 $0xffff, v1  }
0x49: {  	v13 =	vld [tilespmem:s15+$0x14080]  }
0x4a: {  	v14 =	vld [tilespmem:s15+$0x14090]  }
0x4b: {  	v15 =	vld [tilespmem:s15+$0x14820]  }
0x4c: {  	v17 =	vld [tilespmem:s15+$0x14830]  }
0x4d: {  	v19 =	vld [tilespmem:s15+$0x14840];
	v16 =	vmov @!p0 s14  }
0x4e: {  	v21 =	vld [tilespmem:s15+$0x14850]  }
0x4f: {  	v23 =	vld [tilespmem:s15+$0x14860];
	v18, _, _ =	vpop @!p0 (xrf2)  }
0x50: {  	v5 =	vld [tilespmem:s15+$0x13880];
	v20, _, _ =	vpop @!p0 (xrf2);
	v18 =	vbroadcast @!p0 v18, $0xF  }
0x51: {  	v6 =	vld [tilespmem:s15+$0x13890];
	s16 =	simm.s32 @!p0 $0x0;
	v22, _, _ =	vpop @!p0 (xrf2);
	v20 =	vbroadcast @!p0 v20, $0xF  }
0x52: {  	s17 =	simm.s32 @!p0 $0x4E20;
	[tilespmem:v16+s16+$0x0] =	vst.idx.add.f32.msk @!p0 $0x1, v18;
	v18 =	vbroadcast @!p0 v22, $0xF;
	v22, _, _ =	vpop @!p0 (xrf2)  }
0x53: {  	s1 =	simm.s32 @!p0 $0x9C40;
	[tilespmem:v16+s17+$0x0] =	vst.idx.add.f32.msk @!p0 $0x1, v20;
	v20 =	vbroadcast @!p0 v22, $0xF  }
0x54: {  	s0 =	simm.s32 @!p0 $0xEA60;
	[tilespmem:v16+s1+$0x0] =	vst.idx.add.f32.msk @!p0 $0x1, v18  }
0x55: {  	s23 =	sshra.s32 @!p0 s13, $0x2;
	[tilespmem:v16+s0+$0x0] =	vst.idx.add.f32.msk @!p0 $0x1, v20  }
0x56: {  	v16 =	vld @!p0 [tilespmem:s23+$0x14FF0]  }
0x57: {  	v18 =	vlaneseq.u32 @!p0  }
0x58: {  	v18 =	vand.u32 @!p0 $0x1, v18  }
0x59: {  	v18 =	vmul.u32 @!p0 $0x2710, v18;
	_ =	sdelay $0x1  }
0x5a: {  	v16 =	vadd.s32 @!p0 v18, v16;
	_ =	sdelay $0x3  }
0x5b: {  	v20 =	vimm.f32 @!p0 $1.000000000e+00  }
0x5c: {  	[tilespmem:v16+s16+$0x0] =	vst.idx.add.f32.msk @!p0 $0xffff, v20  }
0x5d: {  	[tilespmem:v16+s17+$0x0] =	vst.idx.add.f32.msk @!p0 $0xffff, v5  }
0x5e: {  	[tilespmem:v16+s1+$0x0] =	vst.idx.add.f32.msk @!p0 $0xffff, v10  }
0x5f: {  	[tilespmem:v16+s0+$0x0] =	vst.idx.add.f32.msk @!p0 $0xffff, v15  }
0x60: {  	v16 =	vld @!p0 [tilespmem:s23+$0x15000];
	_ =	sdelay $0x4  }
0x61: {  	v16 =	vadd.s32 @!p0 v18, v16;
	_ =	sdelay $0x4  }
0x62: {  	[tilespmem:v16+s16+$0x0] =	vst.idx.add.f32.msk @!p0 $0xffff, v20  }
0x63: {  	[tilespmem:v16+s17+$0x0] =	vst.idx.add.f32.msk @!p0 $0xffff, v6  }
0x64: {  	[tilespmem:v16+s1+$0x0] =	vst.idx.add.f32.msk @!p0 $0xffff, v11  }
0x65: {  	[tilespmem:v16+s0+$0x0] =	vst.idx.add.f32.msk @!p0 $0xffff, v17  }
0x66: {  	v16 =	vld @!p0 [tilespmem:s23+$0x15010];
	_ =	sdelay $0x4  }
0x67: {  	v16 =	vadd.s32 @!p0 v18, v16;
	_ =	sdelay $0x4  }
0x68: {  	[tilespmem:v16+s16+$0x0] =	vst.idx.add.f32.msk @!p0 $0xffff, v20  }
0x69: {  	[tilespmem:v16+s17+$0x0] =	vst.idx.add.f32.msk @!p0 $0xffff, v7  }
0x6a: {  	[tilespmem:v16+s1+$0x0] =	vst.idx.add.f32.msk @!p0 $0xffff, v12  }
0x6b: {  	[tilespmem:v16+s0+$0x0] =	vst.idx.add.f32.msk @!p0 $0xffff, v19  }
0x6c: {  	v16 =	vld @!p0 [tilespmem:s23+$0x15020];
	_ =	sdelay $0x4  }
0x6d: {  	v16 =	vadd.s32 @!p0 v18, v16;
	_ =	sdelay $0x4  }
0x6e: {  	[tilespmem:v16+s16+$0x0] =	vst.idx.add.f32.msk @!p0 $0xffff, v20  }
0x6f: {  	[tilespmem:v16+s17+$0x0] =	vst.idx.add.f32.msk @!p0 $0xffff, v8  }
0x70: {  	[tilespmem:v16+s1+$0x0] =	vst.idx.add.f32.msk @!p0 $0xffff, v13  }
0x71: {  	[tilespmem:v16+s0+$0x0] =	vst.idx.add.f32.msk @!p0 $0xffff, v21  }
0x72: {  	v16 =	vld @!p0 [tilespmem:s15+$0x15030];
	_ =	sdelay $0x1  }
0x73: {  	v5 =	vadd.f32 @p0 v6, v5  }
0x74: {  	v6 =	vadd.f32 @p0 v11, v10;
	v10 =	vadd.f32 @p0 v17, v15  }
0x75: {  	v5 =	vadd.f32 @p0 v7, v5  }
0x76: {  	v6 =	vadd.f32 @p0 v12, v6;
	v10 =	vadd.f32 @p0 v19, v10;
	v7 =	vadd.s32 @!p0 v18, v16  }
0x77: {  	v5 =	vadd.f32 @p0 v8, v5  }
0x78: {  	s13 =	sadd.s32 $0x140, s13;
	v6 =	vadd.f32 @p0 v13, v6;
	v8 =	vadd.f32 @p0 v21, v10  }
0x79: {  	p1 =	sne.s32 s13, $0x1F40;
	v5 =	vadd.f32 @p0 v9, v5  }
.Ltmp1:
0x7a: {  	v6 =	vadd.f32 @p0 v14, v6;
	v8 =	vadd.f32 @p0 v23, v8;
	(pc) =	sbr.rel @p1 .LBB2_5-.Ltmp1, $4  }
0x7b: {  	v3 =	vadd.f32 @p0 $5.000000000e+00, v3;
	v4 =	vadd.f32 @p0 v5, v4;
	[tilespmem:v7+s16+$0x0] =	vst.idx.add.f32.msk @!p0 $0xffff, v20  }
0x7c: {  	v2 =	vadd.f32 @p0 v6, v2;
	v1 =	vadd.f32 @p0 v8, v1;
	[tilespmem:v7+s17+$0x0] =	vst.idx.add.f32.msk @!p0 $0xffff, v9  }
0x7d: {  	v3 =	vpsel !p0, $0x0, v3;
	[tilespmem:v7+s1+$0x0] =	vst.idx.add.f32.msk @!p0 $0xffff, v14  }
0x7e: {  	s10 =	smov.u32 @p0 s14;
	v4 =	vpsel !p0, $0x0, v4;
	v2 =	vpsel !p0, $0x0, v2;
	v1 =	vpsel !p0, $0x0, v1;
	[tilespmem:v7+s0+$0x0] =	vst.idx.add.f32.msk @!p0 $0xffff, v23  }
0x7f: {  	(xrf2) =	vadd.scan.msk.f32 $0xffff, v3  }
0x80: {  	(xrf2) =	vadd.scan.msk.f32 $0xffff, v4  }
0x81: {  	(xrf2) =	vadd.scan.msk.f32 $0xffff, v2  }
0x82: {  	(xrf2) =	vadd.scan.msk.f32 $0xffff, v1;
	_ =	sdelay $0x4  }
0x83: {  	v1 =	vmov s10;
	_ =	sdelay $0x1  }
0x84: {  	v2, _, _ =	vpop (xrf2)  }
0x85: {  	v3, _, _ =	vpop (xrf2);
	v2 =	vbroadcast v2, $0xF  }
0x86: {  	s10 =	simm.s32 $0x0;
	v4, _, _ =	vpop (xrf2);
	v3 =	vbroadcast v3, $0xF  }
0x87: {  	[tilespmem:v1+s10+$0x0] =	vst.idx.add.f32.msk $0x1, v2;
	v2 =	vbroadcast v4, $0xF;
	v4, _, _ =	vpop (xrf2)  }
0x88: {  	[tilespmem:v1+s28+$0x0] =	vst.idx.add.f32.msk $0x1, v3;
	v3 =	vbroadcast v4, $0xF  }
0x89: {  	[tilespmem:v1+s29+$0x0] =	vst.idx.add.f32.msk $0x1, v2  }
0x8a: {  	[tilespmem:v1+s30+$0x0] =	vst.idx.add.f32.msk $0x1, v3  }
0x8b: {  	_ =	swait.ge [sflag:s31], $0x7D0  }
0x8c: {  	[sflag:s31] =	ssyncset.done $0x0  }
0x8d: {  	[sflag:s31] =	ssyncadd.s32 $0xFFFFF830  }
0x8e: {  	_ =	swait.ge [sflag:s31], $0x7D0  }
0x8f: {  	[sflag:s31] =	ssyncset.done $0x0  }
0x90: {  	[sflag:s31] =	ssyncadd.s32 $0xFFFFF830  }
0x91: {  	_ =	swait.ge [sflag:s31], $0x7D0  }
0x92: {  	[sflag:s31] =	ssyncset.done $0x0  }
0x93: {  	[sflag:s31] =	ssyncadd.s32 $0xFFFFF830  }
0x94: {  	s0 =	sadd.s32 s9, s12;
	_ =	swait.ge [sflag:s31], $0x7D0  }
0x95: {  	s0 =	sshrl.u32 s0, $0x3;
	[sflag:s31] =	ssyncset.done $0x0  }
0x96: {  	s1 =	sadd.s32 s5, s0;
	[sflag:s31] =	ssyncadd.s32 $0xFFFFF830  }
0x97: {  	[tilespmem:s18], [sflag:$0x1] =	stream.linear.gather [hbm4b:s1+s10], $0x7D0, $0x38;
	[tilespmem:$0x17700] =	vst v63  }
0x98: {  	s17 =	sadd.s32 s6, s0  }
0x99: {  	[tilespmem:s19], [sflag:$0x1] =	stream.linear.gather [hbm4b:s17+s10], $0x7D0, $0x38;
	[tilespmem:$0x17700] =	vst v63  }
0x9a: {  	s23 =	sadd.s32 s2, s0  }
0x9b: {  	[tilespmem:s20], [sflag:$0x1] =	stream.linear.gather [hbm4b:s23+s10], $0x7D0, $0x38;
	[tilespmem:$0x17700] =	vst v63  }
0x9c: {  	s0 =	sadd.s32 s3, s0  }
0x9d: {  	[tilespmem:s21], [sflag:$0x1] =	stream.linear.gather [hbm4b:s0+s10], $0x7D0, $0x38;
	[tilespmem:$0x17700] =	vst v63  }
0x9e: {  	v1 =	vld [tilespmem:$0x16F30];
	_ =	sdelay $0x4  }
0x9f: {  	(v2sf) =	vpush v1, $0x0;
	_ =	sdelay $0xd  }
0xa0: {  	v4 =	vimm.f32 $0.0e+00  }
0xa1: {  	v2 =	vimm.f32 $0.0e+00;
	v3 =	vimm.f32 $0.0e+00;
	v1 =	vimm.f32 $0.0e+00;
	s9 =	spop (v2sf)  }
.LBB2_7:
0xa2: {  	s14 =	sshra.s32 s10, $0x2  }
0xa3: {  	v5 =	vld [tilespmem:s14+$0x16F30]  }
0xa4: {  	v6 =	vld [tilespmem:s14+$0x16F70];
	_ =	sdelay $0x3  }
0xa5: {  	(v2sf) =	vpush v5, $0x0  }
0xa6: {  	(v2sf) =	vpush v6, $0xF;
	_ =	sdelay $0xd  }
0xa7: {  	s0 =	spop (v2sf)  }
0xa8: {  	s13 =	smov.u32 s9;
	s9 =	spop (v2sf)  }
0xa9: {  	p0 =	seq.s32 s0, s13;
	p1 =	seq.s32 s0, s9  }
0xaa: {  	v7 =	vld [tilespmem:s14+$0x157E0];
	p0 =	por !p0, !p1  }
0xab: {  	v8 =	vld [tilespmem:s14+$0x157F0];
	p0 =	por !p0, !p0  }
0xac: {  	v9 =	vld [tilespmem:s14+$0x15800];
	(xrf2) =	vadd.scan.msk.f32 @!p0 $0xffff, v3  }
0xad: {  	v10 =	vld [tilespmem:s14+$0x15F90];
	(xrf2) =	vadd.scan.msk.f32 @!p0 $0xffff, v4  }
0xae: {  	v11 =	vld [tilespmem:s14+$0x15FA0];
	(xrf2) =	vadd.scan.msk.f32 @!p0 $0xffff, v2  }
0xaf: {  	v12 =	vld [tilespmem:s14+$0x15FB0];
	(xrf2) =	vadd.scan.msk.f32 @!p0 $0xffff, v1  }
0xb0: {  	v13 =	vld [tilespmem:s14+$0x15FC0]  }
0xb1: {  	v14 =	vld [tilespmem:s14+$0x15FD0]  }
0xb2: {  	v15 =	vld [tilespmem:s14+$0x16760]  }
0xb3: {  	v17 =	vld [tilespmem:s14+$0x16770]  }
0xb4: {  	v19 =	vld [tilespmem:s14+$0x16780];
	v16 =	vmov @!p0 s13  }
0xb5: {  	v21 =	vld [tilespmem:s14+$0x16790]  }
0xb6: {  	v23 =	vld [tilespmem:s14+$0x167A0];
	v18, _, _ =	vpop @!p0 (xrf2)  }
0xb7: {  	v5 =	vld [tilespmem:s14+$0x157C0];
	v20, _, _ =	vpop @!p0 (xrf2);
	v18 =	vbroadcast @!p0 v18, $0xF  }
0xb8: {  	v6 =	vld [tilespmem:s14+$0x157D0];
	s0 =	simm.s32 @!p0 $0x0;
	v22, _, _ =	vpop @!p0 (xrf2);
	v20 =	vbroadcast @!p0 v20, $0xF  }
0xb9: {  	s1 =	simm.s32 @!p0 $0x4E20;
	[tilespmem:v16+s0+$0x0] =	vst.idx.add.f32.msk @!p0 $0x1, v18;
	v18 =	vbroadcast @!p0 v22, $0xF;
	v22, _, _ =	vpop @!p0 (xrf2)  }
0xba: {  	s15 =	simm.s32 @!p0 $0x9C40;
	[tilespmem:v16+s1+$0x0] =	vst.idx.add.f32.msk @!p0 $0x1, v20;
	v20 =	vbroadcast @!p0 v22, $0xF  }
0xbb: {  	s16 =	simm.s32 @!p0 $0xEA60;
	[tilespmem:v16+s15+$0x0] =	vst.idx.add.f32.msk @!p0 $0x1, v18  }
0xbc: {  	s17 =	sshra.s32 @!p0 s10, $0x2;
	[tilespmem:v16+s16+$0x0] =	vst.idx.add.f32.msk @!p0 $0x1, v20  }
0xbd: {  	v16 =	vld @!p0 [tilespmem:s17+$0x16F30]  }
0xbe: {  	v18 =	vlaneseq.u32 @!p0  }
0xbf: {  	v18 =	vand.u32 @!p0 $0x1, v18  }
0xc0: {  	v18 =	vmul.u32 @!p0 $0x2710, v18;
	_ =	sdelay $0x1  }
0xc1: {  	v16 =	vadd.s32 @!p0 v18, v16;
	_ =	sdelay $0x3  }
0xc2: {  	v20 =	vimm.f32 @!p0 $1.000000000e+00  }
0xc3: {  	[tilespmem:v16+s0+$0x0] =	vst.idx.add.f32.msk @!p0 $0xffff, v20  }
0xc4: {  	[tilespmem:v16+s1+$0x0] =	vst.idx.add.f32.msk @!p0 $0xffff, v5  }
0xc5: {  	[tilespmem:v16+s15+$0x0] =	vst.idx.add.f32.msk @!p0 $0xffff, v10  }
0xc6: {  	[tilespmem:v16+s16+$0x0] =	vst.idx.add.f32.msk @!p0 $0xffff, v15  }
0xc7: {  	v16 =	vld @!p0 [tilespmem:s17+$0x16F40];
	_ =	sdelay $0x4  }
0xc8: {  	v16 =	vadd.s32 @!p0 v18, v16;
	_ =	sdelay $0x4  }
0xc9: {  	[tilespmem:v16+s0+$0x0] =	vst.idx.add.f32.msk @!p0 $0xffff, v20  }
0xca: {  	[tilespmem:v16+s1+$0x0] =	vst.idx.add.f32.msk @!p0 $0xffff, v6  }
0xcb: {  	[tilespmem:v16+s15+$0x0] =	vst.idx.add.f32.msk @!p0 $0xffff, v11  }
0xcc: {  	[tilespmem:v16+s16+$0x0] =	vst.idx.add.f32.msk @!p0 $0xffff, v17  }
0xcd: {  	v16 =	vld @!p0 [tilespmem:s17+$0x16F50];
	_ =	sdelay $0x4  }
0xce: {  	v16 =	vadd.s32 @!p0 v18, v16;
	_ =	sdelay $0x4  }
0xcf: {  	[tilespmem:v16+s0+$0x0] =	vst.idx.add.f32.msk @!p0 $0xffff, v20  }
0xd0: {  	[tilespmem:v16+s1+$0x0] =	vst.idx.add.f32.msk @!p0 $0xffff, v7  }
0xd1: {  	[tilespmem:v16+s15+$0x0] =	vst.idx.add.f32.msk @!p0 $0xffff, v12  }
0xd2: {  	[tilespmem:v16+s16+$0x0] =	vst.idx.add.f32.msk @!p0 $0xffff, v19  }
0xd3: {  	v16 =	vld @!p0 [tilespmem:s17+$0x16F60];
	_ =	sdelay $0x4  }
0xd4: {  	v16 =	vadd.s32 @!p0 v18, v16;
	_ =	sdelay $0x4  }
0xd5: {  	[tilespmem:v16+s0+$0x0] =	vst.idx.add.f32.msk @!p0 $0xffff, v20  }
0xd6: {  	[tilespmem:v16+s1+$0x0] =	vst.idx.add.f32.msk @!p0 $0xffff, v8  }
0xd7: {  	[tilespmem:v16+s15+$0x0] =	vst.idx.add.f32.msk @!p0 $0xffff, v13  }
0xd8: {  	[tilespmem:v16+s16+$0x0] =	vst.idx.add.f32.msk @!p0 $0xffff, v21  }
0xd9: {  	v16 =	vld @!p0 [tilespmem:s14+$0x16F70];
	_ =	sdelay $0x1  }
0xda: {  	v5 =	vadd.f32 @p0 v6, v5  }
0xdb: {  	v6 =	vadd.f32 @p0 v11, v10;
	v10 =	vadd.f32 @p0 v17, v15  }
0xdc: {  	v5 =	vadd.f32 @p0 v7, v5  }
0xdd: {  	v6 =	vadd.f32 @p0 v12, v6;
	v10 =	vadd.f32 @p0 v19, v10;
	v7 =	vadd.s32 @!p0 v18, v16  }
0xde: {  	v5 =	vadd.f32 @p0 v8, v5  }
0xdf: {  	s10 =	sadd.s32 $0x140, s10;
	v6 =	vadd.f32 @p0 v13, v6;
	v8 =	vadd.f32 @p0 v21, v10  }
0xe0: {  	p1 =	sne.s32 s10, $0x1F40;
	v5 =	vadd.f32 @p0 v9, v5  }
.Ltmp2:
0xe1: {  	v6 =	vadd.f32 @p0 v14, v6;
	v8 =	vadd.f32 @p0 v23, v8;
	(pc) =	sbr.rel @p1 .LBB2_7-.Ltmp2, $4  }
0xe2: {  	v3 =	vadd.f32 @p0 $5.000000000e+00, v3;
	v4 =	vadd.f32 @p0 v5, v4;
	[tilespmem:v7+s0+$0x0] =	vst.idx.add.f32.msk @!p0 $0xffff, v20  }
0xe3: {  	v2 =	vadd.f32 @p0 v6, v2;
	v1 =	vadd.f32 @p0 v8, v1;
	[tilespmem:v7+s1+$0x0] =	vst.idx.add.f32.msk @!p0 $0xffff, v9  }
0xe4: {  	v3 =	vpsel !p0, $0x0, v3;
	[tilespmem:v7+s15+$0x0] =	vst.idx.add.f32.msk @!p0 $0xffff, v14  }
0xe5: {  	s9 =	smov.u32 @p0 s13;
	v4 =	vpsel !p0, $0x0, v4;
	v2 =	vpsel !p0, $0x0, v2;
	v1 =	vpsel !p0, $0x0, v1;
	[tilespmem:v7+s16+$0x0] =	vst.idx.add.f32.msk @!p0 $0xffff, v23  }
0xe6: {  	(xrf2) =	vadd.scan.msk.f32 $0xffff, v3  }
0xe7: {  	(xrf2) =	vadd.scan.msk.f32 $0xffff, v4  }
0xe8: {  	(xrf2) =	vadd.scan.msk.f32 $0xffff, v2  }
0xe9: {  	(xrf2) =	vadd.scan.msk.f32 $0xffff, v1;
	_ =	sdelay $0x4  }
0xea: {  	v1 =	vmov s9;
	_ =	sdelay $0x1  }
0xeb: {  	s8 =	sadd.s32 $0x1, s8;
	v2, _, _ =	vpop (xrf2)  }
0xec: {  	p0 =	sne.s32 s8, $0xC;
	v3, _, _ =	vpop (xrf2);
	v2 =	vbroadcast v2, $0xF  }
.Ltmp3:
0xed: {  	v62, _, _ =	vpop (xrf2);
	v3 =	vbroadcast v3, $0xF;
	(pc) =	sbr.rel @p0 .LBB2_4-.Ltmp3, $4  }
0xee: {  	[tilespmem:v1+s4+$0x0] =	vst.idx.add.f32.msk $0x1, v2;
	v2 =	vbroadcast v62, $0xF;
	v63, _, _ =	vpop (xrf2)  }
0xef: {  	[tilespmem:v1+s28+$0x0] =	vst.idx.add.f32.msk $0x1, v3;
	v3 =	vbroadcast v63, $0xF  }
0xf0: {  	[tilespmem:v1+s29+$0x0] =	vst.idx.add.f32.msk $0x1, v2  }
0xf1: {  	[tilespmem:v1+s30+$0x0] =	vst.idx.add.f32.msk $0x1, v3  }
0xf2: {  	_ =	swait.ge [sflag:s22], $0x7D0  }
0xf3: {  	[sflag:s22] =	ssyncset.done $0x0  }
0xf4: {  	[sflag:s22] =	ssyncadd.s32 $0xFFFFF830  }
0xf5: {  	_ =	swait.ge [sflag:s22], $0x7D0  }
0xf6: {  	[sflag:s22] =	ssyncset.done $0x0  }
0xf7: {  	[sflag:s22] =	ssyncadd.s32 $0xFFFFF830  }
0xf8: {  	_ =	swait.ge [sflag:s22], $0x7D0  }
0xf9: {  	[sflag:s22] =	ssyncset.done $0x0  }
0xfa: {  	[sflag:s22] =	ssyncadd.s32 $0xFFFFF830  }
0xfb: {  	_ =	swait.ge [sflag:s22], $0x7D0  }
0xfc: {  	[sflag:s22] =	ssyncset.done $0x0  }
0xfd: {  	[sflag:s22] =	ssyncadd.s32 $0xFFFFF830  }
0xfe: {  	v1 =	vld [tilespmem:$0x14FF0];
	_ =	sdelay $0x4  }
0xff: {  	(v2sf) =	vpush v1, $0x0;
	_ =	sdelay $0xd  }
0x100: {  	v2 =	vimm.f32 $0.0e+00  }
0x101: {  	s8 =	simm.s32 $0x0;
	v4 =	vimm.f32 $0.0e+00;
	v3 =	vimm.f32 $0.0e+00;
	v1 =	vimm.f32 $0.0e+00;
	s7 =	spop (v2sf)  }
.LBB2_10:
0x102: {  	s10 =	sshra.s32 s8, $0x2  }
0x103: {  	v5 =	vld [tilespmem:s10+$0x14FF0]  }
0x104: {  	v6 =	vld [tilespmem:s10+$0x15030];
	_ =	sdelay $0x3  }
0x105: {  	(v2sf) =	vpush v5, $0x0  }
0x106: {  	(v2sf) =	vpush v6, $0xF;
	_ =	sdelay $0xd  }
0x107: {  	s0 =	spop (v2sf)  }
0x108: {  	s9 =	smov.u32 s7;
	s7 =	spop (v2sf)  }
0x109: {  	p0 =	seq.s32 s0, s9;
	p1 =	seq.s32 s0, s7  }
0x10a: {  	v7 =	vld [tilespmem:s10+$0x138A0];
	p0 =	por !p0, !p1  }
0x10b: {  	v8 =	vld [tilespmem:s10+$0x138B0];
	p0 =	por !p0, !p0  }
0x10c: {  	v9 =	vld [tilespmem:s10+$0x138C0];
	(xrf2) =	vadd.scan.msk.f32 @!p0 $0xffff, v3  }
0x10d: {  	v10 =	vld [tilespmem:s10+$0x14050];
	(xrf2) =	vadd.scan.msk.f32 @!p0 $0xffff, v4  }
0x10e: {  	v11 =	vld [tilespmem:s10+$0x14060];
	(xrf2) =	vadd.scan.msk.f32 @!p0 $0xffff, v2  }
0x10f: {  	v12 =	vld [tilespmem:s10+$0x14070];
	(xrf2) =	vadd.scan.msk.f32 @!p0 $0xffff, v1  }
0x110: {  	v13 =	vld [tilespmem:s10+$0x14080]  }
0x111: {  	v14 =	vld [tilespmem:s10+$0x14090]  }
0x112: {  	v15 =	vld [tilespmem:s10+$0x14820]  }
0x113: {  	v17 =	vld [tilespmem:s10+$0x14830]  }
0x114: {  	v19 =	vld [tilespmem:s10+$0x14840];
	v16 =	vmov @!p0 s9  }
0x115: {  	v21 =	vld [tilespmem:s10+$0x14850]  }
0x116: {  	v23 =	vld [tilespmem:s10+$0x14860];
	v18, _, _ =	vpop @!p0 (xrf2)  }
0x117: {  	v5 =	vld [tilespmem:s10+$0x13880];
	v20, _, _ =	vpop @!p0 (xrf2);
	v18 =	vbroadcast @!p0 v18, $0xF  }
0x118: {  	v6 =	vld [tilespmem:s10+$0x13890];
	s0 =	simm.s32 @!p0 $0x0;
	v22, _, _ =	vpop @!p0 (xrf2);
	v20 =	vbroadcast @!p0 v20, $0xF  }
0x119: {  	s1 =	simm.s32 @!p0 $0x4E20;
	[tilespmem:v16+s0+$0x0] =	vst.idx.add.f32.msk @!p0 $0x1, v18;
	v18 =	vbroadcast @!p0 v22, $0xF;
	v22, _, _ =	vpop @!p0 (xrf2)  }
0x11a: {  	s13 =	simm.s32 @!p0 $0x9C40;
	[tilespmem:v16+s1+$0x0] =	vst.idx.add.f32.msk @!p0 $0x1, v20;
	v20 =	vbroadcast @!p0 v22, $0xF  }
0x11b: {  	s14 =	simm.s32 @!p0 $0xEA60;
	[tilespmem:v16+s13+$0x0] =	vst.idx.add.f32.msk @!p0 $0x1, v18  }
0x11c: {  	s15 =	sshra.s32 @!p0 s8, $0x2;
	[tilespmem:v16+s14+$0x0] =	vst.idx.add.f32.msk @!p0 $0x1, v20  }
0x11d: {  	v16 =	vld @!p0 [tilespmem:s15+$0x14FF0]  }
0x11e: {  	v18 =	vlaneseq.u32 @!p0  }
0x11f: {  	v18 =	vand.u32 @!p0 $0x1, v18  }
0x120: {  	v18 =	vmul.u32 @!p0 $0x2710, v18;
	_ =	sdelay $0x1  }
0x121: {  	v16 =	vadd.s32 @!p0 v18, v16;
	_ =	sdelay $0x3  }
0x122: {  	v20 =	vimm.f32 @!p0 $1.000000000e+00  }
0x123: {  	[tilespmem:v16+s0+$0x0] =	vst.idx.add.f32.msk @!p0 $0xffff, v20  }
0x124: {  	[tilespmem:v16+s1+$0x0] =	vst.idx.add.f32.msk @!p0 $0xffff, v5  }
0x125: {  	[tilespmem:v16+s13+$0x0] =	vst.idx.add.f32.msk @!p0 $0xffff, v10  }
0x126: {  	[tilespmem:v16+s14+$0x0] =	vst.idx.add.f32.msk @!p0 $0xffff, v15  }
0x127: {  	v16 =	vld @!p0 [tilespmem:s15+$0x15000];
	_ =	sdelay $0x4  }
0x128: {  	v16 =	vadd.s32 @!p0 v18, v16;
	_ =	sdelay $0x4  }
0x129: {  	[tilespmem:v16+s0+$0x0] =	vst.idx.add.f32.msk @!p0 $0xffff, v20  }
0x12a: {  	[tilespmem:v16+s1+$0x0] =	vst.idx.add.f32.msk @!p0 $0xffff, v6  }
0x12b: {  	[tilespmem:v16+s13+$0x0] =	vst.idx.add.f32.msk @!p0 $0xffff, v11  }
0x12c: {  	[tilespmem:v16+s14+$0x0] =	vst.idx.add.f32.msk @!p0 $0xffff, v17  }
0x12d: {  	v16 =	vld @!p0 [tilespmem:s15+$0x15010];
	_ =	sdelay $0x4  }
0x12e: {  	v16 =	vadd.s32 @!p0 v18, v16;
	_ =	sdelay $0x4  }
0x12f: {  	[tilespmem:v16+s0+$0x0] =	vst.idx.add.f32.msk @!p0 $0xffff, v20  }
0x130: {  	[tilespmem:v16+s1+$0x0] =	vst.idx.add.f32.msk @!p0 $0xffff, v7  }
0x131: {  	[tilespmem:v16+s13+$0x0] =	vst.idx.add.f32.msk @!p0 $0xffff, v12  }
0x132: {  	[tilespmem:v16+s14+$0x0] =	vst.idx.add.f32.msk @!p0 $0xffff, v19  }
0x133: {  	v16 =	vld @!p0 [tilespmem:s15+$0x15020];
	_ =	sdelay $0x4  }
0x134: {  	v16 =	vadd.s32 @!p0 v18, v16;
	_ =	sdelay $0x4  }
0x135: {  	[tilespmem:v16+s0+$0x0] =	vst.idx.add.f32.msk @!p0 $0xffff, v20  }
0x136: {  	[tilespmem:v16+s1+$0x0] =	vst.idx.add.f32.msk @!p0 $0xffff, v8  }
0x137: {  	[tilespmem:v16+s13+$0x0] =	vst.idx.add.f32.msk @!p0 $0xffff, v13  }
0x138: {  	[tilespmem:v16+s14+$0x0] =	vst.idx.add.f32.msk @!p0 $0xffff, v21  }
0x139: {  	v16 =	vld @!p0 [tilespmem:s10+$0x15030];
	_ =	sdelay $0x1  }
0x13a: {  	v5 =	vadd.f32 @p0 v6, v5  }
0x13b: {  	v6 =	vadd.f32 @p0 v11, v10;
	v10 =	vadd.f32 @p0 v17, v15  }
0x13c: {  	v5 =	vadd.f32 @p0 v7, v5  }
0x13d: {  	v6 =	vadd.f32 @p0 v12, v6;
	v10 =	vadd.f32 @p0 v19, v10;
	v7 =	vadd.s32 @!p0 v18, v16  }
0x13e: {  	v5 =	vadd.f32 @p0 v8, v5  }
0x13f: {  	s8 =	sadd.s32 $0x140, s8;
	v6 =	vadd.f32 @p0 v13, v6;
	v8 =	vadd.f32 @p0 v21, v10  }
0x140: {  	p1 =	sne.s32 s8, $0x1F40;
	v5 =	vadd.f32 @p0 v9, v5  }
.Ltmp4:
0x141: {  	v6 =	vadd.f32 @p0 v14, v6;
	v8 =	vadd.f32 @p0 v23, v8;
	(pc) =	sbr.rel @p1 .LBB2_10-.Ltmp4, $4  }
0x142: {  	v3 =	vadd.f32 @p0 $5.000000000e+00, v3;
	v4 =	vadd.f32 @p0 v5, v4;
	[tilespmem:v7+s0+$0x0] =	vst.idx.add.f32.msk @!p0 $0xffff, v20  }
0x143: {  	v2 =	vadd.f32 @p0 v6, v2;
	v1 =	vadd.f32 @p0 v8, v1;
	[tilespmem:v7+s1+$0x0] =	vst.idx.add.f32.msk @!p0 $0xffff, v9  }
0x144: {  	v3 =	vpsel !p0, $0x0, v3;
	[tilespmem:v7+s13+$0x0] =	vst.idx.add.f32.msk @!p0 $0xffff, v14  }
0x145: {  	s7 =	smov.u32 @p0 s9;
	v4 =	vpsel !p0, $0x0, v4;
	v2 =	vpsel !p0, $0x0, v2;
	v1 =	vpsel !p0, $0x0, v1;
	[tilespmem:v7+s14+$0x0] =	vst.idx.add.f32.msk @!p0 $0xffff, v23  }
0x146: {  	(xrf2) =	vadd.scan.msk.f32 $0xffff, v3  }
0x147: {  	(xrf2) =	vadd.scan.msk.f32 $0xffff, v4  }
0x148: {  	(xrf2) =	vadd.scan.msk.f32 $0xffff, v2  }
0x149: {  	(xrf2) =	vadd.scan.msk.f32 $0xffff, v1;
	_ =	sdelay $0x4  }
0x14a: {  	v1 =	vmov s7;
	_ =	sdelay $0x1  }
0x14b: {  	v2, _, _ =	vpop (xrf2)  }
0x14c: {  	v3, _, _ =	vpop (xrf2);
	v2 =	vbroadcast v2, $0xF  }
0x14d: {  	s0 =	simm.s32 $0x0;
	v4, _, _ =	vpop (xrf2);
	v3 =	vbroadcast v3, $0xF  }
0x14e: {  	[tilespmem:v1+s0+$0x0] =	vst.idx.add.f32.msk $0x1, v2;
	v2 =	vbroadcast v4, $0xF;
	v4, _, _ =	vpop (xrf2)  }
0x14f: {  	[tilespmem:v1+s28+$0x0] =	vst.idx.add.f32.msk $0x1, v3;
	v3 =	vbroadcast v4, $0xF  }
0x150: {  	[tilespmem:v1+s29+$0x0] =	vst.idx.add.f32.msk $0x1, v2  }
0x151: {  	s7 =	simm.s32 $0x0;
	[tilespmem:v1+s30+$0x0] =	vst.idx.add.f32.msk $0x1, v3  }
0x152: {  	v6 =	vld [tilespmem:s7+$0x2710]  }
0x153: {  	v7 =	vld [tilespmem:s7+$0x7530]  }
0x154: {  	v2 =	vld [tilespmem:s7+$0xC350]  }
0x155: {  	v1 =	vld [tilespmem:s7+$0x11170]  }
0x156: {  	v3 =	vld [tilespmem:s7+$0x0]  }
0x157: {  	v5 =	vld [tilespmem:s7+$0x4E20]  }
0x158: {  	s8 =	simm.s32 $0x40;
	v4 =	vld [tilespmem:s7+$0x9C40]  }
.LBB2_12:
0x159: {  	s0 =	sshra.s32 s8, $0x2;
	p0 =	sne.s32 s8, $0x9C00;
	v8 =	vld [tilespmem:s7+$0xEA60];
	v9 =	vmov v2  }
0x15a: {  	v10 =	vld [tilespmem:s0+$0x2710];
	v11 =	vmov v1  }
0x15b: {  	v12 =	vld [tilespmem:s0+$0x7530];
	v3 =	vadd.f32 v6, v3  }
.Ltmp5:
0x15c: {  	v2 =	vld [tilespmem:s0+$0xC350];
	v5 =	vadd.f32 v7, v5;
	(pc) =	sbr.rel @p0 .LBB2_12-.Ltmp5, $4  }
0x15d: {  	v1 =	vld [tilespmem:s0+$0x11170];
	[tilespmem:s7+$0x0] =	vst v3;
	v4 =	vadd.f32 v9, v4  }
0x15e: {  	v3 =	vld [tilespmem:s0+$0x0];
	[tilespmem:s7+$0x4E20] =	vst v5;
	v8 =	vadd.f32 v11, v8  }
0x15f: {  	v5 =	vld [tilespmem:s0+$0x4E20];
	[tilespmem:s7+$0x9C40] =	vst v4;
	v6 =	vmov v10  }
0x160: {  	s8 =	sadd.s32 $0x40, s8;
	v4 =	vld [tilespmem:s0+$0x9C40];
	[tilespmem:s7+$0xEA60] =	vst v8;
	v7 =	vmov v12;
	s7 =	smov.u32 s0  }
0x161: {  	v8 =	vld [tilespmem:s7+$0xEA60];
	_ =	sdelay $0x1  }
0x162: {  	v3 =	vadd.f32 v6, v3  }
0x163: {  	v5 =	vadd.f32 v7, v5  }
0x164: {  	[tilespmem:s7+$0x0] =	vst v3;
	v2 =	vadd.f32 v2, v4  }
0x165: {  	[tilespmem:s7+$0x4E20] =	vst v5;
	v1 =	vadd.f32 v1, v8  }
0x166: {  	[tilespmem:s7+$0x9C40] =	vst v2  }
0x167: {  	s0 =	rddreg [dreg:$0x7];
	s1 =	simm.s32 $0x3;
	[tilespmem:s7+$0xEA60] =	vst v1  }
0x168: {  	[hbm4b:s0+s4] =	stream.linear.scatter [tilespmem:s4], [sflag:$0x3], $0x2710, $0x38;
	[tilespmem:$0x17700] =	vst v63  }
0x169: {  	_ =	swait.ge [sflag:s1], $0x2710  }
0x16a: {  	[sflag:s1] =	ssyncset.done $0x0  }
0x16b: {  	s14 =	rddreg [dreg:$0x8];
	[sflag:s1] =	ssyncadd.s32 $0xFFFFD8F0  }
0x16c: {  	[hbm4b:s14+s4] =	stream.linear.scatter [tilespmem:s28], [sflag:$0x3], $0x2710, $0x38;
	[tilespmem:$0x17700] =	vst v63  }
0x16d: {  	_ =	swait.ge [sflag:s1], $0x2710  }
0x16e: {  	[sflag:s1] =	ssyncset.done $0x0  }
0x16f: {  	s15 =	rddreg [dreg:$0x9];
	[sflag:s1] =	ssyncadd.s32 $0xFFFFD8F0  }
0x170: {  	[hbm4b:s15+s4] =	stream.linear.scatter [tilespmem:s29], [sflag:$0x3], $0x2710, $0x38;
	[tilespmem:$0x17700] =	vst v63  }
0x171: {  	_ =	swait.ge [sflag:s1], $0x2710  }
0x172: {  	[sflag:s1] =	ssyncset.done $0x0  }
0x173: {  	s16 =	rddreg [dreg:$0xa];
	[sflag:s1] =	ssyncadd.s32 $0xFFFFD8F0  }
0x174: {  	[hbm4b:s16+s4] =	stream.linear.scatter [tilespmem:s30], [sflag:$0x3], $0x2710, $0x38;
	[tilespmem:$0x17700] =	vst v63  }
0x175: {  	_ =	swait.ge [sflag:s1], $0x2710  }
0x176: {  	s17 =	rddreg [dreg:$0xc]  }
0x177: {  	s23 =	rddreg [dreg:$0xb];
	s7 =	sadd.s32 $0x1, s17  }
0x178: {  	p0 =	sne.s32 s7, s23  }
.Ltmp6:
0x179: {  	_ = 	snop;
	(pc) =	sbr.rel @p0 .LBB2_1-.Ltmp6, $3  }
0x17a: {  	_ =	sdelay $0x1  }
0x17b: {  	[sflag:s1] =	ssyncset.done $0x0  }
0x17c: {  	[sflag:s1] =	ssyncadd.s32 $0xFFFFD8F0  }
0x17d: {  	_ =	sfence.sel $0x180000  }
0x17e: {  	[bflag:$0x0] =	sbarrier.arrive $0xFFFF  }
0x17f: {  	_ =	strace $0x90000047  }
0x180: {  	s0 =	stileid.u32;
	[bflag:$0x2] =	sbarrier.arrive $0xFFFF  }
0x181: {  	p0 =	sne.s32 s0, $0x0;
	s0 =	rddreg [dreg:$0x2]  }
0x182: {  	s0 =	sadd.s32 @!p0 $0x100000, s0  }
0x183: {  	[sflag:s0] =	ssyncadd.tile.s32 @!p0 $0x1;
	_ =	shalt  }
.Lfunc_end2:
_tile_overlayer_lowered:
.L_overlay_start_2:
0x184: {  	(tag) =	ssettag $0x2  }
0x185: {  	s0 =	rddreg [dreg:$0x0];
	s2 =	stileid.u32  }
0x186: {  	s1 =	rddreg [dreg:$0x1];
	p0 =	sne.s32 s2, $0x0  }
0x187: {  	s3 =	rddreg [dreg:$0x2];
	[bflag:$0x3] =	sbarrier.arrive $0xFFFF;
	s2 =	simm.s32 @!p0 $0x1C03  }
0x188: {  	[timem:s3], [sflag:s2] =	dma.local @!p0 [hbm:s0], s1  }
0x189: {  	s0 =	simm.s32 @!p0 $0x3  }
0x18a: {  	_ =	swait.ge @!p0 [sflag:s0], s1  }
0x18b: {  	s1 =	ssub.s32 @!p0 $0x0, s1;
	[sflag:s0] =	ssyncset.done @!p0 $0x0  }
0x18c: {  	[sflag:s0] =	ssyncadd.s32 @!p0 s1  }
0x18d: {  	[bflag:$0x3] =	sbarrier.arrive $0xFFFF  }
0x18e: {  	_ =	shalt  }

// kernel: kernel.9.cloned.1.call-start
scs
__scs_entry_jumppad:
0x0: {  	(pc) =	sbr.rel $0x88, $3  }
0x1: {  	(tag) =	ssettag $0x0;
	lr =	simm.s32 $0x1  }
0x2: {  	[smem:$0x3F9F] =	sst lr;
	_ =	strace $0xD0000000  }
0x3: {  	_ = 	snop  }
0x4: {  	_ = 	snop  }
0x5: {  	_ = 	snop  }
0x6: {  	_ = 	snop  }
0x7: {  	_ = 	snop  }
__scs_overlays_trampoline_lowered:
0x8: {  	[smem:$0x3FAE] =	sst s0  }
0x9: {  	[smem:$0x3FAF] =	sst s1  }
0xa: {  	[smem:$0x3FB0] =	sst s2  }
0xb: {  	[smem:$0x3FB1] =	sst s3  }
0xc: {  	[smem:$0x3FB2] =	sst s4  }
0xd: {  	[smem:$0x3FB3] =	sst s5  }
0xe: {  	[smem:$0x3FB4] =	sst s6  }
0xf: {  	[smem:$0x3FB5] =	sst s7  }
0x10: {  	[smem:$0x3FB6] =	sst s8  }
0x11: {  	[smem:$0x3FB7] =	sst s9;
	s0 =	simm.s32 @!p0 $0x0  }
0x12: {  	s1 =	sld [smem:$0x3F9D];
	s0 =	simm.s32 @p0 $0x1  }
0x13: {  	[smem:$0x3FB8] =	sst s0;
	s0 =	simm.s32 @!p1 $0x0  }
0x14: {  	s2 =	sld [smem:$0x3F9C];
	s0 =	simm.s32 @p1 $0x1  }
0x15: {  	[smem:$0x3FB9] =	sst s0;
	s0 =	simm.s32 @!p2 $0x0  }
0x16: {  	s3 =	sld [smem:$0x3FDB];
	s0 =	simm.s32 @p2 $0x1  }
0x17: {  	s4 =	simm.s32 $0x1BF5;
	[smem:$0x3FBB] =	sst s0  }
0x18: {  	s0 =	sld [smem:$0x3F9E];
	_ =	swait.ge [sflag:s4], $0x0  }
0x19: {  	s7 =	sld [smem:$0x3F9F]  }
0x1a: {  	s8 =	sadd.s32 $0xFFFFE003, lr  }
0x1b: {  	s9 =	sadd.s32 $0xFFFFFEF7, lr;
	s5 =	simm.s32 $0xFFFFFFFF;
	p2 =	slt.u32 s8, $0xFFFFF086  }
0x1c: {  	p1 =	slt.u32 s9, $0xF7A;
	s5 =	simm.s32 @!p2 $0x0  }
0x1d: {  	s5 =	simm.s32 @p1 $0x1;
	p0 =	seq.s32 s7, s2  }
0x1e: {  	s7 =	smul.u32 @!p0 $0xF7A, s2;
	p2 =	seq.s32 @!p0 s5, $0x0  }
0x1f: {  	s9 =	smul.u32 $0xF7A, s1;
	s8 =	simm.s32 @!p0 $0x1BF5;
	p2 =	por !p2, p0  }
0x20: {  	[sflag:s8] =	ssyncset.s32 @!p0 $0xFFFFF086;
	s6 =	sadd.s32 @!p0 s3, s7;
	s7 =	simm.s32 @!p0 $0x108  }
0x21: {  	s3 =	sadd.s32 s3, s9;
	s6 =	sadd.s32 @!p0 $0x88, s6;
	s7 =	simm.s32 @p2 $0x1082  }
0x22: {  	[simem:s7], [sflag:s8] =	dma.local @!p0 [hbm:s6], $0xF7A  }
0x23: {  	s9 =	sor.u32 $0xD0000000, s2;
	s6 =	simm.s32 $0x108;
	_ =	swait.ge @!p0 [sflag:s8], $0x0  }
0x24: {  	s3 =	sadd.s32 $0x88, s3;
	s6 =	simm.s32 @!p1 $0x1082;
	[sflag:s4] =	ssyncset.s32 $0xFFFFF086  }
0x25: {  	[simem:s6], [sflag:s4] =	dma.local [hbm:s3], $0xF7A  }
0x26: {  	[smem:$0x3F9F] =	sst s1;
	(tag) =	ssettag s2;
	_ =	strace s9  }
0x27: {  	s1 =	sld [smem:$0x3FAF]  }
0x28: {  	s2 =	sld [smem:$0x3FB0]  }
0x29: {  	s4 =	sld [smem:$0x3FB2]  }
0x2a: {  	p0 =	seq.s32 s5, $0x0;
	s5 =	sld [smem:$0x3FB3]  }
0x2b: {  	s6 =	sld [smem:$0x3FB4]  }
0x2c: {  	s7 =	sld [smem:$0x3FB5]  }
0x2d: {  	s3 =	simm.s32 $0x108;
	s8 =	sld [smem:$0x3FB6]  }
0x2e: {  	s3 =	simm.s32 @!p0 $0x1082;
	s9 =	sld [smem:$0x3FB7]  }
0x2f: {  	lr =	sadd.s32 s0, s3;
	s0 =	sld [smem:$0x3FAE]  }
0x30: {  	s3 =	sld [smem:$0x3FB1]  }
0x31: {  	[smem:$0x3FBA] =	sst s10  }
0x32: {  	s10 =	sld [smem:$0x3FB8];
	_ =	sdelay $0x3  }
0x33: {  	p0 =	seq.s32 s10, $0x1;
	s10 =	sld [smem:$0x3FBA];
	_ =	sdelay $0x3  }
0x34: {  	[smem:$0x3FBA] =	sst s10  }
0x35: {  	s10 =	sld [smem:$0x3FB9];
	_ =	sdelay $0x3  }
0x36: {  	p1 =	seq.s32 s10, $0x1;
	s10 =	sld [smem:$0x3FBA];
	_ =	sdelay $0x3  }
0x37: {  	[smem:$0x3FBA] =	sst s10  }
0x38: {  	s10 =	sld [smem:$0x3FBB]  }
0x39: {  	_ = 	snop;
	(pc) =	sbr.ind lr, $3  }
0x3a: {  	_ = 	snop  }
0x3b: {  	_ = 	snop  }
0x3c: {  	p2 =	seq.s32 s10, $0x1;
	s10 =	sld [smem:$0x3FBA]  }
0x3d: {  	_ =	shalt  }
0x3e: {  	_ =	shalt  }
0x3f: {  	_ =	shalt  }
0x40: {  	_ =	shalt  }
0x41: {  	_ =	shalt  }
0x42: {  	_ =	shalt  }
0x43: {  	_ =	shalt  }
0x44: {  	_ =	shalt  }
0x45: {  	_ =	shalt  }
0x46: {  	_ =	shalt  }
0x47: {  	_ =	shalt  }
0x48: {  	_ =	shalt  }
0x49: {  	_ =	shalt  }
0x4a: {  	_ =	shalt  }
0x4b: {  	_ =	shalt  }
0x4c: {  	_ =	shalt  }
0x4d: {  	_ =	shalt  }
0x4e: {  	_ =	shalt  }
0x4f: {  	_ =	shalt  }
0x50: {  	_ =	shalt  }
0x51: {  	_ =	shalt  }
0x52: {  	_ =	shalt  }
0x53: {  	_ =	shalt  }
0x54: {  	_ =	shalt  }
0x55: {  	_ =	shalt  }
0x56: {  	_ =	shalt  }
0x57: {  	_ =	shalt  }
0x58: {  	_ =	shalt  }
0x59: {  	_ =	shalt  }
0x5a: {  	_ =	shalt  }
0x5b: {  	_ =	shalt  }
0x5c: {  	_ =	shalt  }
0x5d: {  	_ =	shalt  }
0x5e: {  	_ =	shalt  }
0x5f: {  	_ =	shalt  }
0x60: {  	_ =	shalt  }
0x61: {  	_ =	shalt  }
0x62: {  	_ =	shalt  }
0x63: {  	_ =	shalt  }
0x64: {  	_ =	shalt  }
0x65: {  	_ =	shalt  }
0x66: {  	_ =	shalt  }
0x67: {  	_ =	shalt  }
0x68: {  	_ =	shalt  }
0x69: {  	_ =	shalt  }
0x6a: {  	_ =	shalt  }
0x6b: {  	_ =	shalt  }
0x6c: {  	_ =	shalt  }
0x6d: {  	_ =	shalt  }
0x6e: {  	_ =	shalt  }
0x6f: {  	_ =	shalt  }
0x70: {  	_ =	shalt  }
0x71: {  	_ =	shalt  }
0x72: {  	_ =	shalt  }
0x73: {  	_ =	shalt  }
0x74: {  	_ =	shalt  }
0x75: {  	_ =	shalt  }
0x76: {  	_ =	shalt  }
0x77: {  	_ =	shalt  }
0x78: {  	_ =	shalt  }
0x79: {  	_ =	shalt  }
0x7a: {  	_ =	shalt  }
0x7b: {  	_ =	shalt  }
0x7c: {  	_ =	shalt  }
0x7d: {  	_ =	shalt  }
0x7e: {  	_ =	shalt  }
0x7f: {  	_ =	shalt  }
0x80: {  	_ =	shalt  }
0x81: {  	_ =	shalt  }
0x82: {  	_ =	shalt  }
0x83: {  	_ =	shalt  }
0x84: {  	_ =	shalt  }
0x85: {  	_ =	shalt  }
0x86: {  	_ =	shalt  }
0x87: {  	_ =	shalt  }
.Lfunc_end0:
.L_simem_size_0:
called_computation.1_lowered:
.L_overlay_start_0:
0x88: {  	s2 =	sld [smem:$0x3FD9]  }
0x89: {  	s3 =	sld [smem:$0x3FFE];
	_ =	sdelay $0x1  }
0x8a: {  	s1 =	srdreg.scid  }
0x8b: {  	s0 =	sand.u32 $0x1, s1  }
0x8c: {  	s17 =	sshll.u32 s0, $0xA;
	s2 =	sadd.s32 s3, s2  }
0x8d: {  	s2 =	sadd.s32 s2, s17  }
0x8e: {  	[smem:$0x3FC6] =	sst s2  }
0x8f: {  	_ = 	snop  }
0x90: {  	s2 =	sld [smem:$0x3FC8];
	(tm) =	ssettm $0x1  }
0x91: {  	s18 =	sld [smem:$0x3FFB];
	_ =	sdelay $0x3  }
0x92: {  	_ =	strace s18  }
0x93: {  	s3 =	sld [smem:$0x3FFC];
	_ =	sdelay $0x3  }
0x94: {  	_ =	strace s3  }
0x95: {  	s3 =	sld [smem:$0x3FFD];
	_ =	sdelay $0x3  }
0x96: {  	_ =	strace s3  }
0x97: {  	_ =	strace $0x8FFFFFFF  }
0x98: {  	s19 =	sld [smem:$0x3FDB];
	_ =	sdelay $0x1  }
0x99: {  	s4 =	simm.s32 $_scs_section_size  }
0x9a: {  	s5 =	simm.s32 $_size__tile_overlayer_lowered;
	s6 =	simm.s32 $_tile_overlayer_lowered  }
0x9b: {  	s22 =	simm.s32 $0x1BFF;
	s21 =	sshll.u32 s6, $0x1;
	s3 =	sadd.s32 s4, s19  }
0x9c: {  	s7 =	simm.s32 $0x0;
	s20 =	sshll.u32 s5, $0x1;
	s5 =	sadd.s32 s21, s3  }
0x9d: {  	[timem:s7], [sflag:s22] =	dma.local [hbm:s5], s20  }
0x9e: {  	_ =	swait.ge [sflag:s22], s20  }
0x9f: {  	s4 =	ssub.s32 $0x0, s20;
	[sflag:s22] =	ssyncset.done $0x0  }
0xa0: {  	[sflag:s22] =	ssyncadd.s32 s4;
	_ =	sdelay $0x1  }
0xa1: {  	s23 =	simm.s32 $0x1B8B  }
0xa2: {  	_ =	swait.ge [sflag:s23], $0x1  }
0xa3: {  	[sflag:s23] =	ssyncset.done $0x0  }
0xa4: {  	s25 =	simm.s32 $0x1B8E;
	s24 =	sld [smem:$0x3FFE];
	[sflag:s23] =	ssyncadd.s32 $0xFFFFFFFF  }
0xa5: {  	s26 =	simm.s32 $execute0_lowered;
	[smem:$0x3FD2] =	sst s25  }
0xa6: {  	s5 =	sshll.u32 s26, $0x1;
	_ =	strace $0x80000049;
	[dreg:$0x1] =	wrdreg $0xFFFFFFFF  }
0xa7: {  	s28 =	simm.s32 $_size_execute0_lowered;
	s3 =	sadd.s32 s3, s5;
	[dreg:$0x0] =	wrdreg $0x0  }
0xa8: {  	s5 =	sshll.u32 s28, $0x1;
	[dreg:$0x2] =	wrdreg s3  }
0xa9: {  	[dreg:$0x3] =	wrdreg s5  }
0xaa: {  	[dreg:$0x4] =	wrdreg $0xC0  }
0xab: {  	_ =	task [dreg:s7], $0x5FFFF  }
0xac: {  	[dreg:$0x1] =	wrdreg $0xFFFFFFFF  }
0xad: {  	[dreg:$0x0] =	wrdreg $0x60  }
0xae: {  	[dreg:$0x2] =	wrdreg s24  }
0xaf: {  	[dreg:$0x3] =	wrdreg s2  }
0xb0: {  	[dreg:$0x4] =	wrdreg $0x9  }
0xb1: {  	_ =	task.clear_ibuf [dreg:s7], $0x5FFFF;
	_ =	strace $0x90000049  }
0xb2: {  	s29 =	simm.s32 $0x9;
	_ =	strace $0x8000004B  }
0xb3: {  	_ =	swait.ge [sflag:s29], $0x1  }
0xb4: {  	[sflag:s29] =	ssyncadd.s32 $0xFFFFFFFF  }
0xb5: {  	_ =	strace $0x9000004B  }
0xb6: {  	_ =	sfence  }
0xb7: {  	s30 =	sld [smem:$0x0];
	_ =	sdelay $0x2  }
0xb8: {  	s31 =	sshll.u32 s1, $0xD;
	s1 =	sshrl.u32 s1, $0x2  }
0xb9: {  	s3 =	sand.u32 $0x4000, s31;
	s1 =	sadd.s32 s1, s30  }
0xba: {  	s0 =	sor.u32 s3, s0;
	s1 =	sshll.u32 s1, $0x11  }
0xbb: {  	s0 =	sor.u32 s1, s0  }
0xbc: {  	s0 =	sadd.s32 $0x8F2B, s0  }
0xbd: {  	[sflag:s0] =	ssyncadd.remote.s32 $0x1  }
0xbe: {  	_ =	sfence.sel $0xFFFF  }
0xbf: {  	[dreg:$0x0] =	wrdreg $0xFFFFFFFF;
	(pc) =	sbr.abs _section_cstart, $3  }
0xc0: {  	[dreg:$0x1] =	wrdreg $0xFFFFFFFF  }
0xc1: {  	_ =	task.clear_ibuf [dreg:s7], $0x2FFFF;
	_ =	strace $0x9FFFFFFF  }
0xc2: {  	(tm) =	ssettm $0x7FFFFFFF  }
0xc3: {  	_ =	shalt  }
tec
execute0_lowered:
.L_overlay_start_1:
0x0: {  	(tag) =	ssettag $0x1  }
0x1: {  	s1 =	rddreg [dreg:$0x0]  }
0x2: {  	s2 =	rddreg [dreg:$0x1]  }
0x3: {  	s4 =	simm.s32 $0x0;
	s0 =	srdreg.scid;
	s3 =	stileid.u32  }
0x4: {  	v0 =	vimm.s32 $0xEDCBA987;
	s19 =	simm.s32 $0x2710;
	s28 =	simm.s32 $0xC360;
	s29 =	simm.s32 $0xCB30  }
0x5: {  	v1 =	vimm.s32 $0x65432100;
	s30 =	simm.s32 $0xD300;
	s31 =	simm.s32 $0x7530;
	v0 =	vunpack.c.l.s4.s8 v0;
	[smem:$0x7FF] =	sst s4  }
0x6: {  	v1 =	vunpack.c.l.s4.s8 v1;
	s0 =	sand.u32 $0x1, s0;
	s3 =	sshll.u32 s3, $0x1;
	s5 =	sadd.s32 $0x61C00, s1  }
0x7: {  	s6 =	sadd.s32 $0x30E00, s1;
	s9 =	sadd.s32 $0x92A00, s1;
	s20 =	sadd.s32 $0x92EE2, s1;
	v2 =	vunpack.c.0.s8.s32 v0  }
0x8: {  	s21 =	sadd.s32 $0x933C4, s1;
	_ =	strace $0x8000004A;
	[dreg:$0x3] =	wrdreg s9;
	v1 =	vunpack.c.0.s8.s32 v1  }
0x9: {  	v3 =	vimm.s32 $0xDCBA9876;
	s3 =	sor.u32 s0, s3;
	s0 =	ssub.s32 $0x2, s0;
	[dreg:$0x4] =	wrdreg s20;
	v2 =	vand.u32 $0xF, v2  }
0xa: {  	v6 =	vimm.s32 $0xE40000;
	[dreg:$0x5] =	wrdreg s21;
	s20 =	simm.s32 $0x4E20;
	s7 =	smul.u32 $0x4E2, s3;
	v1 =	vcombine.low v1, v2;
	v2 =	vimm.s32 $0x54321000  }
0xb: {  	s21 =	simm.s32 $0x9C40;
	s8 =	sshrl.u32 s0, $0x1;
	s3 =	smul.u32 $0xC350, s3;
	v4 =	vunpack.c.l.s4.s8 v2;
	v2 =	vunpack.c.l.s4.s8 v3;
	v3 =	vimm.s32 $0xBA987654  }
0xc: {  	v5 =	vimm.s32 $0x32100000;
	v6 =	vunpack.c.l.s2.s4 v6;
	s9 =	simm.s32 $0x0;
	s0 =	ssub.s32 s0, s8;
	s7 =	sadd.s32 s7, s1;
	v3 =	vunpack.c.l.s4.s8 v3  }
0xd: {  	vm0 =	vcmask $0x3F04;
	vm1 =	vcmask $0x3F08;
	v5 =	vunpack.c.l.s4.s8 v5;
	s22 =	sshrl.u32 s3, $0x3;
	s14 =	sadd.s32 $0x7D0, s3;
	s0 =	smax.u32 s0, $0x1  }
0xe: {  	v6 =	vunpack.c.l.s4.s8 v6;
	s15 =	sadd.s32 $0xFA0, s3;
	s23 =	sadd.s32 s5, s22;
	[dreg:$0xb] =	wrdreg s0;
	v7 =	vunpack.c.0.s8.s32 v2;
	v8 =	vunpack.c.0.s8.s32 v3  }
0xf: {  	vm2 =	vcmask $0x3F10;
	vm3 =	vcmask $0x3F30;
	v5 =	vunpack.c.0.s8.s32 v5;
	s3 =	simm.s32 $0xDAE0;
	s24 =	sadd.s32 s6, s22;
	[dreg:$0x6] =	wrdreg s23  }
.Ltmp0:
0x10: {  	v6 =	vunpack.c.0.s8.s32 v6;
	s25 =	sadd.s32 s1, s22;
	[dreg:$0x7] =	wrdreg s24;
	v3 =	vand.u32 $0xF, v7;
	v7 =	vand.u32 $0xF, v8;
	(pc) =	sbr.rel .LBB2_1-.Ltmp0, $4  }
0x11: {  	s8 =	sadd.s32 s2, s22;
	s26 =	sadd.s32 $0x93E00, s7;
	[dreg:$0x8] =	wrdreg s25;
	v4 =	vunpack.c.0.s8.s32 v4;
	v5 =	vcombine.low v5, v7;
	v7 =	vimm.s32 $0x7060504  }
0x12: {  	vm4 =	vcmask $0x3F3C;
	v0 =	vimm.f32 $0.0e+00;
	s22 =	simm.s32 $0xA410;
	s0 =	simm.s32 $0x2;
	[dreg:$0x9] =	wrdreg s8;
	v7 =	vunpack.c.0.s8.s32 v7  }
0x13: {  	[dreg:$0xa] =	wrdreg s26;
	s8 =	simm.s32 $0x3;
	s23 =	simm.s32 $0xABE0;
	v6 =	vand.u32 $0x3, v6;
	v2 =	vimm.s32 $0xFFFFFFFF;
	v3 =	vcombine.low v4, v3  }
0x14: {  	s24 =	simm.s32 $0xB3B0;
	s25 =	simm.s32 $0x1;
	s26 =	simm.s32 $0xBB90;
	v4 =	vlaneseq.u32;
	v6 =	vsel vm3, v7, v6;
	vm3 =	vcmask $0x3F20  }
.LBB2_20:
0x15: {  	v7 =	vmov s16  }
0x16: {  	(xrf0) =	vmax.scan.msk.f32 $0xffff, v23;
	_ =	sdelay $0x3  }
0x17: {  	v8 =	vld.idx.msk [tilespmem:v7+s31+$0x0], $0x1;
	_ =	sdelay $0x1  }
0x18: {  	v9, _, _ =	vpop (xrf0)  }
0x19: {  	v9 =	vbroadcast v9, $0xF;
	_ =	sdelay $0x1  }
0x1a: {  	v8 =	vmax.f32 v8, v9  }
0x1b: {  	s7 =	rddreg [dreg:$0xa];
	s8 =	simm.s32 $0x3;
	[tilespmem:v7+s31+$0x0] =	vst.idx.msk $0x1, v8  }
0x1c: {  	[hbm4b:s7+s4] =	stream.linear.scatter [tilespmem:s31], [sflag:$0x3], $0x2710, $0x38;
	[tilespmem:$0xDAF0] =	vst v63  }
0x1d: {  	_ =	swait.ge [sflag:s8], $0x2710  }
0x1e: {  	s9 =	rddreg [dreg:$0xc]  }
0x1f: {  	s18 =	rddreg [dreg:$0xb];
	s9 =	sadd.s32 $0x1, s9  }
0x20: {  	p0 =	sne.s32 s9, s18  }
.Ltmp1:
0x21: {  	_ = 	snop;
	(pc) =	sbr.rel @!p0 .LBB2_21-.Ltmp1, $3  }
0x22: {  	_ =	sdelay $0x1  }
0x23: {  	[sflag:s8] =	ssyncset.done $0x0  }
0x24: {  	[sflag:s8] =	ssyncadd.s32 $0xFFFFD8F0  }
.LBB2_1:
0x25: {  	[dreg:$0xc] =	wrdreg s9  }
0x26: {  	s7 =	rddreg [dreg:$0x3]  }
0x27: {  	[tilespmem:s4], [sflag:$0x3] =	stream.linear.gather [hbm4b:s7+s4], $0x2710, $0x38;
	[tilespmem:$0xDAF0] =	vst v63  }
0x28: {  	_ =	swait.ge [sflag:s8], $0x2710  }
0x29: {  	[sflag:s8] =	ssyncset.done $0x0  }
0x2a: {  	s17 =	rddreg [dreg:$0x4];
	[sflag:s8] =	ssyncadd.s32 $0xFFFFD8F0  }
0x2b: {  	[tilespmem:s19], [sflag:$0x3] =	stream.linear.gather [hbm4b:s17+s4], $0x2710, $0x38;
	[tilespmem:$0xDAF0] =	vst v63  }
0x2c: {  	_ =	swait.ge [sflag:s8], $0x2710  }
0x2d: {  	[sflag:s8] =	ssyncset.done $0x0  }
0x2e: {  	s18 =	rddreg [dreg:$0x5];
	[sflag:s8] =	ssyncadd.s32 $0xFFFFD8F0  }
0x2f: {  	[tilespmem:s20], [sflag:$0x3] =	stream.linear.gather [hbm4b:s18+s4], $0x2710, $0x38;
	[tilespmem:$0xDAF0] =	vst v63  }
0x30: {  	_ =	swait.ge [sflag:s8], $0x2710  }
0x31: {  	[sflag:s8] =	ssyncset.done $0x0  }
0x32: {  	s9 =	simm.s32 $0x0;
	[sflag:s8] =	ssyncadd.s32 $0xFFFFD8F0;
	s8 =	simm.s32 $0x40  }
.LBB2_2:
0x33: {  	p0 =	sne.s32 s8, $0x9C00;
	[tilespmem:s9+$0x7530] =	vst v0;
	s9 =	smov.u32 s8;
	s8 =	sadd.s32 $0x40, s8  }
.Ltmp2:
0x34: {  	(pc) =	sbr.rel @p0 .LBB2_2-.Ltmp2, $2  }
0x35: {  	_ =	sdelay $0x2  }
0x36: {  	s9 =	sshra.s32 s9, $0x2  }
0x37: {  	[tilespmem:s9+$0x7530] =	vst v0  }
0x38: {  	[tilespmem:$0xBB80] =	vst v2  }
0x39: {  	s8 =	simm.s32 $0x0;
	s7 =	rddreg [dreg:$0x6];
	[tilespmem:$0xDAD0] =	vst v2  }
0x3a: {  	[tilespmem:s21], [sflag:$0x1] =	stream.linear.gather [hbm4b:s7+s8], $0x7D0, $0x38;
	[tilespmem:$0xDAF0] =	vst v63  }
0x3b: {  	s16 =	rddreg [dreg:$0x7]  }
0x3c: {  	[tilespmem:s22], [sflag:$0x1] =	stream.linear.gather [hbm4b:s16+s8], $0x7D0, $0x38;
	[tilespmem:$0xDAF0] =	vst v63  }
.Ltmp3:
0x3d: {  	_ = 	snop;
	(pc) =	sbr.rel .LBB2_4-.Ltmp3, $4  }
0x3e: {  	s17 =	rddreg [dreg:$0x8]  }
0x3f: {  	[tilespmem:s23], [sflag:$0x1] =	stream.linear.gather [hbm4b:s17+s8], $0x7D0, $0x38;
	[tilespmem:$0xDAF0] =	vst v63  }
0x40: {  	s18 =	rddreg [dreg:$0x9]  }
0x41: {  	[tilespmem:s24], [sflag:$0x1] =	stream.linear.gather [hbm4b:s18+s8], $0x7D0, $0x38;
	[tilespmem:$0xDAF0] =	vst v63  }
.LBB2_14:
0x42: {  	v7 =	vmov s17  }
0x43: {  	(xrf0) =	vmax.scan.msk.f32 $0xffff, v23;
	_ =	sdelay $0x3  }
0x44: {  	s8 =	sadd.s32 $0x1, s8;
	v8 =	vld.idx.msk [tilespmem:v7+s31+$0x0], $0x1  }
0x45: {  	p0 =	sne.s32 s8, $0xC  }
.Ltmp4:
0x46: {  	v9, _, _ =	vpop (xrf0);
	(pc) =	sbr.rel @!p0 .LBB2_15-.Ltmp4, $3  }
0x47: {  	v9 =	vbroadcast v9, $0xF;
	_ =	sdelay $0x1  }
0x48: {  	v8 =	vmax.f32 v8, v9  }
0x49: {  	[tilespmem:v7+s31+$0x0] =	vst.idx.msk $0x1, v8  }
.LBB2_4:
0x4a: {  	_ =	swait.ge [sflag:s25], $0x7D0  }
0x4b: {  	[sflag:s25] =	ssyncset.done $0x0  }
0x4c: {  	[sflag:s25] =	ssyncadd.s32 $0xFFFFF830  }
0x4d: {  	_ =	swait.ge [sflag:s25], $0x7D0  }
0x4e: {  	[sflag:s25] =	ssyncset.done $0x0  }
0x4f: {  	[sflag:s25] =	ssyncadd.s32 $0xFFFFF830  }
0x50: {  	_ =	swait.ge [sflag:s25], $0x7D0  }
0x51: {  	s9 =	smul.u32 $0xFA0, s8;
	[sflag:s25] =	ssyncset.done $0x0  }
0x52: {  	[sflag:s25] =	ssyncadd.s32 $0xFFFFF830  }
0x53: {  	s10 =	sadd.s32 s9, s14;
	_ =	swait.ge [sflag:s25], $0x7D0  }
0x54: {  	s10 =	sshrl.u32 s10, $0x3;
	[sflag:s25] =	ssyncset.done $0x0  }
0x55: {  	s11 =	sadd.s32 s5, s10;
	[sflag:s25] =	ssyncadd.s32 $0xFFFFF830  }
0x56: {  	[tilespmem:s26], [sflag:$0x2] =	stream.linear.gather [hbm4b:s11+s4], $0x7D0, $0x38;
	[tilespmem:$0xDAF0] =	vst v63  }
0x57: {  	s17 =	sadd.s32 s6, s10  }
0x58: {  	[tilespmem:s28], [sflag:$0x2] =	stream.linear.gather [hbm4b:s17+s4], $0x7D0, $0x38;
	[tilespmem:$0xDAF0] =	vst v63  }
0x59: {  	s18 =	sadd.s32 s1, s10  }
0x5a: {  	[tilespmem:s29], [sflag:$0x2] =	stream.linear.gather [hbm4b:s18+s4], $0x7D0, $0x38;
	[tilespmem:$0xDAF0] =	vst v63  }
0x5b: {  	s10 =	sadd.s32 s2, s10  }
0x5c: {  	[tilespmem:s30], [sflag:$0x2] =	stream.linear.gather [hbm4b:s10+s4], $0x7D0, $0x38;
	[tilespmem:$0xDAF0] =	vst v63  }
0x5d: {  	v7 =	vld [tilespmem:$0xB3B0];
	_ =	sdelay $0x4  }
0x5e: {  	(v2sf) =	vpush v7, $0x0;
	_ =	sdelay $0x6  }
0x5f: {  	v7 =	vbroadcast v7, $0x0;
	_ =	sdelay $0x3  }
.Ltmp5:
0x60: {  	_ = 	snop;
	(pc) =	sbr.rel .LBB2_5-.Ltmp5, $4  }
0x61: {  	_ = 	snop  }
0x62: {  	v20 =	vld.idx.msk [tilespmem:v7+s4+$0x0], $0xffff  }
0x63: {  	s12 =	simm.s32 $0xA430;
	s16 =	simm.s32 $0xAC00;
	s11 =	simm.s32 $0x9C60;
	v21 =	vld.idx.msk [tilespmem:v7+s19+$0x0], $0xffff  }
0x64: {  	v23 =	vimm.f32 $0.0e+00;
	s17 =	simm.s32 $0xB3F0;
	s10 =	simm.s32 $0x41;
	v22 =	vld.idx.msk [tilespmem:v7+s20+$0x0], $0xffff;
	s18 =	spop (v2sf)  }
.LBB2_7:
0x65: {  	v20 =	vmov s18  }
0x66: {  	(xrf0) =	vmax.scan.msk.f32 $0xffff, v23;
	_ =	sdelay $0x3  }
0x67: {  	v21 =	vld.idx.msk [tilespmem:v20+s31+$0x0], $0x1;
	_ =	sdelay $0x1  }
0x68: {  	v22, _, _ =	vpop (xrf0)  }
0x69: {  	v22 =	vbroadcast v22, $0xF;
	_ =	sdelay $0x1  }
0x6a: {  	v21 =	vmax.f32 v21, v22  }
0x6b: {  	[tilespmem:v20+s31+$0x0] =	vst.idx.msk $0x1, v21  }
0x6c: {  	v20 =	vld [tilespmem:s17+$0xFFFFFFC0];
	_ =	sdelay $0x7  }
0x6d: {  	v21 =	vld.idx.msk [tilespmem:v20+s4+$0x0], $0xffff  }
0x6e: {  	v22 =	vld.idx.msk [tilespmem:v20+s19+$0x0], $0xffff;
	_ =	sdelay $0x1  }
0x6f: {  	v23 =	vld.idx.msk [tilespmem:v20+s20+$0x0], $0xffff;
	_ =	sdelay $0x2  }
0x70: {  	s7 =	sadd.s32 $0xFFFFFFBE, s10;
	v21 =	vsub.f32 v24, v21;
	v22 =	vsub.f32 v25, v22  }
0x71: {  	v42 =	vadd.s32 s7, v4  }
0x72: {  	v23 =	vsub.f32 v26, v23;
	v21 =	vmul.f32 v21, v21;
	v22 =	vmul.f32 v22, v22  }
0x73: {  	vm5 =	vgt.s32 v42, $0x0  }
0x74: {  	v21 =	vadd.f32 v22, v21;
	v22 =	vmul.f32 v23, v23;
	v23 =	vnsel vm5, $0x0, v42;
	_ =	sdelay $0x1  }
0x75: {  	v21 =	vadd.f32 v22, v21;
	_ =	sdelay $0x1  }
0x76: {  	[tilespmem:$0xDAE0] =	vst v21  }
0x77: {  	v22 =	vld.idx.msk [tilespmem:v23+s24+$0x0], $0xffff  }
0x78: {  	s7 =	sadd.s32 $0xFFFFFFBD, s10;
	v23 =	vld.idx.msk [tilespmem:v1+s3+$0x0], $0xffff  }
0x79: {  	v43 =	vadd.s32 s7, v4  }
0x7a: {  	vm5 =	vgt.s32 v43, $0x0  }
0x7b: {  	v24 =	vnsel vm5, $0x0, v43  }
0x7c: {  	vm5 =	veq.s32 v20, v22  }
0x7d: {  	v22 =	vmax.f32 v21, v23;
	vm5 =	vmand vm5, vm0  }
0x7e: {  	v21 =	vsel vm5, v22, v21  }
0x7f: {  	[tilespmem:$0xDAE0] =	vst v21  }
0x80: {  	v22 =	vld.idx.msk [tilespmem:v24+s24+$0x0], $0xffff  }
0x81: {  	s7 =	sadd.s32 $0xFFFFFFBB, s10;
	v23 =	vld.idx.msk [tilespmem:v3+s3+$0x0], $0xffff  }
0x82: {  	v44 =	vadd.s32 s7, v4  }
0x83: {  	vm5 =	vgt.s32 v44, $0x0  }
0x84: {  	v24 =	vnsel vm5, $0x0, v44  }
0x85: {  	vm5 =	veq.s32 v20, v22  }
0x86: {  	v22 =	vmax.f32 v21, v23;
	vm5 =	vmand vm5, vm1  }
0x87: {  	v21 =	vsel vm5, v22, v21  }
0x88: {  	[tilespmem:$0xDAE0] =	vst v21  }
0x89: {  	v22 =	vld.idx.msk [tilespmem:v24+s24+$0x0], $0xffff  }
0x8a: {  	v23 =	vld.idx.msk [tilespmem:v5+s3+$0x0], $0xffff;
	_ =	sdelay $0x1  }
0x8b: {  	s7 =	sadd.s32 $0xFFFFFFC0, s10  }
0x8c: {  	v45 =	vadd.s32 s7, v4  }
0x8d: {  	vm5 =	veq.s32 v20, v22  }
0x8e: {  	v22 =	vmax.f32 v21, v23;
	vm5 =	vmand vm5, vm2  }
0x8f: {  	v21 =	vsel vm5, v22, v21  }
0x90: {  	[tilespmem:$0xDAE0] =	vst v21  }
0x91: {  	v22 =	vld.idx.msk [tilespmem:v45+s24+$0x0], $0xffff  }
0x92: {  	s7 =	sadd.s32 $0xFFFFFFB7, s10  }
0x93: {  	v23 =	vadd.s32 s7, v4  }
0x94: {  	vm5 =	vgt.s32 v23, $0x0  }
0x95: {  	v23 =	vnsel vm5, $0x0, v23  }
0x96: {  	vm5 =	vne.s32 v20, v22  }
0x97: {  	vm5 =	vmor vm5, vm4;
	_ =	sdelay $0x2  }
0x98: {  	v22 =	vld.idx.msk [tilespmem:v23+s24+$0x0], $0xffff  }
0x99: {  	v23 =	vld.idx.msk [tilespmem:v6+s3+$0x0], $0xffff;
	_ =	sdelay $0x1  }
0x9a: {  	v46 =	vld.idx.msk [tilespmem:v20+s31+$0x0], vm5;
	_ =	sdelay $0x1  }
0x9b: {  	vm6 =	veq.s32 v20, v22  }
0x9c: {  	v22 =	vmax.f32 v21, v23;
	vm6 =	vmand vm6, vm3  }
0x9d: {  	v21 =	vsel vm6, v22, v21  }
0x9e: {  	v21 =	vmax.f32 v46, v21  }
0x9f: {  	[tilespmem:v20+s31+$0x0] =	vst.idx.msk vm5, v21  }
0xa0: {  	v20 =	vld [tilespmem:s17+$0xFFFFFFD0];
	_ =	sdelay $0x7  }
0xa1: {  	v21 =	vld.idx.msk [tilespmem:v20+s4+$0x0], $0xffff  }
0xa2: {  	v22 =	vld.idx.msk [tilespmem:v20+s19+$0x0], $0xffff;
	_ =	sdelay $0x1  }
0xa3: {  	v23 =	vld.idx.msk [tilespmem:v20+s20+$0x0], $0xffff;
	_ =	sdelay $0x2  }
0xa4: {  	v17 =	vsub.f32 v17, v21;
	v19 =	vsub.f32 v19, v22;
	_ =	sdelay $0x1  }
0xa5: {  	v18 =	vsub.f32 v18, v23;
	v17 =	vmul.f32 v17, v17;
	v19 =	vmul.f32 v19, v19  }
0xa6: {  	s7 =	sadd.s32 $0xFFFFFFCE, s10  }
0xa7: {  	v18 =	vmul.f32 v18, v18;
	v17 =	vadd.f32 v19, v17;
	v19 =	vadd.s32 s7, v4;
	_ =	sdelay $0x1  }
0xa8: {  	v17 =	vadd.f32 v18, v17;
	_ =	sdelay $0x1  }
0xa9: {  	[tilespmem:$0xDAE0] =	vst v17  }
0xaa: {  	v18 =	vld.idx.msk [tilespmem:v19+s24+$0x0], $0xffff  }
0xab: {  	v19 =	vld.idx.msk [tilespmem:v1+s3+$0x0], $0xffff;
	_ =	sdelay $0x1  }
0xac: {  	s7 =	sadd.s32 $0xFFFFFFCD, s10  }
0xad: {  	v21 =	vadd.s32 s7, v4  }
0xae: {  	vm5 =	veq.s32 v20, v18  }
0xaf: {  	v18 =	vmax.f32 v17, v19;
	vm5 =	vmand vm5, vm0  }
0xb0: {  	v17 =	vsel vm5, v18, v17  }
0xb1: {  	[tilespmem:$0xDAE0] =	vst v17  }
0xb2: {  	v18 =	vld.idx.msk [tilespmem:v21+s24+$0x0], $0xffff  }
0xb3: {  	v19 =	vld.idx.msk [tilespmem:v3+s3+$0x0], $0xffff;
	_ =	sdelay $0x1  }
0xb4: {  	s7 =	sadd.s32 $0xFFFFFFCB, s10  }
0xb5: {  	v21 =	vadd.s32 s7, v4  }
0xb6: {  	vm5 =	veq.s32 v20, v18  }
0xb7: {  	v18 =	vmax.f32 v17, v19;
	vm5 =	vmand vm5, vm1  }
0xb8: {  	v17 =	vsel vm5, v18, v17  }
0xb9: {  	[tilespmem:$0xDAE0] =	vst v17  }
0xba: {  	v18 =	vld.idx.msk [tilespmem:v21+s24+$0x0], $0xffff  }
0xbb: {  	v19 =	vld.idx.msk [tilespmem:v5+s3+$0x0], $0xffff;
	_ =	sdelay $0x1  }
0xbc: {  	s7 =	sadd.s32 $0xFFFFFFD0, s10  }
0xbd: {  	v21 =	vadd.s32 s7, v4  }
0xbe: {  	vm5 =	veq.s32 v20, v18  }
0xbf: {  	v18 =	vmax.f32 v17, v19;
	vm5 =	vmand vm5, vm2  }
0xc0: {  	v17 =	vsel vm5, v18, v17  }
0xc1: {  	[tilespmem:$0xDAE0] =	vst v17  }
0xc2: {  	v18 =	vld.idx.msk [tilespmem:v21+s24+$0x0], $0xffff;
	_ =	sdelay $0x2  }
0xc3: {  	s7 =	sadd.s32 $0xFFFFFFC7, s10  }
0xc4: {  	v19 =	vadd.s32 s7, v4  }
0xc5: {  	vm5 =	vne.s32 v20, v18  }
0xc6: {  	vm5 =	vmor vm5, vm4;
	_ =	sdelay $0x2  }
0xc7: {  	v18 =	vld.idx.msk [tilespmem:v19+s24+$0x0], $0xffff  }
0xc8: {  	v19 =	vld.idx.msk [tilespmem:v6+s3+$0x0], $0xffff;
	_ =	sdelay $0x1  }
0xc9: {  	v21 =	vld.idx.msk [tilespmem:v20+s31+$0x0], vm5;
	_ =	sdelay $0x1  }
0xca: {  	vm6 =	veq.s32 v20, v18  }
0xcb: {  	v18 =	vmax.f32 v17, v19;
	vm6 =	vmand vm6, vm3  }
0xcc: {  	v17 =	vsel vm6, v18, v17  }
0xcd: {  	v17 =	vmax.f32 v21, v17  }
0xce: {  	[tilespmem:v20+s31+$0x0] =	vst.idx.msk vm5, v17  }
0xcf: {  	v17 =	vld [tilespmem:s17+$0xFFFFFFE0];
	_ =	sdelay $0x7  }
0xd0: {  	v18 =	vld.idx.msk [tilespmem:v17+s4+$0x0], $0xffff  }
0xd1: {  	v19 =	vld.idx.msk [tilespmem:v17+s19+$0x0], $0xffff;
	_ =	sdelay $0x1  }
0xd2: {  	v20 =	vld.idx.msk [tilespmem:v17+s20+$0x0], $0xffff;
	_ =	sdelay $0x2  }
0xd3: {  	v14 =	vsub.f32 v14, v18;
	v16 =	vsub.f32 v16, v19;
	_ =	sdelay $0x1  }
0xd4: {  	v15 =	vsub.f32 v15, v20;
	v14 =	vmul.f32 v14, v14;
	v16 =	vmul.f32 v16, v16  }
0xd5: {  	s7 =	sadd.s32 $0xFFFFFFDE, s10  }
0xd6: {  	v47 =	vadd.s32 s7, v4;
	v15 =	vmul.f32 v15, v15;
	v14 =	vadd.f32 v16, v14;
	_ =	sdelay $0x1  }
0xd7: {  	v14 =	vadd.f32 v15, v14;
	_ =	sdelay $0x1  }
0xd8: {  	[tilespmem:$0xDAE0] =	vst v14  }
0xd9: {  	v48 =	vld.idx.msk [tilespmem:v47+s24+$0x0], $0xffff  }
0xda: {  	v49 =	vld.idx.msk [tilespmem:v1+s3+$0x0], $0xffff;
	_ =	sdelay $0x1  }
0xdb: {  	s7 =	sadd.s32 $0xFFFFFFDD, s10  }
0xdc: {  	v18 =	vadd.s32 s7, v4  }
0xdd: {  	vm5 =	veq.s32 v17, v48  }
0xde: {  	v50 =	vmax.f32 v14, v49;
	vm5 =	vmand vm5, vm0  }
0xdf: {  	v14 =	vsel vm5, v50, v14  }
0xe0: {  	[tilespmem:$0xDAE0] =	vst v14  }
0xe1: {  	v51 =	vld.idx.msk [tilespmem:v18+s24+$0x0], $0xffff  }
0xe2: {  	v52 =	vld.idx.msk [tilespmem:v3+s3+$0x0], $0xffff;
	_ =	sdelay $0x1  }
0xe3: {  	s7 =	sadd.s32 $0xFFFFFFDB, s10  }
0xe4: {  	v18 =	vadd.s32 s7, v4  }
0xe5: {  	vm5 =	veq.s32 v17, v51  }
0xe6: {  	v53 =	vmax.f32 v14, v52;
	vm5 =	vmand vm5, vm1  }
0xe7: {  	v14 =	vsel vm5, v53, v14  }
0xe8: {  	[tilespmem:$0xDAE0] =	vst v14  }
0xe9: {  	v54 =	vld.idx.msk [tilespmem:v18+s24+$0x0], $0xffff  }
0xea: {  	v55 =	vld.idx.msk [tilespmem:v5+s3+$0x0], $0xffff;
	_ =	sdelay $0x1  }
0xeb: {  	s7 =	sadd.s32 $0xFFFFFFE0, s10  }
0xec: {  	v18 =	vadd.s32 s7, v4  }
0xed: {  	vm5 =	veq.s32 v17, v54  }
0xee: {  	v56 =	vmax.f32 v14, v55;
	vm5 =	vmand vm5, vm2  }
0xef: {  	v14 =	vsel vm5, v56, v14  }
0xf0: {  	[tilespmem:$0xDAE0] =	vst v14  }
0xf1: {  	v57 =	vld.idx.msk [tilespmem:v18+s24+$0x0], $0xffff;
	_ =	sdelay $0x2  }
0xf2: {  	s7 =	sadd.s32 $0xFFFFFFD7, s10  }
0xf3: {  	v58 =	vadd.s32 s7, v4  }
0xf4: {  	vm5 =	vne.s32 v17, v57  }
0xf5: {  	vm5 =	vmor vm5, vm4;
	_ =	sdelay $0x2  }
0xf6: {  	v59 =	vld.idx.msk [tilespmem:v58+s24+$0x0], $0xffff  }
0xf7: {  	v60 =	vld.idx.msk [tilespmem:v6+s3+$0x0], $0xffff;
	_ =	sdelay $0x1  }
0xf8: {  	v18 =	vld.idx.msk [tilespmem:v17+s31+$0x0], vm5;
	_ =	sdelay $0x1  }
0xf9: {  	vm6 =	veq.s32 v17, v59  }
0xfa: {  	v61 =	vmax.f32 v14, v60;
	vm6 =	vmand vm6, vm3  }
0xfb: {  	v14 =	vsel vm6, v61, v14  }
0xfc: {  	v14 =	vmax.f32 v18, v14  }
0xfd: {  	[tilespmem:v17+s31+$0x0] =	vst.idx.msk vm5, v14  }
0xfe: {  	v14 =	vld [tilespmem:s17+$0xFFFFFFF0];
	_ =	sdelay $0x7  }
0xff: {  	v62 =	vld.idx.msk [tilespmem:v14+s4+$0x0], $0xffff  }
0x100: {  	v63 =	vld.idx.msk [tilespmem:v14+s19+$0x0], $0xffff;
	_ =	sdelay $0x1  }
0x101: {  	v17 =	vld.idx.msk [tilespmem:v14+s20+$0x0], $0xffff;
	_ =	sdelay $0x2  }
0x102: {  	v11 =	vsub.f32 v11, v62;
	v12 =	vsub.f32 v12, v63;
	_ =	sdelay $0x1  }
0x103: {  	v13 =	vsub.f32 v13, v17;
	v11 =	vmul.f32 v11, v11;
	v12 =	vmul.f32 v12, v12  }
0x104: {  	s7 =	sadd.s32 $0xFFFFFFEE, s10  }
0x105: {  	v17 =	vadd.s32 s7, v4;
	v16 =	vmul.f32 v13, v13;
	v11 =	vadd.f32 v12, v11;
	_ =	sdelay $0x1  }
0x106: {  	v11 =	vadd.f32 v16, v11;
	_ =	sdelay $0x1  }
0x107: {  	[tilespmem:$0xDAE0] =	vst v11  }
0x108: {  	v24 =	vld.idx.msk [tilespmem:v17+s24+$0x0], $0xffff  }
0x109: {  	v25 =	vld.idx.msk [tilespmem:v1+s3+$0x0], $0xffff;
	_ =	sdelay $0x1  }
0x10a: {  	s7 =	sadd.s32 $0xFFFFFFED, s10  }
0x10b: {  	v26 =	vadd.s32 s7, v4  }
0x10c: {  	vm5 =	veq.s32 v14, v24  }
0x10d: {  	v27 =	vmax.f32 v11, v25;
	vm5 =	vmand vm5, vm0  }
0x10e: {  	v11 =	vsel vm5, v27, v11  }
0x10f: {  	[tilespmem:$0xDAE0] =	vst v11  }
0x110: {  	v28 =	vld.idx.msk [tilespmem:v26+s24+$0x0], $0xffff  }
0x111: {  	v29 =	vld.idx.msk [tilespmem:v3+s3+$0x0], $0xffff;
	_ =	sdelay $0x1  }
0x112: {  	s7 =	sadd.s32 $0xFFFFFFEB, s10  }
0x113: {  	v30 =	vadd.s32 s7, v4  }
0x114: {  	vm5 =	veq.s32 v14, v28  }
0x115: {  	v31 =	vmax.f32 v11, v29;
	vm5 =	vmand vm5, vm1  }
0x116: {  	v11 =	vsel vm5, v31, v11  }
0x117: {  	[tilespmem:$0xDAE0] =	vst v11  }
0x118: {  	v32 =	vld.idx.msk [tilespmem:v30+s24+$0x0], $0xffff  }
0x119: {  	v33 =	vld.idx.msk [tilespmem:v5+s3+$0x0], $0xffff;
	_ =	sdelay $0x1  }
0x11a: {  	s7 =	sadd.s32 $0xFFFFFFF0, s10  }
0x11b: {  	v34 =	vadd.s32 s7, v4  }
0x11c: {  	vm5 =	veq.s32 v14, v32  }
0x11d: {  	v35 =	vmax.f32 v11, v33;
	vm5 =	vmand vm5, vm2  }
0x11e: {  	v11 =	vsel vm5, v35, v11  }
0x11f: {  	[tilespmem:$0xDAE0] =	vst v11  }
0x120: {  	v36 =	vld.idx.msk [tilespmem:v34+s24+$0x0], $0xffff;
	_ =	sdelay $0x2  }
0x121: {  	s7 =	sadd.s32 $0xFFFFFFE7, s10  }
0x122: {  	v37 =	vadd.s32 s7, v4  }
0x123: {  	vm5 =	vne.s32 v14, v36  }
0x124: {  	vm5 =	vmor vm5, vm4;
	_ =	sdelay $0x2  }
0x125: {  	v38 =	vld.idx.msk [tilespmem:v37+s24+$0x0], $0xffff  }
0x126: {  	v39 =	vld.idx.msk [tilespmem:v6+s3+$0x0], $0xffff;
	_ =	sdelay $0x1  }
0x127: {  	v40 =	vld.idx.msk [tilespmem:v14+s31+$0x0], vm5;
	_ =	sdelay $0x1  }
0x128: {  	vm6 =	veq.s32 v14, v38  }
0x129: {  	v41 =	vmax.f32 v11, v39;
	vm6 =	vmand vm6, vm3  }
0x12a: {  	v11 =	vsel vm6, v41, v11  }
0x12b: {  	v11 =	vmax.f32 v40, v11  }
0x12c: {  	[tilespmem:v14+s31+$0x0] =	vst.idx.msk vm5, v11  }
0x12d: {  	v11 =	vld [tilespmem:s17+$0x0];
	_ =	sdelay $0x7  }
0x12e: {  	v42 =	vld.idx.msk [tilespmem:v11+s4+$0x0], $0xffff  }
0x12f: {  	v43 =	vld.idx.msk [tilespmem:v11+s19+$0x0], $0xffff;
	_ =	sdelay $0x1  }
0x130: {  	v14 =	vld.idx.msk [tilespmem:v11+s20+$0x0], $0xffff;
	_ =	sdelay $0x2  }
0x131: {  	v8 =	vsub.f32 v8, v42;
	v9 =	vsub.f32 v9, v43;
	_ =	sdelay $0x1  }
0x132: {  	v10 =	vsub.f32 v10, v14;
	v8 =	vmul.f32 v8, v8;
	v9 =	vmul.f32 v9, v9  }
0x133: {  	s7 =	sadd.s32 $0xFFFFFFFE, s10  }
0x134: {  	v45 =	vadd.s32 s7, v4;
	v44 =	vmul.f32 v10, v10;
	v8 =	vadd.f32 v9, v8;
	_ =	sdelay $0x1  }
0x135: {  	v8 =	vadd.f32 v44, v8;
	_ =	sdelay $0x1  }
0x136: {  	[tilespmem:$0xDAE0] =	vst v8  }
0x137: {  	v46 =	vld.idx.msk [tilespmem:v45+s24+$0x0], $0xffff  }
0x138: {  	v47 =	vld.idx.msk [tilespmem:v1+s3+$0x0], $0xffff;
	_ =	sdelay $0x1  }
0x139: {  	s7 =	sadd.s32 $0xFFFFFFFD, s10  }
0x13a: {  	v48 =	vadd.s32 s7, v4  }
0x13b: {  	vm5 =	veq.s32 v11, v46  }
0x13c: {  	v49 =	vmax.f32 v8, v47;
	vm5 =	vmand vm5, vm0  }
0x13d: {  	v8 =	vsel vm5, v49, v8  }
0x13e: {  	[tilespmem:$0xDAE0] =	vst v8  }
0x13f: {  	v50 =	vld.idx.msk [tilespmem:v48+s24+$0x0], $0xffff  }
0x140: {  	v51 =	vld.idx.msk [tilespmem:v3+s3+$0x0], $0xffff;
	_ =	sdelay $0x1  }
0x141: {  	s7 =	sadd.s32 $0xFFFFFFFB, s10  }
0x142: {  	v52 =	vadd.s32 s7, v4  }
0x143: {  	vm5 =	veq.s32 v11, v50  }
0x144: {  	v53 =	vmax.f32 v8, v51;
	vm5 =	vmand vm5, vm1  }
0x145: {  	v8 =	vsel vm5, v53, v8  }
0x146: {  	[tilespmem:$0xDAE0] =	vst v8  }
0x147: {  	v54 =	vld.idx.msk [tilespmem:v52+s24+$0x0], $0xffff  }
0x148: {  	v55 =	vld.idx.msk [tilespmem:v5+s3+$0x0], $0xffff;
	_ =	sdelay $0x2  }
0x149: {  	v56 =	vadd.s32 s10, v4  }
0x14a: {  	vm5 =	veq.s32 v11, v54  }
0x14b: {  	v57 =	vmax.f32 v8, v55;
	vm5 =	vmand vm5, vm2  }
0x14c: {  	v8 =	vsel vm5, v57, v8  }
0x14d: {  	[tilespmem:$0xDAE0] =	vst v8  }
0x14e: {  	v58 =	vld.idx.msk [tilespmem:v56+s24+$0x0], $0xffff;
	_ =	sdelay $0x2  }
0x14f: {  	s7 =	sadd.s32 $0xFFFFFFF7, s10  }
0x150: {  	v59 =	vadd.s32 s7, v4  }
0x151: {  	vm5 =	vne.s32 v11, v58  }
0x152: {  	vm5 =	vmor vm5, vm4;
	_ =	sdelay $0x2  }
0x153: {  	v60 =	vld.idx.msk [tilespmem:v59+s24+$0x0], $0xffff  }
0x154: {  	v61 =	vld.idx.msk [tilespmem:v6+s3+$0x0], $0xffff;
	_ =	sdelay $0x1  }
0x155: {  	v62 =	vld.idx.msk [tilespmem:v11+s31+$0x0], vm5  }
0x156: {  	v7 =	vbroadcast v7, $0xF  }
0x157: {  	vm6 =	veq.s32 v11, v60  }
0x158: {  	v63 =	vmax.f32 v8, v61;
	vm6 =	vmand vm6, vm3  }
0x159: {  	v8 =	vsel vm6, v63, v8  }
0x15a: {  	v8 =	vmax.f32 v62, v8  }
0x15b: {  	[tilespmem:v11+s31+$0x0] =	vst.idx.msk vm5, v8  }
0x15c: {  	v20 =	vld.idx.msk [tilespmem:v7+s4+$0x0], $0xffff  }
0x15d: {  	v21 =	vld.idx.msk [tilespmem:v7+s19+$0x0], $0xffff  }
0x15e: {  	v23 =	vimm.f32 $0.0e+00;
	v22 =	vld.idx.msk [tilespmem:v7+s20+$0x0], $0xffff  }
.LBB2_8:
0x15f: {  	s10 =	sadd.s32 $0x50, s10  }
0x160: {  	s13 =	smov.u32 @p0 s18;
	p0 =	sne.s32 s10, $0x811  }
.Ltmp6:
0x161: {  	_ = 	snop;
	(pc) =	sbr.rel @!p0 .LBB2_9-.Ltmp6, $3  }
0x162: {  	_ =	sdelay $0x1  }
0x163: {  	s11 =	sadd.s32 $0x50, s11;
	s12 =	sadd.s32 $0x50, s12  }
0x164: {  	s16 =	sadd.s32 $0x50, s16;
	s17 =	sadd.s32 $0x50, s17;
	s18 =	smov.u32 s13  }
.LBB2_5:
0x165: {  	v8 =	vld [tilespmem:s17+$0xFFFFFFC0]  }
0x166: {  	v7 =	vld [tilespmem:s17+$0x0];
	_ =	sdelay $0x3  }
0x167: {  	(v2sf) =	vpush v8, $0x0  }
0x168: {  	(v2sf) =	vpush v7, $0xF;
	_ =	sdelay $0x8  }
0x169: {  	v24 =	vld [tilespmem:s11+$0xFFFFFFE0]  }
0x16a: {  	v17 =	vld [tilespmem:s11+$0xFFFFFFF0]  }
0x16b: {  	v14 =	vld [tilespmem:s11+$0x0]  }
0x16c: {  	v11 =	vld [tilespmem:s11+$0x10]  }
0x16d: {  	v25 =	vld [tilespmem:s12+$0xFFFFFFE0]  }
0x16e: {  	v19 =	vld [tilespmem:s12+$0xFFFFFFF0];
	s7 =	spop (v2sf)  }
0x16f: {  	v16 =	vld [tilespmem:s12+$0x0];
	s13 =	spop (v2sf)  }
0x170: {  	v12 =	vld [tilespmem:s12+$0x10];
	p0 =	seq.s32 s7, s18;
	p1 =	seq.s32 s7, s13  }
0x171: {  	v9 =	vld [tilespmem:s12+$0x20];
	p0 =	por !p0, !p1  }
0x172: {  	v26 =	vld [tilespmem:s16+$0xFFFFFFE0];
	p0 =	por !p0, !p0  }
.Ltmp7:
0x173: {  	v18 =	vld [tilespmem:s16+$0xFFFFFFF0];
	(pc) =	sbr.rel @!p0 .LBB2_7-.Ltmp7, $4  }
0x174: {  	v15 =	vld [tilespmem:s16+$0x0]  }
0x175: {  	v13 =	vld [tilespmem:s16+$0x10]  }
0x176: {  	v10 =	vld [tilespmem:s16+$0x20]  }
0x177: {  	v8 =	vld [tilespmem:s11+$0x20]  }
0x178: {  	v7 =	vsub.f32 v24, v20  }
0x179: {  	v56 =	vsub.f32 v25, v21;
	v57 =	vsub.f32 v26, v22  }
0x17a: {  	v17 =	vsub.f32 v17, v20;
	v19 =	vsub.f32 v19, v21  }
0x17b: {  	v14 =	vsub.f32 v14, v20;
	v16 =	vsub.f32 v16, v21  }
0x17c: {  	v18 =	vsub.f32 v18, v22;
	v11 =	vsub.f32 v11, v20  }
0x17d: {  	v12 =	vsub.f32 v12, v21;
	v7 =	vmul.f32 v7, v7;
	v24 =	vmul.f32 v56, v56  }
0x17e: {  	v9 =	vsub.f32 v9, v21;
	v58 =	vmul.f32 v57, v57;
	v17 =	vmul.f32 v17, v17  }
0x17f: {  	v15 =	vsub.f32 v15, v22;
	v19 =	vmul.f32 v19, v19;
	v14 =	vmul.f32 v14, v14  }
0x180: {  	v16 =	vmul.f32 v16, v16;
	v59 =	vmul.f32 v18, v18;
	v13 =	vsub.f32 v13, v22  }
0x181: {  	v11 =	vmul.f32 v11, v11;
	v12 =	vmul.f32 v12, v12;
	v10 =	vsub.f32 v10, v22  }
0x182: {  	v9 =	vmul.f32 v9, v9;
	v7 =	vadd.f32 v24, v7;
	v8 =	vsub.f32 v8, v20  }
0x183: {  	v15 =	vmul.f32 v15, v15;
	v17 =	vadd.f32 v19, v17;
	v14 =	vadd.f32 v16, v14  }
0x184: {  	v11 =	vadd.f32 v12, v11;
	v7 =	vadd.f32 v58, v7;
	v8 =	vmul.f32 v8, v8  }
0x185: {  	v60 =	vmul.f32 v13, v13;
	v62 =	vmul.f32 v10, v10;
	v16 =	vadd.f32 v59, v17  }
.Ltmp8:
0x186: {  	v61 =	vadd.f32 v15, v14;
	v7 =	vmax.f32 v23, v7;
	v8 =	vadd.f32 v9, v8;
	(pc) =	sbr.rel .LBB2_8-.Ltmp8, $4  }
0x187: {  	v63 =	vadd.f32 v60, v11;
	v7 =	vmax.f32 v7, v16  }
0x188: {  	v7 =	vmax.f32 v7, v61;
	v8 =	vadd.f32 v62, v8  }
0x189: {  	v7 =	vmax.f32 v7, v63  }
0x18a: {  	v23 =	vmax.f32 v7, v8  }
.LBB2_9:
0x18b: {  	v7 =	vmov s13  }
0x18c: {  	(xrf0) =	vmax.scan.msk.f32 $0xffff, v23;
	_ =	sdelay $0x3  }
0x18d: {  	v8 =	vld.idx.msk [tilespmem:v7+s31+$0x0], $0x1;
	_ =	sdelay $0x1  }
0x18e: {  	v9, _, _ =	vpop (xrf0)  }
0x18f: {  	v9 =	vbroadcast v9, $0xF;
	_ =	sdelay $0x1  }
0x190: {  	v8 =	vmax.f32 v8, v9  }
0x191: {  	[tilespmem:v7+s31+$0x0] =	vst.idx.msk $0x1, v8  }
0x192: {  	_ =	swait.ge [sflag:s0], $0x7D0  }
0x193: {  	[sflag:s0] =	ssyncset.done $0x0  }
0x194: {  	[sflag:s0] =	ssyncadd.s32 $0xFFFFF830  }
0x195: {  	_ =	swait.ge [sflag:s0], $0x7D0  }
0x196: {  	[sflag:s0] =	ssyncset.done $0x0  }
0x197: {  	[sflag:s0] =	ssyncadd.s32 $0xFFFFF830  }
0x198: {  	_ =	swait.ge [sflag:s0], $0x7D0  }
0x199: {  	[sflag:s0] =	ssyncset.done $0x0  }
0x19a: {  	[sflag:s0] =	ssyncadd.s32 $0xFFFFF830  }
0x19b: {  	s7 =	sadd.s32 s9, s15;
	_ =	swait.ge [sflag:s0], $0x7D0  }
0x19c: {  	s7 =	sshrl.u32 s7, $0x3;
	[sflag:s0] =	ssyncset.done $0x0  }
0x19d: {  	s16 =	sadd.s32 s5, s7;
	[sflag:s0] =	ssyncadd.s32 $0xFFFFF830  }
0x19e: {  	[tilespmem:s21], [sflag:$0x1] =	stream.linear.gather [hbm4b:s16+s4], $0x7D0, $0x38;
	[tilespmem:$0xDAF0] =	vst v63  }
0x19f: {  	s17 =	sadd.s32 s6, s7  }
0x1a0: {  	[tilespmem:s22], [sflag:$0x1] =	stream.linear.gather [hbm4b:s17+s4], $0x7D0, $0x38;
	[tilespmem:$0xDAF0] =	vst v63  }
0x1a1: {  	s18 =	sadd.s32 s1, s7  }
0x1a2: {  	[tilespmem:s23], [sflag:$0x1] =	stream.linear.gather [hbm4b:s18+s4], $0x7D0, $0x38;
	[tilespmem:$0xDAF0] =	vst v63  }
0x1a3: {  	s7 =	sadd.s32 s2, s7  }
0x1a4: {  	[tilespmem:s24], [sflag:$0x1] =	stream.linear.gather [hbm4b:s7+s4], $0x7D0, $0x38;
	[tilespmem:$0xDAF0] =	vst v63  }
0x1a5: {  	v7 =	vld [tilespmem:$0xD300];
	_ =	sdelay $0x4  }
0x1a6: {  	(v2sf) =	vpush v7, $0x0;
	_ =	sdelay $0x6  }
0x1a7: {  	v7 =	vbroadcast v7, $0x0;
	_ =	sdelay $0x3  }
.Ltmp9:
0x1a8: {  	_ = 	snop;
	(pc) =	sbr.rel .LBB2_10-.Ltmp9, $4  }
0x1a9: {  	_ = 	snop  }
0x1aa: {  	v20 =	vld.idx.msk [tilespmem:v7+s4+$0x0], $0xffff  }
0x1ab: {  	s9 =	simm.s32 $0x41;
	s10 =	simm.s32 $0xBBB0;
	s11 =	simm.s32 $0xC380;
	v21 =	vld.idx.msk [tilespmem:v7+s19+$0x0], $0xffff  }
0x1ac: {  	v23 =	vimm.f32 $0.0e+00;
	s13 =	simm.s32 $0xCB50;
	s16 =	simm.s32 $0xD340;
	v22 =	vld.idx.msk [tilespmem:v7+s20+$0x0], $0xffff;
	s12 =	spop (v2sf)  }
.LBB2_12:
0x1ad: {  	v20 =	vmov s12  }
0x1ae: {  	(xrf0) =	vmax.scan.msk.f32 $0xffff, v23;
	_ =	sdelay $0x3  }
0x1af: {  	v21 =	vld.idx.msk [tilespmem:v20+s31+$0x0], $0x1;
	_ =	sdelay $0x1  }
0x1b0: {  	v22, _, _ =	vpop (xrf0)  }
0x1b1: {  	v22 =	vbroadcast v22, $0xF;
	_ =	sdelay $0x1  }
0x1b2: {  	v21 =	vmax.f32 v21, v22  }
0x1b3: {  	[tilespmem:v20+s31+$0x0] =	vst.idx.msk $0x1, v21  }
0x1b4: {  	v20 =	vld [tilespmem:s16+$0xFFFFFFC0];
	_ =	sdelay $0x7  }
0x1b5: {  	v21 =	vld.idx.msk [tilespmem:v20+s4+$0x0], $0xffff  }
0x1b6: {  	v22 =	vld.idx.msk [tilespmem:v20+s19+$0x0], $0xffff;
	_ =	sdelay $0x1  }
0x1b7: {  	v23 =	vld.idx.msk [tilespmem:v20+s20+$0x0], $0xffff;
	_ =	sdelay $0x2  }
0x1b8: {  	s7 =	sadd.s32 $0xFFFFFFBE, s9;
	v21 =	vsub.f32 v24, v21;
	v22 =	vsub.f32 v25, v22  }
0x1b9: {  	v42 =	vadd.s32 s7, v4  }
0x1ba: {  	v23 =	vsub.f32 v26, v23;
	v21 =	vmul.f32 v21, v21;
	v22 =	vmul.f32 v22, v22  }
0x1bb: {  	vm5 =	vgt.s32 v42, $0x0  }
0x1bc: {  	v21 =	vadd.f32 v22, v21;
	v22 =	vmul.f32 v23, v23;
	v23 =	vnsel vm5, $0x0, v42;
	_ =	sdelay $0x1  }
0x1bd: {  	v21 =	vadd.f32 v22, v21;
	_ =	sdelay $0x1  }
0x1be: {  	[tilespmem:$0xDAE0] =	vst v21  }
0x1bf: {  	v22 =	vld.idx.msk [tilespmem:v23+s30+$0x0], $0xffff  }
0x1c0: {  	s18 =	sadd.s32 $0xFFFFFFBD, s9;
	v23 =	vld.idx.msk [tilespmem:v1+s3+$0x0], $0xffff  }
0x1c1: {  	v43 =	vadd.s32 s18, v4  }
0x1c2: {  	vm5 =	vgt.s32 v43, $0x0  }
0x1c3: {  	v24 =	vnsel vm5, $0x0, v43  }
0x1c4: {  	vm5 =	veq.s32 v20, v22  }
0x1c5: {  	v22 =	vmax.f32 v21, v23;
	vm5 =	vmand vm5, vm0  }
0x1c6: {  	v21 =	vsel vm5, v22, v21  }
0x1c7: {  	[tilespmem:$0xDAE0] =	vst v21  }
0x1c8: {  	v22 =	vld.idx.msk [tilespmem:v24+s30+$0x0], $0xffff  }
0x1c9: {  	s18 =	sadd.s32 $0xFFFFFFBB, s9;
	v23 =	vld.idx.msk [tilespmem:v3+s3+$0x0], $0xffff  }
0x1ca: {  	v44 =	vadd.s32 s18, v4  }
0x1cb: {  	vm5 =	vgt.s32 v44, $0x0  }
0x1cc: {  	v24 =	vnsel vm5, $0x0, v44  }
0x1cd: {  	vm5 =	veq.s32 v20, v22  }
0x1ce: {  	v22 =	vmax.f32 v21, v23;
	vm5 =	vmand vm5, vm1  }
0x1cf: {  	v21 =	vsel vm5, v22, v21  }
0x1d0: {  	[tilespmem:$0xDAE0] =	vst v21  }
0x1d1: {  	v22 =	vld.idx.msk [tilespmem:v24+s30+$0x0], $0xffff  }
0x1d2: {  	v23 =	vld.idx.msk [tilespmem:v5+s3+$0x0], $0xffff;
	_ =	sdelay $0x1  }
0x1d3: {  	s18 =	sadd.s32 $0xFFFFFFC0, s9  }
0x1d4: {  	v45 =	vadd.s32 s18, v4  }
0x1d5: {  	vm5 =	veq.s32 v20, v22  }
0x1d6: {  	v22 =	vmax.f32 v21, v23;
	vm5 =	vmand vm5, vm2  }
0x1d7: {  	v21 =	vsel vm5, v22, v21  }
0x1d8: {  	[tilespmem:$0xDAE0] =	vst v21  }
0x1d9: {  	v22 =	vld.idx.msk [tilespmem:v45+s30+$0x0], $0xffff  }
0x1da: {  	s18 =	sadd.s32 $0xFFFFFFB7, s9  }
0x1db: {  	v23 =	vadd.s32 s18, v4  }
0x1dc: {  	vm5 =	vgt.s32 v23, $0x0  }
0x1dd: {  	v23 =	vnsel vm5, $0x0, v23  }
0x1de: {  	vm5 =	vne.s32 v20, v22  }
0x1df: {  	vm5 =	vmor vm5, vm4;
	_ =	sdelay $0x2  }
0x1e0: {  	v22 =	vld.idx.msk [tilespmem:v23+s30+$0x0], $0xffff  }
0x1e1: {  	v23 =	vld.idx.msk [tilespmem:v6+s3+$0x0], $0xffff;
	_ =	sdelay $0x1  }
0x1e2: {  	v46 =	vld.idx.msk [tilespmem:v20+s31+$0x0], vm5;
	_ =	sdelay $0x1  }
0x1e3: {  	vm6 =	veq.s32 v20, v22  }
0x1e4: {  	v22 =	vmax.f32 v21, v23;
	vm6 =	vmand vm6, vm3  }
0x1e5: {  	v21 =	vsel vm6, v22, v21  }
0x1e6: {  	v21 =	vmax.f32 v46, v21  }
0x1e7: {  	[tilespmem:v20+s31+$0x0] =	vst.idx.msk vm5, v21  }
0x1e8: {  	v20 =	vld [tilespmem:s16+$0xFFFFFFD0];
	_ =	sdelay $0x7  }
0x1e9: {  	v21 =	vld.idx.msk [tilespmem:v20+s4+$0x0], $0xffff  }
0x1ea: {  	v22 =	vld.idx.msk [tilespmem:v20+s19+$0x0], $0xffff;
	_ =	sdelay $0x1  }
0x1eb: {  	v23 =	vld.idx.msk [tilespmem:v20+s20+$0x0], $0xffff;
	_ =	sdelay $0x2  }
0x1ec: {  	v17 =	vsub.f32 v17, v21;
	v19 =	vsub.f32 v19, v22;
	_ =	sdelay $0x1  }
0x1ed: {  	v18 =	vsub.f32 v18, v23;
	v17 =	vmul.f32 v17, v17;
	v19 =	vmul.f32 v19, v19  }
0x1ee: {  	s18 =	sadd.s32 $0xFFFFFFCE, s9  }
0x1ef: {  	v18 =	vmul.f32 v18, v18;
	v17 =	vadd.f32 v19, v17;
	v19 =	vadd.s32 s18, v4;
	_ =	sdelay $0x1  }
0x1f0: {  	v17 =	vadd.f32 v18, v17;
	_ =	sdelay $0x1  }
0x1f1: {  	[tilespmem:$0xDAE0] =	vst v17  }
0x1f2: {  	v18 =	vld.idx.msk [tilespmem:v19+s30+$0x0], $0xffff  }
0x1f3: {  	v19 =	vld.idx.msk [tilespmem:v1+s3+$0x0], $0xffff;
	_ =	sdelay $0x1  }
0x1f4: {  	s18 =	sadd.s32 $0xFFFFFFCD, s9  }
0x1f5: {  	v21 =	vadd.s32 s18, v4  }
0x1f6: {  	vm5 =	veq.s32 v20, v18  }
0x1f7: {  	v18 =	vmax.f32 v17, v19;
	vm5 =	vmand vm5, vm0  }
0x1f8: {  	v17 =	vsel vm5, v18, v17  }
0x1f9: {  	[tilespmem:$0xDAE0] =	vst v17  }
0x1fa: {  	v18 =	vld.idx.msk [tilespmem:v21+s30+$0x0], $0xffff  }
0x1fb: {  	v19 =	vld.idx.msk [tilespmem:v3+s3+$0x0], $0xffff;
	_ =	sdelay $0x1  }
0x1fc: {  	s18 =	sadd.s32 $0xFFFFFFCB, s9  }
0x1fd: {  	v21 =	vadd.s32 s18, v4  }
0x1fe: {  	vm5 =	veq.s32 v20, v18  }
0x1ff: {  	v18 =	vmax.f32 v17, v19;
	vm5 =	vmand vm5, vm1  }
0x200: {  	v17 =	vsel vm5, v18, v17  }
0x201: {  	[tilespmem:$0xDAE0] =	vst v17  }
0x202: {  	v18 =	vld.idx.msk [tilespmem:v21+s30+$0x0], $0xffff  }
0x203: {  	v19 =	vld.idx.msk [tilespmem:v5+s3+$0x0], $0xffff;
	_ =	sdelay $0x1  }
0x204: {  	s18 =	sadd.s32 $0xFFFFFFD0, s9  }
0x205: {  	v21 =	vadd.s32 s18, v4  }
0x206: {  	vm5 =	veq.s32 v20, v18  }
0x207: {  	v18 =	vmax.f32 v17, v19;
	vm5 =	vmand vm5, vm2  }
0x208: {  	v17 =	vsel vm5, v18, v17  }
0x209: {  	[tilespmem:$0xDAE0] =	vst v17  }
0x20a: {  	v18 =	vld.idx.msk [tilespmem:v21+s30+$0x0], $0xffff;
	_ =	sdelay $0x2  }
0x20b: {  	s18 =	sadd.s32 $0xFFFFFFC7, s9  }
0x20c: {  	v19 =	vadd.s32 s18, v4  }
0x20d: {  	vm5 =	vne.s32 v20, v18  }
0x20e: {  	vm5 =	vmor vm5, vm4;
	_ =	sdelay $0x2  }
0x20f: {  	v18 =	vld.idx.msk [tilespmem:v19+s30+$0x0], $0xffff  }
0x210: {  	v19 =	vld.idx.msk [tilespmem:v6+s3+$0x0], $0xffff;
	_ =	sdelay $0x1  }
0x211: {  	v21 =	vld.idx.msk [tilespmem:v20+s31+$0x0], vm5;
	_ =	sdelay $0x1  }
0x212: {  	vm6 =	veq.s32 v20, v18  }
0x213: {  	v18 =	vmax.f32 v17, v19;
	vm6 =	vmand vm6, vm3  }
0x214: {  	v17 =	vsel vm6, v18, v17  }
0x215: {  	v17 =	vmax.f32 v21, v17  }
0x216: {  	[tilespmem:v20+s31+$0x0] =	vst.idx.msk vm5, v17  }
0x217: {  	v17 =	vld [tilespmem:s16+$0xFFFFFFE0];
	_ =	sdelay $0x7  }
0x218: {  	v18 =	vld.idx.msk [tilespmem:v17+s4+$0x0], $0xffff  }
0x219: {  	v19 =	vld.idx.msk [tilespmem:v17+s19+$0x0], $0xffff;
	_ =	sdelay $0x1  }
0x21a: {  	v20 =	vld.idx.msk [tilespmem:v17+s20+$0x0], $0xffff;
	_ =	sdelay $0x2  }
0x21b: {  	v14 =	vsub.f32 v14, v18;
	v16 =	vsub.f32 v16, v19;
	_ =	sdelay $0x1  }
0x21c: {  	v15 =	vsub.f32 v15, v20;
	v14 =	vmul.f32 v14, v14;
	v16 =	vmul.f32 v16, v16  }
0x21d: {  	s18 =	sadd.s32 $0xFFFFFFDE, s9  }
0x21e: {  	v47 =	vadd.s32 s18, v4;
	v15 =	vmul.f32 v15, v15;
	v14 =	vadd.f32 v16, v14;
	_ =	sdelay $0x1  }
0x21f: {  	v14 =	vadd.f32 v15, v14;
	_ =	sdelay $0x1  }
0x220: {  	[tilespmem:$0xDAE0] =	vst v14  }
0x221: {  	v48 =	vld.idx.msk [tilespmem:v47+s30+$0x0], $0xffff  }
0x222: {  	v49 =	vld.idx.msk [tilespmem:v1+s3+$0x0], $0xffff;
	_ =	sdelay $0x1  }
0x223: {  	s18 =	sadd.s32 $0xFFFFFFDD, s9  }
0x224: {  	v18 =	vadd.s32 s18, v4  }
0x225: {  	vm5 =	veq.s32 v17, v48  }
0x226: {  	v50 =	vmax.f32 v14, v49;
	vm5 =	vmand vm5, vm0  }
0x227: {  	v14 =	vsel vm5, v50, v14  }
0x228: {  	[tilespmem:$0xDAE0] =	vst v14  }
0x229: {  	v51 =	vld.idx.msk [tilespmem:v18+s30+$0x0], $0xffff  }
0x22a: {  	v52 =	vld.idx.msk [tilespmem:v3+s3+$0x0], $0xffff;
	_ =	sdelay $0x1  }
0x22b: {  	s18 =	sadd.s32 $0xFFFFFFDB, s9  }
0x22c: {  	v18 =	vadd.s32 s18, v4  }
0x22d: {  	vm5 =	veq.s32 v17, v51  }
0x22e: {  	v53 =	vmax.f32 v14, v52;
	vm5 =	vmand vm5, vm1  }
0x22f: {  	v14 =	vsel vm5, v53, v14  }
0x230: {  	[tilespmem:$0xDAE0] =	vst v14  }
0x231: {  	v54 =	vld.idx.msk [tilespmem:v18+s30+$0x0], $0xffff  }
0x232: {  	v55 =	vld.idx.msk [tilespmem:v5+s3+$0x0], $0xffff;
	_ =	sdelay $0x1  }
0x233: {  	s18 =	sadd.s32 $0xFFFFFFE0, s9  }
0x234: {  	v18 =	vadd.s32 s18, v4  }
0x235: {  	vm5 =	veq.s32 v17, v54  }
0x236: {  	v56 =	vmax.f32 v14, v55;
	vm5 =	vmand vm5, vm2  }
0x237: {  	v14 =	vsel vm5, v56, v14  }
0x238: {  	[tilespmem:$0xDAE0] =	vst v14  }
0x239: {  	v57 =	vld.idx.msk [tilespmem:v18+s30+$0x0], $0xffff;
	_ =	sdelay $0x2  }
0x23a: {  	s18 =	sadd.s32 $0xFFFFFFD7, s9  }
0x23b: {  	v58 =	vadd.s32 s18, v4  }
0x23c: {  	vm5 =	vne.s32 v17, v57  }
0x23d: {  	vm5 =	vmor vm5, vm4;
	_ =	sdelay $0x2  }
0x23e: {  	v59 =	vld.idx.msk [tilespmem:v58+s30+$0x0], $0xffff  }
0x23f: {  	v60 =	vld.idx.msk [tilespmem:v6+s3+$0x0], $0xffff;
	_ =	sdelay $0x1  }
0x240: {  	v18 =	vld.idx.msk [tilespmem:v17+s31+$0x0], vm5;
	_ =	sdelay $0x1  }
0x241: {  	vm6 =	veq.s32 v17, v59  }
0x242: {  	v61 =	vmax.f32 v14, v60;
	vm6 =	vmand vm6, vm3  }
0x243: {  	v14 =	vsel vm6, v61, v14  }
0x244: {  	v14 =	vmax.f32 v18, v14  }
0x245: {  	[tilespmem:v17+s31+$0x0] =	vst.idx.msk vm5, v14  }
0x246: {  	v14 =	vld [tilespmem:s16+$0xFFFFFFF0];
	_ =	sdelay $0x7  }
0x247: {  	v62 =	vld.idx.msk [tilespmem:v14+s4+$0x0], $0xffff  }
0x248: {  	v63 =	vld.idx.msk [tilespmem:v14+s19+$0x0], $0xffff;
	_ =	sdelay $0x1  }
0x249: {  	v17 =	vld.idx.msk [tilespmem:v14+s20+$0x0], $0xffff;
	_ =	sdelay $0x2  }
0x24a: {  	v11 =	vsub.f32 v11, v62;
	v12 =	vsub.f32 v12, v63;
	_ =	sdelay $0x1  }
0x24b: {  	v13 =	vsub.f32 v13, v17;
	v11 =	vmul.f32 v11, v11;
	v12 =	vmul.f32 v12, v12  }
0x24c: {  	s18 =	sadd.s32 $0xFFFFFFEE, s9  }
0x24d: {  	v17 =	vadd.s32 s18, v4;
	v16 =	vmul.f32 v13, v13;
	v11 =	vadd.f32 v12, v11;
	_ =	sdelay $0x1  }
0x24e: {  	v11 =	vadd.f32 v16, v11;
	_ =	sdelay $0x1  }
0x24f: {  	[tilespmem:$0xDAE0] =	vst v11  }
0x250: {  	v24 =	vld.idx.msk [tilespmem:v17+s30+$0x0], $0xffff  }
0x251: {  	v25 =	vld.idx.msk [tilespmem:v1+s3+$0x0], $0xffff;
	_ =	sdelay $0x1  }
0x252: {  	s18 =	sadd.s32 $0xFFFFFFED, s9  }
0x253: {  	v26 =	vadd.s32 s18, v4  }
0x254: {  	vm5 =	veq.s32 v14, v24  }
0x255: {  	v27 =	vmax.f32 v11, v25;
	vm5 =	vmand vm5, vm0  }
0x256: {  	v11 =	vsel vm5, v27, v11  }
0x257: {  	[tilespmem:$0xDAE0] =	vst v11  }
0x258: {  	v28 =	vld.idx.msk [tilespmem:v26+s30+$0x0], $0xffff  }
0x259: {  	v29 =	vld.idx.msk [tilespmem:v3+s3+$0x0], $0xffff;
	_ =	sdelay $0x1  }
0x25a: {  	s18 =	sadd.s32 $0xFFFFFFEB, s9  }
0x25b: {  	v30 =	vadd.s32 s18, v4  }
0x25c: {  	vm5 =	veq.s32 v14, v28  }
0x25d: {  	v31 =	vmax.f32 v11, v29;
	vm5 =	vmand vm5, vm1  }
0x25e: {  	v11 =	vsel vm5, v31, v11  }
0x25f: {  	[tilespmem:$0xDAE0] =	vst v11  }
0x260: {  	v32 =	vld.idx.msk [tilespmem:v30+s30+$0x0], $0xffff  }
0x261: {  	v33 =	vld.idx.msk [tilespmem:v5+s3+$0x0], $0xffff;
	_ =	sdelay $0x1  }
0x262: {  	s18 =	sadd.s32 $0xFFFFFFF0, s9  }
0x263: {  	v34 =	vadd.s32 s18, v4  }
0x264: {  	vm5 =	veq.s32 v14, v32  }
0x265: {  	v35 =	vmax.f32 v11, v33;
	vm5 =	vmand vm5, vm2  }
0x266: {  	v11 =	vsel vm5, v35, v11  }
0x267: {  	[tilespmem:$0xDAE0] =	vst v11  }
0x268: {  	v36 =	vld.idx.msk [tilespmem:v34+s30+$0x0], $0xffff;
	_ =	sdelay $0x2  }
0x269: {  	s18 =	sadd.s32 $0xFFFFFFE7, s9  }
0x26a: {  	v37 =	vadd.s32 s18, v4  }
0x26b: {  	vm5 =	vne.s32 v14, v36  }
0x26c: {  	vm5 =	vmor vm5, vm4;
	_ =	sdelay $0x2  }
0x26d: {  	v38 =	vld.idx.msk [tilespmem:v37+s30+$0x0], $0xffff  }
0x26e: {  	v39 =	vld.idx.msk [tilespmem:v6+s3+$0x0], $0xffff;
	_ =	sdelay $0x1  }
0x26f: {  	v40 =	vld.idx.msk [tilespmem:v14+s31+$0x0], vm5;
	_ =	sdelay $0x1  }
0x270: {  	vm6 =	veq.s32 v14, v38  }
0x271: {  	v41 =	vmax.f32 v11, v39;
	vm6 =	vmand vm6, vm3  }
0x272: {  	v11 =	vsel vm6, v41, v11  }
0x273: {  	v11 =	vmax.f32 v40, v11  }
0x274: {  	[tilespmem:v14+s31+$0x0] =	vst.idx.msk vm5, v11  }
0x275: {  	v11 =	vld [tilespmem:s16+$0x0];
	_ =	sdelay $0x7  }
0x276: {  	v42 =	vld.idx.msk [tilespmem:v11+s4+$0x0], $0xffff  }
0x277: {  	v43 =	vld.idx.msk [tilespmem:v11+s19+$0x0], $0xffff;
	_ =	sdelay $0x1  }
0x278: {  	v14 =	vld.idx.msk [tilespmem:v11+s20+$0x0], $0xffff;
	_ =	sdelay $0x2  }
0x279: {  	v8 =	vsub.f32 v8, v42;
	v9 =	vsub.f32 v9, v43;
	_ =	sdelay $0x1  }
0x27a: {  	v10 =	vsub.f32 v10, v14;
	v8 =	vmul.f32 v8, v8;
	v9 =	vmul.f32 v9, v9  }
0x27b: {  	s18 =	sadd.s32 $0xFFFFFFFE, s9  }
0x27c: {  	v45 =	vadd.s32 s18, v4;
	v44 =	vmul.f32 v10, v10;
	v8 =	vadd.f32 v9, v8;
	_ =	sdelay $0x1  }
0x27d: {  	v8 =	vadd.f32 v44, v8;
	_ =	sdelay $0x1  }
0x27e: {  	[tilespmem:$0xDAE0] =	vst v8  }
0x27f: {  	v46 =	vld.idx.msk [tilespmem:v45+s30+$0x0], $0xffff  }
0x280: {  	v47 =	vld.idx.msk [tilespmem:v1+s3+$0x0], $0xffff;
	_ =	sdelay $0x1  }
0x281: {  	s18 =	sadd.s32 $0xFFFFFFFD, s9  }
0x282: {  	v48 =	vadd.s32 s18, v4  }
0x283: {  	vm5 =	veq.s32 v11, v46  }
0x284: {  	v49 =	vmax.f32 v8, v47;
	vm5 =	vmand vm5, vm0  }
0x285: {  	v8 =	vsel vm5, v49, v8  }
0x286: {  	[tilespmem:$0xDAE0] =	vst v8  }
0x287: {  	v50 =	vld.idx.msk [tilespmem:v48+s30+$0x0], $0xffff  }
0x288: {  	v51 =	vld.idx.msk [tilespmem:v3+s3+$0x0], $0xffff;
	_ =	sdelay $0x1  }
0x289: {  	s18 =	sadd.s32 $0xFFFFFFFB, s9  }
0x28a: {  	v52 =	vadd.s32 s18, v4  }
0x28b: {  	vm5 =	veq.s32 v11, v50  }
0x28c: {  	v53 =	vmax.f32 v8, v51;
	vm5 =	vmand vm5, vm1  }
0x28d: {  	v8 =	vsel vm5, v53, v8  }
0x28e: {  	[tilespmem:$0xDAE0] =	vst v8  }
0x28f: {  	v54 =	vld.idx.msk [tilespmem:v52+s30+$0x0], $0xffff  }
0x290: {  	v55 =	vld.idx.msk [tilespmem:v5+s3+$0x0], $0xffff;
	_ =	sdelay $0x2  }
0x291: {  	v56 =	vadd.s32 s9, v4  }
0x292: {  	vm5 =	veq.s32 v11, v54  }
0x293: {  	v57 =	vmax.f32 v8, v55;
	vm5 =	vmand vm5, vm2  }
0x294: {  	v8 =	vsel vm5, v57, v8  }
0x295: {  	[tilespmem:$0xDAE0] =	vst v8  }
0x296: {  	v58 =	vld.idx.msk [tilespmem:v56+s30+$0x0], $0xffff;
	_ =	sdelay $0x2  }
0x297: {  	s18 =	sadd.s32 $0xFFFFFFF7, s9  }
0x298: {  	v59 =	vadd.s32 s18, v4  }
0x299: {  	vm5 =	vne.s32 v11, v58  }
0x29a: {  	vm5 =	vmor vm5, vm4;
	_ =	sdelay $0x2  }
0x29b: {  	v60 =	vld.idx.msk [tilespmem:v59+s30+$0x0], $0xffff  }
0x29c: {  	v61 =	vld.idx.msk [tilespmem:v6+s3+$0x0], $0xffff;
	_ =	sdelay $0x1  }
0x29d: {  	v62 =	vld.idx.msk [tilespmem:v11+s31+$0x0], vm5  }
0x29e: {  	v7 =	vbroadcast v7, $0xF  }
0x29f: {  	vm6 =	veq.s32 v11, v60  }
0x2a0: {  	v63 =	vmax.f32 v8, v61;
	vm6 =	vmand vm6, vm3  }
0x2a1: {  	v8 =	vsel vm6, v63, v8  }
0x2a2: {  	v8 =	vmax.f32 v62, v8  }
0x2a3: {  	[tilespmem:v11+s31+$0x0] =	vst.idx.msk vm5, v8  }
0x2a4: {  	v20 =	vld.idx.msk [tilespmem:v7+s4+$0x0], $0xffff  }
0x2a5: {  	v21 =	vld.idx.msk [tilespmem:v7+s19+$0x0], $0xffff  }
0x2a6: {  	v23 =	vimm.f32 $0.0e+00;
	v22 =	vld.idx.msk [tilespmem:v7+s20+$0x0], $0xffff  }
.LBB2_13:
0x2a7: {  	s9 =	sadd.s32 $0x50, s9  }
0x2a8: {  	s17 =	smov.u32 @p0 s12;
	p0 =	sne.s32 s9, $0x811  }
.Ltmp10:
0x2a9: {  	_ = 	snop;
	(pc) =	sbr.rel @!p0 .LBB2_14-.Ltmp10, $3  }
0x2aa: {  	_ =	sdelay $0x1  }
0x2ab: {  	s10 =	sadd.s32 $0x50, s10;
	s11 =	sadd.s32 $0x50, s11  }
0x2ac: {  	s13 =	sadd.s32 $0x50, s13;
	s16 =	sadd.s32 $0x50, s16;
	s12 =	smov.u32 s17  }
.LBB2_10:
0x2ad: {  	v8 =	vld [tilespmem:s16+$0xFFFFFFC0]  }
0x2ae: {  	v7 =	vld [tilespmem:s16+$0x0];
	_ =	sdelay $0x3  }
0x2af: {  	(v2sf) =	vpush v8, $0x0  }
0x2b0: {  	(v2sf) =	vpush v7, $0xF;
	_ =	sdelay $0x8  }
0x2b1: {  	v24 =	vld [tilespmem:s10+$0xFFFFFFE0]  }
0x2b2: {  	v17 =	vld [tilespmem:s10+$0xFFFFFFF0]  }
0x2b3: {  	v14 =	vld [tilespmem:s10+$0x0]  }
0x2b4: {  	v11 =	vld [tilespmem:s10+$0x10]  }
0x2b5: {  	v25 =	vld [tilespmem:s11+$0xFFFFFFE0]  }
0x2b6: {  	v19 =	vld [tilespmem:s11+$0xFFFFFFF0];
	s7 =	spop (v2sf)  }
0x2b7: {  	v16 =	vld [tilespmem:s11+$0x0];
	s17 =	spop (v2sf)  }
0x2b8: {  	v12 =	vld [tilespmem:s11+$0x10];
	p0 =	seq.s32 s7, s12;
	p1 =	seq.s32 s7, s17  }
0x2b9: {  	v9 =	vld [tilespmem:s11+$0x20];
	p0 =	por !p0, !p1  }
0x2ba: {  	v26 =	vld [tilespmem:s13+$0xFFFFFFE0];
	p0 =	por !p0, !p0  }
.Ltmp11:
0x2bb: {  	v18 =	vld [tilespmem:s13+$0xFFFFFFF0];
	(pc) =	sbr.rel @!p0 .LBB2_12-.Ltmp11, $4  }
0x2bc: {  	v15 =	vld [tilespmem:s13+$0x0]  }
0x2bd: {  	v13 =	vld [tilespmem:s13+$0x10]  }
0x2be: {  	v10 =	vld [tilespmem:s13+$0x20]  }
0x2bf: {  	v8 =	vld [tilespmem:s10+$0x20]  }
0x2c0: {  	v7 =	vsub.f32 v24, v20  }
0x2c1: {  	v56 =	vsub.f32 v25, v21;
	v57 =	vsub.f32 v26, v22  }
0x2c2: {  	v17 =	vsub.f32 v17, v20;
	v19 =	vsub.f32 v19, v21  }
0x2c3: {  	v14 =	vsub.f32 v14, v20;
	v16 =	vsub.f32 v16, v21  }
0x2c4: {  	v18 =	vsub.f32 v18, v22;
	v11 =	vsub.f32 v11, v20  }
0x2c5: {  	v12 =	vsub.f32 v12, v21;
	v7 =	vmul.f32 v7, v7;
	v24 =	vmul.f32 v56, v56  }
0x2c6: {  	v9 =	vsub.f32 v9, v21;
	v58 =	vmul.f32 v57, v57;
	v17 =	vmul.f32 v17, v17  }
0x2c7: {  	v15 =	vsub.f32 v15, v22;
	v19 =	vmul.f32 v19, v19;
	v14 =	vmul.f32 v14, v14  }
0x2c8: {  	v16 =	vmul.f32 v16, v16;
	v59 =	vmul.f32 v18, v18;
	v13 =	vsub.f32 v13, v22  }
0x2c9: {  	v11 =	vmul.f32 v11, v11;
	v12 =	vmul.f32 v12, v12;
	v10 =	vsub.f32 v10, v22  }
0x2ca: {  	v9 =	vmul.f32 v9, v9;
	v7 =	vadd.f32 v24, v7;
	v8 =	vsub.f32 v8, v20  }
0x2cb: {  	v15 =	vmul.f32 v15, v15;
	v17 =	vadd.f32 v19, v17;
	v14 =	vadd.f32 v16, v14  }
0x2cc: {  	v11 =	vadd.f32 v12, v11;
	v7 =	vadd.f32 v58, v7;
	v8 =	vmul.f32 v8, v8  }
0x2cd: {  	v60 =	vmul.f32 v13, v13;
	v62 =	vmul.f32 v10, v10;
	v16 =	vadd.f32 v59, v17  }
.Ltmp12:
0x2ce: {  	v61 =	vadd.f32 v15, v14;
	v7 =	vmax.f32 v23, v7;
	v8 =	vadd.f32 v9, v8;
	(pc) =	sbr.rel .LBB2_13-.Ltmp12, $4  }
0x2cf: {  	v63 =	vadd.f32 v60, v11;
	v7 =	vmax.f32 v7, v16  }
0x2d0: {  	v7 =	vmax.f32 v7, v61;
	v8 =	vadd.f32 v62, v8  }
0x2d1: {  	v7 =	vmax.f32 v7, v63  }
0x2d2: {  	v23 =	vmax.f32 v7, v8  }
.LBB2_15:
0x2d3: {  	_ =	swait.ge [sflag:s25], $0x7D0  }
0x2d4: {  	[sflag:s25] =	ssyncset.done $0x0  }
0x2d5: {  	[sflag:s25] =	ssyncadd.s32 $0xFFFFF830  }
0x2d6: {  	_ =	swait.ge [sflag:s25], $0x7D0  }
0x2d7: {  	[sflag:s25] =	ssyncset.done $0x0  }
0x2d8: {  	[sflag:s25] =	ssyncadd.s32 $0xFFFFF830  }
0x2d9: {  	_ =	swait.ge [sflag:s25], $0x7D0  }
0x2da: {  	[sflag:s25] =	ssyncset.done $0x0  }
0x2db: {  	[sflag:s25] =	ssyncadd.s32 $0xFFFFF830  }
0x2dc: {  	_ =	swait.ge [sflag:s25], $0x7D0  }
0x2dd: {  	[sflag:s25] =	ssyncset.done $0x0  }
0x2de: {  	[sflag:s25] =	ssyncadd.s32 $0xFFFFF830  }
0x2df: {  	v7 =	vld [tilespmem:$0xB3B0];
	_ =	sdelay $0x4  }
0x2e0: {  	(v2sf) =	vpush v7, $0x0;
	_ =	sdelay $0x6  }
0x2e1: {  	v7 =	vbroadcast v7, $0x0;
	_ =	sdelay $0x3  }
.Ltmp13:
0x2e2: {  	_ = 	snop;
	(pc) =	sbr.rel .LBB2_16-.Ltmp13, $4  }
0x2e3: {  	_ = 	snop  }
0x2e4: {  	v20 =	vld.idx.msk [tilespmem:v7+s4+$0x0], $0xffff  }
0x2e5: {  	s8 =	simm.s32 $0x41;
	s9 =	simm.s32 $0x9C60;
	s10 =	simm.s32 $0xA430;
	v21 =	vld.idx.msk [tilespmem:v7+s19+$0x0], $0xffff  }
0x2e6: {  	v23 =	vimm.f32 $0.0e+00;
	s12 =	simm.s32 $0xAC00;
	s13 =	simm.s32 $0xB3F0;
	v22 =	vld.idx.msk [tilespmem:v7+s20+$0x0], $0xffff;
	s11 =	spop (v2sf)  }
.LBB2_18:
0x2e7: {  	v20 =	vmov s11  }
0x2e8: {  	(xrf0) =	vmax.scan.msk.f32 $0xffff, v23;
	_ =	sdelay $0x3  }
0x2e9: {  	v21 =	vld.idx.msk [tilespmem:v20+s31+$0x0], $0x1;
	_ =	sdelay $0x1  }
0x2ea: {  	v22, _, _ =	vpop (xrf0)  }
0x2eb: {  	v22 =	vbroadcast v22, $0xF;
	_ =	sdelay $0x1  }
0x2ec: {  	v21 =	vmax.f32 v21, v22  }
0x2ed: {  	[tilespmem:v20+s31+$0x0] =	vst.idx.msk $0x1, v21  }
0x2ee: {  	v20 =	vld [tilespmem:s13+$0xFFFFFFC0];
	_ =	sdelay $0x7  }
0x2ef: {  	v21 =	vld.idx.msk [tilespmem:v20+s4+$0x0], $0xffff  }
0x2f0: {  	v22 =	vld.idx.msk [tilespmem:v20+s19+$0x0], $0xffff;
	_ =	sdelay $0x1  }
0x2f1: {  	v23 =	vld.idx.msk [tilespmem:v20+s20+$0x0], $0xffff;
	_ =	sdelay $0x2  }
0x2f2: {  	s7 =	sadd.s32 $0xFFFFFFBE, s8;
	v21 =	vsub.f32 v24, v21;
	v22 =	vsub.f32 v25, v22  }
0x2f3: {  	v42 =	vadd.s32 s7, v4  }
0x2f4: {  	v23 =	vsub.f32 v26, v23;
	v21 =	vmul.f32 v21, v21;
	v22 =	vmul.f32 v22, v22  }
0x2f5: {  	vm5 =	vgt.s32 v42, $0x0  }
0x2f6: {  	v21 =	vadd.f32 v22, v21;
	v22 =	vmul.f32 v23, v23;
	v23 =	vnsel vm5, $0x0, v42;
	_ =	sdelay $0x1  }
0x2f7: {  	v21 =	vadd.f32 v22, v21;
	_ =	sdelay $0x1  }
0x2f8: {  	[tilespmem:$0xDAE0] =	vst v21  }
0x2f9: {  	v22 =	vld.idx.msk [tilespmem:v23+s24+$0x0], $0xffff  }
0x2fa: {  	s18 =	sadd.s32 $0xFFFFFFBD, s8;
	v23 =	vld.idx.msk [tilespmem:v1+s3+$0x0], $0xffff  }
0x2fb: {  	v43 =	vadd.s32 s18, v4  }
0x2fc: {  	vm5 =	vgt.s32 v43, $0x0  }
0x2fd: {  	v24 =	vnsel vm5, $0x0, v43  }
0x2fe: {  	vm5 =	veq.s32 v20, v22  }
0x2ff: {  	v22 =	vmax.f32 v21, v23;
	vm5 =	vmand vm5, vm0  }
0x300: {  	v21 =	vsel vm5, v22, v21  }
0x301: {  	[tilespmem:$0xDAE0] =	vst v21  }
0x302: {  	v22 =	vld.idx.msk [tilespmem:v24+s24+$0x0], $0xffff  }
0x303: {  	s17 =	sadd.s32 $0xFFFFFFBB, s8;
	v23 =	vld.idx.msk [tilespmem:v3+s3+$0x0], $0xffff  }
0x304: {  	v44 =	vadd.s32 s17, v4  }
0x305: {  	vm5 =	vgt.s32 v44, $0x0  }
0x306: {  	v24 =	vnsel vm5, $0x0, v44  }
0x307: {  	vm5 =	veq.s32 v20, v22  }
0x308: {  	v22 =	vmax.f32 v21, v23;
	vm5 =	vmand vm5, vm1  }
0x309: {  	v21 =	vsel vm5, v22, v21  }
0x30a: {  	[tilespmem:$0xDAE0] =	vst v21  }
0x30b: {  	v22 =	vld.idx.msk [tilespmem:v24+s24+$0x0], $0xffff  }
0x30c: {  	v23 =	vld.idx.msk [tilespmem:v5+s3+$0x0], $0xffff;
	_ =	sdelay $0x1  }
0x30d: {  	s18 =	sadd.s32 $0xFFFFFFC0, s8  }
0x30e: {  	v45 =	vadd.s32 s18, v4  }
0x30f: {  	vm5 =	veq.s32 v20, v22  }
0x310: {  	v22 =	vmax.f32 v21, v23;
	vm5 =	vmand vm5, vm2  }
0x311: {  	v21 =	vsel vm5, v22, v21  }
0x312: {  	[tilespmem:$0xDAE0] =	vst v21  }
0x313: {  	v22 =	vld.idx.msk [tilespmem:v45+s24+$0x0], $0xffff  }
0x314: {  	s17 =	sadd.s32 $0xFFFFFFB7, s8  }
0x315: {  	v23 =	vadd.s32 s17, v4  }
0x316: {  	vm5 =	vgt.s32 v23, $0x0  }
0x317: {  	v23 =	vnsel vm5, $0x0, v23  }
0x318: {  	vm5 =	vne.s32 v20, v22  }
0x319: {  	vm5 =	vmor vm5, vm4;
	_ =	sdelay $0x2  }
0x31a: {  	v22 =	vld.idx.msk [tilespmem:v23+s24+$0x0], $0xffff  }
0x31b: {  	v23 =	vld.idx.msk [tilespmem:v6+s3+$0x0], $0xffff;
	_ =	sdelay $0x1  }
0x31c: {  	v46 =	vld.idx.msk [tilespmem:v20+s31+$0x0], vm5;
	_ =	sdelay $0x1  }
0x31d: {  	vm6 =	veq.s32 v20, v22  }
0x31e: {  	v22 =	vmax.f32 v21, v23;
	vm6 =	vmand vm6, vm3  }
0x31f: {  	v21 =	vsel vm6, v22, v21  }
0x320: {  	v21 =	vmax.f32 v46, v21  }
0x321: {  	[tilespmem:v20+s31+$0x0] =	vst.idx.msk vm5, v21  }
0x322: {  	v20 =	vld [tilespmem:s13+$0xFFFFFFD0];
	_ =	sdelay $0x7  }
0x323: {  	v21 =	vld.idx.msk [tilespmem:v20+s4+$0x0], $0xffff  }
0x324: {  	v22 =	vld.idx.msk [tilespmem:v20+s19+$0x0], $0xffff;
	_ =	sdelay $0x1  }
0x325: {  	v23 =	vld.idx.msk [tilespmem:v20+s20+$0x0], $0xffff;
	_ =	sdelay $0x2  }
0x326: {  	v17 =	vsub.f32 v17, v21;
	v19 =	vsub.f32 v19, v22;
	_ =	sdelay $0x1  }
0x327: {  	v18 =	vsub.f32 v18, v23;
	v17 =	vmul.f32 v17, v17;
	v19 =	vmul.f32 v19, v19  }
0x328: {  	s18 =	sadd.s32 $0xFFFFFFCE, s8  }
0x329: {  	v18 =	vmul.f32 v18, v18;
	v17 =	vadd.f32 v19, v17;
	v19 =	vadd.s32 s18, v4;
	_ =	sdelay $0x1  }
0x32a: {  	v17 =	vadd.f32 v18, v17;
	_ =	sdelay $0x1  }
0x32b: {  	[tilespmem:$0xDAE0] =	vst v17  }
0x32c: {  	v18 =	vld.idx.msk [tilespmem:v19+s24+$0x0], $0xffff  }
0x32d: {  	v19 =	vld.idx.msk [tilespmem:v1+s3+$0x0], $0xffff;
	_ =	sdelay $0x1  }
0x32e: {  	s17 =	sadd.s32 $0xFFFFFFCD, s8  }
0x32f: {  	v21 =	vadd.s32 s17, v4  }
0x330: {  	vm5 =	veq.s32 v20, v18  }
0x331: {  	v18 =	vmax.f32 v17, v19;
	vm5 =	vmand vm5, vm0  }
0x332: {  	v17 =	vsel vm5, v18, v17  }
0x333: {  	[tilespmem:$0xDAE0] =	vst v17  }
0x334: {  	v18 =	vld.idx.msk [tilespmem:v21+s24+$0x0], $0xffff  }
0x335: {  	v19 =	vld.idx.msk [tilespmem:v3+s3+$0x0], $0xffff;
	_ =	sdelay $0x1  }
0x336: {  	s18 =	sadd.s32 $0xFFFFFFCB, s8  }
0x337: {  	v21 =	vadd.s32 s18, v4  }
0x338: {  	vm5 =	veq.s32 v20, v18  }
0x339: {  	v18 =	vmax.f32 v17, v19;
	vm5 =	vmand vm5, vm1  }
0x33a: {  	v17 =	vsel vm5, v18, v17  }
0x33b: {  	[tilespmem:$0xDAE0] =	vst v17  }
0x33c: {  	v18 =	vld.idx.msk [tilespmem:v21+s24+$0x0], $0xffff  }
0x33d: {  	v19 =	vld.idx.msk [tilespmem:v5+s3+$0x0], $0xffff;
	_ =	sdelay $0x1  }
0x33e: {  	s17 =	sadd.s32 $0xFFFFFFD0, s8  }
0x33f: {  	v21 =	vadd.s32 s17, v4  }
0x340: {  	vm5 =	veq.s32 v20, v18  }
0x341: {  	v18 =	vmax.f32 v17, v19;
	vm5 =	vmand vm5, vm2  }
0x342: {  	v17 =	vsel vm5, v18, v17  }
0x343: {  	[tilespmem:$0xDAE0] =	vst v17  }
0x344: {  	v18 =	vld.idx.msk [tilespmem:v21+s24+$0x0], $0xffff;
	_ =	sdelay $0x2  }
0x345: {  	s18 =	sadd.s32 $0xFFFFFFC7, s8  }
0x346: {  	v19 =	vadd.s32 s18, v4  }
0x347: {  	vm5 =	vne.s32 v20, v18  }
0x348: {  	vm5 =	vmor vm5, vm4;
	_ =	sdelay $0x2  }
0x349: {  	v18 =	vld.idx.msk [tilespmem:v19+s24+$0x0], $0xffff  }
0x34a: {  	v19 =	vld.idx.msk [tilespmem:v6+s3+$0x0], $0xffff;
	_ =	sdelay $0x1  }
0x34b: {  	v21 =	vld.idx.msk [tilespmem:v20+s31+$0x0], vm5;
	_ =	sdelay $0x1  }
0x34c: {  	vm6 =	veq.s32 v20, v18  }
0x34d: {  	v18 =	vmax.f32 v17, v19;
	vm6 =	vmand vm6, vm3  }
0x34e: {  	v17 =	vsel vm6, v18, v17  }
0x34f: {  	v17 =	vmax.f32 v21, v17  }
0x350: {  	[tilespmem:v20+s31+$0x0] =	vst.idx.msk vm5, v17  }
0x351: {  	v17 =	vld [tilespmem:s13+$0xFFFFFFE0];
	_ =	sdelay $0x7  }
0x352: {  	v18 =	vld.idx.msk [tilespmem:v17+s4+$0x0], $0xffff  }
0x353: {  	v19 =	vld.idx.msk [tilespmem:v17+s19+$0x0], $0xffff;
	_ =	sdelay $0x1  }
0x354: {  	v20 =	vld.idx.msk [tilespmem:v17+s20+$0x0], $0xffff;
	_ =	sdelay $0x2  }
0x355: {  	v14 =	vsub.f32 v14, v18;
	v16 =	vsub.f32 v16, v19;
	_ =	sdelay $0x1  }
0x356: {  	v15 =	vsub.f32 v15, v20;
	v14 =	vmul.f32 v14, v14;
	v16 =	vmul.f32 v16, v16  }
0x357: {  	s17 =	sadd.s32 $0xFFFFFFDE, s8  }
0x358: {  	v47 =	vadd.s32 s17, v4;
	v15 =	vmul.f32 v15, v15;
	v14 =	vadd.f32 v16, v14;
	_ =	sdelay $0x1  }
0x359: {  	v14 =	vadd.f32 v15, v14;
	_ =	sdelay $0x1  }
0x35a: {  	[tilespmem:$0xDAE0] =	vst v14  }
0x35b: {  	v48 =	vld.idx.msk [tilespmem:v47+s24+$0x0], $0xffff  }
0x35c: {  	v49 =	vld.idx.msk [tilespmem:v1+s3+$0x0], $0xffff;
	_ =	sdelay $0x1  }
0x35d: {  	s18 =	sadd.s32 $0xFFFFFFDD, s8  }
0x35e: {  	v18 =	vadd.s32 s18, v4  }
0x35f: {  	vm5 =	veq.s32 v17, v48  }
0x360: {  	v50 =	vmax.f32 v14, v49;
	vm5 =	vmand vm5, vm0  }
0x361: {  	v14 =	vsel vm5, v50, v14  }
0x362: {  	[tilespmem:$0xDAE0] =	vst v14  }
0x363: {  	v51 =	vld.idx.msk [tilespmem:v18+s24+$0x0], $0xffff  }
0x364: {  	v52 =	vld.idx.msk [tilespmem:v3+s3+$0x0], $0xffff;
	_ =	sdelay $0x1  }
0x365: {  	s17 =	sadd.s32 $0xFFFFFFDB, s8  }
0x366: {  	v18 =	vadd.s32 s17, v4  }
0x367: {  	vm5 =	veq.s32 v17, v51  }
0x368: {  	v53 =	vmax.f32 v14, v52;
	vm5 =	vmand vm5, vm1  }
0x369: {  	v14 =	vsel vm5, v53, v14  }
0x36a: {  	[tilespmem:$0xDAE0] =	vst v14  }
0x36b: {  	v54 =	vld.idx.msk [tilespmem:v18+s24+$0x0], $0xffff  }
0x36c: {  	v55 =	vld.idx.msk [tilespmem:v5+s3+$0x0], $0xffff;
	_ =	sdelay $0x1  }
0x36d: {  	s18 =	sadd.s32 $0xFFFFFFE0, s8  }
0x36e: {  	v18 =	vadd.s32 s18, v4  }
0x36f: {  	vm5 =	veq.s32 v17, v54  }
0x370: {  	v56 =	vmax.f32 v14, v55;
	vm5 =	vmand vm5, vm2  }
0x371: {  	v14 =	vsel vm5, v56, v14  }
0x372: {  	[tilespmem:$0xDAE0] =	vst v14  }
0x373: {  	v57 =	vld.idx.msk [tilespmem:v18+s24+$0x0], $0xffff;
	_ =	sdelay $0x2  }
0x374: {  	s17 =	sadd.s32 $0xFFFFFFD7, s8  }
0x375: {  	v58 =	vadd.s32 s17, v4  }
0x376: {  	vm5 =	vne.s32 v17, v57  }
0x377: {  	vm5 =	vmor vm5, vm4;
	_ =	sdelay $0x2  }
0x378: {  	v59 =	vld.idx.msk [tilespmem:v58+s24+$0x0], $0xffff  }
0x379: {  	v60 =	vld.idx.msk [tilespmem:v6+s3+$0x0], $0xffff;
	_ =	sdelay $0x1  }
0x37a: {  	v18 =	vld.idx.msk [tilespmem:v17+s31+$0x0], vm5;
	_ =	sdelay $0x1  }
0x37b: {  	vm6 =	veq.s32 v17, v59  }
0x37c: {  	v61 =	vmax.f32 v14, v60;
	vm6 =	vmand vm6, vm3  }
0x37d: {  	v14 =	vsel vm6, v61, v14  }
0x37e: {  	v14 =	vmax.f32 v18, v14  }
0x37f: {  	[tilespmem:v17+s31+$0x0] =	vst.idx.msk vm5, v14  }
0x380: {  	v14 =	vld [tilespmem:s13+$0xFFFFFFF0];
	_ =	sdelay $0x7  }
0x381: {  	v62 =	vld.idx.msk [tilespmem:v14+s4+$0x0], $0xffff  }
0x382: {  	v63 =	vld.idx.msk [tilespmem:v14+s19+$0x0], $0xffff;
	_ =	sdelay $0x1  }
0x383: {  	v17 =	vld.idx.msk [tilespmem:v14+s20+$0x0], $0xffff;
	_ =	sdelay $0x2  }
0x384: {  	v11 =	vsub.f32 v11, v62;
	v12 =	vsub.f32 v12, v63;
	_ =	sdelay $0x1  }
0x385: {  	v13 =	vsub.f32 v13, v17;
	v11 =	vmul.f32 v11, v11;
	v12 =	vmul.f32 v12, v12  }
0x386: {  	s18 =	sadd.s32 $0xFFFFFFEE, s8  }
0x387: {  	v17 =	vadd.s32 s18, v4;
	v16 =	vmul.f32 v13, v13;
	v11 =	vadd.f32 v12, v11;
	_ =	sdelay $0x1  }
0x388: {  	v11 =	vadd.f32 v16, v11;
	_ =	sdelay $0x1  }
0x389: {  	[tilespmem:$0xDAE0] =	vst v11  }
0x38a: {  	v24 =	vld.idx.msk [tilespmem:v17+s24+$0x0], $0xffff  }
0x38b: {  	v25 =	vld.idx.msk [tilespmem:v1+s3+$0x0], $0xffff;
	_ =	sdelay $0x1  }
0x38c: {  	s17 =	sadd.s32 $0xFFFFFFED, s8  }
0x38d: {  	v26 =	vadd.s32 s17, v4  }
0x38e: {  	vm5 =	veq.s32 v14, v24  }
0x38f: {  	v27 =	vmax.f32 v11, v25;
	vm5 =	vmand vm5, vm0  }
0x390: {  	v11 =	vsel vm5, v27, v11  }
0x391: {  	[tilespmem:$0xDAE0] =	vst v11  }
0x392: {  	v28 =	vld.idx.msk [tilespmem:v26+s24+$0x0], $0xffff  }
0x393: {  	v29 =	vld.idx.msk [tilespmem:v3+s3+$0x0], $0xffff;
	_ =	sdelay $0x1  }
0x394: {  	s18 =	sadd.s32 $0xFFFFFFEB, s8  }
0x395: {  	v30 =	vadd.s32 s18, v4  }
0x396: {  	vm5 =	veq.s32 v14, v28  }
0x397: {  	v31 =	vmax.f32 v11, v29;
	vm5 =	vmand vm5, vm1  }
0x398: {  	v11 =	vsel vm5, v31, v11  }
0x399: {  	[tilespmem:$0xDAE0] =	vst v11  }
0x39a: {  	v32 =	vld.idx.msk [tilespmem:v30+s24+$0x0], $0xffff  }
0x39b: {  	v33 =	vld.idx.msk [tilespmem:v5+s3+$0x0], $0xffff;
	_ =	sdelay $0x1  }
0x39c: {  	s17 =	sadd.s32 $0xFFFFFFF0, s8  }
0x39d: {  	v34 =	vadd.s32 s17, v4  }
0x39e: {  	vm5 =	veq.s32 v14, v32  }
0x39f: {  	v35 =	vmax.f32 v11, v33;
	vm5 =	vmand vm5, vm2  }
0x3a0: {  	v11 =	vsel vm5, v35, v11  }
0x3a1: {  	[tilespmem:$0xDAE0] =	vst v11  }
0x3a2: {  	v36 =	vld.idx.msk [tilespmem:v34+s24+$0x0], $0xffff;
	_ =	sdelay $0x2  }
0x3a3: {  	s18 =	sadd.s32 $0xFFFFFFE7, s8  }
0x3a4: {  	v37 =	vadd.s32 s18, v4  }
0x3a5: {  	vm5 =	vne.s32 v14, v36  }
0x3a6: {  	vm5 =	vmor vm5, vm4;
	_ =	sdelay $0x2  }
0x3a7: {  	v38 =	vld.idx.msk [tilespmem:v37+s24+$0x0], $0xffff  }
0x3a8: {  	v39 =	vld.idx.msk [tilespmem:v6+s3+$0x0], $0xffff;
	_ =	sdelay $0x1  }
0x3a9: {  	v40 =	vld.idx.msk [tilespmem:v14+s31+$0x0], vm5;
	_ =	sdelay $0x1  }
0x3aa: {  	vm6 =	veq.s32 v14, v38  }
0x3ab: {  	v41 =	vmax.f32 v11, v39;
	vm6 =	vmand vm6, vm3  }
0x3ac: {  	v11 =	vsel vm6, v41, v11  }
0x3ad: {  	v11 =	vmax.f32 v40, v11  }
0x3ae: {  	[tilespmem:v14+s31+$0x0] =	vst.idx.msk vm5, v11  }
0x3af: {  	v11 =	vld [tilespmem:s13+$0x0];
	_ =	sdelay $0x7  }
0x3b0: {  	v42 =	vld.idx.msk [tilespmem:v11+s4+$0x0], $0xffff  }
0x3b1: {  	v43 =	vld.idx.msk [tilespmem:v11+s19+$0x0], $0xffff;
	_ =	sdelay $0x1  }
0x3b2: {  	v14 =	vld.idx.msk [tilespmem:v11+s20+$0x0], $0xffff;
	_ =	sdelay $0x2  }
0x3b3: {  	v8 =	vsub.f32 v8, v42;
	v9 =	vsub.f32 v9, v43;
	_ =	sdelay $0x1  }
0x3b4: {  	v10 =	vsub.f32 v10, v14;
	v8 =	vmul.f32 v8, v8;
	v9 =	vmul.f32 v9, v9  }
0x3b5: {  	s17 =	sadd.s32 $0xFFFFFFFE, s8  }
0x3b6: {  	v45 =	vadd.s32 s17, v4;
	v44 =	vmul.f32 v10, v10;
	v8 =	vadd.f32 v9, v8;
	_ =	sdelay $0x1  }
0x3b7: {  	v8 =	vadd.f32 v44, v8;
	_ =	sdelay $0x1  }
0x3b8: {  	[tilespmem:$0xDAE0] =	vst v8  }
0x3b9: {  	v46 =	vld.idx.msk [tilespmem:v45+s24+$0x0], $0xffff  }
0x3ba: {  	v47 =	vld.idx.msk [tilespmem:v1+s3+$0x0], $0xffff;
	_ =	sdelay $0x1  }
0x3bb: {  	s18 =	sadd.s32 $0xFFFFFFFD, s8  }
0x3bc: {  	v48 =	vadd.s32 s18, v4  }
0x3bd: {  	vm5 =	veq.s32 v11, v46  }
0x3be: {  	v49 =	vmax.f32 v8, v47;
	vm5 =	vmand vm5, vm0  }
0x3bf: {  	v8 =	vsel vm5, v49, v8  }
0x3c0: {  	[tilespmem:$0xDAE0] =	vst v8  }
0x3c1: {  	v50 =	vld.idx.msk [tilespmem:v48+s24+$0x0], $0xffff  }
0x3c2: {  	v51 =	vld.idx.msk [tilespmem:v3+s3+$0x0], $0xffff;
	_ =	sdelay $0x1  }
0x3c3: {  	s17 =	sadd.s32 $0xFFFFFFFB, s8  }
0x3c4: {  	v52 =	vadd.s32 s17, v4  }
0x3c5: {  	vm5 =	veq.s32 v11, v50  }
0x3c6: {  	v53 =	vmax.f32 v8, v51;
	vm5 =	vmand vm5, vm1  }
0x3c7: {  	v8 =	vsel vm5, v53, v8  }
0x3c8: {  	[tilespmem:$0xDAE0] =	vst v8  }
0x3c9: {  	v54 =	vld.idx.msk [tilespmem:v52+s24+$0x0], $0xffff  }
0x3ca: {  	v55 =	vld.idx.msk [tilespmem:v5+s3+$0x0], $0xffff;
	_ =	sdelay $0x2  }
0x3cb: {  	v56 =	vadd.s32 s8, v4  }
0x3cc: {  	vm5 =	veq.s32 v11, v54  }
0x3cd: {  	v57 =	vmax.f32 v8, v55;
	vm5 =	vmand vm5, vm2  }
0x3ce: {  	v8 =	vsel vm5, v57, v8  }
0x3cf: {  	[tilespmem:$0xDAE0] =	vst v8  }
0x3d0: {  	v58 =	vld.idx.msk [tilespmem:v56+s24+$0x0], $0xffff;
	_ =	sdelay $0x2  }
0x3d1: {  	s18 =	sadd.s32 $0xFFFFFFF7, s8  }
0x3d2: {  	v59 =	vadd.s32 s18, v4  }
0x3d3: {  	vm5 =	vne.s32 v11, v58  }
0x3d4: {  	vm5 =	vmor vm5, vm4;
	_ =	sdelay $0x2  }
0x3d5: {  	v60 =	vld.idx.msk [tilespmem:v59+s24+$0x0], $0xffff  }
0x3d6: {  	v61 =	vld.idx.msk [tilespmem:v6+s3+$0x0], $0xffff;
	_ =	sdelay $0x1  }
0x3d7: {  	v62 =	vld.idx.msk [tilespmem:v11+s31+$0x0], vm5  }
0x3d8: {  	v7 =	vbroadcast v7, $0xF  }
0x3d9: {  	vm6 =	veq.s32 v11, v60  }
0x3da: {  	v63 =	vmax.f32 v8, v61;
	vm6 =	vmand vm6, vm3  }
0x3db: {  	v8 =	vsel vm6, v63, v8  }
0x3dc: {  	v8 =	vmax.f32 v62, v8  }
0x3dd: {  	[tilespmem:v11+s31+$0x0] =	vst.idx.msk vm5, v8  }
0x3de: {  	v20 =	vld.idx.msk [tilespmem:v7+s4+$0x0], $0xffff  }
0x3df: {  	v21 =	vld.idx.msk [tilespmem:v7+s19+$0x0], $0xffff  }
0x3e0: {  	v23 =	vimm.f32 $0.0e+00;
	v22 =	vld.idx.msk [tilespmem:v7+s20+$0x0], $0xffff  }
.LBB2_19:
0x3e1: {  	s8 =	sadd.s32 $0x50, s8  }
0x3e2: {  	s16 =	smov.u32 @p0 s11;
	p0 =	sne.s32 s8, $0x811  }
.Ltmp14:
0x3e3: {  	_ = 	snop;
	(pc) =	sbr.rel @!p0 .LBB2_20-.Ltmp14, $3  }
0x3e4: {  	_ =	sdelay $0x1  }
0x3e5: {  	s9 =	sadd.s32 $0x50, s9;
	s10 =	sadd.s32 $0x50, s10  }
0x3e6: {  	s12 =	sadd.s32 $0x50, s12;
	s13 =	sadd.s32 $0x50, s13;
	s11 =	smov.u32 s16  }
.LBB2_16:
0x3e7: {  	v8 =	vld [tilespmem:s13+$0xFFFFFFC0]  }
0x3e8: {  	v7 =	vld [tilespmem:s13+$0x0];
	_ =	sdelay $0x3  }
0x3e9: {  	(v2sf) =	vpush v8, $0x0  }
0x3ea: {  	(v2sf) =	vpush v7, $0xF;
	_ =	sdelay $0x8  }
0x3eb: {  	v24 =	vld [tilespmem:s9+$0xFFFFFFE0]  }
0x3ec: {  	v17 =	vld [tilespmem:s9+$0xFFFFFFF0]  }
0x3ed: {  	v14 =	vld [tilespmem:s9+$0x0]  }
0x3ee: {  	v11 =	vld [tilespmem:s9+$0x10]  }
0x3ef: {  	v25 =	vld [tilespmem:s10+$0xFFFFFFE0]  }
0x3f0: {  	v19 =	vld [tilespmem:s10+$0xFFFFFFF0];
	s7 =	spop (v2sf)  }
0x3f1: {  	v16 =	vld [tilespmem:s10+$0x0];
	s16 =	spop (v2sf)  }
0x3f2: {  	v12 =	vld [tilespmem:s10+$0x10];
	p0 =	seq.s32 s7, s11;
	p1 =	seq.s32 s7, s16  }
0x3f3: {  	v9 =	vld [tilespmem:s10+$0x20];
	p0 =	por !p0, !p1  }
0x3f4: {  	v26 =	vld [tilespmem:s12+$0xFFFFFFE0];
	p0 =	por !p0, !p0  }
.Ltmp15:
0x3f5: {  	v18 =	vld [tilespmem:s12+$0xFFFFFFF0];
	(pc) =	sbr.rel @!p0 .LBB2_18-.Ltmp15, $4  }
0x3f6: {  	v15 =	vld [tilespmem:s12+$0x0]  }
0x3f7: {  	v13 =	vld [tilespmem:s12+$0x10]  }
0x3f8: {  	v10 =	vld [tilespmem:s12+$0x20]  }
0x3f9: {  	v8 =	vld [tilespmem:s9+$0x20]  }
0x3fa: {  	v7 =	vsub.f32 v24, v20  }
0x3fb: {  	v56 =	vsub.f32 v25, v21;
	v57 =	vsub.f32 v26, v22  }
0x3fc: {  	v17 =	vsub.f32 v17, v20;
	v19 =	vsub.f32 v19, v21  }
0x3fd: {  	v14 =	vsub.f32 v14, v20;
	v16 =	vsub.f32 v16, v21  }
0x3fe: {  	v18 =	vsub.f32 v18, v22;
	v11 =	vsub.f32 v11, v20  }
0x3ff: {  	v12 =	vsub.f32 v12, v21;
	v7 =	vmul.f32 v7, v7;
	v24 =	vmul.f32 v56, v56  }
0x400: {  	v9 =	vsub.f32 v9, v21;
	v58 =	vmul.f32 v57, v57;
	v17 =	vmul.f32 v17, v17  }
0x401: {  	v15 =	vsub.f32 v15, v22;
	v19 =	vmul.f32 v19, v19;
	v14 =	vmul.f32 v14, v14  }
0x402: {  	v16 =	vmul.f32 v16, v16;
	v59 =	vmul.f32 v18, v18;
	v13 =	vsub.f32 v13, v22  }
0x403: {  	v11 =	vmul.f32 v11, v11;
	v12 =	vmul.f32 v12, v12;
	v10 =	vsub.f32 v10, v22  }
0x404: {  	v9 =	vmul.f32 v9, v9;
	v7 =	vadd.f32 v24, v7;
	v8 =	vsub.f32 v8, v20  }
0x405: {  	v15 =	vmul.f32 v15, v15;
	v17 =	vadd.f32 v19, v17;
	v14 =	vadd.f32 v16, v14  }
0x406: {  	v11 =	vadd.f32 v12, v11;
	v7 =	vadd.f32 v58, v7;
	v8 =	vmul.f32 v8, v8  }
0x407: {  	v60 =	vmul.f32 v13, v13;
	v62 =	vmul.f32 v10, v10;
	v16 =	vadd.f32 v59, v17  }
.Ltmp16:
0x408: {  	v61 =	vadd.f32 v15, v14;
	v7 =	vmax.f32 v23, v7;
	v8 =	vadd.f32 v9, v8;
	(pc) =	sbr.rel .LBB2_19-.Ltmp16, $4  }
0x409: {  	v63 =	vadd.f32 v60, v11;
	v7 =	vmax.f32 v7, v16  }
0x40a: {  	v7 =	vmax.f32 v7, v61;
	v8 =	vadd.f32 v62, v8  }
0x40b: {  	v7 =	vmax.f32 v7, v63  }
0x40c: {  	v23 =	vmax.f32 v7, v8  }
.LBB2_21:
0x40d: {  	_ =	sfence.sel $0x180000  }
0x40e: {  	[bflag:$0x0] =	sbarrier.arrive $0xFFFF  }
0x40f: {  	_ =	strace $0x9000004A  }
0x410: {  	s0 =	stileid.u32;
	[bflag:$0x2] =	sbarrier.arrive $0xFFFF  }
0x411: {  	p0 =	sne.s32 s0, $0x0;
	s0 =	rddreg [dreg:$0x2]  }
0x412: {  	s0 =	sadd.s32 @!p0 $0x100000, s0  }
0x413: {  	[sflag:s0] =	ssyncadd.tile.s32 @!p0 $0x1;
	_ =	shalt  }
.Lfunc_end2:
_tile_overlayer_lowered:
.L_overlay_start_2:
0x414: {  	(tag) =	ssettag $0x2  }
0x415: {  	s0 =	rddreg [dreg:$0x0];
	s2 =	stileid.u32  }
0x416: {  	s1 =	rddreg [dreg:$0x1];
	p0 =	sne.s32 s2, $0x0  }
0x417: {  	s3 =	rddreg [dreg:$0x2];
	[bflag:$0x3] =	sbarrier.arrive $0xFFFF;
	s2 =	simm.s32 @!p0 $0x1C03  }
0x418: {  	[timem:s3], [sflag:s2] =	dma.local @!p0 [hbm:s0], s1  }
0x419: {  	s0 =	simm.s32 @!p0 $0x3  }
0x41a: {  	_ =	swait.ge @!p0 [sflag:s0], s1  }
0x41b: {  	s1 =	ssub.s32 @!p0 $0x0, s1;
	[sflag:s0] =	ssyncset.done @!p0 $0x0  }
0x41c: {  	[sflag:s0] =	ssyncadd.s32 @!p0 s1  }
0x41d: {  	[bflag:$0x3] =	sbarrier.arrive $0xFFFF  }
0x41e: {  	_ =	shalt  }

</sc_bundles>
